<compile_context>
chip_gen: v7x
topology: tpu7x:2x2x1
jax: 0.10.2.dev20260603
libtpu: 0.0.44.dev20260713+nightly
codegen_flags: <defaults>
</compile_context>

<pallas_src>
import functools

import jax
import jax.numpy as jnp
from jax import lax
from jax.experimental import pallas as pl
from jax.experimental.pallas import tpu as pltpu
from jax.experimental.pallas import tpu_sc as plsc

N = 2048
D = 128
E = 65536
NW = 32
ROWS = 32
NBLK = N // ROWS
BPW = NBLK // NW
CHUNK = 8192
NCH = E // CHUNK


@functools.cache
def _sc_build_fn():
    mesh = plsc.VectorSubcoreMesh(core_axis_name="c", subcore_axis_name="s")

    @functools.partial(
        pl.kernel,
        out_type=jax.ShapeDtypeStruct((N, N), jnp.float32),
        mesh=mesh,
        compiler_params=pltpu.CompilerParams(needs_layout_passes=False),
        scratch_types=(
            pltpu.VMEM((ROWS, N), jnp.float32),
            pltpu.VMEM((CHUNK,), jnp.int32),
            pltpu.VMEM((CHUNK,), jnp.int32),
            pltpu.VMEM((CHUNK,), jnp.int32),
            pltpu.VMEM((CHUNK,), jnp.int32),
            pltpu.SemaphoreType.DMA,
            pltpu.SemaphoreType.DMA,
        ),
    )
    def _sc_build(dst_hbm, src_hbm, c_hbm, acc,
                  dbuf0, sbuf0, dbuf1, sbuf1, sem0, sem1):
        wid = lax.axis_index("s") * 2 + lax.axis_index("c")
        slots = ((dbuf0, sbuf0, sem0), (dbuf1, sbuf1, sem1))
        ones = jnp.ones((16,), jnp.float32)
        zeros = jnp.zeros((16,), jnp.float32)

        def start(gch, slot):
            ch = gch % NCH
            db, sb, sem = slots[slot]
            return (
                pltpu.async_copy(dst_hbm.at[pl.ds(ch * CHUNK, CHUNK)],
                                 db, sem),
                pltpu.async_copy(src_hbm.at[pl.ds(ch * CHUNK, CHUNK)],
                                 sb, sem),
            )

        pending = {0: start(0, 0)}
        for p in range(BPW):
            blk = wid + NW * p
            base = blk * ROWS

            @plsc.parallel_loop(0, N // 16, unroll=2)
            def zbody(j):
                for r in range(ROWS):
                    acc[r, pl.ds(j * 16, 16)] = zeros

            for ch in range(NCH):
                gch = p * NCH + ch
                slot = gch % 2
                for h in pending.pop(gch):
                    h.wait()
                if gch + 1 < BPW * NCH:
                    pending[gch + 1] = start(gch + 1, 1 - slot)
                db, sb, _ = slots[slot]

                def ebody(i, _):
                    dv = db[pl.ds(i * 16, 16)]
                    sv = sb[pl.ds(i * 16, 16)]
                    loc = dv - base
                    m = (loc >= 0) & (loc < ROWS)
                    locc = lax.bitwise_and(loc, ROWS - 1)
                    plsc.addupdate_scatter(acc, [locc, sv], ones, mask=m)
                    return 0

                lax.fori_loop(0, CHUNK // 16, ebody, 0, unroll=8)

            for h in range(ROWS // 16):
                r = lax.iota(jnp.int32, 16) + h * 16
                plsc.addupdate_scatter(acc, [r, base + r], ones)

            pltpu.sync_copy(acc, c_hbm.at[pl.ds(base, ROWS)])

    return _sc_build


BR = 256
_PREC = lax.Precision.HIGHEST


def _tc_body(x_ref, w0_ref, c_ref, w1_ref, b0_ref, b1_ref, out_ref):
    deg = jnp.sum(c_ref[...], axis=1, keepdims=True)
    dis = lax.rsqrt(deg)
    t0 = dis * jnp.dot(x_ref[...], w0_ref[...],
                       preferred_element_type=jnp.float32, precision=_PREC)
    m = jnp.dot(c_ref[...], t0, preferred_element_type=jnp.float32)
    h1 = jnp.maximum(dis * m + b0_ref[...], 0.0)
    t1 = jnp.dot(h1, w1_ref[...],
                 preferred_element_type=jnp.float32, precision=_PREC) * dis
    out_ref[...] = dis * jnp.dot(
        c_ref[...], t1, preferred_element_type=jnp.float32) + b1_ref[...]


def _gcn_stack(x, C, W0, b0, W1, b1):
    return pl.pallas_call(
        _tc_body,
        out_shape=jax.ShapeDtypeStruct((N, D), jnp.float32),
        compiler_params=pltpu.CompilerParams(
            vmem_limit_bytes=100 * 1024 * 1024),
    )(x, W0, C, W1, b0.reshape(1, D), b1.reshape(1, D))


def kernel(x, edge_index, coordinates, W0, b0, W1, b1):
    ei = edge_index.astype(jnp.int32)
    src = ei[0]
    dst = ei[1]
    C = _sc_build_fn()(dst, src)
    out = _gcn_stack(x, C, W0, b0, W1, b1)
    labels = jax.random.randint(jax.random.key(42), (x.shape[0],), 0, 3)
    return (out, labels)

# --- scband reference (transcript-rebuilt; emitter-appended) ---
"""Pipeline reference for scband-spectral-clustering-gcn-18004502905157 (READ-ONLY COPY).

The authoritative reference and input builder live on the scoring server;
editing this copy changes nothing except your own understanding.
"""

import jax, jax.numpy as jnp
import numpy as np

N_NODES = 2048
D_FEAT = 128
HIDDEN_DIMS = [128, 128]
NUM_CLUSTERS = 3
N_EDGES = 65536


def setup_inputs(seed: int = 0) -> dict:
    key = jax.random.key(seed)
    k1, k2, k3, k4, k5, k6, k7 = jax.random.split(key, 7)
    x = jax.random.normal(k1, (N_NODES, D_FEAT), dtype=jnp.float32)
    edge_index = jax.random.randint(k2, (2, N_EDGES), 0, N_NODES, dtype=jnp.int64)
    coordinates = jax.random.uniform(k3, (N_NODES, 2), dtype=jnp.float32)
    # GCN layer parameters (glorot-ish init)
    W0 = jax.random.normal(k4, (D_FEAT, HIDDEN_DIMS[0]), dtype=jnp.float32) / np.sqrt(D_FEAT)
    b0 = jnp.zeros((HIDDEN_DIMS[0],), dtype=jnp.float32)
    W1 = jax.random.normal(k5, (HIDDEN_DIMS[0], HIDDEN_DIMS[1]), dtype=jnp.float32) / np.sqrt(HIDDEN_DIMS[0])
    b1 = jnp.zeros((HIDDEN_DIMS[1],), dtype=jnp.float32)
    return {"x": x, "edge_index": edge_index, "coordinates": coordinates,
            "W0": W0, "b0": b0, "W1": W1, "b1": b1}


def _haversine_pairwise(coords):
    R = 6371.0
    lat = jnp.deg2rad(coords[:, 0])
    lon = jnp.deg2rad(coords[:, 1])
    dlat = lat[None, :] - lat[:, None]
    dlon = lon[None, :] - lon[:, None]
    a = jnp.sin(dlat / 2) ** 2 + jnp.cos(lat[:, None]) * jnp.cos(lat[None, :]) * jnp.sin(dlon / 2) ** 2
    d = 2.0 * R * jnp.arcsin(jnp.sqrt(jnp.clip(a, 0.0, 1.0)))
    n = coords.shape[0]
    d = d * (1.0 - jnp.eye(n, dtype=d.dtype))  # zero diagonal, matches i==j branch
    return d


def _compute_laplacian(sim):
    deg = jnp.sum(sim, axis=1)
    degree_matrix = jnp.diag(deg)
    laplacian = degree_matrix - sim
    degree_sqrt_inv = jnp.diag(1.0 / jnp.sqrt(deg))
    return degree_sqrt_inv @ laplacian @ degree_sqrt_inv


def _gcn_conv(x, edge_index, W, b):
    n = x.shape[0]
    h = x @ W
    src = edge_index[0]
    dst = edge_index[1]
    # add self loops (PyG GCNConv default)
    loop = jnp.arange(n, dtype=src.dtype)
    src = jnp.concatenate([src, loop])
    dst = jnp.concatenate([dst, loop])
    deg = jnp.zeros((n,), dtype=h.dtype).at[dst].add(1.0)
    dis = 1.0 / jnp.sqrt(deg)
    norm = dis[src] * dis[dst]
    msg = h[src] * norm[:, None]
    out = jnp.zeros_like(h).at[dst].add(msg)
    return out + b


def reference(x, edge_index, coordinates, W0, b0, W1, b1):
    # similarity matrix + normalized Laplacian (computed in forward, not used for output,
    # exactly as in the original module)
    similarity_matrix = _haversine_pairwise(coordinates)
    laplacian = _compute_laplacian(similarity_matrix)
    _ = laplacian
    # GCN stack
    h = _gcn_conv(x, edge_index, W0, b0)
    h = jax.nn.relu(h)
    h = _gcn_conv(h, edge_index, W1, b1)
    # cluster labels: sklearn KMeans is unavailable -> the original except-branch
    # produces random integer labels
    cluster_labels = jax.random.randint(jax.random.key(42), (x.shape[0],), 0, NUM_CLUSTERS)
    return (h, cluster_labels)

if __name__ == "__main__":
    import jax
    _d = setup_inputs()
    print(jax.jit(kernel)(*tuple(_d.values())))

</pallas_src>

<mosaic_0001>
#map = affine_map<(d0, d1) -> (0)>
#map1 = affine_map<(d0, d1) -> (0, 0)>
module attributes {stable_mosaic.version = 14 : i64} {
  func.func @_sc_build(%arg0: i32, %arg1: i32, %arg2: memref<65536xi32, #tpu.memory_space<hbm>>, %arg3: memref<65536xi32, #tpu.memory_space<hbm>>, %arg4: memref<2048x2048xf32, #tpu.memory_space<hbm>>, %arg5: memref<32x2048xf32, #tpu.memory_space<vmem>>, %arg6: memref<8192xi32, #tpu.memory_space<vmem>>, %arg7: memref<8192xi32, #tpu.memory_space<vmem>>, %arg8: memref<8192xi32, #tpu.memory_space<vmem>>, %arg9: memref<8192xi32, #tpu.memory_space<vmem>>, %arg10: memref<!tpu.dma_semaphore, #tpu.memory_space<semaphore_mem>>, %arg11: memref<!tpu.dma_semaphore, #tpu.memory_space<semaphore_mem>>) attributes {dimension_semantics = [#tpu.dimension_semantics<core_parallel>, #tpu.dimension_semantics<subcore_parallel>], iteration_bounds = array<i64: 2, 16>, scalar_prefetch = 0 : i64, scratch_operands = 7 : i64, tpu.core_type = #tpu.core_type<sc_vector_subcore>, window_params = [{transform_indices = #map}, {transform_indices = #map}, {transform_indices = #map1}]} {
    %mul3A = arith.constant 2 : i32
    %mul3A_0 = arith.muli %arg1, %mul3A : i32
    %add3A = arith.addi %mul3A_0, %arg0 : i32
    %broadcast_in_dim3A = arith.constant 1.000000e+00 : f32
    %broadcast_in_dim3A_1 = vector.broadcast %broadcast_in_dim3A : f32 to vector<16xf32>
    %broadcast_in_dim3A_2 = arith.constant 0.000000e+00 : f32
    %broadcast_in_dim3A_3 = vector.broadcast %broadcast_in_dim3A_2 : f32 to vector<16xf32>
    %dma_start3A = arith.constant 0 : i32
    %dma_start3A_4 = tpu.memref_slice %arg2[%dma_start3A] : memref<65536xi32, #tpu.memory_space<hbm>> -> memref<8192xi32, #tpu.memory_space<hbm>>
    %dma_start3A_5 = arith.constant 0 : i32
    %dma_start3A_6 = tpu.memref_slice %arg2[%dma_start3A_5] : memref<65536xi32, #tpu.memory_space<hbm>> -> memref<8192xi32, #tpu.memory_space<hbm>>
    tpu.enqueue_dma source(%dma_start3A_6 : memref<8192xi32, #tpu.memory_space<hbm>>) target(%arg6 : memref<8192xi32, #tpu.memory_space<vmem>>) target_semaphore(%arg10 : memref<!tpu.dma_semaphore, #tpu.memory_space<semaphore_mem>>)
    %dma_start3A_7 = arith.constant 0 : i32
    %dma_start3A_8 = tpu.memref_slice %arg3[%dma_start3A_7] : memref<65536xi32, #tpu.memory_space<hbm>> -> memref<8192xi32, #tpu.memory_space<hbm>>
    %dma_start3A_9 = arith.constant 0 : i32
    %dma_start3A_10 = tpu.memref_slice %arg3[%dma_start3A_9] : memref<65536xi32, #tpu.memory_space<hbm>> -> memref<8192xi32, #tpu.memory_space<hbm>>
    tpu.enqueue_dma source(%dma_start3A_10 : memref<8192xi32, #tpu.memory_space<hbm>>) target(%arg7 : memref<8192xi32, #tpu.memory_space<vmem>>) target_semaphore(%arg10 : memref<!tpu.dma_semaphore, #tpu.memory_space<semaphore_mem>>)
    %add3A_11 = arith.constant 0 : i32
    %add3A_12 = arith.addi %add3A, %add3A_11 : i32
    %mul3A_13 = arith.constant 32 : i32
    %mul3A_14 = arith.muli %add3A_12, %mul3A_13 : i32
    %parallel_loop3A = arith.constant 0 : i32
    %parallel_loop3A_15 = arith.constant 128 : i32
    %parallel_loop3A_16 = arith.constant 1 : i32
    scf.for %parallel_loop3A_405 = %parallel_loop3A to %parallel_loop3A_15 step %parallel_loop3A_16  : i32 {
      %parallel_loop3A_406 = arith.constant 16 : i32
      %parallel_loop3A_407 = arith.muli %parallel_loop3A_405, %parallel_loop3A_406 : i32
      %parallel_loop3A_408 = arith.constant 0 : i32
      %parallel_loop3A_409 = arith.index_cast %parallel_loop3A_408 : i32 to index
      %parallel_loop3A_410 = arith.index_cast %parallel_loop3A_407 : i32 to index
      %parallel_loop3A_411 = tpu.vector_load %arg5[%parallel_loop3A_409, %parallel_loop3A_410] {strides = array<i32>} : memref<32x2048xf32, #tpu.memory_space<vmem>>, vector<16xf32>,
      tpu.vector_store %arg5[%parallel_loop3A_409, %parallel_loop3A_410], %broadcast_in_dim3A_3 {strides = array<i32>} : memref<32x2048xf32, #tpu.memory_space<vmem>>, vector<16xf32>,
      %parallel_loop3A_412 = arith.constant 16 : i32
      %parallel_loop3A_413 = arith.muli %parallel_loop3A_405, %parallel_loop3A_412 : i32
      %parallel_loop3A_414 = arith.constant 1 : i32
      %parallel_loop3A_415 = arith.index_cast %parallel_loop3A_414 : i32 to index
      %parallel_loop3A_416 = arith.index_cast %parallel_loop3A_413 : i32 to index
      %parallel_loop3A_417 = tpu.vector_load %arg5[%parallel_loop3A_415, %parallel_loop3A_416] {strides = array<i32>} : memref<32x2048xf32, #tpu.memory_space<vmem>>, vector<16xf32>,
      tpu.vector_store %arg5[%parallel_loop3A_415, %parallel_loop3A_416], %broadcast_in_dim3A_3 {strides = array<i32>} : memref<32x2048xf32, #tpu.memory_space<vmem>>, vector<16xf32>,
      %parallel_loop3A_418 = arith.constant 16 : i32
      %parallel_loop3A_419 = arith.muli %parallel_loop3A_405, %parallel_loop3A_418 : i32
      %parallel_loop3A_420 = arith.constant 2 : i32
      %parallel_loop3A_421 = arith.index_cast %parallel_loop3A_420 : i32 to index
      %parallel_loop3A_422 = arith.index_cast %parallel_loop3A_419 : i32 to index
      %parallel_loop3A_423 = tpu.vector_load %arg5[%parallel_loop3A_421, %parallel_loop3A_422] {strides = array<i32>} : memref<32x2048xf32, #tpu.memory_space<vmem>>, vector<16xf32>,
      tpu.vector_store %arg5[%parallel_loop3A_421, %parallel_loop3A_422], %broadcast_in_dim3A_3 {strides = array<i32>} : memref<32x2048xf32, #tpu.memory_space<vmem>>, vector<16xf32>,
      %parallel_loop3A_424 = arith.constant 16 : i32
      %parallel_loop3A_425 = arith.muli %parallel_loop3A_405, %parallel_loop3A_424 : i32
      %parallel_loop3A_426 = arith.constant 3 : i32
      %parallel_loop3A_427 = arith.index_cast %parallel_loop3A_426 : i32 to index
      %parallel_loop3A_428 = arith.index_cast %parallel_loop3A_425 : i32 to index
      %parallel_loop3A_429 = tpu.vector_load %arg5[%parallel_loop3A_427, %parallel_loop3A_428] {strides = array<i32>} : memref<32x2048xf32, #tpu.memory_space<vmem>>, vector<16xf32>,
      tpu.vector_store %arg5[%parallel_loop3A_427, %parallel_loop3A_428], %broadcast_in_dim3A_3 {strides = array<i32>} : memref<32x2048xf32, #tpu.memory_space<vmem>>, vector<16xf32>,
      %parallel_loop3A_430 = arith.constant 16 : i32
      %parallel_loop3A_431 = arith.muli %parallel_loop3A_405, %parallel_loop3A_430 : i32
      %parallel_loop3A_432 = arith.constant 4 : i32
      %parallel_loop3A_433 = arith.index_cast %parallel_loop3A_432 : i32 to index
      %parallel_loop3A_434 = arith.index_cast %parallel_loop3A_431 : i32 to index
      %parallel_loop3A_435 = tpu.vector_load %arg5[%parallel_loop3A_433, %parallel_loop3A_434] {strides = array<i32>} : memref<32x2048xf32, #tpu.memory_space<vmem>>, vector<16xf32>,
      tpu.vector_store %arg5[%parallel_loop3A_433, %parallel_loop3A_434], %broadcast_in_dim3A_3 {strides = array<i32>} : memref<32x2048xf32, #tpu.memory_space<vmem>>, vector<16xf32>,
      %parallel_loop3A_436 = arith.constant 16 : i32
      %parallel_loop3A_437 = arith.muli %parallel_loop3A_405, %parallel_loop3A_436 : i32
      %parallel_loop3A_438 = arith.constant 5 : i32
      %parallel_loop3A_439 = arith.index_cast %parallel_loop3A_438 : i32 to index
      %parallel_loop3A_440 = arith.index_cast %parallel_loop3A_437 : i32 to index
      %parallel_loop3A_441 = tpu.vector_load %arg5[%parallel_loop3A_439, %parallel_loop3A_440] {strides = array<i32>} : memref<32x2048xf32, #tpu.memory_space<vmem>>, vector<16xf32>,
      tpu.vector_store %arg5[%parallel_loop3A_439, %parallel_loop3A_440], %broadcast_in_dim3A_3 {strides = array<i32>} : memref<32x2048xf32, #tpu.memory_space<vmem>>, vector<16xf32>,
      %parallel_loop3A_442 = arith.constant 16 : i32
      %parallel_loop3A_443 = arith.muli %parallel_loop3A_405, %parallel_loop3A_442 : i32
      %parallel_loop3A_444 = arith.constant 6 : i32
      %parallel_loop3A_445 = arith.index_cast %parallel_loop3A_444 : i32 to index
      %parallel_loop3A_446 = arith.index_cast %parallel_loop3A_443 : i32 to index
      %parallel_loop3A_447 = tpu.vector_load %arg5[%parallel_loop3A_445, %parallel_loop3A_446] {strides = array<i32>} : memref<32x2048xf32, #tpu.memory_space<vmem>>, vector<16xf32>,
      tpu.vector_store %arg5[%parallel_loop3A_445, %parallel_loop3A_446], %broadcast_in_dim3A_3 {strides = array<i32>} : memref<32x2048xf32, #tpu.memory_space<vmem>>, vector<16xf32>,
      %parallel_loop3A_448 = arith.constant 16 : i32
      %parallel_loop3A_449 = arith.muli %parallel_loop3A_405, %parallel_loop3A_448 : i32
      %parallel_loop3A_450 = arith.constant 7 : i32
      %parallel_loop3A_451 = arith.index_cast %parallel_loop3A_450 : i32 to index
      %parallel_loop3A_452 = arith.index_cast %parallel_loop3A_449 : i32 to index
      %parallel_loop3A_453 = tpu.vector_load %arg5[%parallel_loop3A_451, %parallel_loop3A_452] {strides = array<i32>} : memref<32x2048xf32, #tpu.memory_space<vmem>>, vector<16xf32>,
      tpu.vector_store %arg5[%parallel_loop3A_451, %parallel_loop3A_452], %broadcast_in_dim3A_3 {strides = array<i32>} : memref<32x2048xf32, #tpu.memory_space<vmem>>, vector<16xf32>,
      %parallel_loop3A_454 = arith.constant 16 : i32
      %parallel_loop3A_455 = arith.muli %parallel_loop3A_405, %parallel_loop3A_454 : i32
      %parallel_loop3A_456 = arith.constant 8 : i32
      %parallel_loop3A_457 = arith.index_cast %parallel_loop3A_456 : i32 to index
      %parallel_loop3A_458 = arith.index_cast %parallel_loop3A_455 : i32 to index
      %parallel_loop3A_459 = tpu.vector_load %arg5[%parallel_loop3A_457, %parallel_loop3A_458] {strides = array<i32>} : memref<32x2048xf32, #tpu.memory_space<vmem>>, vector<16xf32>,
      tpu.vector_store %arg5[%parallel_loop3A_457, %parallel_loop3A_458], %broadcast_in_dim3A_3 {strides = array<i32>} : memref<32x2048xf32, #tpu.memory_space<vmem>>, vector<16xf32>,
      %parallel_loop3A_460 = arith.constant 16 : i32
      %parallel_loop3A_461 = arith.muli %parallel_loop3A_405, %parallel_loop3A_460 : i32
      %parallel_loop3A_462 = arith.constant 9 : i32
      %parallel_loop3A_463 = arith.index_cast %parallel_loop3A_462 : i32 to index
      %parallel_loop3A_464 = arith.index_cast %parallel_loop3A_461 : i32 to index
      %parallel_loop3A_465 = tpu.vector_load %arg5[%parallel_loop3A_463, %parallel_loop3A_464] {strides = array<i32>} : memref<32x2048xf32, #tpu.memory_space<vmem>>, vector<16xf32>,
      tpu.vector_store %arg5[%parallel_loop3A_463, %parallel_loop3A_464], %broadcast_in_dim3A_3 {strides = array<i32>} : memref<32x2048xf32, #tpu.memory_space<vmem>>, vector<16xf32>,
      %parallel_loop3A_466 = arith.constant 16 : i32
      %parallel_loop3A_467 = arith.muli %parallel_loop3A_405, %parallel_loop3A_466 : i32
      %parallel_loop3A_468 = arith.constant 10 : i32
      %parallel_loop3A_469 = arith.index_cast %parallel_loop3A_468 : i32 to index
      %parallel_loop3A_470 = arith.index_cast %parallel_loop3A_467 : i32 to index
      %parallel_loop3A_471 = tpu.vector_load %arg5[%parallel_loop3A_469, %parallel_loop3A_470] {strides = array<i32>} : memref<32x2048xf32, #tpu.memory_space<vmem>>, vector<16xf32>,
      tpu.vector_store %arg5[%parallel_loop3A_469, %parallel_loop3A_470], %broadcast_in_dim3A_3 {strides = array<i32>} : memref<32x2048xf32, #tpu.memory_space<vmem>>, vector<16xf32>,
      %parallel_loop3A_472 = arith.constant 16 : i32
      %parallel_loop3A_473 = arith.muli %parallel_loop3A_405, %parallel_loop3A_472 : i32
      %parallel_loop3A_474 = arith.constant 11 : i32
      %parallel_loop3A_475 = arith.index_cast %parallel_loop3A_474 : i32 to index
      %parallel_loop3A_476 = arith.index_cast %parallel_loop3A_473 : i32 to index
      %parallel_loop3A_477 = tpu.vector_load %arg5[%parallel_loop3A_475, %parallel_loop3A_476] {strides = array<i32>} : memref<32x2048xf32, #tpu.memory_space<vmem>>, vector<16xf32>,
      tpu.vector_store %arg5[%parallel_loop3A_475, %parallel_loop3A_476], %broadcast_in_dim3A_3 {strides = array<i32>} : memref<32x2048xf32, #tpu.memory_space<vmem>>, vector<16xf32>,
      %parallel_loop3A_478 = arith.constant 16 : i32
      %parallel_loop3A_479 = arith.muli %parallel_loop3A_405, %parallel_loop3A_478 : i32
      %parallel_loop3A_480 = arith.constant 12 : i32
      %parallel_loop3A_481 = arith.index_cast %parallel_loop3A_480 : i32 to index
      %parallel_loop3A_482 = arith.index_cast %parallel_loop3A_479 : i32 to index
      %parallel_loop3A_483 = tpu.vector_load %arg5[%parallel_loop3A_481, %parallel_loop3A_482] {strides = array<i32>} : memref<32x2048xf32, #tpu.memory_space<vmem>>, vector<16xf32>,
      tpu.vector_store %arg5[%parallel_loop3A_481, %parallel_loop3A_482], %broadcast_in_dim3A_3 {strides = array<i32>} : memref<32x2048xf32, #tpu.memory_space<vmem>>, vector<16xf32>,
      %parallel_loop3A_484 = arith.constant 16 : i32
      %parallel_loop3A_485 = arith.muli %parallel_loop3A_405, %parallel_loop3A_484 : i32
      %parallel_loop3A_486 = arith.constant 13 : i32
      %parallel_loop3A_487 = arith.index_cast %parallel_loop3A_486 : i32 to index
      %parallel_loop3A_488 = arith.index_cast %parallel_loop3A_485 : i32 to index
      %parallel_loop3A_489 = tpu.vector_load %arg5[%parallel_loop3A_487, %parallel_loop3A_488] {strides = array<i32>} : memref<32x2048xf32, #tpu.memory_space<vmem>>, vector<16xf32>,
      tpu.vector_store %arg5[%parallel_loop3A_487, %parallel_loop3A_488], %broadcast_in_dim3A_3 {strides = array<i32>} : memref<32x2048xf32, #tpu.memory_space<vmem>>, vector<16xf32>,
      %parallel_loop3A_490 = arith.constant 16 : i32
      %parallel_loop3A_491 = arith.muli %parallel_loop3A_405, %parallel_loop3A_490 : i32
      %parallel_loop3A_492 = arith.constant 14 : i32
      %parallel_loop3A_493 = arith.index_cast %parallel_loop3A_492 : i32 to index
      %parallel_loop3A_494 = arith.index_cast %parallel_loop3A_491 : i32 to index
      %parallel_loop3A_495 = tpu.vector_load %arg5[%parallel_loop3A_493, %parallel_loop3A_494] {strides = array<i32>} : memref<32x2048xf32, #tpu.memory_space<vmem>>, vector<16xf32>,
      tpu.vector_store %arg5[%parallel_loop3A_493, %parallel_loop3A_494], %broadcast_in_dim3A_3 {strides = array<i32>} : memref<32x2048xf32, #tpu.memory_space<vmem>>, vector<16xf32>,
      %parallel_loop3A_496 = arith.constant 16 : i32
      %parallel_loop3A_497 = arith.muli %parallel_loop3A_405, %parallel_loop3A_496 : i32
      %parallel_loop3A_498 = arith.constant 15 : i32
      %parallel_loop3A_499 = arith.index_cast %parallel_loop3A_498 : i32 to index
      %parallel_loop3A_500 = arith.index_cast %parallel_loop3A_497 : i32 to index
      %parallel_loop3A_501 = tpu.vector_load %arg5[%parallel_loop3A_499, %parallel_loop3A_500] {strides = array<i32>} : memref<32x2048xf32, #tpu.memory_space<vmem>>, vector<16xf32>,
      tpu.vector_store %arg5[%parallel_loop3A_499, %parallel_loop3A_500], %broadcast_in_dim3A_3 {strides = array<i32>} : memref<32x2048xf32, #tpu.memory_space<vmem>>, vector<16xf32>,
      %parallel_loop3A_502 = arith.constant 16 : i32
      %parallel_loop3A_503 = arith.muli %parallel_loop3A_405, %parallel_loop3A_502 : i32
      %parallel_loop3A_504 = arith.constant 16 : i32
      %parallel_loop3A_505 = arith.index_cast %parallel_loop3A_504 : i32 to index
      %parallel_loop3A_506 = arith.index_cast %parallel_loop3A_503 : i32 to index
      %parallel_loop3A_507 = tpu.vector_load %arg5[%parallel_loop3A_505, %parallel_loop3A_506] {strides = array<i32>} : memref<32x2048xf32, #tpu.memory_space<vmem>>, vector<16xf32>,
      tpu.vector_store %arg5[%parallel_loop3A_505, %parallel_loop3A_506], %broadcast_in_dim3A_3 {strides = array<i32>} : memref<32x2048xf32, #tpu.memory_space<vmem>>, vector<16xf32>,
      %parallel_loop3A_508 = arith.constant 16 : i32
      %parallel_loop3A_509 = arith.muli %parallel_loop3A_405, %parallel_loop3A_508 : i32
      %parallel_loop3A_510 = arith.constant 17 : i32
      %parallel_loop3A_511 = arith.index_cast %parallel_loop3A_510 : i32 to index
      %parallel_loop3A_512 = arith.index_cast %parallel_loop3A_509 : i32 to index
      %parallel_loop3A_513 = tpu.vector_load %arg5[%parallel_loop3A_511, %parallel_loop3A_512] {strides = array<i32>} : memref<32x2048xf32, #tpu.memory_space<vmem>>, vector<16xf32>,
      tpu.vector_store %arg5[%parallel_loop3A_511, %parallel_loop3A_512], %broadcast_in_dim3A_3 {strides = array<i32>} : memref<32x2048xf32, #tpu.memory_space<vmem>>, vector<16xf32>,
      %parallel_loop3A_514 = arith.constant 16 : i32
      %parallel_loop3A_515 = arith.muli %parallel_loop3A_405, %parallel_loop3A_514 : i32
      %parallel_loop3A_516 = arith.constant 18 : i32
      %parallel_loop3A_517 = arith.index_cast %parallel_loop3A_516 : i32 to index
      %parallel_loop3A_518 = arith.index_cast %parallel_loop3A_515 : i32 to index
      %parallel_loop3A_519 = tpu.vector_load %arg5[%parallel_loop3A_517, %parallel_loop3A_518] {strides = array<i32>} : memref<32x2048xf32, #tpu.memory_space<vmem>>, vector<16xf32>,
      tpu.vector_store %arg5[%parallel_loop3A_517, %parallel_loop3A_518], %broadcast_in_dim3A_3 {strides = array<i32>} : memref<32x2048xf32, #tpu.memory_space<vmem>>, vector<16xf32>,
      %parallel_loop3A_520 = arith.constant 16 : i32
      %parallel_loop3A_521 = arith.muli %parallel_loop3A_405, %parallel_loop3A_520 : i32
      %parallel_loop3A_522 = arith.constant 19 : i32
      %parallel_loop3A_523 = arith.index_cast %parallel_loop3A_522 : i32 to index
      %parallel_loop3A_524 = arith.index_cast %parallel_loop3A_521 : i32 to index
      %parallel_loop3A_525 = tpu.vector_load %arg5[%parallel_loop3A_523, %parallel_loop3A_524] {strides = array<i32>} : memref<32x2048xf32, #tpu.memory_space<vmem>>, vector<16xf32>,
      tpu.vector_store %arg5[%parallel_loop3A_523, %parallel_loop3A_524], %broadcast_in_dim3A_3 {strides = array<i32>} : memref<32x2048xf32, #tpu.memory_space<vmem>>, vector<16xf32>,
      %parallel_loop3A_526 = arith.constant 16 : i32
      %parallel_loop3A_527 = arith.muli %parallel_loop3A_405, %parallel_loop3A_526 : i32
      %parallel_loop3A_528 = arith.constant 20 : i32
      %parallel_loop3A_529 = arith.index_cast %parallel_loop3A_528 : i32 to index
      %parallel_loop3A_530 = arith.index_cast %parallel_loop3A_527 : i32 to index
      %parallel_loop3A_531 = tpu.vector_load %arg5[%parallel_loop3A_529, %parallel_loop3A_530] {strides = array<i32>} : memref<32x2048xf32, #tpu.memory_space<vmem>>, vector<16xf32>,
      tpu.vector_store %arg5[%parallel_loop3A_529, %parallel_loop3A_530], %broadcast_in_dim3A_3 {strides = array<i32>} : memref<32x2048xf32, #tpu.memory_space<vmem>>, vector<16xf32>,
      %parallel_loop3A_532 = arith.constant 16 : i32
      %parallel_loop3A_533 = arith.muli %parallel_loop3A_405, %parallel_loop3A_532 : i32
      %parallel_loop3A_534 = arith.constant 21 : i32
      %parallel_loop3A_535 = arith.index_cast %parallel_loop3A_534 : i32 to index
      %parallel_loop3A_536 = arith.index_cast %parallel_loop3A_533 : i32 to index
      %parallel_loop3A_537 = tpu.vector_load %arg5[%parallel_loop3A_535, %parallel_loop3A_536] {strides = array<i32>} : memref<32x2048xf32, #tpu.memory_space<vmem>>, vector<16xf32>,
      tpu.vector_store %arg5[%parallel_loop3A_535, %parallel_loop3A_536], %broadcast_in_dim3A_3 {strides = array<i32>} : memref<32x2048xf32, #tpu.memory_space<vmem>>, vector<16xf32>,
      %parallel_loop3A_538 = arith.constant 16 : i32
      %parallel_loop3A_539 = arith.muli %parallel_loop3A_405, %parallel_loop3A_538 : i32
      %parallel_loop3A_540 = arith.constant 22 : i32
      %parallel_loop3A_541 = arith.index_cast %parallel_loop3A_540 : i32 to index
      %parallel_loop3A_542 = arith.index_cast %parallel_loop3A_539 : i32 to index
      %parallel_loop3A_543 = tpu.vector_load %arg5[%parallel_loop3A_541, %parallel_loop3A_542] {strides = array<i32>} : memref<32x2048xf32, #tpu.memory_space<vmem>>, vector<16xf32>,
      tpu.vector_store %arg5[%parallel_loop3A_541, %parallel_loop3A_542], %broadcast_in_dim3A_3 {strides = array<i32>} : memref<32x2048xf32, #tpu.memory_space<vmem>>, vector<16xf32>,
      %parallel_loop3A_544 = arith.constant 16 : i32
      %parallel_loop3A_545 = arith.muli %parallel_loop3A_405, %parallel_loop3A_544 : i32
      %parallel_loop3A_546 = arith.constant 23 : i32
      %parallel_loop3A_547 = arith.index_cast %parallel_loop3A_546 : i32 to index
      %parallel_loop3A_548 = arith.index_cast %parallel_loop3A_545 : i32 to index
      %parallel_loop3A_549 = tpu.vector_load %arg5[%parallel_loop3A_547, %parallel_loop3A_548] {strides = array<i32>} : memref<32x2048xf32, #tpu.memory_space<vmem>>, vector<16xf32>,
      tpu.vector_store %arg5[%parallel_loop3A_547, %parallel_loop3A_548], %broadcast_in_dim3A_3 {strides = array<i32>} : memref<32x2048xf32, #tpu.memory_space<vmem>>, vector<16xf32>,
      %parallel_loop3A_550 = arith.constant 16 : i32
      %parallel_loop3A_551 = arith.muli %parallel_loop3A_405, %parallel_loop3A_550 : i32
      %parallel_loop3A_552 = arith.constant 24 : i32
      %parallel_loop3A_553 = arith.index_cast %parallel_loop3A_552 : i32 to index
      %parallel_loop3A_554 = arith.index_cast %parallel_loop3A_551 : i32 to index
      %parallel_loop3A_555 = tpu.vector_load %arg5[%parallel_loop3A_553, %parallel_loop3A_554] {strides = array<i32>} : memref<32x2048xf32, #tpu.memory_space<vmem>>, vector<16xf32>,
      tpu.vector_store %arg5[%parallel_loop3A_553, %parallel_loop3A_554], %broadcast_in_dim3A_3 {strides = array<i32>} : memref<32x2048xf32, #tpu.memory_space<vmem>>, vector<16xf32>,
      %parallel_loop3A_556 = arith.constant 16 : i32
      %parallel_loop3A_557 = arith.muli %parallel_loop3A_405, %parallel_loop3A_556 : i32
      %parallel_loop3A_558 = arith.constant 25 : i32
      %parallel_loop3A_559 = arith.index_cast %parallel_loop3A_558 : i32 to index
      %parallel_loop3A_560 = arith.index_cast %parallel_loop3A_557 : i32 to index
      %parallel_loop3A_561 = tpu.vector_load %arg5[%parallel_loop3A_559, %parallel_loop3A_560] {strides = array<i32>} : memref<32x2048xf32, #tpu.memory_space<vmem>>, vector<16xf32>,
      tpu.vector_store %arg5[%parallel_loop3A_559, %parallel_loop3A_560], %broadcast_in_dim3A_3 {strides = array<i32>} : memref<32x2048xf32, #tpu.memory_space<vmem>>, vector<16xf32>,
      %parallel_loop3A_562 = arith.constant 16 : i32
      %parallel_loop3A_563 = arith.muli %parallel_loop3A_405, %parallel_loop3A_562 : i32
      %parallel_loop3A_564 = arith.constant 26 : i32
      %parallel_loop3A_565 = arith.index_cast %parallel_loop3A_564 : i32 to index
      %parallel_loop3A_566 = arith.index_cast %parallel_loop3A_563 : i32 to index
      %parallel_loop3A_567 = tpu.vector_load %arg5[%parallel_loop3A_565, %parallel_loop3A_566] {strides = array<i32>} : memref<32x2048xf32, #tpu.memory_space<vmem>>, vector<16xf32>,
      tpu.vector_store %arg5[%parallel_loop3A_565, %parallel_loop3A_566], %broadcast_in_dim3A_3 {strides = array<i32>} : memref<32x2048xf32, #tpu.memory_space<vmem>>, vector<16xf32>,
      %parallel_loop3A_568 = arith.constant 16 : i32
      %parallel_loop3A_569 = arith.muli %parallel_loop3A_405, %parallel_loop3A_568 : i32
      %parallel_loop3A_570 = arith.constant 27 : i32
      %parallel_loop3A_571 = arith.index_cast %parallel_loop3A_570 : i32 to index
      %parallel_loop3A_572 = arith.index_cast %parallel_loop3A_569 : i32 to index
      %parallel_loop3A_573 = tpu.vector_load %arg5[%parallel_loop3A_571, %parallel_loop3A_572] {strides = array<i32>} : memref<32x2048xf32, #tpu.memory_space<vmem>>, vector<16xf32>,
      tpu.vector_store %arg5[%parallel_loop3A_571, %parallel_loop3A_572], %broadcast_in_dim3A_3 {strides = array<i32>} : memref<32x2048xf32, #tpu.memory_space<vmem>>, vector<16xf32>,
      %parallel_loop3A_574 = arith.constant 16 : i32
      %parallel_loop3A_575 = arith.muli %parallel_loop3A_405, %parallel_loop3A_574 : i32
      %parallel_loop3A_576 = arith.constant 28 : i32
      %parallel_loop3A_577 = arith.index_cast %parallel_loop3A_576 : i32 to index
      %parallel_loop3A_578 = arith.index_cast %parallel_loop3A_575 : i32 to index
      %parallel_loop3A_579 = tpu.vector_load %arg5[%parallel_loop3A_577, %parallel_loop3A_578] {strides = array<i32>} : memref<32x2048xf32, #tpu.memory_space<vmem>>, vector<16xf32>,
      tpu.vector_store %arg5[%parallel_loop3A_577, %parallel_loop3A_578], %broadcast_in_dim3A_3 {strides = array<i32>} : memref<32x2048xf32, #tpu.memory_space<vmem>>, vector<16xf32>,
      %parallel_loop3A_580 = arith.constant 16 : i32
      %parallel_loop3A_581 = arith.muli %parallel_loop3A_405, %parallel_loop3A_580 : i32
      %parallel_loop3A_582 = arith.constant 29 : i32
      %parallel_loop3A_583 = arith.index_cast %parallel_loop3A_582 : i32 to index
      %parallel_loop3A_584 = arith.index_cast %parallel_loop3A_581 : i32 to index
      %parallel_loop3A_585 = tpu.vector_load %arg5[%parallel_loop3A_583, %parallel_loop3A_584] {strides = array<i32>} : memref<32x2048xf32, #tpu.memory_space<vmem>>, vector<16xf32>,
      tpu.vector_store %arg5[%parallel_loop3A_583, %parallel_loop3A_584], %broadcast_in_dim3A_3 {strides = array<i32>} : memref<32x2048xf32, #tpu.memory_space<vmem>>, vector<16xf32>,
      %parallel_loop3A_586 = arith.constant 16 : i32
      %parallel_loop3A_587 = arith.muli %parallel_loop3A_405, %parallel_loop3A_586 : i32
      %parallel_loop3A_588 = arith.constant 30 : i32
      %parallel_loop3A_589 = arith.index_cast %parallel_loop3A_588 : i32 to index
      %parallel_loop3A_590 = arith.index_cast %parallel_loop3A_587 : i32 to index
      %parallel_loop3A_591 = tpu.vector_load %arg5[%parallel_loop3A_589, %parallel_loop3A_590] {strides = array<i32>} : memref<32x2048xf32, #tpu.memory_space<vmem>>, vector<16xf32>,
      tpu.vector_store %arg5[%parallel_loop3A_589, %parallel_loop3A_590], %broadcast_in_dim3A_3 {strides = array<i32>} : memref<32x2048xf32, #tpu.memory_space<vmem>>, vector<16xf32>,
      %parallel_loop3A_592 = arith.constant 16 : i32
      %parallel_loop3A_593 = arith.muli %parallel_loop3A_405, %parallel_loop3A_592 : i32
      %parallel_loop3A_594 = arith.constant 31 : i32
      %parallel_loop3A_595 = arith.index_cast %parallel_loop3A_594 : i32 to index
      %parallel_loop3A_596 = arith.index_cast %parallel_loop3A_593 : i32 to index
      %parallel_loop3A_597 = tpu.vector_load %arg5[%parallel_loop3A_595, %parallel_loop3A_596] {strides = array<i32>} : memref<32x2048xf32, #tpu.memory_space<vmem>>, vector<16xf32>,
      tpu.vector_store %arg5[%parallel_loop3A_595, %parallel_loop3A_596], %broadcast_in_dim3A_3 {strides = array<i32>} : memref<32x2048xf32, #tpu.memory_space<vmem>>, vector<16xf32>,
    } {sc.loop_unroll_factor = 2 : i64, sc.parallel_access}
    %dma_wait3A = arith.constant 0 : i32
    %dma_wait3A_17 = tpu.memref_slice %arg2[%dma_wait3A] : memref<65536xi32, #tpu.memory_space<hbm>> -> memref<8192xi32, #tpu.memory_space<hbm>>
    %dma_wait3A_18 = arith.constant 0 : i32
    %dma_wait3A_19 = tpu.memref_slice %arg2[%dma_wait3A_18] : memref<65536xi32, #tpu.memory_space<hbm>> -> memref<8192xi32, #tpu.memory_space<hbm>>
    tpu.wait_dma2 semaphore(%arg10 : memref<!tpu.dma_semaphore, #tpu.memory_space<semaphore_mem>>) src(%dma_wait3A_19 : memref<8192xi32, #tpu.memory_space<hbm>>) dst(%arg6 : memref<8192xi32, #tpu.memory_space<vmem>>)
    %dma_wait3A_20 = arith.constant 0 : i32
    %dma_wait3A_21 = tpu.memref_slice %arg3[%dma_wait3A_20] : memref<65536xi32, #tpu.memory_space<hbm>> -> memref<8192xi32, #tpu.memory_space<hbm>>
    %dma_wait3A_22 = arith.constant 0 : i32
    %dma_wait3A_23 = tpu.memref_slice %arg3[%dma_wait3A_22] : memref<65536xi32, #tpu.memory_space<hbm>> -> memref<8192xi32, #tpu.memory_space<hbm>>
    tpu.wait_dma2 semaphore(%arg10 : memref<!tpu.dma_semaphore, #tpu.memory_space<semaphore_mem>>) src(%dma_wait3A_23 : memref<8192xi32, #tpu.memory_space<hbm>>) dst(%arg7 : memref<8192xi32, #tpu.memory_space<vmem>>)
    %dma_start3A_24 = arith.constant 8192 : i32
    %dma_start3A_25 = tpu.memref_slice %arg2[%dma_start3A_24] : memref<65536xi32, #tpu.memory_space<hbm>> -> memref<8192xi32, #tpu.memory_space<hbm>>
    %dma_start3A_26 = arith.constant 8192 : i32
    %dma_start3A_27 = tpu.memref_slice %arg2[%dma_start3A_26] : memref<65536xi32, #tpu.memory_space<hbm>> -> memref<8192xi32, #tpu.memory_space<hbm>>
    tpu.enqueue_dma source(%dma_start3A_27 : memref<8192xi32, #tpu.memory_space<hbm>>) target(%arg8 : memref<8192xi32, #tpu.memory_space<vmem>>) target_semaphore(%arg11 : memref<!tpu.dma_semaphore, #tpu.memory_space<semaphore_mem>>)
    %dma_start3A_28 = arith.constant 8192 : i32
    %dma_start3A_29 = tpu.memref_slice %arg3[%dma_start3A_28] : memref<65536xi32, #tpu.memory_space<hbm>> -> memref<8192xi32, #tpu.memory_space<hbm>>
    %dma_start3A_30 = arith.constant 8192 : i32
    %dma_start3A_31 = tpu.memref_slice %arg3[%dma_start3A_30] : memref<65536xi32, #tpu.memory_space<hbm>> -> memref<8192xi32, #tpu.memory_space<hbm>>
    tpu.enqueue_dma source(%dma_start3A_31 : memref<8192xi32, #tpu.memory_space<hbm>>) target(%arg9 : memref<8192xi32, #tpu.memory_space<vmem>>) target_semaphore(%arg11 : memref<!tpu.dma_semaphore, #tpu.memory_space<semaphore_mem>>)
    %scan3A = arith.constant 0 : i32
    %scan3A_32 = arith.constant 0 : i32
    %scan3A_33 = arith.constant 512 : i32
    %scan3A_34 = arith.addi %scan3A_32, %scan3A_33 : i32
    %scan3A_35 = arith.constant 8 : i32
    %scan3A_36 = scf.for %scan3A_405 = %scan3A_32 to %scan3A_34 step %scan3A_35 iter_args(%scan3A_406 = %scan3A) -> (i32)  : i32 {
      %mul3A_407 = arith.constant 16 : i32
      %mul3A_408 = arith.muli %scan3A_405, %mul3A_407 : i32
      %get3A = arith.index_cast %mul3A_408 : i32 to index
      %get3A_409 = tpu.vector_load %arg6[%get3A] {strides = array<i32>} : memref<8192xi32, #tpu.memory_space<vmem>>, vector<16xi32>,
      %mul3A_410 = arith.constant 16 : i32
      %mul3A_411 = arith.muli %scan3A_405, %mul3A_410 : i32
      %get3A_412 = arith.index_cast %mul3A_411 : i32 to index
      %get3A_413 = tpu.vector_load %arg7[%get3A_412] {strides = array<i32>} : memref<8192xi32, #tpu.memory_space<vmem>>, vector<16xi32>,
      %sub3A = vector.broadcast %mul3A_14 : i32 to vector<16xi32>
      %sub3A_414 = arith.subi %get3A_409, %sub3A : vector<16xi32>
      %ge3A = arith.constant 0 : i32
      %ge3A_415 = vector.broadcast %ge3A : i32 to vector<16xi32>
      %ge3A_416 = arith.cmpi sge, %sub3A_414, %ge3A_415 : vector<16xi32>
      %lt3A = arith.constant 32 : i32
      %lt3A_417 = vector.broadcast %lt3A : i32 to vector<16xi32>
      %lt3A_418 = arith.cmpi slt, %sub3A_414, %lt3A_417 : vector<16xi32>
      %and3A = arith.andi %ge3A_416, %lt3A_418 : vector<16xi1>
      %and3A_419 = arith.constant 31 : i32
      %and3A_420 = vector.broadcast %and3A_419 : i32 to vector<16xi32>
      %and3A_421 = arith.andi %sub3A_414, %and3A_420 : vector<16xi32>
      tpu.vector_store_idx %arg5[%and3A_421, %get3A_413], %broadcast_in_dim3A_1 masked %and3A {add = true} : memref<32x2048xf32, #tpu.memory_space<vmem>>[vector<16xi32>, vector<16xi32>], vector<16xf32>, vector<16xi1>
      %scan3A_422 = arith.constant 0 : i32
      %scan3A_423 = arith.constant 1 : i32
      %scan3A_424 = arith.addi %scan3A_405, %scan3A_423 : i32
      %mul3A_425 = arith.constant 16 : i32
      %mul3A_426 = arith.muli %scan3A_424, %mul3A_425 : i32
      %get3A_427 = arith.index_cast %mul3A_426 : i32 to index
      %get3A_428 = tpu.vector_load %arg6[%get3A_427] {strides = array<i32>} : memref<8192xi32, #tpu.memory_space<vmem>>, vector<16xi32>,
      %mul3A_429 = arith.constant 16 : i32
      %mul3A_430 = arith.muli %scan3A_424, %mul3A_429 : i32
      %get3A_431 = arith.index_cast %mul3A_430 : i32 to index
      %get3A_432 = tpu.vector_load %arg7[%get3A_431] {strides = array<i32>} : memref<8192xi32, #tpu.memory_space<vmem>>, vector<16xi32>,
      %sub3A_433 = vector.broadcast %mul3A_14 : i32 to vector<16xi32>
      %sub3A_434 = arith.subi %get3A_428, %sub3A_433 : vector<16xi32>
      %ge3A_435 = arith.constant 0 : i32
      %ge3A_436 = vector.broadcast %ge3A_435 : i32 to vector<16xi32>
      %ge3A_437 = arith.cmpi sge, %sub3A_434, %ge3A_436 : vector<16xi32>
      %lt3A_438 = arith.constant 32 : i32
      %lt3A_439 = vector.broadcast %lt3A_438 : i32 to vector<16xi32>
      %lt3A_440 = arith.cmpi slt, %sub3A_434, %lt3A_439 : vector<16xi32>
      %and3A_441 = arith.andi %ge3A_437, %lt3A_440 : vector<16xi1>
      %and3A_442 = arith.constant 31 : i32
      %and3A_443 = vector.broadcast %and3A_442 : i32 to vector<16xi32>
      %and3A_444 = arith.andi %sub3A_434, %and3A_443 : vector<16xi32>
      tpu.vector_store_idx %arg5[%and3A_444, %get3A_432], %broadcast_in_dim3A_1 masked %and3A_441 {add = true} : memref<32x2048xf32, #tpu.memory_space<vmem>>[vector<16xi32>, vector<16xi32>], vector<16xf32>, vector<16xi1>
      %scan3A_445 = arith.constant 0 : i32
      %scan3A_446 = arith.constant 2 : i32
      %scan3A_447 = arith.addi %scan3A_405, %scan3A_446 : i32
      %mul3A_448 = arith.constant 16 : i32
      %mul3A_449 = arith.muli %scan3A_447, %mul3A_448 : i32
      %get3A_450 = arith.index_cast %mul3A_449 : i32 to index
      %get3A_451 = tpu.vector_load %arg6[%get3A_450] {strides = array<i32>} : memref<8192xi32, #tpu.memory_space<vmem>>, vector<16xi32>,
      %mul3A_452 = arith.constant 16 : i32
      %mul3A_453 = arith.muli %scan3A_447, %mul3A_452 : i32
      %get3A_454 = arith.index_cast %mul3A_453 : i32 to index
      %get3A_455 = tpu.vector_load %arg7[%get3A_454] {strides = array<i32>} : memref<8192xi32, #tpu.memory_space<vmem>>, vector<16xi32>,
      %sub3A_456 = vector.broadcast %mul3A_14 : i32 to vector<16xi32>
      %sub3A_457 = arith.subi %get3A_451, %sub3A_456 : vector<16xi32>
      %ge3A_458 = arith.constant 0 : i32
      %ge3A_459 = vector.broadcast %ge3A_458 : i32 to vector<16xi32>
      %ge3A_460 = arith.cmpi sge, %sub3A_457, %ge3A_459 : vector<16xi32>
      %lt3A_461 = arith.constant 32 : i32
      %lt3A_462 = vector.broadcast %lt3A_461 : i32 to vector<16xi32>
      %lt3A_463 = arith.cmpi slt, %sub3A_457, %lt3A_462 : vector<16xi32>
      %and3A_464 = arith.andi %ge3A_460, %lt3A_463 : vector<16xi1>
      %and3A_465 = arith.constant 31 : i32
      %and3A_466 = vector.broadcast %and3A_465 : i32 to vector<16xi32>
      %and3A_467 = arith.andi %sub3A_457, %and3A_466 : vector<16xi32>
      tpu.vector_store_idx %arg5[%and3A_467, %get3A_455], %broadcast_in_dim3A_1 masked %and3A_464 {add = true} : memref<32x2048xf32, #tpu.memory_space<vmem>>[vector<16xi32>, vector<16xi32>], vector<16xf32>, vector<16xi1>
      %scan3A_468 = arith.constant 0 : i32
      %scan3A_469 = arith.constant 3 : i32
      %scan3A_470 = arith.addi %scan3A_405, %scan3A_469 : i32
      %mul3A_471 = arith.constant 16 : i32
      %mul3A_472 = arith.muli %scan3A_470, %mul3A_471 : i32
      %get3A_473 = arith.index_cast %mul3A_472 : i32 to index
      %get3A_474 = tpu.vector_load %arg6[%get3A_473] {strides = array<i32>} : memref<8192xi32, #tpu.memory_space<vmem>>, vector<16xi32>,
      %mul3A_475 = arith.constant 16 : i32
      %mul3A_476 = arith.muli %scan3A_470, %mul3A_475 : i32
      %get3A_477 = arith.index_cast %mul3A_476 : i32 to index
      %get3A_478 = tpu.vector_load %arg7[%get3A_477] {strides = array<i32>} : memref<8192xi32, #tpu.memory_space<vmem>>, vector<16xi32>,
      %sub3A_479 = vector.broadcast %mul3A_14 : i32 to vector<16xi32>
      %sub3A_480 = arith.subi %get3A_474, %sub3A_479 : vector<16xi32>
      %ge3A_481 = arith.constant 0 : i32
      %ge3A_482 = vector.broadcast %ge3A_481 : i32 to vector<16xi32>
      %ge3A_483 = arith.cmpi sge, %sub3A_480, %ge3A_482 : vector<16xi32>
      %lt3A_484 = arith.constant 32 : i32
      %lt3A_485 = vector.broadcast %lt3A_484 : i32 to vector<16xi32>
      %lt3A_486 = arith.cmpi slt, %sub3A_480, %lt3A_485 : vector<16xi32>
      %and3A_487 = arith.andi %ge3A_483, %lt3A_486 : vector<16xi1>
      %and3A_488 = arith.constant 31 : i32
      %and3A_489 = vector.broadcast %and3A_488 : i32 to vector<16xi32>
      %and3A_490 = arith.andi %sub3A_480, %and3A_489 : vector<16xi32>
      tpu.vector_store_idx %arg5[%and3A_490, %get3A_478], %broadcast_in_dim3A_1 masked %and3A_487 {add = true} : memref<32x2048xf32, #tpu.memory_space<vmem>>[vector<16xi32>, vector<16xi32>], vector<16xf32>, vector<16xi1>
      %scan3A_491 = arith.constant 0 : i32
      %scan3A_492 = arith.constant 4 : i32
      %scan3A_493 = arith.addi %scan3A_405, %scan3A_492 : i32
      %mul3A_494 = arith.constant 16 : i32
      %mul3A_495 = arith.muli %scan3A_493, %mul3A_494 : i32
      %get3A_496 = arith.index_cast %mul3A_495 : i32 to index
      %get3A_497 = tpu.vector_load %arg6[%get3A_496] {strides = array<i32>} : memref<8192xi32, #tpu.memory_space<vmem>>, vector<16xi32>,
      %mul3A_498 = arith.constant 16 : i32
      %mul3A_499 = arith.muli %scan3A_493, %mul3A_498 : i32
      %get3A_500 = arith.index_cast %mul3A_499 : i32 to index
      %get3A_501 = tpu.vector_load %arg7[%get3A_500] {strides = array<i32>} : memref<8192xi32, #tpu.memory_space<vmem>>, vector<16xi32>,
      %sub3A_502 = vector.broadcast %mul3A_14 : i32 to vector<16xi32>
      %sub3A_503 = arith.subi %get3A_497, %sub3A_502 : vector<16xi32>
      %ge3A_504 = arith.constant 0 : i32
      %ge3A_505 = vector.broadcast %ge3A_504 : i32 to vector<16xi32>
      %ge3A_506 = arith.cmpi sge, %sub3A_503, %ge3A_505 : vector<16xi32>
      %lt3A_507 = arith.constant 32 : i32
      %lt3A_508 = vector.broadcast %lt3A_507 : i32 to vector<16xi32>
      %lt3A_509 = arith.cmpi slt, %sub3A_503, %lt3A_508 : vector<16xi32>
      %and3A_510 = arith.andi %ge3A_506, %lt3A_509 : vector<16xi1>
      %and3A_511 = arith.constant 31 : i32
      %and3A_512 = vector.broadcast %and3A_511 : i32 to vector<16xi32>
      %and3A_513 = arith.andi %sub3A_503, %and3A_512 : vector<16xi32>
      tpu.vector_store_idx %arg5[%and3A_513, %get3A_501], %broadcast_in_dim3A_1 masked %and3A_510 {add = true} : memref<32x2048xf32, #tpu.memory_space<vmem>>[vector<16xi32>, vector<16xi32>], vector<16xf32>, vector<16xi1>
      %scan3A_514 = arith.constant 0 : i32
      %scan3A_515 = arith.constant 5 : i32
      %scan3A_516 = arith.addi %scan3A_405, %scan3A_515 : i32
      %mul3A_517 = arith.constant 16 : i32
      %mul3A_518 = arith.muli %scan3A_516, %mul3A_517 : i32
      %get3A_519 = arith.index_cast %mul3A_518 : i32 to index
      %get3A_520 = tpu.vector_load %arg6[%get3A_519] {strides = array<i32>} : memref<8192xi32, #tpu.memory_space<vmem>>, vector<16xi32>,
      %mul3A_521 = arith.constant 16 : i32
      %mul3A_522 = arith.muli %scan3A_516, %mul3A_521 : i32
      %get3A_523 = arith.index_cast %mul3A_522 : i32 to index
      %get3A_524 = tpu.vector_load %arg7[%get3A_523] {strides = array<i32>} : memref<8192xi32, #tpu.memory_space<vmem>>, vector<16xi32>,
      %sub3A_525 = vector.broadcast %mul3A_14 : i32 to vector<16xi32>
      %sub3A_526 = arith.subi %get3A_520, %sub3A_525 : vector<16xi32>
      %ge3A_527 = arith.constant 0 : i32
      %ge3A_528 = vector.broadcast %ge3A_527 : i32 to vector<16xi32>
      %ge3A_529 = arith.cmpi sge, %sub3A_526, %ge3A_528 : vector<16xi32>
      %lt3A_530 = arith.constant 32 : i32
      %lt3A_531 = vector.broadcast %lt3A_530 : i32 to vector<16xi32>
      %lt3A_532 = arith.cmpi slt, %sub3A_526, %lt3A_531 : vector<16xi32>
      %and3A_533 = arith.andi %ge3A_529, %lt3A_532 : vector<16xi1>
      %and3A_534 = arith.constant 31 : i32
      %and3A_535 = vector.broadcast %and3A_534 : i32 to vector<16xi32>
      %and3A_536 = arith.andi %sub3A_526, %and3A_535 : vector<16xi32>
      tpu.vector_store_idx %arg5[%and3A_536, %get3A_524], %broadcast_in_dim3A_1 masked %and3A_533 {add = true} : memref<32x2048xf32, #tpu.memory_space<vmem>>[vector<16xi32>, vector<16xi32>], vector<16xf32>, vector<16xi1>
      %scan3A_537 = arith.constant 0 : i32
      %scan3A_538 = arith.constant 6 : i32
      %scan3A_539 = arith.addi %scan3A_405, %scan3A_538 : i32
      %mul3A_540 = arith.constant 16 : i32
      %mul3A_541 = arith.muli %scan3A_539, %mul3A_540 : i32
      %get3A_542 = arith.index_cast %mul3A_541 : i32 to index
      %get3A_543 = tpu.vector_load %arg6[%get3A_542] {strides = array<i32>} : memref<8192xi32, #tpu.memory_space<vmem>>, vector<16xi32>,
      %mul3A_544 = arith.constant 16 : i32
      %mul3A_545 = arith.muli %scan3A_539, %mul3A_544 : i32
      %get3A_546 = arith.index_cast %mul3A_545 : i32 to index
      %get3A_547 = tpu.vector_load %arg7[%get3A_546] {strides = array<i32>} : memref<8192xi32, #tpu.memory_space<vmem>>, vector<16xi32>,
      %sub3A_548 = vector.broadcast %mul3A_14 : i32 to vector<16xi32>
      %sub3A_549 = arith.subi %get3A_543, %sub3A_548 : vector<16xi32>
      %ge3A_550 = arith.constant 0 : i32
      %ge3A_551 = vector.broadcast %ge3A_550 : i32 to vector<16xi32>
      %ge3A_552 = arith.cmpi sge, %sub3A_549, %ge3A_551 : vector<16xi32>
      %lt3A_553 = arith.constant 32 : i32
      %lt3A_554 = vector.broadcast %lt3A_553 : i32 to vector<16xi32>
      %lt3A_555 = arith.cmpi slt, %sub3A_549, %lt3A_554 : vector<16xi32>
      %and3A_556 = arith.andi %ge3A_552, %lt3A_555 : vector<16xi1>
      %and3A_557 = arith.constant 31 : i32
      %and3A_558 = vector.broadcast %and3A_557 : i32 to vector<16xi32>
      %and3A_559 = arith.andi %sub3A_549, %and3A_558 : vector<16xi32>
      tpu.vector_store_idx %arg5[%and3A_559, %get3A_547], %broadcast_in_dim3A_1 masked %and3A_556 {add = true} : memref<32x2048xf32, #tpu.memory_space<vmem>>[vector<16xi32>, vector<16xi32>], vector<16xf32>, vector<16xi1>
      %scan3A_560 = arith.constant 0 : i32
      %scan3A_561 = arith.constant 7 : i32
      %scan3A_562 = arith.addi %scan3A_405, %scan3A_561 : i32
      %mul3A_563 = arith.constant 16 : i32
      %mul3A_564 = arith.muli %scan3A_562, %mul3A_563 : i32
      %get3A_565 = arith.index_cast %mul3A_564 : i32 to index
      %get3A_566 = tpu.vector_load %arg6[%get3A_565] {strides = array<i32>} : memref<8192xi32, #tpu.memory_space<vmem>>, vector<16xi32>,
      %mul3A_567 = arith.constant 16 : i32
      %mul3A_568 = arith.muli %scan3A_562, %mul3A_567 : i32
      %get3A_569 = arith.index_cast %mul3A_568 : i32 to index
      %get3A_570 = tpu.vector_load %arg7[%get3A_569] {strides = array<i32>} : memref<8192xi32, #tpu.memory_space<vmem>>, vector<16xi32>,
      %sub3A_571 = vector.broadcast %mul3A_14 : i32 to vector<16xi32>
      %sub3A_572 = arith.subi %get3A_566, %sub3A_571 : vector<16xi32>
      %ge3A_573 = arith.constant 0 : i32
      %ge3A_574 = vector.broadcast %ge3A_573 : i32 to vector<16xi32>
      %ge3A_575 = arith.cmpi sge, %sub3A_572, %ge3A_574 : vector<16xi32>
      %lt3A_576 = arith.constant 32 : i32
      %lt3A_577 = vector.broadcast %lt3A_576 : i32 to vector<16xi32>
      %lt3A_578 = arith.cmpi slt, %sub3A_572, %lt3A_577 : vector<16xi32>
      %and3A_579 = arith.andi %ge3A_575, %lt3A_578 : vector<16xi1>
      %and3A_580 = arith.constant 31 : i32
      %and3A_581 = vector.broadcast %and3A_580 : i32 to vector<16xi32>
      %and3A_582 = arith.andi %sub3A_572, %and3A_581 : vector<16xi32>
      tpu.vector_store_idx %arg5[%and3A_582, %get3A_570], %broadcast_in_dim3A_1 masked %and3A_579 {add = true} : memref<32x2048xf32, #tpu.memory_space<vmem>>[vector<16xi32>, vector<16xi32>], vector<16xf32>, vector<16xi1>
      %scan3A_583 = arith.constant 0 : i32
      scf.yield %scan3A_583 : i32
    }
    %scan3A_37 = arith.constant 512 : i32
    %dma_wait3A_38 = arith.constant 8192 : i32
    %dma_wait3A_39 = tpu.memref_slice %arg2[%dma_wait3A_38] : memref<65536xi32, #tpu.memory_space<hbm>> -> memref<8192xi32, #tpu.memory_space<hbm>>
    %dma_wait3A_40 = arith.constant 8192 : i32
    %dma_wait3A_41 = tpu.memref_slice %arg2[%dma_wait3A_40] : memref<65536xi32, #tpu.memory_space<hbm>> -> memref<8192xi32, #tpu.memory_space<hbm>>
    tpu.wait_dma2 semaphore(%arg11 : memref<!tpu.dma_semaphore, #tpu.memory_space<semaphore_mem>>) src(%dma_wait3A_41 : memref<8192xi32, #tpu.memory_space<hbm>>) dst(%arg8 : memref<8192xi32, #tpu.memory_space<vmem>>)
    %dma_wait3A_42 = arith.constant 8192 : i32
    %dma_wait3A_43 = tpu.memref_slice %arg3[%dma_wait3A_42] : memref<65536xi32, #tpu.memory_space<hbm>> -> memref<8192xi32, #tpu.memory_space<hbm>>
    %dma_wait3A_44 = arith.constant 8192 : i32
    %dma_wait3A_45 = tpu.memref_slice %arg3[%dma_wait3A_44] : memref<65536xi32, #tpu.memory_space<hbm>> -> memref<8192xi32, #tpu.memory_space<hbm>>
    tpu.wait_dma2 semaphore(%arg11 : memref<!tpu.dma_semaphore, #tpu.memory_space<semaphore_mem>>) src(%dma_wait3A_45 : memref<8192xi32, #tpu.memory_space<hbm>>) dst(%arg9 : memref<8192xi32, #tpu.memory_space<vmem>>)
    %dma_start3A_46 = arith.constant 16384 : i32
    %dma_start3A_47 = tpu.memref_slice %arg2[%dma_start3A_46] : memref<65536xi32, #tpu.memory_space<hbm>> -> memref<8192xi32, #tpu.memory_space<hbm>>
    %dma_start3A_48 = arith.constant 16384 : i32
    %dma_start3A_49 = tpu.memref_slice %arg2[%dma_start3A_48] : memref<65536xi32, #tpu.memory_space<hbm>> -> memref<8192xi32, #tpu.memory_space<hbm>>
    tpu.enqueue_dma source(%dma_start3A_49 : memref<8192xi32, #tpu.memory_space<hbm>>) target(%arg6 : memref<8192xi32, #tpu.memory_space<vmem>>) target_semaphore(%arg10 : memref<!tpu.dma_semaphore, #tpu.memory_space<semaphore_mem>>)
    %dma_start3A_50 = arith.constant 16384 : i32
    %dma_start3A_51 = tpu.memref_slice %arg3[%dma_start3A_50] : memref<65536xi32, #tpu.memory_space<hbm>> -> memref<8192xi32, #tpu.memory_space<hbm>>
    %dma_start3A_52 = arith.constant 16384 : i32
    %dma_start3A_53 = tpu.memref_slice %arg3[%dma_start3A_52] : memref<65536xi32, #tpu.memory_space<hbm>> -> memref<8192xi32, #tpu.memory_space<hbm>>
    tpu.enqueue_dma source(%dma_start3A_53 : memref<8192xi32, #tpu.memory_space<hbm>>) target(%arg7 : memref<8192xi32, #tpu.memory_space<vmem>>) target_semaphore(%arg10 : memref<!tpu.dma_semaphore, #tpu.memory_space<semaphore_mem>>)
    %scan3A_54 = arith.constant 0 : i32
    %scan3A_55 = arith.constant 0 : i32
    %scan3A_56 = arith.constant 512 : i32
    %scan3A_57 = arith.addi %scan3A_55, %scan3A_56 : i32
    %scan3A_58 = arith.constant 8 : i32
    %scan3A_59 = scf.for %scan3A_405 = %scan3A_55 to %scan3A_57 step %scan3A_58 iter_args(%scan3A_406 = %scan3A_54) -> (i32)  : i32 {
      %mul3A_407 = arith.constant 16 : i32
      %mul3A_408 = arith.muli %scan3A_405, %mul3A_407 : i32
      %get3A = arith.index_cast %mul3A_408 : i32 to index
      %get3A_409 = tpu.vector_load %arg8[%get3A] {strides = array<i32>} : memref<8192xi32, #tpu.memory_space<vmem>>, vector<16xi32>,
      %mul3A_410 = arith.constant 16 : i32
      %mul3A_411 = arith.muli %scan3A_405, %mul3A_410 : i32
      %get3A_412 = arith.index_cast %mul3A_411 : i32 to index
      %get3A_413 = tpu.vector_load %arg9[%get3A_412] {strides = array<i32>} : memref<8192xi32, #tpu.memory_space<vmem>>, vector<16xi32>,
      %sub3A = vector.broadcast %mul3A_14 : i32 to vector<16xi32>
      %sub3A_414 = arith.subi %get3A_409, %sub3A : vector<16xi32>
      %ge3A = arith.constant 0 : i32
      %ge3A_415 = vector.broadcast %ge3A : i32 to vector<16xi32>
      %ge3A_416 = arith.cmpi sge, %sub3A_414, %ge3A_415 : vector<16xi32>
      %lt3A = arith.constant 32 : i32
      %lt3A_417 = vector.broadcast %lt3A : i32 to vector<16xi32>
      %lt3A_418 = arith.cmpi slt, %sub3A_414, %lt3A_417 : vector<16xi32>
      %and3A = arith.andi %ge3A_416, %lt3A_418 : vector<16xi1>
      %and3A_419 = arith.constant 31 : i32
      %and3A_420 = vector.broadcast %and3A_419 : i32 to vector<16xi32>
      %and3A_421 = arith.andi %sub3A_414, %and3A_420 : vector<16xi32>
      tpu.vector_store_idx %arg5[%and3A_421, %get3A_413], %broadcast_in_dim3A_1 masked %and3A {add = true} : memref<32x2048xf32, #tpu.memory_space<vmem>>[vector<16xi32>, vector<16xi32>], vector<16xf32>, vector<16xi1>
      %scan3A_422 = arith.constant 0 : i32
      %scan3A_423 = arith.constant 1 : i32
      %scan3A_424 = arith.addi %scan3A_405, %scan3A_423 : i32
      %mul3A_425 = arith.constant 16 : i32
      %mul3A_426 = arith.muli %scan3A_424, %mul3A_425 : i32
      %get3A_427 = arith.index_cast %mul3A_426 : i32 to index
      %get3A_428 = tpu.vector_load %arg8[%get3A_427] {strides = array<i32>} : memref<8192xi32, #tpu.memory_space<vmem>>, vector<16xi32>,
      %mul3A_429 = arith.constant 16 : i32
      %mul3A_430 = arith.muli %scan3A_424, %mul3A_429 : i32
      %get3A_431 = arith.index_cast %mul3A_430 : i32 to index
      %get3A_432 = tpu.vector_load %arg9[%get3A_431] {strides = array<i32>} : memref<8192xi32, #tpu.memory_space<vmem>>, vector<16xi32>,
      %sub3A_433 = vector.broadcast %mul3A_14 : i32 to vector<16xi32>
      %sub3A_434 = arith.subi %get3A_428, %sub3A_433 : vector<16xi32>
      %ge3A_435 = arith.constant 0 : i32
      %ge3A_436 = vector.broadcast %ge3A_435 : i32 to vector<16xi32>
      %ge3A_437 = arith.cmpi sge, %sub3A_434, %ge3A_436 : vector<16xi32>
      %lt3A_438 = arith.constant 32 : i32
      %lt3A_439 = vector.broadcast %lt3A_438 : i32 to vector<16xi32>
      %lt3A_440 = arith.cmpi slt, %sub3A_434, %lt3A_439 : vector<16xi32>
      %and3A_441 = arith.andi %ge3A_437, %lt3A_440 : vector<16xi1>
      %and3A_442 = arith.constant 31 : i32
      %and3A_443 = vector.broadcast %and3A_442 : i32 to vector<16xi32>
      %and3A_444 = arith.andi %sub3A_434, %and3A_443 : vector<16xi32>
      tpu.vector_store_idx %arg5[%and3A_444, %get3A_432], %broadcast_in_dim3A_1 masked %and3A_441 {add = true} : memref<32x2048xf32, #tpu.memory_space<vmem>>[vector<16xi32>, vector<16xi32>], vector<16xf32>, vector<16xi1>
      %scan3A_445 = arith.constant 0 : i32
      %scan3A_446 = arith.constant 2 : i32
      %scan3A_447 = arith.addi %scan3A_405, %scan3A_446 : i32
      %mul3A_448 = arith.constant 16 : i32
      %mul3A_449 = arith.muli %scan3A_447, %mul3A_448 : i32
      %get3A_450 = arith.index_cast %mul3A_449 : i32 to index
      %get3A_451 = tpu.vector_load %arg8[%get3A_450] {strides = array<i32>} : memref<8192xi32, #tpu.memory_space<vmem>>, vector<16xi32>,
      %mul3A_452 = arith.constant 16 : i32
      %mul3A_453 = arith.muli %scan3A_447, %mul3A_452 : i32
      %get3A_454 = arith.index_cast %mul3A_453 : i32 to index
      %get3A_455 = tpu.vector_load %arg9[%get3A_454] {strides = array<i32>} : memref<8192xi32, #tpu.memory_space<vmem>>, vector<16xi32>,
      %sub3A_456 = vector.broadcast %mul3A_14 : i32 to vector<16xi32>
      %sub3A_457 = arith.subi %get3A_451, %sub3A_456 : vector<16xi32>
      %ge3A_458 = arith.constant 0 : i32
      %ge3A_459 = vector.broadcast %ge3A_458 : i32 to vector<16xi32>
      %ge3A_460 = arith.cmpi sge, %sub3A_457, %ge3A_459 : vector<16xi32>
      %lt3A_461 = arith.constant 32 : i32
      %lt3A_462 = vector.broadcast %lt3A_461 : i32 to vector<16xi32>
      %lt3A_463 = arith.cmpi slt, %sub3A_457, %lt3A_462 : vector<16xi32>
      %and3A_464 = arith.andi %ge3A_460, %lt3A_463 : vector<16xi1>
      %and3A_465 = arith.constant 31 : i32
      %and3A_466 = vector.broadcast %and3A_465 : i32 to vector<16xi32>
      %and3A_467 = arith.andi %sub3A_457, %and3A_466 : vector<16xi32>
      tpu.vector_store_idx %arg5[%and3A_467, %get3A_455], %broadcast_in_dim3A_1 masked %and3A_464 {add = true} : memref<32x2048xf32, #tpu.memory_space<vmem>>[vector<16xi32>, vector<16xi32>], vector<16xf32>, vector<16xi1>
      %scan3A_468 = arith.constant 0 : i32
      %scan3A_469 = arith.constant 3 : i32
      %scan3A_470 = arith.addi %scan3A_405, %scan3A_469 : i32
      %mul3A_471 = arith.constant 16 : i32
      %mul3A_472 = arith.muli %scan3A_470, %mul3A_471 : i32
      %get3A_473 = arith.index_cast %mul3A_472 : i32 to index
      %get3A_474 = tpu.vector_load %arg8[%get3A_473] {strides = array<i32>} : memref<8192xi32, #tpu.memory_space<vmem>>, vector<16xi32>,
      %mul3A_475 = arith.constant 16 : i32
      %mul3A_476 = arith.muli %scan3A_470, %mul3A_475 : i32
      %get3A_477 = arith.index_cast %mul3A_476 : i32 to index
      %get3A_478 = tpu.vector_load %arg9[%get3A_477] {strides = array<i32>} : memref<8192xi32, #tpu.memory_space<vmem>>, vector<16xi32>,
      %sub3A_479 = vector.broadcast %mul3A_14 : i32 to vector<16xi32>
      %sub3A_480 = arith.subi %get3A_474, %sub3A_479 : vector<16xi32>
      %ge3A_481 = arith.constant 0 : i32
      %ge3A_482 = vector.broadcast %ge3A_481 : i32 to vector<16xi32>
      %ge3A_483 = arith.cmpi sge, %sub3A_480, %ge3A_482 : vector<16xi32>
      %lt3A_484 = arith.constant 32 : i32
      %lt3A_485 = vector.broadcast %lt3A_484 : i32 to vector<16xi32>
      %lt3A_486 = arith.cmpi slt, %sub3A_480, %lt3A_485 : vector<16xi32>
      %and3A_487 = arith.andi %ge3A_483, %lt3A_486 : vector<16xi1>
      %and3A_488 = arith.constant 31 : i32
      %and3A_489 = vector.broadcast %and3A_488 : i32 to vector<16xi32>
      %and3A_490 = arith.andi %sub3A_480, %and3A_489 : vector<16xi32>
      tpu.vector_store_idx %arg5[%and3A_490, %get3A_478], %broadcast_in_dim3A_1 masked %and3A_487 {add = true} : memref<32x2048xf32, #tpu.memory_space<vmem>>[vector<16xi32>, vector<16xi32>], vector<16xf32>, vector<16xi1>
      %scan3A_491 = arith.constant 0 : i32
      %scan3A_492 = arith.constant 4 : i32
      %scan3A_493 = arith.addi %scan3A_405, %scan3A_492 : i32
      %mul3A_494 = arith.constant 16 : i32
      %mul3A_495 = arith.muli %scan3A_493, %mul3A_494 : i32
      %get3A_496 = arith.index_cast %mul3A_495 : i32 to index
      %get3A_497 = tpu.vector_load %arg8[%get3A_496] {strides = array<i32>} : memref<8192xi32, #tpu.memory_space<vmem>>, vector<16xi32>,
      %mul3A_498 = arith.constant 16 : i32
      %mul3A_499 = arith.muli %scan3A_493, %mul3A_498 : i32
      %get3A_500 = arith.index_cast %mul3A_499 : i32 to index
      %get3A_501 = tpu.vector_load %arg9[%get3A_500] {strides = array<i32>} : memref<8192xi32, #tpu.memory_space<vmem>>, vector<16xi32>,
      %sub3A_502 = vector.broadcast %mul3A_14 : i32 to vector<16xi32>
      %sub3A_503 = arith.subi %get3A_497, %sub3A_502 : vector<16xi32>
      %ge3A_504 = arith.constant 0 : i32
      %ge3A_505 = vector.broadcast %ge3A_504 : i32 to vector<16xi32>
      %ge3A_506 = arith.cmpi sge, %sub3A_503, %ge3A_505 : vector<16xi32>
      %lt3A_507 = arith.constant 32 : i32
      %lt3A_508 = vector.broadcast %lt3A_507 : i32 to vector<16xi32>
      %lt3A_509 = arith.cmpi slt, %sub3A_503, %lt3A_508 : vector<16xi32>
      %and3A_510 = arith.andi %ge3A_506, %lt3A_509 : vector<16xi1>
      %and3A_511 = arith.constant 31 : i32
      %and3A_512 = vector.broadcast %and3A_511 : i32 to vector<16xi32>
      %and3A_513 = arith.andi %sub3A_503, %and3A_512 : vector<16xi32>
      tpu.vector_store_idx %arg5[%and3A_513, %get3A_501], %broadcast_in_dim3A_1 masked %and3A_510 {add = true} : memref<32x2048xf32, #tpu.memory_space<vmem>>[vector<16xi32>, vector<16xi32>], vector<16xf32>, vector<16xi1>
      %scan3A_514 = arith.constant 0 : i32
      %scan3A_515 = arith.constant 5 : i32
      %scan3A_516 = arith.addi %scan3A_405, %scan3A_515 : i32
      %mul3A_517 = arith.constant 16 : i32
      %mul3A_518 = arith.muli %scan3A_516, %mul3A_517 : i32
      %get3A_519 = arith.index_cast %mul3A_518 : i32 to index
      %get3A_520 = tpu.vector_load %arg8[%get3A_519] {strides = array<i32>} : memref<8192xi32, #tpu.memory_space<vmem>>, vector<16xi32>,
      %mul3A_521 = arith.constant 16 : i32
      %mul3A_522 = arith.muli %scan3A_516, %mul3A_521 : i32
      %get3A_523 = arith.index_cast %mul3A_522 : i32 to index
      %get3A_524 = tpu.vector_load %arg9[%get3A_523] {strides = array<i32>} : memref<8192xi32, #tpu.memory_space<vmem>>, vector<16xi32>,
      %sub3A_525 = vector.broadcast %mul3A_14 : i32 to vector<16xi32>
      %sub3A_526 = arith.subi %get3A_520, %sub3A_525 : vector<16xi32>
      %ge3A_527 = arith.constant 0 : i32
      %ge3A_528 = vector.broadcast %ge3A_527 : i32 to vector<16xi32>
      %ge3A_529 = arith.cmpi sge, %sub3A_526, %ge3A_528 : vector<16xi32>
      %lt3A_530 = arith.constant 32 : i32
      %lt3A_531 = vector.broadcast %lt3A_530 : i32 to vector<16xi32>
      %lt3A_532 = arith.cmpi slt, %sub3A_526, %lt3A_531 : vector<16xi32>
      %and3A_533 = arith.andi %ge3A_529, %lt3A_532 : vector<16xi1>
      %and3A_534 = arith.constant 31 : i32
      %and3A_535 = vector.broadcast %and3A_534 : i32 to vector<16xi32>
      %and3A_536 = arith.andi %sub3A_526, %and3A_535 : vector<16xi32>
      tpu.vector_store_idx %arg5[%and3A_536, %get3A_524], %broadcast_in_dim3A_1 masked %and3A_533 {add = true} : memref<32x2048xf32, #tpu.memory_space<vmem>>[vector<16xi32>, vector<16xi32>], vector<16xf32>, vector<16xi1>
      %scan3A_537 = arith.constant 0 : i32
      %scan3A_538 = arith.constant 6 : i32
      %scan3A_539 = arith.addi %scan3A_405, %scan3A_538 : i32
      %mul3A_540 = arith.constant 16 : i32
      %mul3A_541 = arith.muli %scan3A_539, %mul3A_540 : i32
      %get3A_542 = arith.index_cast %mul3A_541 : i32 to index
      %get3A_543 = tpu.vector_load %arg8[%get3A_542] {strides = array<i32>} : memref<8192xi32, #tpu.memory_space<vmem>>, vector<16xi32>,
      %mul3A_544 = arith.constant 16 : i32
      %mul3A_545 = arith.muli %scan3A_539, %mul3A_544 : i32
      %get3A_546 = arith.index_cast %mul3A_545 : i32 to index
      %get3A_547 = tpu.vector_load %arg9[%get3A_546] {strides = array<i32>} : memref<8192xi32, #tpu.memory_space<vmem>>, vector<16xi32>,
      %sub3A_548 = vector.broadcast %mul3A_14 : i32 to vector<16xi32>
      %sub3A_549 = arith.subi %get3A_543, %sub3A_548 : vector<16xi32>
      %ge3A_550 = arith.constant 0 : i32
      %ge3A_551 = vector.broadcast %ge3A_550 : i32 to vector<16xi32>
      %ge3A_552 = arith.cmpi sge, %sub3A_549, %ge3A_551 : vector<16xi32>
      %lt3A_553 = arith.constant 32 : i32
      %lt3A_554 = vector.broadcast %lt3A_553 : i32 to vector<16xi32>
      %lt3A_555 = arith.cmpi slt, %sub3A_549, %lt3A_554 : vector<16xi32>
      %and3A_556 = arith.andi %ge3A_552, %lt3A_555 : vector<16xi1>
      %and3A_557 = arith.constant 31 : i32
      %and3A_558 = vector.broadcast %and3A_557 : i32 to vector<16xi32>
      %and3A_559 = arith.andi %sub3A_549, %and3A_558 : vector<16xi32>
      tpu.vector_store_idx %arg5[%and3A_559, %get3A_547], %broadcast_in_dim3A_1 masked %and3A_556 {add = true} : memref<32x2048xf32, #tpu.memory_space<vmem>>[vector<16xi32>, vector<16xi32>], vector<16xf32>, vector<16xi1>
      %scan3A_560 = arith.constant 0 : i32
      %scan3A_561 = arith.constant 7 : i32
      %scan3A_562 = arith.addi %scan3A_405, %scan3A_561 : i32
      %mul3A_563 = arith.constant 16 : i32
      %mul3A_564 = arith.muli %scan3A_562, %mul3A_563 : i32
      %get3A_565 = arith.index_cast %mul3A_564 : i32 to index
      %get3A_566 = tpu.vector_load %arg8[%get3A_565] {strides = array<i32>} : memref<8192xi32, #tpu.memory_space<vmem>>, vector<16xi32>,
      %mul3A_567 = arith.constant 16 : i32
      %mul3A_568 = arith.muli %scan3A_562, %mul3A_567 : i32
      %get3A_569 = arith.index_cast %mul3A_568 : i32 to index
      %get3A_570 = tpu.vector_load %arg9[%get3A_569] {strides = array<i32>} : memref<8192xi32, #tpu.memory_space<vmem>>, vector<16xi32>,
      %sub3A_571 = vector.broadcast %mul3A_14 : i32 to vector<16xi32>
      %sub3A_572 = arith.subi %get3A_566, %sub3A_571 : vector<16xi32>
      %ge3A_573 = arith.constant 0 : i32
      %ge3A_574 = vector.broadcast %ge3A_573 : i32 to vector<16xi32>
      %ge3A_575 = arith.cmpi sge, %sub3A_572, %ge3A_574 : vector<16xi32>
      %lt3A_576 = arith.constant 32 : i32
      %lt3A_577 = vector.broadcast %lt3A_576 : i32 to vector<16xi32>
      %lt3A_578 = arith.cmpi slt, %sub3A_572, %lt3A_577 : vector<16xi32>
      %and3A_579 = arith.andi %ge3A_575, %lt3A_578 : vector<16xi1>
      %and3A_580 = arith.constant 31 : i32
      %and3A_581 = vector.broadcast %and3A_580 : i32 to vector<16xi32>
      %and3A_582 = arith.andi %sub3A_572, %and3A_581 : vector<16xi32>
      tpu.vector_store_idx %arg5[%and3A_582, %get3A_570], %broadcast_in_dim3A_1 masked %and3A_579 {add = true} : memref<32x2048xf32, #tpu.memory_space<vmem>>[vector<16xi32>, vector<16xi32>], vector<16xf32>, vector<16xi1>
      %scan3A_583 = arith.constant 0 : i32
      scf.yield %scan3A_583 : i32
    }
    %scan3A_60 = arith.constant 512 : i32
    %dma_wait3A_61 = arith.constant 16384 : i32
    %dma_wait3A_62 = tpu.memref_slice %arg2[%dma_wait3A_61] : memref<65536xi32, #tpu.memory_space<hbm>> -> memref<8192xi32, #tpu.memory_space<hbm>>
    %dma_wait3A_63 = arith.constant 16384 : i32
    %dma_wait3A_64 = tpu.memref_slice %arg2[%dma_wait3A_63] : memref<65536xi32, #tpu.memory_space<hbm>> -> memref<8192xi32, #tpu.memory_space<hbm>>
    tpu.wait_dma2 semaphore(%arg10 : memref<!tpu.dma_semaphore, #tpu.memory_space<semaphore_mem>>) src(%dma_wait3A_64 : memref<8192xi32, #tpu.memory_space<hbm>>) dst(%arg6 : memref<8192xi32, #tpu.memory_space<vmem>>)
    %dma_wait3A_65 = arith.constant 16384 : i32
    %dma_wait3A_66 = tpu.memref_slice %arg3[%dma_wait3A_65] : memref<65536xi32, #tpu.memory_space<hbm>> -> memref<8192xi32, #tpu.memory_space<hbm>>
    %dma_wait3A_67 = arith.constant 16384 : i32
    %dma_wait3A_68 = tpu.memref_slice %arg3[%dma_wait3A_67] : memref<65536xi32, #tpu.memory_space<hbm>> -> memref<8192xi32, #tpu.memory_space<hbm>>
    tpu.wait_dma2 semaphore(%arg10 : memref<!tpu.dma_semaphore, #tpu.memory_space<semaphore_mem>>) src(%dma_wait3A_68 : memref<8192xi32, #tpu.memory_space<hbm>>) dst(%arg7 : memref<8192xi32, #tpu.memory_space<vmem>>)
    %dma_start3A_69 = arith.constant 24576 : i32
    %dma_start3A_70 = tpu.memref_slice %arg2[%dma_start3A_69] : memref<65536xi32, #tpu.memory_space<hbm>> -> memref<8192xi32, #tpu.memory_space<hbm>>
    %dma_start3A_71 = arith.constant 24576 : i32
    %dma_start3A_72 = tpu.memref_slice %arg2[%dma_start3A_71] : memref<65536xi32, #tpu.memory_space<hbm>> -> memref<8192xi32, #tpu.memory_space<hbm>>
    tpu.enqueue_dma source(%dma_start3A_72 : memref<8192xi32, #tpu.memory_space<hbm>>) target(%arg8 : memref<8192xi32, #tpu.memory_space<vmem>>) target_semaphore(%arg11 : memref<!tpu.dma_semaphore, #tpu.memory_space<semaphore_mem>>)
    %dma_start3A_73 = arith.constant 24576 : i32
    %dma_start3A_74 = tpu.memref_slice %arg3[%dma_start3A_73] : memref<65536xi32, #tpu.memory_space<hbm>> -> memref<8192xi32, #tpu.memory_space<hbm>>
    %dma_start3A_75 = arith.constant 24576 : i32
    %dma_start3A_76 = tpu.memref_slice %arg3[%dma_start3A_75] : memref<65536xi32, #tpu.memory_space<hbm>> -> memref<8192xi32, #tpu.memory_space<hbm>>
    tpu.enqueue_dma source(%dma_start3A_76 : memref<8192xi32, #tpu.memory_space<hbm>>) target(%arg9 : memref<8192xi32, #tpu.memory_space<vmem>>) target_semaphore(%arg11 : memref<!tpu.dma_semaphore, #tpu.memory_space<semaphore_mem>>)
    %scan3A_77 = arith.constant 0 : i32
    %scan3A_78 = arith.constant 0 : i32
    %scan3A_79 = arith.constant 512 : i32
    %scan3A_80 = arith.addi %scan3A_78, %scan3A_79 : i32
    %scan3A_81 = arith.constant 8 : i32
    %scan3A_82 = scf.for %scan3A_405 = %scan3A_78 to %scan3A_80 step %scan3A_81 iter_args(%scan3A_406 = %scan3A_77) -> (i32)  : i32 {
      %mul3A_407 = arith.constant 16 : i32
      %mul3A_408 = arith.muli %scan3A_405, %mul3A_407 : i32
      %get3A = arith.index_cast %mul3A_408 : i32 to index
      %get3A_409 = tpu.vector_load %arg6[%get3A] {strides = array<i32>} : memref<8192xi32, #tpu.memory_space<vmem>>, vector<16xi32>,
      %mul3A_410 = arith.constant 16 : i32
      %mul3A_411 = arith.muli %scan3A_405, %mul3A_410 : i32
      %get3A_412 = arith.index_cast %mul3A_411 : i32 to index
      %get3A_413 = tpu.vector_load %arg7[%get3A_412] {strides = array<i32>} : memref<8192xi32, #tpu.memory_space<vmem>>, vector<16xi32>,
      %sub3A = vector.broadcast %mul3A_14 : i32 to vector<16xi32>
      %sub3A_414 = arith.subi %get3A_409, %sub3A : vector<16xi32>
      %ge3A = arith.constant 0 : i32
      %ge3A_415 = vector.broadcast %ge3A : i32 to vector<16xi32>
      %ge3A_416 = arith.cmpi sge, %sub3A_414, %ge3A_415 : vector<16xi32>
      %lt3A = arith.constant 32 : i32
      %lt3A_417 = vector.broadcast %lt3A : i32 to vector<16xi32>
      %lt3A_418 = arith.cmpi slt, %sub3A_414, %lt3A_417 : vector<16xi32>
      %and3A = arith.andi %ge3A_416, %lt3A_418 : vector<16xi1>
      %and3A_419 = arith.constant 31 : i32
      %and3A_420 = vector.broadcast %and3A_419 : i32 to vector<16xi32>
      %and3A_421 = arith.andi %sub3A_414, %and3A_420 : vector<16xi32>
      tpu.vector_store_idx %arg5[%and3A_421, %get3A_413], %broadcast_in_dim3A_1 masked %and3A {add = true} : memref<32x2048xf32, #tpu.memory_space<vmem>>[vector<16xi32>, vector<16xi32>], vector<16xf32>, vector<16xi1>
      %scan3A_422 = arith.constant 0 : i32
      %scan3A_423 = arith.constant 1 : i32
      %scan3A_424 = arith.addi %scan3A_405, %scan3A_423 : i32
      %mul3A_425 = arith.constant 16 : i32
      %mul3A_426 = arith.muli %scan3A_424, %mul3A_425 : i32
      %get3A_427 = arith.index_cast %mul3A_426 : i32 to index
      %get3A_428 = tpu.vector_load %arg6[%get3A_427] {strides = array<i32>} : memref<8192xi32, #tpu.memory_space<vmem>>, vector<16xi32>,
      %mul3A_429 = arith.constant 16 : i32
      %mul3A_430 = arith.muli %scan3A_424, %mul3A_429 : i32
      %get3A_431 = arith.index_cast %mul3A_430 : i32 to index
      %get3A_432 = tpu.vector_load %arg7[%get3A_431] {strides = array<i32>} : memref<8192xi32, #tpu.memory_space<vmem>>, vector<16xi32>,
      %sub3A_433 = vector.broadcast %mul3A_14 : i32 to vector<16xi32>
      %sub3A_434 = arith.subi %get3A_428, %sub3A_433 : vector<16xi32>
      %ge3A_435 = arith.constant 0 : i32
      %ge3A_436 = vector.broadcast %ge3A_435 : i32 to vector<16xi32>
      %ge3A_437 = arith.cmpi sge, %sub3A_434, %ge3A_436 : vector<16xi32>
      %lt3A_438 = arith.constant 32 : i32
      %lt3A_439 = vector.broadcast %lt3A_438 : i32 to vector<16xi32>
      %lt3A_440 = arith.cmpi slt, %sub3A_434, %lt3A_439 : vector<16xi32>
      %and3A_441 = arith.andi %ge3A_437, %lt3A_440 : vector<16xi1>
      %and3A_442 = arith.constant 31 : i32
      %and3A_443 = vector.broadcast %and3A_442 : i32 to vector<16xi32>
      %and3A_444 = arith.andi %sub3A_434, %and3A_443 : vector<16xi32>
      tpu.vector_store_idx %arg5[%and3A_444, %get3A_432], %broadcast_in_dim3A_1 masked %and3A_441 {add = true} : memref<32x2048xf32, #tpu.memory_space<vmem>>[vector<16xi32>, vector<16xi32>], vector<16xf32>, vector<16xi1>
      %scan3A_445 = arith.constant 0 : i32
      %scan3A_446 = arith.constant 2 : i32
      %scan3A_447 = arith.addi %scan3A_405, %scan3A_446 : i32
      %mul3A_448 = arith.constant 16 : i32
      %mul3A_449 = arith.muli %scan3A_447, %mul3A_448 : i32
      %get3A_450 = arith.index_cast %mul3A_449 : i32 to index
      %get3A_451 = tpu.vector_load %arg6[%get3A_450] {strides = array<i32>} : memref<8192xi32, #tpu.memory_space<vmem>>, vector<16xi32>,
      %mul3A_452 = arith.constant 16 : i32
      %mul3A_453 = arith.muli %scan3A_447, %mul3A_452 : i32
      %get3A_454 = arith.index_cast %mul3A_453 : i32 to index
      %get3A_455 = tpu.vector_load %arg7[%get3A_454] {strides = array<i32>} : memref<8192xi32, #tpu.memory_space<vmem>>, vector<16xi32>,
      %sub3A_456 = vector.broadcast %mul3A_14 : i32 to vector<16xi32>
      %sub3A_457 = arith.subi %get3A_451, %sub3A_456 : vector<16xi32>
      %ge3A_458 = arith.constant 0 : i32
      %ge3A_459 = vector.broadcast %ge3A_458 : i32 to vector<16xi32>
      %ge3A_460 = arith.cmpi sge, %sub3A_457, %ge3A_459 : vector<16xi32>
      %lt3A_461 = arith.constant 32 : i32
      %lt3A_462 = vector.broadcast %lt3A_461 : i32 to vector<16xi32>
      %lt3A_463 = arith.cmpi slt, %sub3A_457, %lt3A_462 : vector<16xi32>
      %and3A_464 = arith.andi %ge3A_460, %lt3A_463 : vector<16xi1>
      %and3A_465 = arith.constant 31 : i32
      %and3A_466 = vector.broadcast %and3A_465 : i32 to vector<16xi32>
      %and3A_467 = arith.andi %sub3A_457, %and3A_466 : vector<16xi32>
      tpu.vector_store_idx %arg5[%and3A_467, %get3A_455], %broadcast_in_dim3A_1 masked %and3A_464 {add = true} : memref<32x2048xf32, #tpu.memory_space<vmem>>[vector<16xi32>, vector<16xi32>], vector<16xf32>, vector<16xi1>
      %scan3A_468 = arith.constant 0 : i32
      %scan3A_469 = arith.constant 3 : i32
      %scan3A_470 = arith.addi %scan3A_405, %scan3A_469 : i32
      %mul3A_471 = arith.constant 16 : i32
      %mul3A_472 = arith.muli %scan3A_470, %mul3A_471 : i32
      %get3A_473 = arith.index_cast %mul3A_472 : i32 to index
      %get3A_474 = tpu.vector_load %arg6[%get3A_473] {strides = array<i32>} : memref<8192xi32, #tpu.memory_space<vmem>>, vector<16xi32>,
      %mul3A_475 = arith.constant 16 : i32
      %mul3A_476 = arith.muli %scan3A_470, %mul3A_475 : i32
      %get3A_477 = arith.index_cast %mul3A_476 : i32 to index
      %get3A_478 = tpu.vector_load %arg7[%get3A_477] {strides = array<i32>} : memref<8192xi32, #tpu.memory_space<vmem>>, vector<16xi32>,
      %sub3A_479 = vector.broadcast %mul3A_14 : i32 to vector<16xi32>
      %sub3A_480 = arith.subi %get3A_474, %sub3A_479 : vector<16xi32>
      %ge3A_481 = arith.constant 0 : i32
      %ge3A_482 = vector.broadcast %ge3A_481 : i32 to vector<16xi32>
      %ge3A_483 = arith.cmpi sge, %sub3A_480, %ge3A_482 : vector<16xi32>
      %lt3A_484 = arith.constant 32 : i32
      %lt3A_485 = vector.broadcast %lt3A_484 : i32 to vector<16xi32>
      %lt3A_486 = arith.cmpi slt, %sub3A_480, %lt3A_485 : vector<16xi32>
      %and3A_487 = arith.andi %ge3A_483, %lt3A_486 : vector<16xi1>
      %and3A_488 = arith.constant 31 : i32
      %and3A_489 = vector.broadcast %and3A_488 : i32 to vector<16xi32>
      %and3A_490 = arith.andi %sub3A_480, %and3A_489 : vector<16xi32>
      tpu.vector_store_idx %arg5[%and3A_490, %get3A_478], %broadcast_in_dim3A_1 masked %and3A_487 {add = true} : memref<32x2048xf32, #tpu.memory_space<vmem>>[vector<16xi32>, vector<16xi32>], vector<16xf32>, vector<16xi1>
      %scan3A_491 = arith.constant 0 : i32
      %scan3A_492 = arith.constant 4 : i32
      %scan3A_493 = arith.addi %scan3A_405, %scan3A_492 : i32
      %mul3A_494 = arith.constant 16 : i32
      %mul3A_495 = arith.muli %scan3A_493, %mul3A_494 : i32
      %get3A_496 = arith.index_cast %mul3A_495 : i32 to index
      %get3A_497 = tpu.vector_load %arg6[%get3A_496] {strides = array<i32>} : memref<8192xi32, #tpu.memory_space<vmem>>, vector<16xi32>,
      %mul3A_498 = arith.constant 16 : i32
      %mul3A_499 = arith.muli %scan3A_493, %mul3A_498 : i32
      %get3A_500 = arith.index_cast %mul3A_499 : i32 to index
      %get3A_501 = tpu.vector_load %arg7[%get3A_500] {strides = array<i32>} : memref<8192xi32, #tpu.memory_space<vmem>>, vector<16xi32>,
      %sub3A_502 = vector.broadcast %mul3A_14 : i32 to vector<16xi32>
      %sub3A_503 = arith.subi %get3A_497, %sub3A_502 : vector<16xi32>
      %ge3A_504 = arith.constant 0 : i32
      %ge3A_505 = vector.broadcast %ge3A_504 : i32 to vector<16xi32>
      %ge3A_506 = arith.cmpi sge, %sub3A_503, %ge3A_505 : vector<16xi32>
      %lt3A_507 = arith.constant 32 : i32
      %lt3A_508 = vector.broadcast %lt3A_507 : i32 to vector<16xi32>
      %lt3A_509 = arith.cmpi slt, %sub3A_503, %lt3A_508 : vector<16xi32>
      %and3A_510 = arith.andi %ge3A_506, %lt3A_509 : vector<16xi1>
      %and3A_511 = arith.constant 31 : i32
      %and3A_512 = vector.broadcast %and3A_511 : i32 to vector<16xi32>
      %and3A_513 = arith.andi %sub3A_503, %and3A_512 : vector<16xi32>
      tpu.vector_store_idx %arg5[%and3A_513, %get3A_501], %broadcast_in_dim3A_1 masked %and3A_510 {add = true} : memref<32x2048xf32, #tpu.memory_space<vmem>>[vector<16xi32>, vector<16xi32>], vector<16xf32>, vector<16xi1>
      %scan3A_514 = arith.constant 0 : i32
      %scan3A_515 = arith.constant 5 : i32
      %scan3A_516 = arith.addi %scan3A_405, %scan3A_515 : i32
      %mul3A_517 = arith.constant 16 : i32
      %mul3A_518 = arith.muli %scan3A_516, %mul3A_517 : i32
      %get3A_519 = arith.index_cast %mul3A_518 : i32 to index
      %get3A_520 = tpu.vector_load %arg6[%get3A_519] {strides = array<i32>} : memref<8192xi32, #tpu.memory_space<vmem>>, vector<16xi32>,
      %mul3A_521 = arith.constant 16 : i32
      %mul3A_522 = arith.muli %scan3A_516, %mul3A_521 : i32
      %get3A_523 = arith.index_cast %mul3A_522 : i32 to index
      %get3A_524 = tpu.vector_load %arg7[%get3A_523] {strides = array<i32>} : memref<8192xi32, #tpu.memory_space<vmem>>, vector<16xi32>,
      %sub3A_525 = vector.broadcast %mul3A_14 : i32 to vector<16xi32>
      %sub3A_526 = arith.subi %get3A_520, %sub3A_525 : vector<16xi32>
      %ge3A_527 = arith.constant 0 : i32
      %ge3A_528 = vector.broadcast %ge3A_527 : i32 to vector<16xi32>
      %ge3A_529 = arith.cmpi sge, %sub3A_526, %ge3A_528 : vector<16xi32>
      %lt3A_530 = arith.constant 32 : i32
      %lt3A_531 = vector.broadcast %lt3A_530 : i32 to vector<16xi32>
      %lt3A_532 = arith.cmpi slt, %sub3A_526, %lt3A_531 : vector<16xi32>
      %and3A_533 = arith.andi %ge3A_529, %lt3A_532 : vector<16xi1>
      %and3A_534 = arith.constant 31 : i32
      %and3A_535 = vector.broadcast %and3A_534 : i32 to vector<16xi32>
      %and3A_536 = arith.andi %sub3A_526, %and3A_535 : vector<16xi32>
      tpu.vector_store_idx %arg5[%and3A_536, %get3A_524], %broadcast_in_dim3A_1 masked %and3A_533 {add = true} : memref<32x2048xf32, #tpu.memory_space<vmem>>[vector<16xi32>, vector<16xi32>], vector<16xf32>, vector<16xi1>
      %scan3A_537 = arith.constant 0 : i32
      %scan3A_538 = arith.constant 6 : i32
      %scan3A_539 = arith.addi %scan3A_405, %scan3A_538 : i32
      %mul3A_540 = arith.constant 16 : i32
      %mul3A_541 = arith.muli %scan3A_539, %mul3A_540 : i32
      %get3A_542 = arith.index_cast %mul3A_541 : i32 to index
      %get3A_543 = tpu.vector_load %arg6[%get3A_542] {strides = array<i32>} : memref<8192xi32, #tpu.memory_space<vmem>>, vector<16xi32>,
      %mul3A_544 = arith.constant 16 : i32
      %mul3A_545 = arith.muli %scan3A_539, %mul3A_544 : i32
      %get3A_546 = arith.index_cast %mul3A_545 : i32 to index
      %get3A_547 = tpu.vector_load %arg7[%get3A_546] {strides = array<i32>} : memref<8192xi32, #tpu.memory_space<vmem>>, vector<16xi32>,
      %sub3A_548 = vector.broadcast %mul3A_14 : i32 to vector<16xi32>
      %sub3A_549 = arith.subi %get3A_543, %sub3A_548 : vector<16xi32>
      %ge3A_550 = arith.constant 0 : i32
      %ge3A_551 = vector.broadcast %ge3A_550 : i32 to vector<16xi32>
      %ge3A_552 = arith.cmpi sge, %sub3A_549, %ge3A_551 : vector<16xi32>
      %lt3A_553 = arith.constant 32 : i32
      %lt3A_554 = vector.broadcast %lt3A_553 : i32 to vector<16xi32>
      %lt3A_555 = arith.cmpi slt, %sub3A_549, %lt3A_554 : vector<16xi32>
      %and3A_556 = arith.andi %ge3A_552, %lt3A_555 : vector<16xi1>
      %and3A_557 = arith.constant 31 : i32
      %and3A_558 = vector.broadcast %and3A_557 : i32 to vector<16xi32>
      %and3A_559 = arith.andi %sub3A_549, %and3A_558 : vector<16xi32>
      tpu.vector_store_idx %arg5[%and3A_559, %get3A_547], %broadcast_in_dim3A_1 masked %and3A_556 {add = true} : memref<32x2048xf32, #tpu.memory_space<vmem>>[vector<16xi32>, vector<16xi32>], vector<16xf32>, vector<16xi1>
      %scan3A_560 = arith.constant 0 : i32
      %scan3A_561 = arith.constant 7 : i32
      %scan3A_562 = arith.addi %scan3A_405, %scan3A_561 : i32
      %mul3A_563 = arith.constant 16 : i32
      %mul3A_564 = arith.muli %scan3A_562, %mul3A_563 : i32
      %get3A_565 = arith.index_cast %mul3A_564 : i32 to index
      %get3A_566 = tpu.vector_load %arg6[%get3A_565] {strides = array<i32>} : memref<8192xi32, #tpu.memory_space<vmem>>, vector<16xi32>,
      %mul3A_567 = arith.constant 16 : i32
      %mul3A_568 = arith.muli %scan3A_562, %mul3A_567 : i32
      %get3A_569 = arith.index_cast %mul3A_568 : i32 to index
      %get3A_570 = tpu.vector_load %arg7[%get3A_569] {strides = array<i32>} : memref<8192xi32, #tpu.memory_space<vmem>>, vector<16xi32>,
      %sub3A_571 = vector.broadcast %mul3A_14 : i32 to vector<16xi32>
      %sub3A_572 = arith.subi %get3A_566, %sub3A_571 : vector<16xi32>
      %ge3A_573 = arith.constant 0 : i32
      %ge3A_574 = vector.broadcast %ge3A_573 : i32 to vector<16xi32>
      %ge3A_575 = arith.cmpi sge, %sub3A_572, %ge3A_574 : vector<16xi32>
      %lt3A_576 = arith.constant 32 : i32
      %lt3A_577 = vector.broadcast %lt3A_576 : i32 to vector<16xi32>
      %lt3A_578 = arith.cmpi slt, %sub3A_572, %lt3A_577 : vector<16xi32>
      %and3A_579 = arith.andi %ge3A_575, %lt3A_578 : vector<16xi1>
      %and3A_580 = arith.constant 31 : i32
      %and3A_581 = vector.broadcast %and3A_580 : i32 to vector<16xi32>
      %and3A_582 = arith.andi %sub3A_572, %and3A_581 : vector<16xi32>
      tpu.vector_store_idx %arg5[%and3A_582, %get3A_570], %broadcast_in_dim3A_1 masked %and3A_579 {add = true} : memref<32x2048xf32, #tpu.memory_space<vmem>>[vector<16xi32>, vector<16xi32>], vector<16xf32>, vector<16xi1>
      %scan3A_583 = arith.constant 0 : i32
      scf.yield %scan3A_583 : i32
    }
    %scan3A_83 = arith.constant 512 : i32
    %dma_wait3A_84 = arith.constant 24576 : i32
    %dma_wait3A_85 = tpu.memref_slice %arg2[%dma_wait3A_84] : memref<65536xi32, #tpu.memory_space<hbm>> -> memref<8192xi32, #tpu.memory_space<hbm>>
    %dma_wait3A_86 = arith.constant 24576 : i32
    %dma_wait3A_87 = tpu.memref_slice %arg2[%dma_wait3A_86] : memref<65536xi32, #tpu.memory_space<hbm>> -> memref<8192xi32, #tpu.memory_space<hbm>>
    tpu.wait_dma2 semaphore(%arg11 : memref<!tpu.dma_semaphore, #tpu.memory_space<semaphore_mem>>) src(%dma_wait3A_87 : memref<8192xi32, #tpu.memory_space<hbm>>) dst(%arg8 : memref<8192xi32, #tpu.memory_space<vmem>>)
    %dma_wait3A_88 = arith.constant 24576 : i32
    %dma_wait3A_89 = tpu.memref_slice %arg3[%dma_wait3A_88] : memref<65536xi32, #tpu.memory_space<hbm>> -> memref<8192xi32, #tpu.memory_space<hbm>>
    %dma_wait3A_90 = arith.constant 24576 : i32
    %dma_wait3A_91 = tpu.memref_slice %arg3[%dma_wait3A_90] : memref<65536xi32, #tpu.memory_space<hbm>> -> memref<8192xi32, #tpu.memory_space<hbm>>
    tpu.wait_dma2 semaphore(%arg11 : memref<!tpu.dma_semaphore, #tpu.memory_space<semaphore_mem>>) src(%dma_wait3A_91 : memref<8192xi32, #tpu.memory_space<hbm>>) dst(%arg9 : memref<8192xi32, #tpu.memory_space<vmem>>)
    %dma_start3A_92 = arith.constant 32768 : i32
    %dma_start3A_93 = tpu.memref_slice %arg2[%dma_start3A_92] : memref<65536xi32, #tpu.memory_space<hbm>> -> memref<8192xi32, #tpu.memory_space<hbm>>
    %dma_start3A_94 = arith.constant 32768 : i32
    %dma_start3A_95 = tpu.memref_slice %arg2[%dma_start3A_94] : memref<65536xi32, #tpu.memory_space<hbm>> -> memref<8192xi32, #tpu.memory_space<hbm>>
    tpu.enqueue_dma source(%dma_start3A_95 : memref<8192xi32, #tpu.memory_space<hbm>>) target(%arg6 : memref<8192xi32, #tpu.memory_space<vmem>>) target_semaphore(%arg10 : memref<!tpu.dma_semaphore, #tpu.memory_space<semaphore_mem>>)
    %dma_start3A_96 = arith.constant 32768 : i32
    %dma_start3A_97 = tpu.memref_slice %arg3[%dma_start3A_96] : memref<65536xi32, #tpu.memory_space<hbm>> -> memref<8192xi32, #tpu.memory_space<hbm>>
    %dma_start3A_98 = arith.constant 32768 : i32
    %dma_start3A_99 = tpu.memref_slice %arg3[%dma_start3A_98] : memref<65536xi32, #tpu.memory_space<hbm>> -> memref<8192xi32, #tpu.memory_space<hbm>>
    tpu.enqueue_dma source(%dma_start3A_99 : memref<8192xi32, #tpu.memory_space<hbm>>) target(%arg7 : memref<8192xi32, #tpu.memory_space<vmem>>) target_semaphore(%arg10 : memref<!tpu.dma_semaphore, #tpu.memory_space<semaphore_mem>>)
    %scan3A_100 = arith.constant 0 : i32
    %scan3A_101 = arith.constant 0 : i32
    %scan3A_102 = arith.constant 512 : i32
    %scan3A_103 = arith.addi %scan3A_101, %scan3A_102 : i32
    %scan3A_104 = arith.constant 8 : i32
    %scan3A_105 = scf.for %scan3A_405 = %scan3A_101 to %scan3A_103 step %scan3A_104 iter_args(%scan3A_406 = %scan3A_100) -> (i32)  : i32 {
      %mul3A_407 = arith.constant 16 : i32
      %mul3A_408 = arith.muli %scan3A_405, %mul3A_407 : i32
      %get3A = arith.index_cast %mul3A_408 : i32 to index
      %get3A_409 = tpu.vector_load %arg8[%get3A] {strides = array<i32>} : memref<8192xi32, #tpu.memory_space<vmem>>, vector<16xi32>,
      %mul3A_410 = arith.constant 16 : i32
      %mul3A_411 = arith.muli %scan3A_405, %mul3A_410 : i32
      %get3A_412 = arith.index_cast %mul3A_411 : i32 to index
      %get3A_413 = tpu.vector_load %arg9[%get3A_412] {strides = array<i32>} : memref<8192xi32, #tpu.memory_space<vmem>>, vector<16xi32>,
      %sub3A = vector.broadcast %mul3A_14 : i32 to vector<16xi32>
      %sub3A_414 = arith.subi %get3A_409, %sub3A : vector<16xi32>
      %ge3A = arith.constant 0 : i32
      %ge3A_415 = vector.broadcast %ge3A : i32 to vector<16xi32>
      %ge3A_416 = arith.cmpi sge, %sub3A_414, %ge3A_415 : vector<16xi32>
      %lt3A = arith.constant 32 : i32
      %lt3A_417 = vector.broadcast %lt3A : i32 to vector<16xi32>
      %lt3A_418 = arith.cmpi slt, %sub3A_414, %lt3A_417 : vector<16xi32>
      %and3A = arith.andi %ge3A_416, %lt3A_418 : vector<16xi1>
      %and3A_419 = arith.constant 31 : i32
      %and3A_420 = vector.broadcast %and3A_419 : i32 to vector<16xi32>
      %and3A_421 = arith.andi %sub3A_414, %and3A_420 : vector<16xi32>
      tpu.vector_store_idx %arg5[%and3A_421, %get3A_413], %broadcast_in_dim3A_1 masked %and3A {add = true} : memref<32x2048xf32, #tpu.memory_space<vmem>>[vector<16xi32>, vector<16xi32>], vector<16xf32>, vector<16xi1>
      %scan3A_422 = arith.constant 0 : i32
      %scan3A_423 = arith.constant 1 : i32
      %scan3A_424 = arith.addi %scan3A_405, %scan3A_423 : i32
      %mul3A_425 = arith.constant 16 : i32
      %mul3A_426 = arith.muli %scan3A_424, %mul3A_425 : i32
      %get3A_427 = arith.index_cast %mul3A_426 : i32 to index
      %get3A_428 = tpu.vector_load %arg8[%get3A_427] {strides = array<i32>} : memref<8192xi32, #tpu.memory_space<vmem>>, vector<16xi32>,
      %mul3A_429 = arith.constant 16 : i32
      %mul3A_430 = arith.muli %scan3A_424, %mul3A_429 : i32
      %get3A_431 = arith.index_cast %mul3A_430 : i32 to index
      %get3A_432 = tpu.vector_load %arg9[%get3A_431] {strides = array<i32>} : memref<8192xi32, #tpu.memory_space<vmem>>, vector<16xi32>,
      %sub3A_433 = vector.broadcast %mul3A_14 : i32 to vector<16xi32>
      %sub3A_434 = arith.subi %get3A_428, %sub3A_433 : vector<16xi32>
      %ge3A_435 = arith.constant 0 : i32
      %ge3A_436 = vector.broadcast %ge3A_435 : i32 to vector<16xi32>
      %ge3A_437 = arith.cmpi sge, %sub3A_434, %ge3A_436 : vector<16xi32>
      %lt3A_438 = arith.constant 32 : i32
      %lt3A_439 = vector.broadcast %lt3A_438 : i32 to vector<16xi32>
      %lt3A_440 = arith.cmpi slt, %sub3A_434, %lt3A_439 : vector<16xi32>
      %and3A_441 = arith.andi %ge3A_437, %lt3A_440 : vector<16xi1>
      %and3A_442 = arith.constant 31 : i32
      %and3A_443 = vector.broadcast %and3A_442 : i32 to vector<16xi32>
      %and3A_444 = arith.andi %sub3A_434, %and3A_443 : vector<16xi32>
      tpu.vector_store_idx %arg5[%and3A_444, %get3A_432], %broadcast_in_dim3A_1 masked %and3A_441 {add = true} : memref<32x2048xf32, #tpu.memory_space<vmem>>[vector<16xi32>, vector<16xi32>], vector<16xf32>, vector<16xi1>
      %scan3A_445 = arith.constant 0 : i32
      %scan3A_446 = arith.constant 2 : i32
      %scan3A_447 = arith.addi %scan3A_405, %scan3A_446 : i32
      %mul3A_448 = arith.constant 16 : i32
      %mul3A_449 = arith.muli %scan3A_447, %mul3A_448 : i32
      %get3A_450 = arith.index_cast %mul3A_449 : i32 to index
      %get3A_451 = tpu.vector_load %arg8[%get3A_450] {strides = array<i32>} : memref<8192xi32, #tpu.memory_space<vmem>>, vector<16xi32>,
      %mul3A_452 = arith.constant 16 : i32
      %mul3A_453 = arith.muli %scan3A_447, %mul3A_452 : i32
      %get3A_454 = arith.index_cast %mul3A_453 : i32 to index
      %get3A_455 = tpu.vector_load %arg9[%get3A_454] {strides = array<i32>} : memref<8192xi32, #tpu.memory_space<vmem>>, vector<16xi32>,
      %sub3A_456 = vector.broadcast %mul3A_14 : i32 to vector<16xi32>
      %sub3A_457 = arith.subi %get3A_451, %sub3A_456 : vector<16xi32>
      %ge3A_458 = arith.constant 0 : i32
      %ge3A_459 = vector.broadcast %ge3A_458 : i32 to vector<16xi32>
      %ge3A_460 = arith.cmpi sge, %sub3A_457, %ge3A_459 : vector<16xi32>
      %lt3A_461 = arith.constant 32 : i32
      %lt3A_462 = vector.broadcast %lt3A_461 : i32 to vector<16xi32>
      %lt3A_463 = arith.cmpi slt, %sub3A_457, %lt3A_462 : vector<16xi32>
      %and3A_464 = arith.andi %ge3A_460, %lt3A_463 : vector<16xi1>
      %and3A_465 = arith.constant 31 : i32
      %and3A_466 = vector.broadcast %and3A_465 : i32 to vector<16xi32>
      %and3A_467 = arith.andi %sub3A_457, %and3A_466 : vector<16xi32>
      tpu.vector_store_idx %arg5[%and3A_467, %get3A_455], %broadcast_in_dim3A_1 masked %and3A_464 {add = true} : memref<32x2048xf32, #tpu.memory_space<vmem>>[vector<16xi32>, vector<16xi32>], vector<16xf32>, vector<16xi1>
      %scan3A_468 = arith.constant 0 : i32
      %scan3A_469 = arith.constant 3 : i32
      %scan3A_470 = arith.addi %scan3A_405, %scan3A_469 : i32
      %mul3A_471 = arith.constant 16 : i32
      %mul3A_472 = arith.muli %scan3A_470, %mul3A_471 : i32
      %get3A_473 = arith.index_cast %mul3A_472 : i32 to index
      %get3A_474 = tpu.vector_load %arg8[%get3A_473] {strides = array<i32>} : memref<8192xi32, #tpu.memory_space<vmem>>, vector<16xi32>,
      %mul3A_475 = arith.constant 16 : i32
      %mul3A_476 = arith.muli %scan3A_470, %mul3A_475 : i32
      %get3A_477 = arith.index_cast %mul3A_476 : i32 to index
      %get3A_478 = tpu.vector_load %arg9[%get3A_477] {strides = array<i32>} : memref<8192xi32, #tpu.memory_space<vmem>>, vector<16xi32>,
      %sub3A_479 = vector.broadcast %mul3A_14 : i32 to vector<16xi32>
      %sub3A_480 = arith.subi %get3A_474, %sub3A_479 : vector<16xi32>
      %ge3A_481 = arith.constant 0 : i32
      %ge3A_482 = vector.broadcast %ge3A_481 : i32 to vector<16xi32>
      %ge3A_483 = arith.cmpi sge, %sub3A_480, %ge3A_482 : vector<16xi32>
      %lt3A_484 = arith.constant 32 : i32
      %lt3A_485 = vector.broadcast %lt3A_484 : i32 to vector<16xi32>
      %lt3A_486 = arith.cmpi slt, %sub3A_480, %lt3A_485 : vector<16xi32>
      %and3A_487 = arith.andi %ge3A_483, %lt3A_486 : vector<16xi1>
      %and3A_488 = arith.constant 31 : i32
      %and3A_489 = vector.broadcast %and3A_488 : i32 to vector<16xi32>
      %and3A_490 = arith.andi %sub3A_480, %and3A_489 : vector<16xi32>
      tpu.vector_store_idx %arg5[%and3A_490, %get3A_478], %broadcast_in_dim3A_1 masked %and3A_487 {add = true} : memref<32x2048xf32, #tpu.memory_space<vmem>>[vector<16xi32>, vector<16xi32>], vector<16xf32>, vector<16xi1>
      %scan3A_491 = arith.constant 0 : i32
      %scan3A_492 = arith.constant 4 : i32
      %scan3A_493 = arith.addi %scan3A_405, %scan3A_492 : i32
      %mul3A_494 = arith.constant 16 : i32
      %mul3A_495 = arith.muli %scan3A_493, %mul3A_494 : i32
      %get3A_496 = arith.index_cast %mul3A_495 : i32 to index
      %get3A_497 = tpu.vector_load %arg8[%get3A_496] {strides = array<i32>} : memref<8192xi32, #tpu.memory_space<vmem>>, vector<16xi32>,
      %mul3A_498 = arith.constant 16 : i32
      %mul3A_499 = arith.muli %scan3A_493, %mul3A_498 : i32
      %get3A_500 = arith.index_cast %mul3A_499 : i32 to index
      %get3A_501 = tpu.vector_load %arg9[%get3A_500] {strides = array<i32>} : memref<8192xi32, #tpu.memory_space<vmem>>, vector<16xi32>,
      %sub3A_502 = vector.broadcast %mul3A_14 : i32 to vector<16xi32>
      %sub3A_503 = arith.subi %get3A_497, %sub3A_502 : vector<16xi32>
      %ge3A_504 = arith.constant 0 : i32
      %ge3A_505 = vector.broadcast %ge3A_504 : i32 to vector<16xi32>
      %ge3A_506 = arith.cmpi sge, %sub3A_503, %ge3A_505 : vector<16xi32>
      %lt3A_507 = arith.constant 32 : i32
      %lt3A_508 = vector.broadcast %lt3A_507 : i32 to vector<16xi32>
      %lt3A_509 = arith.cmpi slt, %sub3A_503, %lt3A_508 : vector<16xi32>
      %and3A_510 = arith.andi %ge3A_506, %lt3A_509 : vector<16xi1>
      %and3A_511 = arith.constant 31 : i32
      %and3A_512 = vector.broadcast %and3A_511 : i32 to vector<16xi32>
      %and3A_513 = arith.andi %sub3A_503, %and3A_512 : vector<16xi32>
      tpu.vector_store_idx %arg5[%and3A_513, %get3A_501], %broadcast_in_dim3A_1 masked %and3A_510 {add = true} : memref<32x2048xf32, #tpu.memory_space<vmem>>[vector<16xi32>, vector<16xi32>], vector<16xf32>, vector<16xi1>
      %scan3A_514 = arith.constant 0 : i32
      %scan3A_515 = arith.constant 5 : i32
      %scan3A_516 = arith.addi %scan3A_405, %scan3A_515 : i32
      %mul3A_517 = arith.constant 16 : i32
      %mul3A_518 = arith.muli %scan3A_516, %mul3A_517 : i32
      %get3A_519 = arith.index_cast %mul3A_518 : i32 to index
      %get3A_520 = tpu.vector_load %arg8[%get3A_519] {strides = array<i32>} : memref<8192xi32, #tpu.memory_space<vmem>>, vector<16xi32>,
      %mul3A_521 = arith.constant 16 : i32
      %mul3A_522 = arith.muli %scan3A_516, %mul3A_521 : i32
      %get3A_523 = arith.index_cast %mul3A_522 : i32 to index
      %get3A_524 = tpu.vector_load %arg9[%get3A_523] {strides = array<i32>} : memref<8192xi32, #tpu.memory_space<vmem>>, vector<16xi32>,
      %sub3A_525 = vector.broadcast %mul3A_14 : i32 to vector<16xi32>
      %sub3A_526 = arith.subi %get3A_520, %sub3A_525 : vector<16xi32>
      %ge3A_527 = arith.constant 0 : i32
      %ge3A_528 = vector.broadcast %ge3A_527 : i32 to vector<16xi32>
      %ge3A_529 = arith.cmpi sge, %sub3A_526, %ge3A_528 : vector<16xi32>
      %lt3A_530 = arith.constant 32 : i32
      %lt3A_531 = vector.broadcast %lt3A_530 : i32 to vector<16xi32>
      %lt3A_532 = arith.cmpi slt, %sub3A_526, %lt3A_531 : vector<16xi32>
      %and3A_533 = arith.andi %ge3A_529, %lt3A_532 : vector<16xi1>
      %and3A_534 = arith.constant 31 : i32
      %and3A_535 = vector.broadcast %and3A_534 : i32 to vector<16xi32>
      %and3A_536 = arith.andi %sub3A_526, %and3A_535 : vector<16xi32>
      tpu.vector_store_idx %arg5[%and3A_536, %get3A_524], %broadcast_in_dim3A_1 masked %and3A_533 {add = true} : memref<32x2048xf32, #tpu.memory_space<vmem>>[vector<16xi32>, vector<16xi32>], vector<16xf32>, vector<16xi1>
      %scan3A_537 = arith.constant 0 : i32
      %scan3A_538 = arith.constant 6 : i32
      %scan3A_539 = arith.addi %scan3A_405, %scan3A_538 : i32
      %mul3A_540 = arith.constant 16 : i32
      %mul3A_541 = arith.muli %scan3A_539, %mul3A_540 : i32
      %get3A_542 = arith.index_cast %mul3A_541 : i32 to index
      %get3A_543 = tpu.vector_load %arg8[%get3A_542] {strides = array<i32>} : memref<8192xi32, #tpu.memory_space<vmem>>, vector<16xi32>,
      %mul3A_544 = arith.constant 16 : i32
      %mul3A_545 = arith.muli %scan3A_539, %mul3A_544 : i32
      %get3A_546 = arith.index_cast %mul3A_545 : i32 to index
      %get3A_547 = tpu.vector_load %arg9[%get3A_546] {strides = array<i32>} : memref<8192xi32, #tpu.memory_space<vmem>>, vector<16xi32>,
      %sub3A_548 = vector.broadcast %mul3A_14 : i32 to vector<16xi32>
      %sub3A_549 = arith.subi %get3A_543, %sub3A_548 : vector<16xi32>
      %ge3A_550 = arith.constant 0 : i32
      %ge3A_551 = vector.broadcast %ge3A_550 : i32 to vector<16xi32>
      %ge3A_552 = arith.cmpi sge, %sub3A_549, %ge3A_551 : vector<16xi32>
      %lt3A_553 = arith.constant 32 : i32
      %lt3A_554 = vector.broadcast %lt3A_553 : i32 to vector<16xi32>
      %lt3A_555 = arith.cmpi slt, %sub3A_549, %lt3A_554 : vector<16xi32>
      %and3A_556 = arith.andi %ge3A_552, %lt3A_555 : vector<16xi1>
      %and3A_557 = arith.constant 31 : i32
      %and3A_558 = vector.broadcast %and3A_557 : i32 to vector<16xi32>
      %and3A_559 = arith.andi %sub3A_549, %and3A_558 : vector<16xi32>
      tpu.vector_store_idx %arg5[%and3A_559, %get3A_547], %broadcast_in_dim3A_1 masked %and3A_556 {add = true} : memref<32x2048xf32, #tpu.memory_space<vmem>>[vector<16xi32>, vector<16xi32>], vector<16xf32>, vector<16xi1>
      %scan3A_560 = arith.constant 0 : i32
      %scan3A_561 = arith.constant 7 : i32
      %scan3A_562 = arith.addi %scan3A_405, %scan3A_561 : i32
      %mul3A_563 = arith.constant 16 : i32
      %mul3A_564 = arith.muli %scan3A_562, %mul3A_563 : i32
      %get3A_565 = arith.index_cast %mul3A_564 : i32 to index
      %get3A_566 = tpu.vector_load %arg8[%get3A_565] {strides = array<i32>} : memref<8192xi32, #tpu.memory_space<vmem>>, vector<16xi32>,
      %mul3A_567 = arith.constant 16 : i32
      %mul3A_568 = arith.muli %scan3A_562, %mul3A_567 : i32
      %get3A_569 = arith.index_cast %mul3A_568 : i32 to index
      %get3A_570 = tpu.vector_load %arg9[%get3A_569] {strides = array<i32>} : memref<8192xi32, #tpu.memory_space<vmem>>, vector<16xi32>,
      %sub3A_571 = vector.broadcast %mul3A_14 : i32 to vector<16xi32>
      %sub3A_572 = arith.subi %get3A_566, %sub3A_571 : vector<16xi32>
      %ge3A_573 = arith.constant 0 : i32
      %ge3A_574 = vector.broadcast %ge3A_573 : i32 to vector<16xi32>
      %ge3A_575 = arith.cmpi sge, %sub3A_572, %ge3A_574 : vector<16xi32>
      %lt3A_576 = arith.constant 32 : i32
      %lt3A_577 = vector.broadcast %lt3A_576 : i32 to vector<16xi32>
      %lt3A_578 = arith.cmpi slt, %sub3A_572, %lt3A_577 : vector<16xi32>
      %and3A_579 = arith.andi %ge3A_575, %lt3A_578 : vector<16xi1>
      %and3A_580 = arith.constant 31 : i32
      %and3A_581 = vector.broadcast %and3A_580 : i32 to vector<16xi32>
      %and3A_582 = arith.andi %sub3A_572, %and3A_581 : vector<16xi32>
      tpu.vector_store_idx %arg5[%and3A_582, %get3A_570], %broadcast_in_dim3A_1 masked %and3A_579 {add = true} : memref<32x2048xf32, #tpu.memory_space<vmem>>[vector<16xi32>, vector<16xi32>], vector<16xf32>, vector<16xi1>
      %scan3A_583 = arith.constant 0 : i32
      scf.yield %scan3A_583 : i32
    }
    %scan3A_106 = arith.constant 512 : i32
    %dma_wait3A_107 = arith.constant 32768 : i32
    %dma_wait3A_108 = tpu.memref_slice %arg2[%dma_wait3A_107] : memref<65536xi32, #tpu.memory_space<hbm>> -> memref<8192xi32, #tpu.memory_space<hbm>>
    %dma_wait3A_109 = arith.constant 32768 : i32
    %dma_wait3A_110 = tpu.memref_slice %arg2[%dma_wait3A_109] : memref<65536xi32, #tpu.memory_space<hbm>> -> memref<8192xi32, #tpu.memory_space<hbm>>
    tpu.wait_dma2 semaphore(%arg10 : memref<!tpu.dma_semaphore, #tpu.memory_space<semaphore_mem>>) src(%dma_wait3A_110 : memref<8192xi32, #tpu.memory_space<hbm>>) dst(%arg6 : memref<8192xi32, #tpu.memory_space<vmem>>)
    %dma_wait3A_111 = arith.constant 32768 : i32
    %dma_wait3A_112 = tpu.memref_slice %arg3[%dma_wait3A_111] : memref<65536xi32, #tpu.memory_space<hbm>> -> memref<8192xi32, #tpu.memory_space<hbm>>
    %dma_wait3A_113 = arith.constant 32768 : i32
    %dma_wait3A_114 = tpu.memref_slice %arg3[%dma_wait3A_113] : memref<65536xi32, #tpu.memory_space<hbm>> -> memref<8192xi32, #tpu.memory_space<hbm>>
    tpu.wait_dma2 semaphore(%arg10 : memref<!tpu.dma_semaphore, #tpu.memory_space<semaphore_mem>>) src(%dma_wait3A_114 : memref<8192xi32, #tpu.memory_space<hbm>>) dst(%arg7 : memref<8192xi32, #tpu.memory_space<vmem>>)
    %dma_start3A_115 = arith.constant 40960 : i32
    %dma_start3A_116 = tpu.memref_slice %arg2[%dma_start3A_115] : memref<65536xi32, #tpu.memory_space<hbm>> -> memref<8192xi32, #tpu.memory_space<hbm>>
    %dma_start3A_117 = arith.constant 40960 : i32
    %dma_start3A_118 = tpu.memref_slice %arg2[%dma_start3A_117] : memref<65536xi32, #tpu.memory_space<hbm>> -> memref<8192xi32, #tpu.memory_space<hbm>>
    tpu.enqueue_dma source(%dma_start3A_118 : memref<8192xi32, #tpu.memory_space<hbm>>) target(%arg8 : memref<8192xi32, #tpu.memory_space<vmem>>) target_semaphore(%arg11 : memref<!tpu.dma_semaphore, #tpu.memory_space<semaphore_mem>>)
    %dma_start3A_119 = arith.constant 40960 : i32
    %dma_start3A_120 = tpu.memref_slice %arg3[%dma_start3A_119] : memref<65536xi32, #tpu.memory_space<hbm>> -> memref<8192xi32, #tpu.memory_space<hbm>>
    %dma_start3A_121 = arith.constant 40960 : i32
    %dma_start3A_122 = tpu.memref_slice %arg3[%dma_start3A_121] : memref<65536xi32, #tpu.memory_space<hbm>> -> memref<8192xi32, #tpu.memory_space<hbm>>
    tpu.enqueue_dma source(%dma_start3A_122 : memref<8192xi32, #tpu.memory_space<hbm>>) target(%arg9 : memref<8192xi32, #tpu.memory_space<vmem>>) target_semaphore(%arg11 : memref<!tpu.dma_semaphore, #tpu.memory_space<semaphore_mem>>)
    %scan3A_123 = arith.constant 0 : i32
    %scan3A_124 = arith.constant 0 : i32
    %scan3A_125 = arith.constant 512 : i32
    %scan3A_126 = arith.addi %scan3A_124, %scan3A_125 : i32
    %scan3A_127 = arith.constant 8 : i32
    %scan3A_128 = scf.for %scan3A_405 = %scan3A_124 to %scan3A_126 step %scan3A_127 iter_args(%scan3A_406 = %scan3A_123) -> (i32)  : i32 {
      %mul3A_407 = arith.constant 16 : i32
      %mul3A_408 = arith.muli %scan3A_405, %mul3A_407 : i32
      %get3A = arith.index_cast %mul3A_408 : i32 to index
      %get3A_409 = tpu.vector_load %arg6[%get3A] {strides = array<i32>} : memref<8192xi32, #tpu.memory_space<vmem>>, vector<16xi32>,
      %mul3A_410 = arith.constant 16 : i32
      %mul3A_411 = arith.muli %scan3A_405, %mul3A_410 : i32
      %get3A_412 = arith.index_cast %mul3A_411 : i32 to index
      %get3A_413 = tpu.vector_load %arg7[%get3A_412] {strides = array<i32>} : memref<8192xi32, #tpu.memory_space<vmem>>, vector<16xi32>,
      %sub3A = vector.broadcast %mul3A_14 : i32 to vector<16xi32>
      %sub3A_414 = arith.subi %get3A_409, %sub3A : vector<16xi32>
      %ge3A = arith.constant 0 : i32
      %ge3A_415 = vector.broadcast %ge3A : i32 to vector<16xi32>
      %ge3A_416 = arith.cmpi sge, %sub3A_414, %ge3A_415 : vector<16xi32>
      %lt3A = arith.constant 32 : i32
      %lt3A_417 = vector.broadcast %lt3A : i32 to vector<16xi32>
      %lt3A_418 = arith.cmpi slt, %sub3A_414, %lt3A_417 : vector<16xi32>
      %and3A = arith.andi %ge3A_416, %lt3A_418 : vector<16xi1>
      %and3A_419 = arith.constant 31 : i32
      %and3A_420 = vector.broadcast %and3A_419 : i32 to vector<16xi32>
      %and3A_421 = arith.andi %sub3A_414, %and3A_420 : vector<16xi32>
      tpu.vector_store_idx %arg5[%and3A_421, %get3A_413], %broadcast_in_dim3A_1 masked %and3A {add = true} : memref<32x2048xf32, #tpu.memory_space<vmem>>[vector<16xi32>, vector<16xi32>], vector<16xf32>, vector<16xi1>
      %scan3A_422 = arith.constant 0 : i32
      %scan3A_423 = arith.constant 1 : i32
      %scan3A_424 = arith.addi %scan3A_405, %scan3A_423 : i32
      %mul3A_425 = arith.constant 16 : i32
      %mul3A_426 = arith.muli %scan3A_424, %mul3A_425 : i32
      %get3A_427 = arith.index_cast %mul3A_426 : i32 to index
      %get3A_428 = tpu.vector_load %arg6[%get3A_427] {strides = array<i32>} : memref<8192xi32, #tpu.memory_space<vmem>>, vector<16xi32>,
      %mul3A_429 = arith.constant 16 : i32
      %mul3A_430 = arith.muli %scan3A_424, %mul3A_429 : i32
      %get3A_431 = arith.index_cast %mul3A_430 : i32 to index
      %get3A_432 = tpu.vector_load %arg7[%get3A_431] {strides = array<i32>} : memref<8192xi32, #tpu.memory_space<vmem>>, vector<16xi32>,
      %sub3A_433 = vector.broadcast %mul3A_14 : i32 to vector<16xi32>
      %sub3A_434 = arith.subi %get3A_428, %sub3A_433 : vector<16xi32>
      %ge3A_435 = arith.constant 0 : i32
      %ge3A_436 = vector.broadcast %ge3A_435 : i32 to vector<16xi32>
      %ge3A_437 = arith.cmpi sge, %sub3A_434, %ge3A_436 : vector<16xi32>
      %lt3A_438 = arith.constant 32 : i32
      %lt3A_439 = vector.broadcast %lt3A_438 : i32 to vector<16xi32>
      %lt3A_440 = arith.cmpi slt, %sub3A_434, %lt3A_439 : vector<16xi32>
      %and3A_441 = arith.andi %ge3A_437, %lt3A_440 : vector<16xi1>
      %and3A_442 = arith.constant 31 : i32
      %and3A_443 = vector.broadcast %and3A_442 : i32 to vector<16xi32>
      %and3A_444 = arith.andi %sub3A_434, %and3A_443 : vector<16xi32>
      tpu.vector_store_idx %arg5[%and3A_444, %get3A_432], %broadcast_in_dim3A_1 masked %and3A_441 {add = true} : memref<32x2048xf32, #tpu.memory_space<vmem>>[vector<16xi32>, vector<16xi32>], vector<16xf32>, vector<16xi1>
      %scan3A_445 = arith.constant 0 : i32
      %scan3A_446 = arith.constant 2 : i32
      %scan3A_447 = arith.addi %scan3A_405, %scan3A_446 : i32
      %mul3A_448 = arith.constant 16 : i32
      %mul3A_449 = arith.muli %scan3A_447, %mul3A_448 : i32
      %get3A_450 = arith.index_cast %mul3A_449 : i32 to index
      %get3A_451 = tpu.vector_load %arg6[%get3A_450] {strides = array<i32>} : memref<8192xi32, #tpu.memory_space<vmem>>, vector<16xi32>,
      %mul3A_452 = arith.constant 16 : i32
      %mul3A_453 = arith.muli %scan3A_447, %mul3A_452 : i32
      %get3A_454 = arith.index_cast %mul3A_453 : i32 to index
      %get3A_455 = tpu.vector_load %arg7[%get3A_454] {strides = array<i32>} : memref<8192xi32, #tpu.memory_space<vmem>>, vector<16xi32>,
      %sub3A_456 = vector.broadcast %mul3A_14 : i32 to vector<16xi32>
      %sub3A_457 = arith.subi %get3A_451, %sub3A_456 : vector<16xi32>
      %ge3A_458 = arith.constant 0 : i32
      %ge3A_459 = vector.broadcast %ge3A_458 : i32 to vector<16xi32>
      %ge3A_460 = arith.cmpi sge, %sub3A_457, %ge3A_459 : vector<16xi32>
      %lt3A_461 = arith.constant 32 : i32
      %lt3A_462 = vector.broadcast %lt3A_461 : i32 to vector<16xi32>
      %lt3A_463 = arith.cmpi slt, %sub3A_457, %lt3A_462 : vector<16xi32>
      %and3A_464 = arith.andi %ge3A_460, %lt3A_463 : vector<16xi1>
      %and3A_465 = arith.constant 31 : i32
      %and3A_466 = vector.broadcast %and3A_465 : i32 to vector<16xi32>
      %and3A_467 = arith.andi %sub3A_457, %and3A_466 : vector<16xi32>
      tpu.vector_store_idx %arg5[%and3A_467, %get3A_455], %broadcast_in_dim3A_1 masked %and3A_464 {add = true} : memref<32x2048xf32, #tpu.memory_space<vmem>>[vector<16xi32>, vector<16xi32>], vector<16xf32>, vector<16xi1>
      %scan3A_468 = arith.constant 0 : i32
      %scan3A_469 = arith.constant 3 : i32
      %scan3A_470 = arith.addi %scan3A_405, %scan3A_469 : i32
      %mul3A_471 = arith.constant 16 : i32
      %mul3A_472 = arith.muli %scan3A_470, %mul3A_471 : i32
      %get3A_473 = arith.index_cast %mul3A_472 : i32 to index
      %get3A_474 = tpu.vector_load %arg6[%get3A_473] {strides = array<i32>} : memref<8192xi32, #tpu.memory_space<vmem>>, vector<16xi32>,
      %mul3A_475 = arith.constant 16 : i32
      %mul3A_476 = arith.muli %scan3A_470, %mul3A_475 : i32
      %get3A_477 = arith.index_cast %mul3A_476 : i32 to index
      %get3A_478 = tpu.vector_load %arg7[%get3A_477] {strides = array<i32>} : memref<8192xi32, #tpu.memory_space<vmem>>, vector<16xi32>,
      %sub3A_479 = vector.broadcast %mul3A_14 : i32 to vector<16xi32>
      %sub3A_480 = arith.subi %get3A_474, %sub3A_479 : vector<16xi32>
      %ge3A_481 = arith.constant 0 : i32
      %ge3A_482 = vector.broadcast %ge3A_481 : i32 to vector<16xi32>
      %ge3A_483 = arith.cmpi sge, %sub3A_480, %ge3A_482 : vector<16xi32>
      %lt3A_484 = arith.constant 32 : i32
      %lt3A_485 = vector.broadcast %lt3A_484 : i32 to vector<16xi32>
      %lt3A_486 = arith.cmpi slt, %sub3A_480, %lt3A_485 : vector<16xi32>
      %and3A_487 = arith.andi %ge3A_483, %lt3A_486 : vector<16xi1>
      %and3A_488 = arith.constant 31 : i32
      %and3A_489 = vector.broadcast %and3A_488 : i32 to vector<16xi32>
      %and3A_490 = arith.andi %sub3A_480, %and3A_489 : vector<16xi32>
      tpu.vector_store_idx %arg5[%and3A_490, %get3A_478], %broadcast_in_dim3A_1 masked %and3A_487 {add = true} : memref<32x2048xf32, #tpu.memory_space<vmem>>[vector<16xi32>, vector<16xi32>], vector<16xf32>, vector<16xi1>
      %scan3A_491 = arith.constant 0 : i32
      %scan3A_492 = arith.constant 4 : i32
      %scan3A_493 = arith.addi %scan3A_405, %scan3A_492 : i32
      %mul3A_494 = arith.constant 16 : i32
      %mul3A_495 = arith.muli %scan3A_493, %mul3A_494 : i32
      %get3A_496 = arith.index_cast %mul3A_495 : i32 to index
      %get3A_497 = tpu.vector_load %arg6[%get3A_496] {strides = array<i32>} : memref<8192xi32, #tpu.memory_space<vmem>>, vector<16xi32>,
      %mul3A_498 = arith.constant 16 : i32
      %mul3A_499 = arith.muli %scan3A_493, %mul3A_498 : i32
      %get3A_500 = arith.index_cast %mul3A_499 : i32 to index
      %get3A_501 = tpu.vector_load %arg7[%get3A_500] {strides = array<i32>} : memref<8192xi32, #tpu.memory_space<vmem>>, vector<16xi32>,
      %sub3A_502 = vector.broadcast %mul3A_14 : i32 to vector<16xi32>
      %sub3A_503 = arith.subi %get3A_497, %sub3A_502 : vector<16xi32>
      %ge3A_504 = arith.constant 0 : i32
      %ge3A_505 = vector.broadcast %ge3A_504 : i32 to vector<16xi32>
      %ge3A_506 = arith.cmpi sge, %sub3A_503, %ge3A_505 : vector<16xi32>
      %lt3A_507 = arith.constant 32 : i32
      %lt3A_508 = vector.broadcast %lt3A_507 : i32 to vector<16xi32>
      %lt3A_509 = arith.cmpi slt, %sub3A_503, %lt3A_508 : vector<16xi32>
      %and3A_510 = arith.andi %ge3A_506, %lt3A_509 : vector<16xi1>
      %and3A_511 = arith.constant 31 : i32
      %and3A_512 = vector.broadcast %and3A_511 : i32 to vector<16xi32>
      %and3A_513 = arith.andi %sub3A_503, %and3A_512 : vector<16xi32>
      tpu.vector_store_idx %arg5[%and3A_513, %get3A_501], %broadcast_in_dim3A_1 masked %and3A_510 {add = true} : memref<32x2048xf32, #tpu.memory_space<vmem>>[vector<16xi32>, vector<16xi32>], vector<16xf32>, vector<16xi1>
      %scan3A_514 = arith.constant 0 : i32
      %scan3A_515 = arith.constant 5 : i32
      %scan3A_516 = arith.addi %scan3A_405, %scan3A_515 : i32
      %mul3A_517 = arith.constant 16 : i32
      %mul3A_518 = arith.muli %scan3A_516, %mul3A_517 : i32
      %get3A_519 = arith.index_cast %mul3A_518 : i32 to index
      %get3A_520 = tpu.vector_load %arg6[%get3A_519] {strides = array<i32>} : memref<8192xi32, #tpu.memory_space<vmem>>, vector<16xi32>,
      %mul3A_521 = arith.constant 16 : i32
      %mul3A_522 = arith.muli %scan3A_516, %mul3A_521 : i32
      %get3A_523 = arith.index_cast %mul3A_522 : i32 to index
      %get3A_524 = tpu.vector_load %arg7[%get3A_523] {strides = array<i32>} : memref<8192xi32, #tpu.memory_space<vmem>>, vector<16xi32>,
      %sub3A_525 = vector.broadcast %mul3A_14 : i32 to vector<16xi32>
      %sub3A_526 = arith.subi %get3A_520, %sub3A_525 : vector<16xi32>
      %ge3A_527 = arith.constant 0 : i32
      %ge3A_528 = vector.broadcast %ge3A_527 : i32 to vector<16xi32>
      %ge3A_529 = arith.cmpi sge, %sub3A_526, %ge3A_528 : vector<16xi32>
      %lt3A_530 = arith.constant 32 : i32
      %lt3A_531 = vector.broadcast %lt3A_530 : i32 to vector<16xi32>
      %lt3A_532 = arith.cmpi slt, %sub3A_526, %lt3A_531 : vector<16xi32>
      %and3A_533 = arith.andi %ge3A_529, %lt3A_532 : vector<16xi1>
      %and3A_534 = arith.constant 31 : i32
      %and3A_535 = vector.broadcast %and3A_534 : i32 to vector<16xi32>
      %and3A_536 = arith.andi %sub3A_526, %and3A_535 : vector<16xi32>
      tpu.vector_store_idx %arg5[%and3A_536, %get3A_524], %broadcast_in_dim3A_1 masked %and3A_533 {add = true} : memref<32x2048xf32, #tpu.memory_space<vmem>>[vector<16xi32>, vector<16xi32>], vector<16xf32>, vector<16xi1>
      %scan3A_537 = arith.constant 0 : i32
      %scan3A_538 = arith.constant 6 : i32
      %scan3A_539 = arith.addi %scan3A_405, %scan3A_538 : i32
      %mul3A_540 = arith.constant 16 : i32
      %mul3A_541 = arith.muli %scan3A_539, %mul3A_540 : i32
      %get3A_542 = arith.index_cast %mul3A_541 : i32 to index
      %get3A_543 = tpu.vector_load %arg6[%get3A_542] {strides = array<i32>} : memref<8192xi32, #tpu.memory_space<vmem>>, vector<16xi32>,
      %mul3A_544 = arith.constant 16 : i32
      %mul3A_545 = arith.muli %scan3A_539, %mul3A_544 : i32
      %get3A_546 = arith.index_cast %mul3A_545 : i32 to index
      %get3A_547 = tpu.vector_load %arg7[%get3A_546] {strides = array<i32>} : memref<8192xi32, #tpu.memory_space<vmem>>, vector<16xi32>,
      %sub3A_548 = vector.broadcast %mul3A_14 : i32 to vector<16xi32>
      %sub3A_549 = arith.subi %get3A_543, %sub3A_548 : vector<16xi32>
      %ge3A_550 = arith.constant 0 : i32
      %ge3A_551 = vector.broadcast %ge3A_550 : i32 to vector<16xi32>
      %ge3A_552 = arith.cmpi sge, %sub3A_549, %ge3A_551 : vector<16xi32>
      %lt3A_553 = arith.constant 32 : i32
      %lt3A_554 = vector.broadcast %lt3A_553 : i32 to vector<16xi32>
      %lt3A_555 = arith.cmpi slt, %sub3A_549, %lt3A_554 : vector<16xi32>
      %and3A_556 = arith.andi %ge3A_552, %lt3A_555 : vector<16xi1>
      %and3A_557 = arith.constant 31 : i32
      %and3A_558 = vector.broadcast %and3A_557 : i32 to vector<16xi32>
      %and3A_559 = arith.andi %sub3A_549, %and3A_558 : vector<16xi32>
      tpu.vector_store_idx %arg5[%and3A_559, %get3A_547], %broadcast_in_dim3A_1 masked %and3A_556 {add = true} : memref<32x2048xf32, #tpu.memory_space<vmem>>[vector<16xi32>, vector<16xi32>], vector<16xf32>, vector<16xi1>
      %scan3A_560 = arith.constant 0 : i32
      %scan3A_561 = arith.constant 7 : i32
      %scan3A_562 = arith.addi %scan3A_405, %scan3A_561 : i32
      %mul3A_563 = arith.constant 16 : i32
      %mul3A_564 = arith.muli %scan3A_562, %mul3A_563 : i32
      %get3A_565 = arith.index_cast %mul3A_564 : i32 to index
      %get3A_566 = tpu.vector_load %arg6[%get3A_565] {strides = array<i32>} : memref<8192xi32, #tpu.memory_space<vmem>>, vector<16xi32>,
      %mul3A_567 = arith.constant 16 : i32
      %mul3A_568 = arith.muli %scan3A_562, %mul3A_567 : i32
      %get3A_569 = arith.index_cast %mul3A_568 : i32 to index
      %get3A_570 = tpu.vector_load %arg7[%get3A_569] {strides = array<i32>} : memref<8192xi32, #tpu.memory_space<vmem>>, vector<16xi32>,
      %sub3A_571 = vector.broadcast %mul3A_14 : i32 to vector<16xi32>
      %sub3A_572 = arith.subi %get3A_566, %sub3A_571 : vector<16xi32>
      %ge3A_573 = arith.constant 0 : i32
      %ge3A_574 = vector.broadcast %ge3A_573 : i32 to vector<16xi32>
      %ge3A_575 = arith.cmpi sge, %sub3A_572, %ge3A_574 : vector<16xi32>
      %lt3A_576 = arith.constant 32 : i32
      %lt3A_577 = vector.broadcast %lt3A_576 : i32 to vector<16xi32>
      %lt3A_578 = arith.cmpi slt, %sub3A_572, %lt3A_577 : vector<16xi32>
      %and3A_579 = arith.andi %ge3A_575, %lt3A_578 : vector<16xi1>
      %and3A_580 = arith.constant 31 : i32
      %and3A_581 = vector.broadcast %and3A_580 : i32 to vector<16xi32>
      %and3A_582 = arith.andi %sub3A_572, %and3A_581 : vector<16xi32>
      tpu.vector_store_idx %arg5[%and3A_582, %get3A_570], %broadcast_in_dim3A_1 masked %and3A_579 {add = true} : memref<32x2048xf32, #tpu.memory_space<vmem>>[vector<16xi32>, vector<16xi32>], vector<16xf32>, vector<16xi1>
      %scan3A_583 = arith.constant 0 : i32
      scf.yield %scan3A_583 : i32
    }
    %scan3A_129 = arith.constant 512 : i32
    %dma_wait3A_130 = arith.constant 40960 : i32
    %dma_wait3A_131 = tpu.memref_slice %arg2[%dma_wait3A_130] : memref<65536xi32, #tpu.memory_space<hbm>> -> memref<8192xi32, #tpu.memory_space<hbm>>
    %dma_wait3A_132 = arith.constant 40960 : i32
    %dma_wait3A_133 = tpu.memref_slice %arg2[%dma_wait3A_132] : memref<65536xi32, #tpu.memory_space<hbm>> -> memref<8192xi32, #tpu.memory_space<hbm>>
    tpu.wait_dma2 semaphore(%arg11 : memref<!tpu.dma_semaphore, #tpu.memory_space<semaphore_mem>>) src(%dma_wait3A_133 : memref<8192xi32, #tpu.memory_space<hbm>>) dst(%arg8 : memref<8192xi32, #tpu.memory_space<vmem>>)
    %dma_wait3A_134 = arith.constant 40960 : i32
    %dma_wait3A_135 = tpu.memref_slice %arg3[%dma_wait3A_134] : memref<65536xi32, #tpu.memory_space<hbm>> -> memref<8192xi32, #tpu.memory_space<hbm>>
    %dma_wait3A_136 = arith.constant 40960 : i32
    %dma_wait3A_137 = tpu.memref_slice %arg3[%dma_wait3A_136] : memref<65536xi32, #tpu.memory_space<hbm>> -> memref<8192xi32, #tpu.memory_space<hbm>>
    tpu.wait_dma2 semaphore(%arg11 : memref<!tpu.dma_semaphore, #tpu.memory_space<semaphore_mem>>) src(%dma_wait3A_137 : memref<8192xi32, #tpu.memory_space<hbm>>) dst(%arg9 : memref<8192xi32, #tpu.memory_space<vmem>>)
    %dma_start3A_138 = arith.constant 49152 : i32
    %dma_start3A_139 = tpu.memref_slice %arg2[%dma_start3A_138] : memref<65536xi32, #tpu.memory_space<hbm>> -> memref<8192xi32, #tpu.memory_space<hbm>>
    %dma_start3A_140 = arith.constant 49152 : i32
    %dma_start3A_141 = tpu.memref_slice %arg2[%dma_start3A_140] : memref<65536xi32, #tpu.memory_space<hbm>> -> memref<8192xi32, #tpu.memory_space<hbm>>
    tpu.enqueue_dma source(%dma_start3A_141 : memref<8192xi32, #tpu.memory_space<hbm>>) target(%arg6 : memref<8192xi32, #tpu.memory_space<vmem>>) target_semaphore(%arg10 : memref<!tpu.dma_semaphore, #tpu.memory_space<semaphore_mem>>)
    %dma_start3A_142 = arith.constant 49152 : i32
    %dma_start3A_143 = tpu.memref_slice %arg3[%dma_start3A_142] : memref<65536xi32, #tpu.memory_space<hbm>> -> memref<8192xi32, #tpu.memory_space<hbm>>
    %dma_start3A_144 = arith.constant 49152 : i32
    %dma_start3A_145 = tpu.memref_slice %arg3[%dma_start3A_144] : memref<65536xi32, #tpu.memory_space<hbm>> -> memref<8192xi32, #tpu.memory_space<hbm>>
    tpu.enqueue_dma source(%dma_start3A_145 : memref<8192xi32, #tpu.memory_space<hbm>>) target(%arg7 : memref<8192xi32, #tpu.memory_space<vmem>>) target_semaphore(%arg10 : memref<!tpu.dma_semaphore, #tpu.memory_space<semaphore_mem>>)
    %scan3A_146 = arith.constant 0 : i32
    %scan3A_147 = arith.constant 0 : i32
    %scan3A_148 = arith.constant 512 : i32
    %scan3A_149 = arith.addi %scan3A_147, %scan3A_148 : i32
    %scan3A_150 = arith.constant 8 : i32
    %scan3A_151 = scf.for %scan3A_405 = %scan3A_147 to %scan3A_149 step %scan3A_150 iter_args(%scan3A_406 = %scan3A_146) -> (i32)  : i32 {
      %mul3A_407 = arith.constant 16 : i32
      %mul3A_408 = arith.muli %scan3A_405, %mul3A_407 : i32
      %get3A = arith.index_cast %mul3A_408 : i32 to index
      %get3A_409 = tpu.vector_load %arg8[%get3A] {strides = array<i32>} : memref<8192xi32, #tpu.memory_space<vmem>>, vector<16xi32>,
      %mul3A_410 = arith.constant 16 : i32
      %mul3A_411 = arith.muli %scan3A_405, %mul3A_410 : i32
      %get3A_412 = arith.index_cast %mul3A_411 : i32 to index
      %get3A_413 = tpu.vector_load %arg9[%get3A_412] {strides = array<i32>} : memref<8192xi32, #tpu.memory_space<vmem>>, vector<16xi32>,
      %sub3A = vector.broadcast %mul3A_14 : i32 to vector<16xi32>
      %sub3A_414 = arith.subi %get3A_409, %sub3A : vector<16xi32>
      %ge3A = arith.constant 0 : i32
      %ge3A_415 = vector.broadcast %ge3A : i32 to vector<16xi32>
      %ge3A_416 = arith.cmpi sge, %sub3A_414, %ge3A_415 : vector<16xi32>
      %lt3A = arith.constant 32 : i32
      %lt3A_417 = vector.broadcast %lt3A : i32 to vector<16xi32>
      %lt3A_418 = arith.cmpi slt, %sub3A_414, %lt3A_417 : vector<16xi32>
      %and3A = arith.andi %ge3A_416, %lt3A_418 : vector<16xi1>
      %and3A_419 = arith.constant 31 : i32
      %and3A_420 = vector.broadcast %and3A_419 : i32 to vector<16xi32>
      %and3A_421 = arith.andi %sub3A_414, %and3A_420 : vector<16xi32>
      tpu.vector_store_idx %arg5[%and3A_421, %get3A_413], %broadcast_in_dim3A_1 masked %and3A {add = true} : memref<32x2048xf32, #tpu.memory_space<vmem>>[vector<16xi32>, vector<16xi32>], vector<16xf32>, vector<16xi1>
      %scan3A_422 = arith.constant 0 : i32
      %scan3A_423 = arith.constant 1 : i32
      %scan3A_424 = arith.addi %scan3A_405, %scan3A_423 : i32
      %mul3A_425 = arith.constant 16 : i32
      %mul3A_426 = arith.muli %scan3A_424, %mul3A_425 : i32
      %get3A_427 = arith.index_cast %mul3A_426 : i32 to index
      %get3A_428 = tpu.vector_load %arg8[%get3A_427] {strides = array<i32>} : memref<8192xi32, #tpu.memory_space<vmem>>, vector<16xi32>,
      %mul3A_429 = arith.constant 16 : i32
      %mul3A_430 = arith.muli %scan3A_424, %mul3A_429 : i32
      %get3A_431 = arith.index_cast %mul3A_430 : i32 to index
      %get3A_432 = tpu.vector_load %arg9[%get3A_431] {strides = array<i32>} : memref<8192xi32, #tpu.memory_space<vmem>>, vector<16xi32>,
      %sub3A_433 = vector.broadcast %mul3A_14 : i32 to vector<16xi32>
      %sub3A_434 = arith.subi %get3A_428, %sub3A_433 : vector<16xi32>
      %ge3A_435 = arith.constant 0 : i32
      %ge3A_436 = vector.broadcast %ge3A_435 : i32 to vector<16xi32>
      %ge3A_437 = arith.cmpi sge, %sub3A_434, %ge3A_436 : vector<16xi32>
      %lt3A_438 = arith.constant 32 : i32
      %lt3A_439 = vector.broadcast %lt3A_438 : i32 to vector<16xi32>
      %lt3A_440 = arith.cmpi slt, %sub3A_434, %lt3A_439 : vector<16xi32>
      %and3A_441 = arith.andi %ge3A_437, %lt3A_440 : vector<16xi1>
      %and3A_442 = arith.constant 31 : i32
      %and3A_443 = vector.broadcast %and3A_442 : i32 to vector<16xi32>
      %and3A_444 = arith.andi %sub3A_434, %and3A_443 : vector<16xi32>
      tpu.vector_store_idx %arg5[%and3A_444, %get3A_432], %broadcast_in_dim3A_1 masked %and3A_441 {add = true} : memref<32x2048xf32, #tpu.memory_space<vmem>>[vector<16xi32>, vector<16xi32>], vector<16xf32>, vector<16xi1>
      %scan3A_445 = arith.constant 0 : i32
      %scan3A_446 = arith.constant 2 : i32
      %scan3A_447 = arith.addi %scan3A_405, %scan3A_446 : i32
      %mul3A_448 = arith.constant 16 : i32
      %mul3A_449 = arith.muli %scan3A_447, %mul3A_448 : i32
      %get3A_450 = arith.index_cast %mul3A_449 : i32 to index
      %get3A_451 = tpu.vector_load %arg8[%get3A_450] {strides = array<i32>} : memref<8192xi32, #tpu.memory_space<vmem>>, vector<16xi32>,
      %mul3A_452 = arith.constant 16 : i32
      %mul3A_453 = arith.muli %scan3A_447, %mul3A_452 : i32
      %get3A_454 = arith.index_cast %mul3A_453 : i32 to index
      %get3A_455 = tpu.vector_load %arg9[%get3A_454] {strides = array<i32>} : memref<8192xi32, #tpu.memory_space<vmem>>, vector<16xi32>,
      %sub3A_456 = vector.broadcast %mul3A_14 : i32 to vector<16xi32>
      %sub3A_457 = arith.subi %get3A_451, %sub3A_456 : vector<16xi32>
      %ge3A_458 = arith.constant 0 : i32
      %ge3A_459 = vector.broadcast %ge3A_458 : i32 to vector<16xi32>
      %ge3A_460 = arith.cmpi sge, %sub3A_457, %ge3A_459 : vector<16xi32>
      %lt3A_461 = arith.constant 32 : i32
      %lt3A_462 = vector.broadcast %lt3A_461 : i32 to vector<16xi32>
      %lt3A_463 = arith.cmpi slt, %sub3A_457, %lt3A_462 : vector<16xi32>
      %and3A_464 = arith.andi %ge3A_460, %lt3A_463 : vector<16xi1>
      %and3A_465 = arith.constant 31 : i32
      %and3A_466 = vector.broadcast %and3A_465 : i32 to vector<16xi32>
      %and3A_467 = arith.andi %sub3A_457, %and3A_466 : vector<16xi32>
      tpu.vector_store_idx %arg5[%and3A_467, %get3A_455], %broadcast_in_dim3A_1 masked %and3A_464 {add = true} : memref<32x2048xf32, #tpu.memory_space<vmem>>[vector<16xi32>, vector<16xi32>], vector<16xf32>, vector<16xi1>
      %scan3A_468 = arith.constant 0 : i32
      %scan3A_469 = arith.constant 3 : i32
      %scan3A_470 = arith.addi %scan3A_405, %scan3A_469 : i32
      %mul3A_471 = arith.constant 16 : i32
      %mul3A_472 = arith.muli %scan3A_470, %mul3A_471 : i32
      %get3A_473 = arith.index_cast %mul3A_472 : i32 to index
      %get3A_474 = tpu.vector_load %arg8[%get3A_473] {strides = array<i32>} : memref<8192xi32, #tpu.memory_space<vmem>>, vector<16xi32>,
      %mul3A_475 = arith.constant 16 : i32
      %mul3A_476 = arith.muli %scan3A_470, %mul3A_475 : i32
      %get3A_477 = arith.index_cast %mul3A_476 : i32 to index
      %get3A_478 = tpu.vector_load %arg9[%get3A_477] {strides = array<i32>} : memref<8192xi32, #tpu.memory_space<vmem>>, vector<16xi32>,
      %sub3A_479 = vector.broadcast %mul3A_14 : i32 to vector<16xi32>
      %sub3A_480 = arith.subi %get3A_474, %sub3A_479 : vector<16xi32>
      %ge3A_481 = arith.constant 0 : i32
      %ge3A_482 = vector.broadcast %ge3A_481 : i32 to vector<16xi32>
      %ge3A_483 = arith.cmpi sge, %sub3A_480, %ge3A_482 : vector<16xi32>
      %lt3A_484 = arith.constant 32 : i32
      %lt3A_485 = vector.broadcast %lt3A_484 : i32 to vector<16xi32>
      %lt3A_486 = arith.cmpi slt, %sub3A_480, %lt3A_485 : vector<16xi32>
      %and3A_487 = arith.andi %ge3A_483, %lt3A_486 : vector<16xi1>
      %and3A_488 = arith.constant 31 : i32
      %and3A_489 = vector.broadcast %and3A_488 : i32 to vector<16xi32>
      %and3A_490 = arith.andi %sub3A_480, %and3A_489 : vector<16xi32>
      tpu.vector_store_idx %arg5[%and3A_490, %get3A_478], %broadcast_in_dim3A_1 masked %and3A_487 {add = true} : memref<32x2048xf32, #tpu.memory_space<vmem>>[vector<16xi32>, vector<16xi32>], vector<16xf32>, vector<16xi1>
      %scan3A_491 = arith.constant 0 : i32
      %scan3A_492 = arith.constant 4 : i32
      %scan3A_493 = arith.addi %scan3A_405, %scan3A_492 : i32
      %mul3A_494 = arith.constant 16 : i32
      %mul3A_495 = arith.muli %scan3A_493, %mul3A_494 : i32
      %get3A_496 = arith.index_cast %mul3A_495 : i32 to index
      %get3A_497 = tpu.vector_load %arg8[%get3A_496] {strides = array<i32>} : memref<8192xi32, #tpu.memory_space<vmem>>, vector<16xi32>,
      %mul3A_498 = arith.constant 16 : i32
      %mul3A_499 = arith.muli %scan3A_493, %mul3A_498 : i32
      %get3A_500 = arith.index_cast %mul3A_499 : i32 to index
      %get3A_501 = tpu.vector_load %arg9[%get3A_500] {strides = array<i32>} : memref<8192xi32, #tpu.memory_space<vmem>>, vector<16xi32>,
      %sub3A_502 = vector.broadcast %mul3A_14 : i32 to vector<16xi32>
      %sub3A_503 = arith.subi %get3A_497, %sub3A_502 : vector<16xi32>
      %ge3A_504 = arith.constant 0 : i32
      %ge3A_505 = vector.broadcast %ge3A_504 : i32 to vector<16xi32>
      %ge3A_506 = arith.cmpi sge, %sub3A_503, %ge3A_505 : vector<16xi32>
      %lt3A_507 = arith.constant 32 : i32
      %lt3A_508 = vector.broadcast %lt3A_507 : i32 to vector<16xi32>
      %lt3A_509 = arith.cmpi slt, %sub3A_503, %lt3A_508 : vector<16xi32>
      %and3A_510 = arith.andi %ge3A_506, %lt3A_509 : vector<16xi1>
      %and3A_511 = arith.constant 31 : i32
      %and3A_512 = vector.broadcast %and3A_511 : i32 to vector<16xi32>
      %and3A_513 = arith.andi %sub3A_503, %and3A_512 : vector<16xi32>
      tpu.vector_store_idx %arg5[%and3A_513, %get3A_501], %broadcast_in_dim3A_1 masked %and3A_510 {add = true} : memref<32x2048xf32, #tpu.memory_space<vmem>>[vector<16xi32>, vector<16xi32>], vector<16xf32>, vector<16xi1>
      %scan3A_514 = arith.constant 0 : i32
      %scan3A_515 = arith.constant 5 : i32
      %scan3A_516 = arith.addi %scan3A_405, %scan3A_515 : i32
      %mul3A_517 = arith.constant 16 : i32
      %mul3A_518 = arith.muli %scan3A_516, %mul3A_517 : i32
      %get3A_519 = arith.index_cast %mul3A_518 : i32 to index
      %get3A_520 = tpu.vector_load %arg8[%get3A_519] {strides = array<i32>} : memref<8192xi32, #tpu.memory_space<vmem>>, vector<16xi32>,
      %mul3A_521 = arith.constant 16 : i32
      %mul3A_522 = arith.muli %scan3A_516, %mul3A_521 : i32
      %get3A_523 = arith.index_cast %mul3A_522 : i32 to index
      %get3A_524 = tpu.vector_load %arg9[%get3A_523] {strides = array<i32>} : memref<8192xi32, #tpu.memory_space<vmem>>, vector<16xi32>,
      %sub3A_525 = vector.broadcast %mul3A_14 : i32 to vector<16xi32>
      %sub3A_526 = arith.subi %get3A_520, %sub3A_525 : vector<16xi32>
      %ge3A_527 = arith.constant 0 : i32
      %ge3A_528 = vector.broadcast %ge3A_527 : i32 to vector<16xi32>
      %ge3A_529 = arith.cmpi sge, %sub3A_526, %ge3A_528 : vector<16xi32>
      %lt3A_530 = arith.constant 32 : i32
      %lt3A_531 = vector.broadcast %lt3A_530 : i32 to vector<16xi32>
      %lt3A_532 = arith.cmpi slt, %sub3A_526, %lt3A_531 : vector<16xi32>
      %and3A_533 = arith.andi %ge3A_529, %lt3A_532 : vector<16xi1>
      %and3A_534 = arith.constant 31 : i32
      %and3A_535 = vector.broadcast %and3A_534 : i32 to vector<16xi32>
      %and3A_536 = arith.andi %sub3A_526, %and3A_535 : vector<16xi32>
      tpu.vector_store_idx %arg5[%and3A_536, %get3A_524], %broadcast_in_dim3A_1 masked %and3A_533 {add = true} : memref<32x2048xf32, #tpu.memory_space<vmem>>[vector<16xi32>, vector<16xi32>], vector<16xf32>, vector<16xi1>
      %scan3A_537 = arith.constant 0 : i32
      %scan3A_538 = arith.constant 6 : i32
      %scan3A_539 = arith.addi %scan3A_405, %scan3A_538 : i32
      %mul3A_540 = arith.constant 16 : i32
      %mul3A_541 = arith.muli %scan3A_539, %mul3A_540 : i32
      %get3A_542 = arith.index_cast %mul3A_541 : i32 to index
      %get3A_543 = tpu.vector_load %arg8[%get3A_542] {strides = array<i32>} : memref<8192xi32, #tpu.memory_space<vmem>>, vector<16xi32>,
      %mul3A_544 = arith.constant 16 : i32
      %mul3A_545 = arith.muli %scan3A_539, %mul3A_544 : i32
      %get3A_546 = arith.index_cast %mul3A_545 : i32 to index
      %get3A_547 = tpu.vector_load %arg9[%get3A_546] {strides = array<i32>} : memref<8192xi32, #tpu.memory_space<vmem>>, vector<16xi32>,
      %sub3A_548 = vector.broadcast %mul3A_14 : i32 to vector<16xi32>
      %sub3A_549 = arith.subi %get3A_543, %sub3A_548 : vector<16xi32>
      %ge3A_550 = arith.constant 0 : i32
      %ge3A_551 = vector.broadcast %ge3A_550 : i32 to vector<16xi32>
      %ge3A_552 = arith.cmpi sge, %sub3A_549, %ge3A_551 : vector<16xi32>
      %lt3A_553 = arith.constant 32 : i32
      %lt3A_554 = vector.broadcast %lt3A_553 : i32 to vector<16xi32>
      %lt3A_555 = arith.cmpi slt, %sub3A_549, %lt3A_554 : vector<16xi32>
      %and3A_556 = arith.andi %ge3A_552, %lt3A_555 : vector<16xi1>
      %and3A_557 = arith.constant 31 : i32
      %and3A_558 = vector.broadcast %and3A_557 : i32 to vector<16xi32>
      %and3A_559 = arith.andi %sub3A_549, %and3A_558 : vector<16xi32>
      tpu.vector_store_idx %arg5[%and3A_559, %get3A_547], %broadcast_in_dim3A_1 masked %and3A_556 {add = true} : memref<32x2048xf32, #tpu.memory_space<vmem>>[vector<16xi32>, vector<16xi32>], vector<16xf32>, vector<16xi1>
      %scan3A_560 = arith.constant 0 : i32
      %scan3A_561 = arith.constant 7 : i32
      %scan3A_562 = arith.addi %scan3A_405, %scan3A_561 : i32
      %mul3A_563 = arith.constant 16 : i32
      %mul3A_564 = arith.muli %scan3A_562, %mul3A_563 : i32
      %get3A_565 = arith.index_cast %mul3A_564 : i32 to index
      %get3A_566 = tpu.vector_load %arg8[%get3A_565] {strides = array<i32>} : memref<8192xi32, #tpu.memory_space<vmem>>, vector<16xi32>,
      %mul3A_567 = arith.constant 16 : i32
      %mul3A_568 = arith.muli %scan3A_562, %mul3A_567 : i32
      %get3A_569 = arith.index_cast %mul3A_568 : i32 to index
      %get3A_570 = tpu.vector_load %arg9[%get3A_569] {strides = array<i32>} : memref<8192xi32, #tpu.memory_space<vmem>>, vector<16xi32>,
      %sub3A_571 = vector.broadcast %mul3A_14 : i32 to vector<16xi32>
      %sub3A_572 = arith.subi %get3A_566, %sub3A_571 : vector<16xi32>
      %ge3A_573 = arith.constant 0 : i32
      %ge3A_574 = vector.broadcast %ge3A_573 : i32 to vector<16xi32>
      %ge3A_575 = arith.cmpi sge, %sub3A_572, %ge3A_574 : vector<16xi32>
      %lt3A_576 = arith.constant 32 : i32
      %lt3A_577 = vector.broadcast %lt3A_576 : i32 to vector<16xi32>
      %lt3A_578 = arith.cmpi slt, %sub3A_572, %lt3A_577 : vector<16xi32>
      %and3A_579 = arith.andi %ge3A_575, %lt3A_578 : vector<16xi1>
      %and3A_580 = arith.constant 31 : i32
      %and3A_581 = vector.broadcast %and3A_580 : i32 to vector<16xi32>
      %and3A_582 = arith.andi %sub3A_572, %and3A_581 : vector<16xi32>
      tpu.vector_store_idx %arg5[%and3A_582, %get3A_570], %broadcast_in_dim3A_1 masked %and3A_579 {add = true} : memref<32x2048xf32, #tpu.memory_space<vmem>>[vector<16xi32>, vector<16xi32>], vector<16xf32>, vector<16xi1>
      %scan3A_583 = arith.constant 0 : i32
      scf.yield %scan3A_583 : i32
    }
    %scan3A_152 = arith.constant 512 : i32
    %dma_wait3A_153 = arith.constant 49152 : i32
    %dma_wait3A_154 = tpu.memref_slice %arg2[%dma_wait3A_153] : memref<65536xi32, #tpu.memory_space<hbm>> -> memref<8192xi32, #tpu.memory_space<hbm>>
    %dma_wait3A_155 = arith.constant 49152 : i32
    %dma_wait3A_156 = tpu.memref_slice %arg2[%dma_wait3A_155] : memref<65536xi32, #tpu.memory_space<hbm>> -> memref<8192xi32, #tpu.memory_space<hbm>>
    tpu.wait_dma2 semaphore(%arg10 : memref<!tpu.dma_semaphore, #tpu.memory_space<semaphore_mem>>) src(%dma_wait3A_156 : memref<8192xi32, #tpu.memory_space<hbm>>) dst(%arg6 : memref<8192xi32, #tpu.memory_space<vmem>>)
    %dma_wait3A_157 = arith.constant 49152 : i32
    %dma_wait3A_158 = tpu.memref_slice %arg3[%dma_wait3A_157] : memref<65536xi32, #tpu.memory_space<hbm>> -> memref<8192xi32, #tpu.memory_space<hbm>>
    %dma_wait3A_159 = arith.constant 49152 : i32
    %dma_wait3A_160 = tpu.memref_slice %arg3[%dma_wait3A_159] : memref<65536xi32, #tpu.memory_space<hbm>> -> memref<8192xi32, #tpu.memory_space<hbm>>
    tpu.wait_dma2 semaphore(%arg10 : memref<!tpu.dma_semaphore, #tpu.memory_space<semaphore_mem>>) src(%dma_wait3A_160 : memref<8192xi32, #tpu.memory_space<hbm>>) dst(%arg7 : memref<8192xi32, #tpu.memory_space<vmem>>)
    %dma_start3A_161 = arith.constant 57344 : i32
    %dma_start3A_162 = tpu.memref_slice %arg2[%dma_start3A_161] : memref<65536xi32, #tpu.memory_space<hbm>> -> memref<8192xi32, #tpu.memory_space<hbm>>
    %dma_start3A_163 = arith.constant 57344 : i32
    %dma_start3A_164 = tpu.memref_slice %arg2[%dma_start3A_163] : memref<65536xi32, #tpu.memory_space<hbm>> -> memref<8192xi32, #tpu.memory_space<hbm>>
    tpu.enqueue_dma source(%dma_start3A_164 : memref<8192xi32, #tpu.memory_space<hbm>>) target(%arg8 : memref<8192xi32, #tpu.memory_space<vmem>>) target_semaphore(%arg11 : memref<!tpu.dma_semaphore, #tpu.memory_space<semaphore_mem>>)
    %dma_start3A_165 = arith.constant 57344 : i32
    %dma_start3A_166 = tpu.memref_slice %arg3[%dma_start3A_165] : memref<65536xi32, #tpu.memory_space<hbm>> -> memref<8192xi32, #tpu.memory_space<hbm>>
    %dma_start3A_167 = arith.constant 57344 : i32
    %dma_start3A_168 = tpu.memref_slice %arg3[%dma_start3A_167] : memref<65536xi32, #tpu.memory_space<hbm>> -> memref<8192xi32, #tpu.memory_space<hbm>>
    tpu.enqueue_dma source(%dma_start3A_168 : memref<8192xi32, #tpu.memory_space<hbm>>) target(%arg9 : memref<8192xi32, #tpu.memory_space<vmem>>) target_semaphore(%arg11 : memref<!tpu.dma_semaphore, #tpu.memory_space<semaphore_mem>>)
    %scan3A_169 = arith.constant 0 : i32
    %scan3A_170 = arith.constant 0 : i32
    %scan3A_171 = arith.constant 512 : i32
    %scan3A_172 = arith.addi %scan3A_170, %scan3A_171 : i32
    %scan3A_173 = arith.constant 8 : i32
    %scan3A_174 = scf.for %scan3A_405 = %scan3A_170 to %scan3A_172 step %scan3A_173 iter_args(%scan3A_406 = %scan3A_169) -> (i32)  : i32 {
      %mul3A_407 = arith.constant 16 : i32
      %mul3A_408 = arith.muli %scan3A_405, %mul3A_407 : i32
      %get3A = arith.index_cast %mul3A_408 : i32 to index
      %get3A_409 = tpu.vector_load %arg6[%get3A] {strides = array<i32>} : memref<8192xi32, #tpu.memory_space<vmem>>, vector<16xi32>,
      %mul3A_410 = arith.constant 16 : i32
      %mul3A_411 = arith.muli %scan3A_405, %mul3A_410 : i32
      %get3A_412 = arith.index_cast %mul3A_411 : i32 to index
      %get3A_413 = tpu.vector_load %arg7[%get3A_412] {strides = array<i32>} : memref<8192xi32, #tpu.memory_space<vmem>>, vector<16xi32>,
      %sub3A = vector.broadcast %mul3A_14 : i32 to vector<16xi32>
      %sub3A_414 = arith.subi %get3A_409, %sub3A : vector<16xi32>
      %ge3A = arith.constant 0 : i32
      %ge3A_415 = vector.broadcast %ge3A : i32 to vector<16xi32>
      %ge3A_416 = arith.cmpi sge, %sub3A_414, %ge3A_415 : vector<16xi32>
      %lt3A = arith.constant 32 : i32
      %lt3A_417 = vector.broadcast %lt3A : i32 to vector<16xi32>
      %lt3A_418 = arith.cmpi slt, %sub3A_414, %lt3A_417 : vector<16xi32>
      %and3A = arith.andi %ge3A_416, %lt3A_418 : vector<16xi1>
      %and3A_419 = arith.constant 31 : i32
      %and3A_420 = vector.broadcast %and3A_419 : i32 to vector<16xi32>
      %and3A_421 = arith.andi %sub3A_414, %and3A_420 : vector<16xi32>
      tpu.vector_store_idx %arg5[%and3A_421, %get3A_413], %broadcast_in_dim3A_1 masked %and3A {add = true} : memref<32x2048xf32, #tpu.memory_space<vmem>>[vector<16xi32>, vector<16xi32>], vector<16xf32>, vector<16xi1>
      %scan3A_422 = arith.constant 0 : i32
      %scan3A_423 = arith.constant 1 : i32
      %scan3A_424 = arith.addi %scan3A_405, %scan3A_423 : i32
      %mul3A_425 = arith.constant 16 : i32
      %mul3A_426 = arith.muli %scan3A_424, %mul3A_425 : i32
      %get3A_427 = arith.index_cast %mul3A_426 : i32 to index
      %get3A_428 = tpu.vector_load %arg6[%get3A_427] {strides = array<i32>} : memref<8192xi32, #tpu.memory_space<vmem>>, vector<16xi32>,
      %mul3A_429 = arith.constant 16 : i32
      %mul3A_430 = arith.muli %scan3A_424, %mul3A_429 : i32
      %get3A_431 = arith.index_cast %mul3A_430 : i32 to index
      %get3A_432 = tpu.vector_load %arg7[%get3A_431] {strides = array<i32>} : memref<8192xi32, #tpu.memory_space<vmem>>, vector<16xi32>,
      %sub3A_433 = vector.broadcast %mul3A_14 : i32 to vector<16xi32>
      %sub3A_434 = arith.subi %get3A_428, %sub3A_433 : vector<16xi32>
      %ge3A_435 = arith.constant 0 : i32
      %ge3A_436 = vector.broadcast %ge3A_435 : i32 to vector<16xi32>
      %ge3A_437 = arith.cmpi sge, %sub3A_434, %ge3A_436 : vector<16xi32>
      %lt3A_438 = arith.constant 32 : i32
      %lt3A_439 = vector.broadcast %lt3A_438 : i32 to vector<16xi32>
      %lt3A_440 = arith.cmpi slt, %sub3A_434, %lt3A_439 : vector<16xi32>
      %and3A_441 = arith.andi %ge3A_437, %lt3A_440 : vector<16xi1>
      %and3A_442 = arith.constant 31 : i32
      %and3A_443 = vector.broadcast %and3A_442 : i32 to vector<16xi32>
      %and3A_444 = arith.andi %sub3A_434, %and3A_443 : vector<16xi32>
      tpu.vector_store_idx %arg5[%and3A_444, %get3A_432], %broadcast_in_dim3A_1 masked %and3A_441 {add = true} : memref<32x2048xf32, #tpu.memory_space<vmem>>[vector<16xi32>, vector<16xi32>], vector<16xf32>, vector<16xi1>
      %scan3A_445 = arith.constant 0 : i32
      %scan3A_446 = arith.constant 2 : i32
      %scan3A_447 = arith.addi %scan3A_405, %scan3A_446 : i32
      %mul3A_448 = arith.constant 16 : i32
      %mul3A_449 = arith.muli %scan3A_447, %mul3A_448 : i32
      %get3A_450 = arith.index_cast %mul3A_449 : i32 to index
      %get3A_451 = tpu.vector_load %arg6[%get3A_450] {strides = array<i32>} : memref<8192xi32, #tpu.memory_space<vmem>>, vector<16xi32>,
      %mul3A_452 = arith.constant 16 : i32
      %mul3A_453 = arith.muli %scan3A_447, %mul3A_452 : i32
      %get3A_454 = arith.index_cast %mul3A_453 : i32 to index
      %get3A_455 = tpu.vector_load %arg7[%get3A_454] {strides = array<i32>} : memref<8192xi32, #tpu.memory_space<vmem>>, vector<16xi32>,
      %sub3A_456 = vector.broadcast %mul3A_14 : i32 to vector<16xi32>
      %sub3A_457 = arith.subi %get3A_451, %sub3A_456 : vector<16xi32>
      %ge3A_458 = arith.constant 0 : i32
      %ge3A_459 = vector.broadcast %ge3A_458 : i32 to vector<16xi32>
      %ge3A_460 = arith.cmpi sge, %sub3A_457, %ge3A_459 : vector<16xi32>
      %lt3A_461 = arith.constant 32 : i32
      %lt3A_462 = vector.broadcast %lt3A_461 : i32 to vector<16xi32>
      %lt3A_463 = arith.cmpi slt, %sub3A_457, %lt3A_462 : vector<16xi32>
      %and3A_464 = arith.andi %ge3A_460, %lt3A_463 : vector<16xi1>
      %and3A_465 = arith.constant 31 : i32
      %and3A_466 = vector.broadcast %and3A_465 : i32 to vector<16xi32>
      %and3A_467 = arith.andi %sub3A_457, %and3A_466 : vector<16xi32>
      tpu.vector_store_idx %arg5[%and3A_467, %get3A_455], %broadcast_in_dim3A_1 masked %and3A_464 {add = true} : memref<32x2048xf32, #tpu.memory_space<vmem>>[vector<16xi32>, vector<16xi32>], vector<16xf32>, vector<16xi1>
      %scan3A_468 = arith.constant 0 : i32
      %scan3A_469 = arith.constant 3 : i32
      %scan3A_470 = arith.addi %scan3A_405, %scan3A_469 : i32
      %mul3A_471 = arith.constant 16 : i32
      %mul3A_472 = arith.muli %scan3A_470, %mul3A_471 : i32
      %get3A_473 = arith.index_cast %mul3A_472 : i32 to index
      %get3A_474 = tpu.vector_load %arg6[%get3A_473] {strides = array<i32>} : memref<8192xi32, #tpu.memory_space<vmem>>, vector<16xi32>,
      %mul3A_475 = arith.constant 16 : i32
      %mul3A_476 = arith.muli %scan3A_470, %mul3A_475 : i32
      %get3A_477 = arith.index_cast %mul3A_476 : i32 to index
      %get3A_478 = tpu.vector_load %arg7[%get3A_477] {strides = array<i32>} : memref<8192xi32, #tpu.memory_space<vmem>>, vector<16xi32>,
      %sub3A_479 = vector.broadcast %mul3A_14 : i32 to vector<16xi32>
      %sub3A_480 = arith.subi %get3A_474, %sub3A_479 : vector<16xi32>
      %ge3A_481 = arith.constant 0 : i32
      %ge3A_482 = vector.broadcast %ge3A_481 : i32 to vector<16xi32>
      %ge3A_483 = arith.cmpi sge, %sub3A_480, %ge3A_482 : vector<16xi32>
      %lt3A_484 = arith.constant 32 : i32
      %lt3A_485 = vector.broadcast %lt3A_484 : i32 to vector<16xi32>
      %lt3A_486 = arith.cmpi slt, %sub3A_480, %lt3A_485 : vector<16xi32>
      %and3A_487 = arith.andi %ge3A_483, %lt3A_486 : vector<16xi1>
      %and3A_488 = arith.constant 31 : i32
      %and3A_489 = vector.broadcast %and3A_488 : i32 to vector<16xi32>
      %and3A_490 = arith.andi %sub3A_480, %and3A_489 : vector<16xi32>
      tpu.vector_store_idx %arg5[%and3A_490, %get3A_478], %broadcast_in_dim3A_1 masked %and3A_487 {add = true} : memref<32x2048xf32, #tpu.memory_space<vmem>>[vector<16xi32>, vector<16xi32>], vector<16xf32>, vector<16xi1>
      %scan3A_491 = arith.constant 0 : i32
      %scan3A_492 = arith.constant 4 : i32
      %scan3A_493 = arith.addi %scan3A_405, %scan3A_492 : i32
      %mul3A_494 = arith.constant 16 : i32
      %mul3A_495 = arith.muli %scan3A_493, %mul3A_494 : i32
      %get3A_496 = arith.index_cast %mul3A_495 : i32 to index
      %get3A_497 = tpu.vector_load %arg6[%get3A_496] {strides = array<i32>} : memref<8192xi32, #tpu.memory_space<vmem>>, vector<16xi32>,
      %mul3A_498 = arith.constant 16 : i32
      %mul3A_499 = arith.muli %scan3A_493, %mul3A_498 : i32
      %get3A_500 = arith.index_cast %mul3A_499 : i32 to index
      %get3A_501 = tpu.vector_load %arg7[%get3A_500] {strides = array<i32>} : memref<8192xi32, #tpu.memory_space<vmem>>, vector<16xi32>,
      %sub3A_502 = vector.broadcast %mul3A_14 : i32 to vector<16xi32>
      %sub3A_503 = arith.subi %get3A_497, %sub3A_502 : vector<16xi32>
      %ge3A_504 = arith.constant 0 : i32
      %ge3A_505 = vector.broadcast %ge3A_504 : i32 to vector<16xi32>
      %ge3A_506 = arith.cmpi sge, %sub3A_503, %ge3A_505 : vector<16xi32>
      %lt3A_507 = arith.constant 32 : i32
      %lt3A_508 = vector.broadcast %lt3A_507 : i32 to vector<16xi32>
      %lt3A_509 = arith.cmpi slt, %sub3A_503, %lt3A_508 : vector<16xi32>
      %and3A_510 = arith.andi %ge3A_506, %lt3A_509 : vector<16xi1>
      %and3A_511 = arith.constant 31 : i32
      %and3A_512 = vector.broadcast %and3A_511 : i32 to vector<16xi32>
      %and3A_513 = arith.andi %sub3A_503, %and3A_512 : vector<16xi32>
      tpu.vector_store_idx %arg5[%and3A_513, %get3A_501], %broadcast_in_dim3A_1 masked %and3A_510 {add = true} : memref<32x2048xf32, #tpu.memory_space<vmem>>[vector<16xi32>, vector<16xi32>], vector<16xf32>, vector<16xi1>
      %scan3A_514 = arith.constant 0 : i32
      %scan3A_515 = arith.constant 5 : i32
      %scan3A_516 = arith.addi %scan3A_405, %scan3A_515 : i32
      %mul3A_517 = arith.constant 16 : i32
      %mul3A_518 = arith.muli %scan3A_516, %mul3A_517 : i32
      %get3A_519 = arith.index_cast %mul3A_518 : i32 to index
      %get3A_520 = tpu.vector_load %arg6[%get3A_519] {strides = array<i32>} : memref<8192xi32, #tpu.memory_space<vmem>>, vector<16xi32>,
      %mul3A_521 = arith.constant 16 : i32
      %mul3A_522 = arith.muli %scan3A_516, %mul3A_521 : i32
      %get3A_523 = arith.index_cast %mul3A_522 : i32 to index
      %get3A_524 = tpu.vector_load %arg7[%get3A_523] {strides = array<i32>} : memref<8192xi32, #tpu.memory_space<vmem>>, vector<16xi32>,
      %sub3A_525 = vector.broadcast %mul3A_14 : i32 to vector<16xi32>
      %sub3A_526 = arith.subi %get3A_520, %sub3A_525 : vector<16xi32>
      %ge3A_527 = arith.constant 0 : i32
      %ge3A_528 = vector.broadcast %ge3A_527 : i32 to vector<16xi32>
      %ge3A_529 = arith.cmpi sge, %sub3A_526, %ge3A_528 : vector<16xi32>
      %lt3A_530 = arith.constant 32 : i32
      %lt3A_531 = vector.broadcast %lt3A_530 : i32 to vector<16xi32>
      %lt3A_532 = arith.cmpi slt, %sub3A_526, %lt3A_531 : vector<16xi32>
      %and3A_533 = arith.andi %ge3A_529, %lt3A_532 : vector<16xi1>
      %and3A_534 = arith.constant 31 : i32
      %and3A_535 = vector.broadcast %and3A_534 : i32 to vector<16xi32>
      %and3A_536 = arith.andi %sub3A_526, %and3A_535 : vector<16xi32>
      tpu.vector_store_idx %arg5[%and3A_536, %get3A_524], %broadcast_in_dim3A_1 masked %and3A_533 {add = true} : memref<32x2048xf32, #tpu.memory_space<vmem>>[vector<16xi32>, vector<16xi32>], vector<16xf32>, vector<16xi1>
      %scan3A_537 = arith.constant 0 : i32
      %scan3A_538 = arith.constant 6 : i32
      %scan3A_539 = arith.addi %scan3A_405, %scan3A_538 : i32
      %mul3A_540 = arith.constant 16 : i32
      %mul3A_541 = arith.muli %scan3A_539, %mul3A_540 : i32
      %get3A_542 = arith.index_cast %mul3A_541 : i32 to index
      %get3A_543 = tpu.vector_load %arg6[%get3A_542] {strides = array<i32>} : memref<8192xi32, #tpu.memory_space<vmem>>, vector<16xi32>,
      %mul3A_544 = arith.constant 16 : i32
      %mul3A_545 = arith.muli %scan3A_539, %mul3A_544 : i32
      %get3A_546 = arith.index_cast %mul3A_545 : i32 to index
      %get3A_547 = tpu.vector_load %arg7[%get3A_546] {strides = array<i32>} : memref<8192xi32, #tpu.memory_space<vmem>>, vector<16xi32>,
      %sub3A_548 = vector.broadcast %mul3A_14 : i32 to vector<16xi32>
      %sub3A_549 = arith.subi %get3A_543, %sub3A_548 : vector<16xi32>
      %ge3A_550 = arith.constant 0 : i32
      %ge3A_551 = vector.broadcast %ge3A_550 : i32 to vector<16xi32>
      %ge3A_552 = arith.cmpi sge, %sub3A_549, %ge3A_551 : vector<16xi32>
      %lt3A_553 = arith.constant 32 : i32
      %lt3A_554 = vector.broadcast %lt3A_553 : i32 to vector<16xi32>
      %lt3A_555 = arith.cmpi slt, %sub3A_549, %lt3A_554 : vector<16xi32>
      %and3A_556 = arith.andi %ge3A_552, %lt3A_555 : vector<16xi1>
      %and3A_557 = arith.constant 31 : i32
      %and3A_558 = vector.broadcast %and3A_557 : i32 to vector<16xi32>
      %and3A_559 = arith.andi %sub3A_549, %and3A_558 : vector<16xi32>
      tpu.vector_store_idx %arg5[%and3A_559, %get3A_547], %broadcast_in_dim3A_1 masked %and3A_556 {add = true} : memref<32x2048xf32, #tpu.memory_space<vmem>>[vector<16xi32>, vector<16xi32>], vector<16xf32>, vector<16xi1>
      %scan3A_560 = arith.constant 0 : i32
      %scan3A_561 = arith.constant 7 : i32
      %scan3A_562 = arith.addi %scan3A_405, %scan3A_561 : i32
      %mul3A_563 = arith.constant 16 : i32
      %mul3A_564 = arith.muli %scan3A_562, %mul3A_563 : i32
      %get3A_565 = arith.index_cast %mul3A_564 : i32 to index
      %get3A_566 = tpu.vector_load %arg6[%get3A_565] {strides = array<i32>} : memref<8192xi32, #tpu.memory_space<vmem>>, vector<16xi32>,
      %mul3A_567 = arith.constant 16 : i32
      %mul3A_568 = arith.muli %scan3A_562, %mul3A_567 : i32
      %get3A_569 = arith.index_cast %mul3A_568 : i32 to index
      %get3A_570 = tpu.vector_load %arg7[%get3A_569] {strides = array<i32>} : memref<8192xi32, #tpu.memory_space<vmem>>, vector<16xi32>,
      %sub3A_571 = vector.broadcast %mul3A_14 : i32 to vector<16xi32>
      %sub3A_572 = arith.subi %get3A_566, %sub3A_571 : vector<16xi32>
      %ge3A_573 = arith.constant 0 : i32
      %ge3A_574 = vector.broadcast %ge3A_573 : i32 to vector<16xi32>
      %ge3A_575 = arith.cmpi sge, %sub3A_572, %ge3A_574 : vector<16xi32>
      %lt3A_576 = arith.constant 32 : i32
      %lt3A_577 = vector.broadcast %lt3A_576 : i32 to vector<16xi32>
      %lt3A_578 = arith.cmpi slt, %sub3A_572, %lt3A_577 : vector<16xi32>
      %and3A_579 = arith.andi %ge3A_575, %lt3A_578 : vector<16xi1>
      %and3A_580 = arith.constant 31 : i32
      %and3A_581 = vector.broadcast %and3A_580 : i32 to vector<16xi32>
      %and3A_582 = arith.andi %sub3A_572, %and3A_581 : vector<16xi32>
      tpu.vector_store_idx %arg5[%and3A_582, %get3A_570], %broadcast_in_dim3A_1 masked %and3A_579 {add = true} : memref<32x2048xf32, #tpu.memory_space<vmem>>[vector<16xi32>, vector<16xi32>], vector<16xf32>, vector<16xi1>
      %scan3A_583 = arith.constant 0 : i32
      scf.yield %scan3A_583 : i32
    }
    %scan3A_175 = arith.constant 512 : i32
    %dma_wait3A_176 = arith.constant 57344 : i32
    %dma_wait3A_177 = tpu.memref_slice %arg2[%dma_wait3A_176] : memref<65536xi32, #tpu.memory_space<hbm>> -> memref<8192xi32, #tpu.memory_space<hbm>>
    %dma_wait3A_178 = arith.constant 57344 : i32
    %dma_wait3A_179 = tpu.memref_slice %arg2[%dma_wait3A_178] : memref<65536xi32, #tpu.memory_space<hbm>> -> memref<8192xi32, #tpu.memory_space<hbm>>
    tpu.wait_dma2 semaphore(%arg11 : memref<!tpu.dma_semaphore, #tpu.memory_space<semaphore_mem>>) src(%dma_wait3A_179 : memref<8192xi32, #tpu.memory_space<hbm>>) dst(%arg8 : memref<8192xi32, #tpu.memory_space<vmem>>)
    %dma_wait3A_180 = arith.constant 57344 : i32
    %dma_wait3A_181 = tpu.memref_slice %arg3[%dma_wait3A_180] : memref<65536xi32, #tpu.memory_space<hbm>> -> memref<8192xi32, #tpu.memory_space<hbm>>
    %dma_wait3A_182 = arith.constant 57344 : i32
    %dma_wait3A_183 = tpu.memref_slice %arg3[%dma_wait3A_182] : memref<65536xi32, #tpu.memory_space<hbm>> -> memref<8192xi32, #tpu.memory_space<hbm>>
    tpu.wait_dma2 semaphore(%arg11 : memref<!tpu.dma_semaphore, #tpu.memory_space<semaphore_mem>>) src(%dma_wait3A_183 : memref<8192xi32, #tpu.memory_space<hbm>>) dst(%arg9 : memref<8192xi32, #tpu.memory_space<vmem>>)
    %dma_start3A_184 = arith.constant 0 : i32
    %dma_start3A_185 = tpu.memref_slice %arg2[%dma_start3A_184] : memref<65536xi32, #tpu.memory_space<hbm>> -> memref<8192xi32, #tpu.memory_space<hbm>>
    %dma_start3A_186 = arith.constant 0 : i32
    %dma_start3A_187 = tpu.memref_slice %arg2[%dma_start3A_186] : memref<65536xi32, #tpu.memory_space<hbm>> -> memref<8192xi32, #tpu.memory_space<hbm>>
    tpu.enqueue_dma source(%dma_start3A_187 : memref<8192xi32, #tpu.memory_space<hbm>>) target(%arg6 : memref<8192xi32, #tpu.memory_space<vmem>>) target_semaphore(%arg10 : memref<!tpu.dma_semaphore, #tpu.memory_space<semaphore_mem>>)
    %dma_start3A_188 = arith.constant 0 : i32
    %dma_start3A_189 = tpu.memref_slice %arg3[%dma_start3A_188] : memref<65536xi32, #tpu.memory_space<hbm>> -> memref<8192xi32, #tpu.memory_space<hbm>>
    %dma_start3A_190 = arith.constant 0 : i32
    %dma_start3A_191 = tpu.memref_slice %arg3[%dma_start3A_190] : memref<65536xi32, #tpu.memory_space<hbm>> -> memref<8192xi32, #tpu.memory_space<hbm>>
    tpu.enqueue_dma source(%dma_start3A_191 : memref<8192xi32, #tpu.memory_space<hbm>>) target(%arg7 : memref<8192xi32, #tpu.memory_space<vmem>>) target_semaphore(%arg10 : memref<!tpu.dma_semaphore, #tpu.memory_space<semaphore_mem>>)
    %scan3A_192 = arith.constant 0 : i32
    %scan3A_193 = arith.constant 0 : i32
    %scan3A_194 = arith.constant 512 : i32
    %scan3A_195 = arith.addi %scan3A_193, %scan3A_194 : i32
    %scan3A_196 = arith.constant 8 : i32
    %scan3A_197 = scf.for %scan3A_405 = %scan3A_193 to %scan3A_195 step %scan3A_196 iter_args(%scan3A_406 = %scan3A_192) -> (i32)  : i32 {
      %mul3A_407 = arith.constant 16 : i32
      %mul3A_408 = arith.muli %scan3A_405, %mul3A_407 : i32
      %get3A = arith.index_cast %mul3A_408 : i32 to index
      %get3A_409 = tpu.vector_load %arg8[%get3A] {strides = array<i32>} : memref<8192xi32, #tpu.memory_space<vmem>>, vector<16xi32>,
      %mul3A_410 = arith.constant 16 : i32
      %mul3A_411 = arith.muli %scan3A_405, %mul3A_410 : i32
      %get3A_412 = arith.index_cast %mul3A_411 : i32 to index
      %get3A_413 = tpu.vector_load %arg9[%get3A_412] {strides = array<i32>} : memref<8192xi32, #tpu.memory_space<vmem>>, vector<16xi32>,
      %sub3A = vector.broadcast %mul3A_14 : i32 to vector<16xi32>
      %sub3A_414 = arith.subi %get3A_409, %sub3A : vector<16xi32>
      %ge3A = arith.constant 0 : i32
      %ge3A_415 = vector.broadcast %ge3A : i32 to vector<16xi32>
      %ge3A_416 = arith.cmpi sge, %sub3A_414, %ge3A_415 : vector<16xi32>
      %lt3A = arith.constant 32 : i32
      %lt3A_417 = vector.broadcast %lt3A : i32 to vector<16xi32>
      %lt3A_418 = arith.cmpi slt, %sub3A_414, %lt3A_417 : vector<16xi32>
      %and3A = arith.andi %ge3A_416, %lt3A_418 : vector<16xi1>
      %and3A_419 = arith.constant 31 : i32
      %and3A_420 = vector.broadcast %and3A_419 : i32 to vector<16xi32>
      %and3A_421 = arith.andi %sub3A_414, %and3A_420 : vector<16xi32>
      tpu.vector_store_idx %arg5[%and3A_421, %get3A_413], %broadcast_in_dim3A_1 masked %and3A {add = true} : memref<32x2048xf32, #tpu.memory_space<vmem>>[vector<16xi32>, vector<16xi32>], vector<16xf32>, vector<16xi1>
      %scan3A_422 = arith.constant 0 : i32
      %scan3A_423 = arith.constant 1 : i32
      %scan3A_424 = arith.addi %scan3A_405, %scan3A_423 : i32
      %mul3A_425 = arith.constant 16 : i32
      %mul3A_426 = arith.muli %scan3A_424, %mul3A_425 : i32
      %get3A_427 = arith.index_cast %mul3A_426 : i32 to index
      %get3A_428 = tpu.vector_load %arg8[%get3A_427] {strides = array<i32>} : memref<8192xi32, #tpu.memory_space<vmem>>, vector<16xi32>,
      %mul3A_429 = arith.constant 16 : i32
      %mul3A_430 = arith.muli %scan3A_424, %mul3A_429 : i32
      %get3A_431 = arith.index_cast %mul3A_430 : i32 to index
      %get3A_432 = tpu.vector_load %arg9[%get3A_431] {strides = array<i32>} : memref<8192xi32, #tpu.memory_space<vmem>>, vector<16xi32>,
      %sub3A_433 = vector.broadcast %mul3A_14 : i32 to vector<16xi32>
      %sub3A_434 = arith.subi %get3A_428, %sub3A_433 : vector<16xi32>
      %ge3A_435 = arith.constant 0 : i32
      %ge3A_436 = vector.broadcast %ge3A_435 : i32 to vector<16xi32>
      %ge3A_437 = arith.cmpi sge, %sub3A_434, %ge3A_436 : vector<16xi32>
      %lt3A_438 = arith.constant 32 : i32
      %lt3A_439 = vector.broadcast %lt3A_438 : i32 to vector<16xi32>
      %lt3A_440 = arith.cmpi slt, %sub3A_434, %lt3A_439 : vector<16xi32>
      %and3A_441 = arith.andi %ge3A_437, %lt3A_440 : vector<16xi1>
      %and3A_442 = arith.constant 31 : i32
      %and3A_443 = vector.broadcast %and3A_442 : i32 to vector<16xi32>
      %and3A_444 = arith.andi %sub3A_434, %and3A_443 : vector<16xi32>
      tpu.vector_store_idx %arg5[%and3A_444, %get3A_432], %broadcast_in_dim3A_1 masked %and3A_441 {add = true} : memref<32x2048xf32, #tpu.memory_space<vmem>>[vector<16xi32>, vector<16xi32>], vector<16xf32>, vector<16xi1>
      %scan3A_445 = arith.constant 0 : i32
      %scan3A_446 = arith.constant 2 : i32
      %scan3A_447 = arith.addi %scan3A_405, %scan3A_446 : i32
      %mul3A_448 = arith.constant 16 : i32
      %mul3A_449 = arith.muli %scan3A_447, %mul3A_448 : i32
      %get3A_450 = arith.index_cast %mul3A_449 : i32 to index
      %get3A_451 = tpu.vector_load %arg8[%get3A_450] {strides = array<i32>} : memref<8192xi32, #tpu.memory_space<vmem>>, vector<16xi32>,
      %mul3A_452 = arith.constant 16 : i32
      %mul3A_453 = arith.muli %scan3A_447, %mul3A_452 : i32
      %get3A_454 = arith.index_cast %mul3A_453 : i32 to index
      %get3A_455 = tpu.vector_load %arg9[%get3A_454] {strides = array<i32>} : memref<8192xi32, #tpu.memory_space<vmem>>, vector<16xi32>,
      %sub3A_456 = vector.broadcast %mul3A_14 : i32 to vector<16xi32>
      %sub3A_457 = arith.subi %get3A_451, %sub3A_456 : vector<16xi32>
      %ge3A_458 = arith.constant 0 : i32
      %ge3A_459 = vector.broadcast %ge3A_458 : i32 to vector<16xi32>
      %ge3A_460 = arith.cmpi sge, %sub3A_457, %ge3A_459 : vector<16xi32>
      %lt3A_461 = arith.constant 32 : i32
      %lt3A_462 = vector.broadcast %lt3A_461 : i32 to vector<16xi32>
      %lt3A_463 = arith.cmpi slt, %sub3A_457, %lt3A_462 : vector<16xi32>
      %and3A_464 = arith.andi %ge3A_460, %lt3A_463 : vector<16xi1>
      %and3A_465 = arith.constant 31 : i32
      %and3A_466 = vector.broadcast %and3A_465 : i32 to vector<16xi32>
      %and3A_467 = arith.andi %sub3A_457, %and3A_466 : vector<16xi32>
      tpu.vector_store_idx %arg5[%and3A_467, %get3A_455], %broadcast_in_dim3A_1 masked %and3A_464 {add = true} : memref<32x2048xf32, #tpu.memory_space<vmem>>[vector<16xi32>, vector<16xi32>], vector<16xf32>, vector<16xi1>
      %scan3A_468 = arith.constant 0 : i32
      %scan3A_469 = arith.constant 3 : i32
      %scan3A_470 = arith.addi %scan3A_405, %scan3A_469 : i32
      %mul3A_471 = arith.constant 16 : i32
      %mul3A_472 = arith.muli %scan3A_470, %mul3A_471 : i32
      %get3A_473 = arith.index_cast %mul3A_472 : i32 to index
      %get3A_474 = tpu.vector_load %arg8[%get3A_473] {strides = array<i32>} : memref<8192xi32, #tpu.memory_space<vmem>>, vector<16xi32>,
      %mul3A_475 = arith.constant 16 : i32
      %mul3A_476 = arith.muli %scan3A_470, %mul3A_475 : i32
      %get3A_477 = arith.index_cast %mul3A_476 : i32 to index
      %get3A_478 = tpu.vector_load %arg9[%get3A_477] {strides = array<i32>} : memref<8192xi32, #tpu.memory_space<vmem>>, vector<16xi32>,
      %sub3A_479 = vector.broadcast %mul3A_14 : i32 to vector<16xi32>
      %sub3A_480 = arith.subi %get3A_474, %sub3A_479 : vector<16xi32>
      %ge3A_481 = arith.constant 0 : i32
      %ge3A_482 = vector.broadcast %ge3A_481 : i32 to vector<16xi32>
      %ge3A_483 = arith.cmpi sge, %sub3A_480, %ge3A_482 : vector<16xi32>
      %lt3A_484 = arith.constant 32 : i32
      %lt3A_485 = vector.broadcast %lt3A_484 : i32 to vector<16xi32>
      %lt3A_486 = arith.cmpi slt, %sub3A_480, %lt3A_485 : vector<16xi32>
      %and3A_487 = arith.andi %ge3A_483, %lt3A_486 : vector<16xi1>
      %and3A_488 = arith.constant 31 : i32
      %and3A_489 = vector.broadcast %and3A_488 : i32 to vector<16xi32>
      %and3A_490 = arith.andi %sub3A_480, %and3A_489 : vector<16xi32>
      tpu.vector_store_idx %arg5[%and3A_490, %get3A_478], %broadcast_in_dim3A_1 masked %and3A_487 {add = true} : memref<32x2048xf32, #tpu.memory_space<vmem>>[vector<16xi32>, vector<16xi32>], vector<16xf32>, vector<16xi1>
      %scan3A_491 = arith.constant 0 : i32
      %scan3A_492 = arith.constant 4 : i32
      %scan3A_493 = arith.addi %scan3A_405, %scan3A_492 : i32
      %mul3A_494 = arith.constant 16 : i32
      %mul3A_495 = arith.muli %scan3A_493, %mul3A_494 : i32
      %get3A_496 = arith.index_cast %mul3A_495 : i32 to index
      %get3A_497 = tpu.vector_load %arg8[%get3A_496] {strides = array<i32>} : memref<8192xi32, #tpu.memory_space<vmem>>, vector<16xi32>,
      %mul3A_498 = arith.constant 16 : i32
      %mul3A_499 = arith.muli %scan3A_493, %mul3A_498 : i32
      %get3A_500 = arith.index_cast %mul3A_499 : i32 to index
      %get3A_501 = tpu.vector_load %arg9[%get3A_500] {strides = array<i32>} : memref<8192xi32, #tpu.memory_space<vmem>>, vector<16xi32>,
      %sub3A_502 = vector.broadcast %mul3A_14 : i32 to vector<16xi32>
      %sub3A_503 = arith.subi %get3A_497, %sub3A_502 : vector<16xi32>
      %ge3A_504 = arith.constant 0 : i32
      %ge3A_505 = vector.broadcast %ge3A_504 : i32 to vector<16xi32>
      %ge3A_506 = arith.cmpi sge, %sub3A_503, %ge3A_505 : vector<16xi32>
      %lt3A_507 = arith.constant 32 : i32
      %lt3A_508 = vector.broadcast %lt3A_507 : i32 to vector<16xi32>
      %lt3A_509 = arith.cmpi slt, %sub3A_503, %lt3A_508 : vector<16xi32>
      %and3A_510 = arith.andi %ge3A_506, %lt3A_509 : vector<16xi1>
      %and3A_511 = arith.constant 31 : i32
      %and3A_512 = vector.broadcast %and3A_511 : i32 to vector<16xi32>
      %and3A_513 = arith.andi %sub3A_503, %and3A_512 : vector<16xi32>
      tpu.vector_store_idx %arg5[%and3A_513, %get3A_501], %broadcast_in_dim3A_1 masked %and3A_510 {add = true} : memref<32x2048xf32, #tpu.memory_space<vmem>>[vector<16xi32>, vector<16xi32>], vector<16xf32>, vector<16xi1>
      %scan3A_514 = arith.constant 0 : i32
      %scan3A_515 = arith.constant 5 : i32
      %scan3A_516 = arith.addi %scan3A_405, %scan3A_515 : i32
      %mul3A_517 = arith.constant 16 : i32
      %mul3A_518 = arith.muli %scan3A_516, %mul3A_517 : i32
      %get3A_519 = arith.index_cast %mul3A_518 : i32 to index
      %get3A_520 = tpu.vector_load %arg8[%get3A_519] {strides = array<i32>} : memref<8192xi32, #tpu.memory_space<vmem>>, vector<16xi32>,
      %mul3A_521 = arith.constant 16 : i32
      %mul3A_522 = arith.muli %scan3A_516, %mul3A_521 : i32
      %get3A_523 = arith.index_cast %mul3A_522 : i32 to index
      %get3A_524 = tpu.vector_load %arg9[%get3A_523] {strides = array<i32>} : memref<8192xi32, #tpu.memory_space<vmem>>, vector<16xi32>,
      %sub3A_525 = vector.broadcast %mul3A_14 : i32 to vector<16xi32>
      %sub3A_526 = arith.subi %get3A_520, %sub3A_525 : vector<16xi32>
      %ge3A_527 = arith.constant 0 : i32
      %ge3A_528 = vector.broadcast %ge3A_527 : i32 to vector<16xi32>
      %ge3A_529 = arith.cmpi sge, %sub3A_526, %ge3A_528 : vector<16xi32>
      %lt3A_530 = arith.constant 32 : i32
      %lt3A_531 = vector.broadcast %lt3A_530 : i32 to vector<16xi32>
      %lt3A_532 = arith.cmpi slt, %sub3A_526, %lt3A_531 : vector<16xi32>
      %and3A_533 = arith.andi %ge3A_529, %lt3A_532 : vector<16xi1>
      %and3A_534 = arith.constant 31 : i32
      %and3A_535 = vector.broadcast %and3A_534 : i32 to vector<16xi32>
      %and3A_536 = arith.andi %sub3A_526, %and3A_535 : vector<16xi32>
      tpu.vector_store_idx %arg5[%and3A_536, %get3A_524], %broadcast_in_dim3A_1 masked %and3A_533 {add = true} : memref<32x2048xf32, #tpu.memory_space<vmem>>[vector<16xi32>, vector<16xi32>], vector<16xf32>, vector<16xi1>
      %scan3A_537 = arith.constant 0 : i32
      %scan3A_538 = arith.constant 6 : i32
      %scan3A_539 = arith.addi %scan3A_405, %scan3A_538 : i32
      %mul3A_540 = arith.constant 16 : i32
      %mul3A_541 = arith.muli %scan3A_539, %mul3A_540 : i32
      %get3A_542 = arith.index_cast %mul3A_541 : i32 to index
      %get3A_543 = tpu.vector_load %arg8[%get3A_542] {strides = array<i32>} : memref<8192xi32, #tpu.memory_space<vmem>>, vector<16xi32>,
      %mul3A_544 = arith.constant 16 : i32
      %mul3A_545 = arith.muli %scan3A_539, %mul3A_544 : i32
      %get3A_546 = arith.index_cast %mul3A_545 : i32 to index
      %get3A_547 = tpu.vector_load %arg9[%get3A_546] {strides = array<i32>} : memref<8192xi32, #tpu.memory_space<vmem>>, vector<16xi32>,
      %sub3A_548 = vector.broadcast %mul3A_14 : i32 to vector<16xi32>
      %sub3A_549 = arith.subi %get3A_543, %sub3A_548 : vector<16xi32>
      %ge3A_550 = arith.constant 0 : i32
      %ge3A_551 = vector.broadcast %ge3A_550 : i32 to vector<16xi32>
      %ge3A_552 = arith.cmpi sge, %sub3A_549, %ge3A_551 : vector<16xi32>
      %lt3A_553 = arith.constant 32 : i32
      %lt3A_554 = vector.broadcast %lt3A_553 : i32 to vector<16xi32>
      %lt3A_555 = arith.cmpi slt, %sub3A_549, %lt3A_554 : vector<16xi32>
      %and3A_556 = arith.andi %ge3A_552, %lt3A_555 : vector<16xi1>
      %and3A_557 = arith.constant 31 : i32
      %and3A_558 = vector.broadcast %and3A_557 : i32 to vector<16xi32>
      %and3A_559 = arith.andi %sub3A_549, %and3A_558 : vector<16xi32>
      tpu.vector_store_idx %arg5[%and3A_559, %get3A_547], %broadcast_in_dim3A_1 masked %and3A_556 {add = true} : memref<32x2048xf32, #tpu.memory_space<vmem>>[vector<16xi32>, vector<16xi32>], vector<16xf32>, vector<16xi1>
      %scan3A_560 = arith.constant 0 : i32
      %scan3A_561 = arith.constant 7 : i32
      %scan3A_562 = arith.addi %scan3A_405, %scan3A_561 : i32
      %mul3A_563 = arith.constant 16 : i32
      %mul3A_564 = arith.muli %scan3A_562, %mul3A_563 : i32
      %get3A_565 = arith.index_cast %mul3A_564 : i32 to index
      %get3A_566 = tpu.vector_load %arg8[%get3A_565] {strides = array<i32>} : memref<8192xi32, #tpu.memory_space<vmem>>, vector<16xi32>,
      %mul3A_567 = arith.constant 16 : i32
      %mul3A_568 = arith.muli %scan3A_562, %mul3A_567 : i32
      %get3A_569 = arith.index_cast %mul3A_568 : i32 to index
      %get3A_570 = tpu.vector_load %arg9[%get3A_569] {strides = array<i32>} : memref<8192xi32, #tpu.memory_space<vmem>>, vector<16xi32>,
      %sub3A_571 = vector.broadcast %mul3A_14 : i32 to vector<16xi32>
      %sub3A_572 = arith.subi %get3A_566, %sub3A_571 : vector<16xi32>
      %ge3A_573 = arith.constant 0 : i32
      %ge3A_574 = vector.broadcast %ge3A_573 : i32 to vector<16xi32>
      %ge3A_575 = arith.cmpi sge, %sub3A_572, %ge3A_574 : vector<16xi32>
      %lt3A_576 = arith.constant 32 : i32
      %lt3A_577 = vector.broadcast %lt3A_576 : i32 to vector<16xi32>
      %lt3A_578 = arith.cmpi slt, %sub3A_572, %lt3A_577 : vector<16xi32>
      %and3A_579 = arith.andi %ge3A_575, %lt3A_578 : vector<16xi1>
      %and3A_580 = arith.constant 31 : i32
      %and3A_581 = vector.broadcast %and3A_580 : i32 to vector<16xi32>
      %and3A_582 = arith.andi %sub3A_572, %and3A_581 : vector<16xi32>
      tpu.vector_store_idx %arg5[%and3A_582, %get3A_570], %broadcast_in_dim3A_1 masked %and3A_579 {add = true} : memref<32x2048xf32, #tpu.memory_space<vmem>>[vector<16xi32>, vector<16xi32>], vector<16xf32>, vector<16xi1>
      %scan3A_583 = arith.constant 0 : i32
      scf.yield %scan3A_583 : i32
    }
    %scan3A_198 = arith.constant 512 : i32
    %iota3A = tpu.iota {dimensions = array<i32: 0>} : vector<16xi32>
    %add3A_199 = arith.constant 0 : i32
    %add3A_200 = vector.broadcast %add3A_199 : i32 to vector<16xi32>
    %add3A_201 = arith.addi %iota3A, %add3A_200 : vector<16xi32>
    %add3A_202 = vector.broadcast %mul3A_14 : i32 to vector<16xi32>
    %add3A_203 = arith.addi %add3A_202, %add3A_201 : vector<16xi32>
    tpu.vector_store_idx %arg5[%add3A_201, %add3A_203], %broadcast_in_dim3A_1 {add = true} : memref<32x2048xf32, #tpu.memory_space<vmem>>[vector<16xi32>, vector<16xi32>], vector<16xf32>,
    %iota3A_204 = tpu.iota {dimensions = array<i32: 0>} : vector<16xi32>
    %add3A_205 = arith.constant 16 : i32
    %add3A_206 = vector.broadcast %add3A_205 : i32 to vector<16xi32>
    %add3A_207 = arith.addi %iota3A_204, %add3A_206 : vector<16xi32>
    %add3A_208 = vector.broadcast %mul3A_14 : i32 to vector<16xi32>
    %add3A_209 = arith.addi %add3A_208, %add3A_207 : vector<16xi32>
    tpu.vector_store_idx %arg5[%add3A_207, %add3A_209], %broadcast_in_dim3A_1 {add = true} : memref<32x2048xf32, #tpu.memory_space<vmem>>[vector<16xi32>, vector<16xi32>], vector<16xf32>,
    "tpu.region"() ({
      %run_scoped3A = tpu.sem_alloc : memref<!tpu.dma_semaphore, #tpu.memory_space<semaphore_mem>>
      %dma_start3A_405 = arith.constant 0 : i32
      %dma_start3A_406 = tpu.memref_slice %arg4[%mul3A_14, %dma_start3A_405] : memref<2048x2048xf32, #tpu.memory_space<hbm>> -> memref<32x2048xf32, #tpu.memory_space<hbm>>
      %dma_start3A_407 = arith.constant 0 : i32
      %dma_start3A_408 = tpu.memref_slice %arg4[%mul3A_14, %dma_start3A_407] : memref<2048x2048xf32, #tpu.memory_space<hbm>> -> memref<32x2048xf32, #tpu.memory_space<hbm>>
      tpu.enqueue_dma source(%arg5 : memref<32x2048xf32, #tpu.memory_space<vmem>>) target(%dma_start3A_408 : memref<32x2048xf32, #tpu.memory_space<hbm>>) target_semaphore(%run_scoped3A : memref<!tpu.dma_semaphore, #tpu.memory_space<semaphore_mem>>)
      %dma_wait3A_409 = arith.constant 0 : i32
      %dma_wait3A_410 = tpu.memref_slice %arg4[%mul3A_14, %dma_wait3A_409] : memref<2048x2048xf32, #tpu.memory_space<hbm>> -> memref<32x2048xf32, #tpu.memory_space<hbm>>
      %dma_wait3A_411 = arith.constant 0 : i32
      %dma_wait3A_412 = tpu.memref_slice %arg4[%mul3A_14, %dma_wait3A_411] : memref<2048x2048xf32, #tpu.memory_space<hbm>> -> memref<32x2048xf32, #tpu.memory_space<hbm>>
      tpu.wait_dma2 semaphore(%run_scoped3A : memref<!tpu.dma_semaphore, #tpu.memory_space<semaphore_mem>>) src(%arg5 : memref<32x2048xf32, #tpu.memory_space<vmem>>) dst(%dma_wait3A_412 : memref<32x2048xf32, #tpu.memory_space<hbm>>)
      tpu.yield
    }) : () -> ()
    %add3A_210 = arith.constant 32 : i32
    %add3A_211 = arith.addi %add3A, %add3A_210 : i32
    %mul3A_212 = arith.constant 32 : i32
    %mul3A_213 = arith.muli %add3A_211, %mul3A_212 : i32
    %parallel_loop3A_214 = arith.constant 0 : i32
    %parallel_loop3A_215 = arith.constant 128 : i32
    %parallel_loop3A_216 = arith.constant 1 : i32
    scf.for %parallel_loop3A_405 = %parallel_loop3A_214 to %parallel_loop3A_215 step %parallel_loop3A_216  : i32 {
      %parallel_loop3A_406 = arith.constant 16 : i32
      %parallel_loop3A_407 = arith.muli %parallel_loop3A_405, %parallel_loop3A_406 : i32
      %parallel_loop3A_408 = arith.constant 0 : i32
      %parallel_loop3A_409 = arith.index_cast %parallel_loop3A_408 : i32 to index
      %parallel_loop3A_410 = arith.index_cast %parallel_loop3A_407 : i32 to index
      %parallel_loop3A_411 = tpu.vector_load %arg5[%parallel_loop3A_409, %parallel_loop3A_410] {strides = array<i32>} : memref<32x2048xf32, #tpu.memory_space<vmem>>, vector<16xf32>,
      tpu.vector_store %arg5[%parallel_loop3A_409, %parallel_loop3A_410], %broadcast_in_dim3A_3 {strides = array<i32>} : memref<32x2048xf32, #tpu.memory_space<vmem>>, vector<16xf32>,
      %parallel_loop3A_412 = arith.constant 16 : i32
      %parallel_loop3A_413 = arith.muli %parallel_loop3A_405, %parallel_loop3A_412 : i32
      %parallel_loop3A_414 = arith.constant 1 : i32
      %parallel_loop3A_415 = arith.index_cast %parallel_loop3A_414 : i32 to index
      %parallel_loop3A_416 = arith.index_cast %parallel_loop3A_413 : i32 to index
      %parallel_loop3A_417 = tpu.vector_load %arg5[%parallel_loop3A_415, %parallel_loop3A_416] {strides = array<i32>} : memref<32x2048xf32, #tpu.memory_space<vmem>>, vector<16xf32>,
      tpu.vector_store %arg5[%parallel_loop3A_415, %parallel_loop3A_416], %broadcast_in_dim3A_3 {strides = array<i32>} : memref<32x2048xf32, #tpu.memory_space<vmem>>, vector<16xf32>,
      %parallel_loop3A_418 = arith.constant 16 : i32
      %parallel_loop3A_419 = arith.muli %parallel_loop3A_405, %parallel_loop3A_418 : i32
      %parallel_loop3A_420 = arith.constant 2 : i32
      %parallel_loop3A_421 = arith.index_cast %parallel_loop3A_420 : i32 to index
      %parallel_loop3A_422 = arith.index_cast %parallel_loop3A_419 : i32 to index
      %parallel_loop3A_423 = tpu.vector_load %arg5[%parallel_loop3A_421, %parallel_loop3A_422] {strides = array<i32>} : memref<32x2048xf32, #tpu.memory_space<vmem>>, vector<16xf32>,
      tpu.vector_store %arg5[%parallel_loop3A_421, %parallel_loop3A_422], %broadcast_in_dim3A_3 {strides = array<i32>} : memref<32x2048xf32, #tpu.memory_space<vmem>>, vector<16xf32>,
      %parallel_loop3A_424 = arith.constant 16 : i32
      %parallel_loop3A_425 = arith.muli %parallel_loop3A_405, %parallel_loop3A_424 : i32
      %parallel_loop3A_426 = arith.constant 3 : i32
      %parallel_loop3A_427 = arith.index_cast %parallel_loop3A_426 : i32 to index
      %parallel_loop3A_428 = arith.index_cast %parallel_loop3A_425 : i32 to index
      %parallel_loop3A_429 = tpu.vector_load %arg5[%parallel_loop3A_427, %parallel_loop3A_428] {strides = array<i32>} : memref<32x2048xf32, #tpu.memory_space<vmem>>, vector<16xf32>,
      tpu.vector_store %arg5[%parallel_loop3A_427, %parallel_loop3A_428], %broadcast_in_dim3A_3 {strides = array<i32>} : memref<32x2048xf32, #tpu.memory_space<vmem>>, vector<16xf32>,
      %parallel_loop3A_430 = arith.constant 16 : i32
      %parallel_loop3A_431 = arith.muli %parallel_loop3A_405, %parallel_loop3A_430 : i32
      %parallel_loop3A_432 = arith.constant 4 : i32
      %parallel_loop3A_433 = arith.index_cast %parallel_loop3A_432 : i32 to index
      %parallel_loop3A_434 = arith.index_cast %parallel_loop3A_431 : i32 to index
      %parallel_loop3A_435 = tpu.vector_load %arg5[%parallel_loop3A_433, %parallel_loop3A_434] {strides = array<i32>} : memref<32x2048xf32, #tpu.memory_space<vmem>>, vector<16xf32>,
      tpu.vector_store %arg5[%parallel_loop3A_433, %parallel_loop3A_434], %broadcast_in_dim3A_3 {strides = array<i32>} : memref<32x2048xf32, #tpu.memory_space<vmem>>, vector<16xf32>,
      %parallel_loop3A_436 = arith.constant 16 : i32
      %parallel_loop3A_437 = arith.muli %parallel_loop3A_405, %parallel_loop3A_436 : i32
      %parallel_loop3A_438 = arith.constant 5 : i32
      %parallel_loop3A_439 = arith.index_cast %parallel_loop3A_438 : i32 to index
      %parallel_loop3A_440 = arith.index_cast %parallel_loop3A_437 : i32 to index
      %parallel_loop3A_441 = tpu.vector_load %arg5[%parallel_loop3A_439, %parallel_loop3A_440] {strides = array<i32>} : memref<32x2048xf32, #tpu.memory_space<vmem>>, vector<16xf32>,
      tpu.vector_store %arg5[%parallel_loop3A_439, %parallel_loop3A_440], %broadcast_in_dim3A_3 {strides = array<i32>} : memref<32x2048xf32, #tpu.memory_space<vmem>>, vector<16xf32>,
      %parallel_loop3A_442 = arith.constant 16 : i32
      %parallel_loop3A_443 = arith.muli %parallel_loop3A_405, %parallel_loop3A_442 : i32
      %parallel_loop3A_444 = arith.constant 6 : i32
      %parallel_loop3A_445 = arith.index_cast %parallel_loop3A_444 : i32 to index
      %parallel_loop3A_446 = arith.index_cast %parallel_loop3A_443 : i32 to index
      %parallel_loop3A_447 = tpu.vector_load %arg5[%parallel_loop3A_445, %parallel_loop3A_446] {strides = array<i32>} : memref<32x2048xf32, #tpu.memory_space<vmem>>, vector<16xf32>,
      tpu.vector_store %arg5[%parallel_loop3A_445, %parallel_loop3A_446], %broadcast_in_dim3A_3 {strides = array<i32>} : memref<32x2048xf32, #tpu.memory_space<vmem>>, vector<16xf32>,
      %parallel_loop3A_448 = arith.constant 16 : i32
      %parallel_loop3A_449 = arith.muli %parallel_loop3A_405, %parallel_loop3A_448 : i32
      %parallel_loop3A_450 = arith.constant 7 : i32
      %parallel_loop3A_451 = arith.index_cast %parallel_loop3A_450 : i32 to index
      %parallel_loop3A_452 = arith.index_cast %parallel_loop3A_449 : i32 to index
      %parallel_loop3A_453 = tpu.vector_load %arg5[%parallel_loop3A_451, %parallel_loop3A_452] {strides = array<i32>} : memref<32x2048xf32, #tpu.memory_space<vmem>>, vector<16xf32>,
      tpu.vector_store %arg5[%parallel_loop3A_451, %parallel_loop3A_452], %broadcast_in_dim3A_3 {strides = array<i32>} : memref<32x2048xf32, #tpu.memory_space<vmem>>, vector<16xf32>,
      %parallel_loop3A_454 = arith.constant 16 : i32
      %parallel_loop3A_455 = arith.muli %parallel_loop3A_405, %parallel_loop3A_454 : i32
      %parallel_loop3A_456 = arith.constant 8 : i32
      %parallel_loop3A_457 = arith.index_cast %parallel_loop3A_456 : i32 to index
      %parallel_loop3A_458 = arith.index_cast %parallel_loop3A_455 : i32 to index
      %parallel_loop3A_459 = tpu.vector_load %arg5[%parallel_loop3A_457, %parallel_loop3A_458] {strides = array<i32>} : memref<32x2048xf32, #tpu.memory_space<vmem>>, vector<16xf32>,
      tpu.vector_store %arg5[%parallel_loop3A_457, %parallel_loop3A_458], %broadcast_in_dim3A_3 {strides = array<i32>} : memref<32x2048xf32, #tpu.memory_space<vmem>>, vector<16xf32>,
      %parallel_loop3A_460 = arith.constant 16 : i32
      %parallel_loop3A_461 = arith.muli %parallel_loop3A_405, %parallel_loop3A_460 : i32
      %parallel_loop3A_462 = arith.constant 9 : i32
      %parallel_loop3A_463 = arith.index_cast %parallel_loop3A_462 : i32 to index
      %parallel_loop3A_464 = arith.index_cast %parallel_loop3A_461 : i32 to index
      %parallel_loop3A_465 = tpu.vector_load %arg5[%parallel_loop3A_463, %parallel_loop3A_464] {strides = array<i32>} : memref<32x2048xf32, #tpu.memory_space<vmem>>, vector<16xf32>,
      tpu.vector_store %arg5[%parallel_loop3A_463, %parallel_loop3A_464], %broadcast_in_dim3A_3 {strides = array<i32>} : memref<32x2048xf32, #tpu.memory_space<vmem>>, vector<16xf32>,
      %parallel_loop3A_466 = arith.constant 16 : i32
      %parallel_loop3A_467 = arith.muli %parallel_loop3A_405, %parallel_loop3A_466 : i32
      %parallel_loop3A_468 = arith.constant 10 : i32
      %parallel_loop3A_469 = arith.index_cast %parallel_loop3A_468 : i32 to index
      %parallel_loop3A_470 = arith.index_cast %parallel_loop3A_467 : i32 to index
      %parallel_loop3A_471 = tpu.vector_load %arg5[%parallel_loop3A_469, %parallel_loop3A_470] {strides = array<i32>} : memref<32x2048xf32, #tpu.memory_space<vmem>>, vector<16xf32>,
      tpu.vector_store %arg5[%parallel_loop3A_469, %parallel_loop3A_470], %broadcast_in_dim3A_3 {strides = array<i32>} : memref<32x2048xf32, #tpu.memory_space<vmem>>, vector<16xf32>,
      %parallel_loop3A_472 = arith.constant 16 : i32
      %parallel_loop3A_473 = arith.muli %parallel_loop3A_405, %parallel_loop3A_472 : i32
      %parallel_loop3A_474 = arith.constant 11 : i32
      %parallel_loop3A_475 = arith.index_cast %parallel_loop3A_474 : i32 to index
      %parallel_loop3A_476 = arith.index_cast %parallel_loop3A_473 : i32 to index
      %parallel_loop3A_477 = tpu.vector_load %arg5[%parallel_loop3A_475, %parallel_loop3A_476] {strides = array<i32>} : memref<32x2048xf32, #tpu.memory_space<vmem>>, vector<16xf32>,
      tpu.vector_store %arg5[%parallel_loop3A_475, %parallel_loop3A_476], %broadcast_in_dim3A_3 {strides = array<i32>} : memref<32x2048xf32, #tpu.memory_space<vmem>>, vector<16xf32>,
      %parallel_loop3A_478 = arith.constant 16 : i32
      %parallel_loop3A_479 = arith.muli %parallel_loop3A_405, %parallel_loop3A_478 : i32
      %parallel_loop3A_480 = arith.constant 12 : i32
      %parallel_loop3A_481 = arith.index_cast %parallel_loop3A_480 : i32 to index
      %parallel_loop3A_482 = arith.index_cast %parallel_loop3A_479 : i32 to index
      %parallel_loop3A_483 = tpu.vector_load %arg5[%parallel_loop3A_481, %parallel_loop3A_482] {strides = array<i32>} : memref<32x2048xf32, #tpu.memory_space<vmem>>, vector<16xf32>,
      tpu.vector_store %arg5[%parallel_loop3A_481, %parallel_loop3A_482], %broadcast_in_dim3A_3 {strides = array<i32>} : memref<32x2048xf32, #tpu.memory_space<vmem>>, vector<16xf32>,
      %parallel_loop3A_484 = arith.constant 16 : i32
      %parallel_loop3A_485 = arith.muli %parallel_loop3A_405, %parallel_loop3A_484 : i32
      %parallel_loop3A_486 = arith.constant 13 : i32
      %parallel_loop3A_487 = arith.index_cast %parallel_loop3A_486 : i32 to index
      %parallel_loop3A_488 = arith.index_cast %parallel_loop3A_485 : i32 to index
      %parallel_loop3A_489 = tpu.vector_load %arg5[%parallel_loop3A_487, %parallel_loop3A_488] {strides = array<i32>} : memref<32x2048xf32, #tpu.memory_space<vmem>>, vector<16xf32>,
      tpu.vector_store %arg5[%parallel_loop3A_487, %parallel_loop3A_488], %broadcast_in_dim3A_3 {strides = array<i32>} : memref<32x2048xf32, #tpu.memory_space<vmem>>, vector<16xf32>,
      %parallel_loop3A_490 = arith.constant 16 : i32
      %parallel_loop3A_491 = arith.muli %parallel_loop3A_405, %parallel_loop3A_490 : i32
      %parallel_loop3A_492 = arith.constant 14 : i32
      %parallel_loop3A_493 = arith.index_cast %parallel_loop3A_492 : i32 to index
      %parallel_loop3A_494 = arith.index_cast %parallel_loop3A_491 : i32 to index
      %parallel_loop3A_495 = tpu.vector_load %arg5[%parallel_loop3A_493, %parallel_loop3A_494] {strides = array<i32>} : memref<32x2048xf32, #tpu.memory_space<vmem>>, vector<16xf32>,
      tpu.vector_store %arg5[%parallel_loop3A_493, %parallel_loop3A_494], %broadcast_in_dim3A_3 {strides = array<i32>} : memref<32x2048xf32, #tpu.memory_space<vmem>>, vector<16xf32>,
      %parallel_loop3A_496 = arith.constant 16 : i32
      %parallel_loop3A_497 = arith.muli %parallel_loop3A_405, %parallel_loop3A_496 : i32
      %parallel_loop3A_498 = arith.constant 15 : i32
      %parallel_loop3A_499 = arith.index_cast %parallel_loop3A_498 : i32 to index
      %parallel_loop3A_500 = arith.index_cast %parallel_loop3A_497 : i32 to index
      %parallel_loop3A_501 = tpu.vector_load %arg5[%parallel_loop3A_499, %parallel_loop3A_500] {strides = array<i32>} : memref<32x2048xf32, #tpu.memory_space<vmem>>, vector<16xf32>,
      tpu.vector_store %arg5[%parallel_loop3A_499, %parallel_loop3A_500], %broadcast_in_dim3A_3 {strides = array<i32>} : memref<32x2048xf32, #tpu.memory_space<vmem>>, vector<16xf32>,
      %parallel_loop3A_502 = arith.constant 16 : i32
      %parallel_loop3A_503 = arith.muli %parallel_loop3A_405, %parallel_loop3A_502 : i32
      %parallel_loop3A_504 = arith.constant 16 : i32
      %parallel_loop3A_505 = arith.index_cast %parallel_loop3A_504 : i32 to index
      %parallel_loop3A_506 = arith.index_cast %parallel_loop3A_503 : i32 to index
      %parallel_loop3A_507 = tpu.vector_load %arg5[%parallel_loop3A_505, %parallel_loop3A_506] {strides = array<i32>} : memref<32x2048xf32, #tpu.memory_space<vmem>>, vector<16xf32>,
      tpu.vector_store %arg5[%parallel_loop3A_505, %parallel_loop3A_506], %broadcast_in_dim3A_3 {strides = array<i32>} : memref<32x2048xf32, #tpu.memory_space<vmem>>, vector<16xf32>,
      %parallel_loop3A_508 = arith.constant 16 : i32
      %parallel_loop3A_509 = arith.muli %parallel_loop3A_405, %parallel_loop3A_508 : i32
      %parallel_loop3A_510 = arith.constant 17 : i32
      %parallel_loop3A_511 = arith.index_cast %parallel_loop3A_510 : i32 to index
      %parallel_loop3A_512 = arith.index_cast %parallel_loop3A_509 : i32 to index
      %parallel_loop3A_513 = tpu.vector_load %arg5[%parallel_loop3A_511, %parallel_loop3A_512] {strides = array<i32>} : memref<32x2048xf32, #tpu.memory_space<vmem>>, vector<16xf32>,
      tpu.vector_store %arg5[%parallel_loop3A_511, %parallel_loop3A_512], %broadcast_in_dim3A_3 {strides = array<i32>} : memref<32x2048xf32, #tpu.memory_space<vmem>>, vector<16xf32>,
      %parallel_loop3A_514 = arith.constant 16 : i32
      %parallel_loop3A_515 = arith.muli %parallel_loop3A_405, %parallel_loop3A_514 : i32
      %parallel_loop3A_516 = arith.constant 18 : i32
      %parallel_loop3A_517 = arith.index_cast %parallel_loop3A_516 : i32 to index
      %parallel_loop3A_518 = arith.index_cast %parallel_loop3A_515 : i32 to index
      %parallel_loop3A_519 = tpu.vector_load %arg5[%parallel_loop3A_517, %parallel_loop3A_518] {strides = array<i32>} : memref<32x2048xf32, #tpu.memory_space<vmem>>, vector<16xf32>,
      tpu.vector_store %arg5[%parallel_loop3A_517, %parallel_loop3A_518], %broadcast_in_dim3A_3 {strides = array<i32>} : memref<32x2048xf32, #tpu.memory_space<vmem>>, vector<16xf32>,
      %parallel_loop3A_520 = arith.constant 16 : i32
      %parallel_loop3A_521 = arith.muli %parallel_loop3A_405, %parallel_loop3A_520 : i32
      %parallel_loop3A_522 = arith.constant 19 : i32
      %parallel_loop3A_523 = arith.index_cast %parallel_loop3A_522 : i32 to index
      %parallel_loop3A_524 = arith.index_cast %parallel_loop3A_521 : i32 to index
      %parallel_loop3A_525 = tpu.vector_load %arg5[%parallel_loop3A_523, %parallel_loop3A_524] {strides = array<i32>} : memref<32x2048xf32, #tpu.memory_space<vmem>>, vector<16xf32>,
      tpu.vector_store %arg5[%parallel_loop3A_523, %parallel_loop3A_524], %broadcast_in_dim3A_3 {strides = array<i32>} : memref<32x2048xf32, #tpu.memory_space<vmem>>, vector<16xf32>,
      %parallel_loop3A_526 = arith.constant 16 : i32
      %parallel_loop3A_527 = arith.muli %parallel_loop3A_405, %parallel_loop3A_526 : i32
      %parallel_loop3A_528 = arith.constant 20 : i32
      %parallel_loop3A_529 = arith.index_cast %parallel_loop3A_528 : i32 to index
      %parallel_loop3A_530 = arith.index_cast %parallel_loop3A_527 : i32 to index
      %parallel_loop3A_531 = tpu.vector_load %arg5[%parallel_loop3A_529, %parallel_loop3A_530] {strides = array<i32>} : memref<32x2048xf32, #tpu.memory_space<vmem>>, vector<16xf32>,
      tpu.vector_store %arg5[%parallel_loop3A_529, %parallel_loop3A_530], %broadcast_in_dim3A_3 {strides = array<i32>} : memref<32x2048xf32, #tpu.memory_space<vmem>>, vector<16xf32>,
      %parallel_loop3A_532 = arith.constant 16 : i32
      %parallel_loop3A_533 = arith.muli %parallel_loop3A_405, %parallel_loop3A_532 : i32
      %parallel_loop3A_534 = arith.constant 21 : i32
      %parallel_loop3A_535 = arith.index_cast %parallel_loop3A_534 : i32 to index
      %parallel_loop3A_536 = arith.index_cast %parallel_loop3A_533 : i32 to index
      %parallel_loop3A_537 = tpu.vector_load %arg5[%parallel_loop3A_535, %parallel_loop3A_536] {strides = array<i32>} : memref<32x2048xf32, #tpu.memory_space<vmem>>, vector<16xf32>,
      tpu.vector_store %arg5[%parallel_loop3A_535, %parallel_loop3A_536], %broadcast_in_dim3A_3 {strides = array<i32>} : memref<32x2048xf32, #tpu.memory_space<vmem>>, vector<16xf32>,
      %parallel_loop3A_538 = arith.constant 16 : i32
      %parallel_loop3A_539 = arith.muli %parallel_loop3A_405, %parallel_loop3A_538 : i32
      %parallel_loop3A_540 = arith.constant 22 : i32
      %parallel_loop3A_541 = arith.index_cast %parallel_loop3A_540 : i32 to index
      %parallel_loop3A_542 = arith.index_cast %parallel_loop3A_539 : i32 to index
      %parallel_loop3A_543 = tpu.vector_load %arg5[%parallel_loop3A_541, %parallel_loop3A_542] {strides = array<i32>} : memref<32x2048xf32, #tpu.memory_space<vmem>>, vector<16xf32>,
      tpu.vector_store %arg5[%parallel_loop3A_541, %parallel_loop3A_542], %broadcast_in_dim3A_3 {strides = array<i32>} : memref<32x2048xf32, #tpu.memory_space<vmem>>, vector<16xf32>,
      %parallel_loop3A_544 = arith.constant 16 : i32
      %parallel_loop3A_545 = arith.muli %parallel_loop3A_405, %parallel_loop3A_544 : i32
      %parallel_loop3A_546 = arith.constant 23 : i32
      %parallel_loop3A_547 = arith.index_cast %parallel_loop3A_546 : i32 to index
      %parallel_loop3A_548 = arith.index_cast %parallel_loop3A_545 : i32 to index
      %parallel_loop3A_549 = tpu.vector_load %arg5[%parallel_loop3A_547, %parallel_loop3A_548] {strides = array<i32>} : memref<32x2048xf32, #tpu.memory_space<vmem>>, vector<16xf32>,
      tpu.vector_store %arg5[%parallel_loop3A_547, %parallel_loop3A_548], %broadcast_in_dim3A_3 {strides = array<i32>} : memref<32x2048xf32, #tpu.memory_space<vmem>>, vector<16xf32>,
      %parallel_loop3A_550 = arith.constant 16 : i32
      %parallel_loop3A_551 = arith.muli %parallel_loop3A_405, %parallel_loop3A_550 : i32
      %parallel_loop3A_552 = arith.constant 24 : i32
      %parallel_loop3A_553 = arith.index_cast %parallel_loop3A_552 : i32 to index
      %parallel_loop3A_554 = arith.index_cast %parallel_loop3A_551 : i32 to index
      %parallel_loop3A_555 = tpu.vector_load %arg5[%parallel_loop3A_553, %parallel_loop3A_554] {strides = array<i32>} : memref<32x2048xf32, #tpu.memory_space<vmem>>, vector<16xf32>,
      tpu.vector_store %arg5[%parallel_loop3A_553, %parallel_loop3A_554], %broadcast_in_dim3A_3 {strides = array<i32>} : memref<32x2048xf32, #tpu.memory_space<vmem>>, vector<16xf32>,
      %parallel_loop3A_556 = arith.constant 16 : i32
      %parallel_loop3A_557 = arith.muli %parallel_loop3A_405, %parallel_loop3A_556 : i32
      %parallel_loop3A_558 = arith.constant 25 : i32
      %parallel_loop3A_559 = arith.index_cast %parallel_loop3A_558 : i32 to index
      %parallel_loop3A_560 = arith.index_cast %parallel_loop3A_557 : i32 to index
      %parallel_loop3A_561 = tpu.vector_load %arg5[%parallel_loop3A_559, %parallel_loop3A_560] {strides = array<i32>} : memref<32x2048xf32, #tpu.memory_space<vmem>>, vector<16xf32>,
      tpu.vector_store %arg5[%parallel_loop3A_559, %parallel_loop3A_560], %broadcast_in_dim3A_3 {strides = array<i32>} : memref<32x2048xf32, #tpu.memory_space<vmem>>, vector<16xf32>,
      %parallel_loop3A_562 = arith.constant 16 : i32
      %parallel_loop3A_563 = arith.muli %parallel_loop3A_405, %parallel_loop3A_562 : i32
      %parallel_loop3A_564 = arith.constant 26 : i32
      %parallel_loop3A_565 = arith.index_cast %parallel_loop3A_564 : i32 to index
      %parallel_loop3A_566 = arith.index_cast %parallel_loop3A_563 : i32 to index
      %parallel_loop3A_567 = tpu.vector_load %arg5[%parallel_loop3A_565, %parallel_loop3A_566] {strides = array<i32>} : memref<32x2048xf32, #tpu.memory_space<vmem>>, vector<16xf32>,
      tpu.vector_store %arg5[%parallel_loop3A_565, %parallel_loop3A_566], %broadcast_in_dim3A_3 {strides = array<i32>} : memref<32x2048xf32, #tpu.memory_space<vmem>>, vector<16xf32>,
      %parallel_loop3A_568 = arith.constant 16 : i32
      %parallel_loop3A_569 = arith.muli %parallel_loop3A_405, %parallel_loop3A_568 : i32
      %parallel_loop3A_570 = arith.constant 27 : i32
      %parallel_loop3A_571 = arith.index_cast %parallel_loop3A_570 : i32 to index
      %parallel_loop3A_572 = arith.index_cast %parallel_loop3A_569 : i32 to index
      %parallel_loop3A_573 = tpu.vector_load %arg5[%parallel_loop3A_571, %parallel_loop3A_572] {strides = array<i32>} : memref<32x2048xf32, #tpu.memory_space<vmem>>, vector<16xf32>,
      tpu.vector_store %arg5[%parallel_loop3A_571, %parallel_loop3A_572], %broadcast_in_dim3A_3 {strides = array<i32>} : memref<32x2048xf32, #tpu.memory_space<vmem>>, vector<16xf32>,
      %parallel_loop3A_574 = arith.constant 16 : i32
      %parallel_loop3A_575 = arith.muli %parallel_loop3A_405, %parallel_loop3A_574 : i32
      %parallel_loop3A_576 = arith.constant 28 : i32
      %parallel_loop3A_577 = arith.index_cast %parallel_loop3A_576 : i32 to index
      %parallel_loop3A_578 = arith.index_cast %parallel_loop3A_575 : i32 to index
      %parallel_loop3A_579 = tpu.vector_load %arg5[%parallel_loop3A_577, %parallel_loop3A_578] {strides = array<i32>} : memref<32x2048xf32, #tpu.memory_space<vmem>>, vector<16xf32>,
      tpu.vector_store %arg5[%parallel_loop3A_577, %parallel_loop3A_578], %broadcast_in_dim3A_3 {strides = array<i32>} : memref<32x2048xf32, #tpu.memory_space<vmem>>, vector<16xf32>,
      %parallel_loop3A_580 = arith.constant 16 : i32
      %parallel_loop3A_581 = arith.muli %parallel_loop3A_405, %parallel_loop3A_580 : i32
      %parallel_loop3A_582 = arith.constant 29 : i32
      %parallel_loop3A_583 = arith.index_cast %parallel_loop3A_582 : i32 to index
      %parallel_loop3A_584 = arith.index_cast %parallel_loop3A_581 : i32 to index
      %parallel_loop3A_585 = tpu.vector_load %arg5[%parallel_loop3A_583, %parallel_loop3A_584] {strides = array<i32>} : memref<32x2048xf32, #tpu.memory_space<vmem>>, vector<16xf32>,
      tpu.vector_store %arg5[%parallel_loop3A_583, %parallel_loop3A_584], %broadcast_in_dim3A_3 {strides = array<i32>} : memref<32x2048xf32, #tpu.memory_space<vmem>>, vector<16xf32>,
      %parallel_loop3A_586 = arith.constant 16 : i32
      %parallel_loop3A_587 = arith.muli %parallel_loop3A_405, %parallel_loop3A_586 : i32
      %parallel_loop3A_588 = arith.constant 30 : i32
      %parallel_loop3A_589 = arith.index_cast %parallel_loop3A_588 : i32 to index
      %parallel_loop3A_590 = arith.index_cast %parallel_loop3A_587 : i32 to index
      %parallel_loop3A_591 = tpu.vector_load %arg5[%parallel_loop3A_589, %parallel_loop3A_590] {strides = array<i32>} : memref<32x2048xf32, #tpu.memory_space<vmem>>, vector<16xf32>,
      tpu.vector_store %arg5[%parallel_loop3A_589, %parallel_loop3A_590], %broadcast_in_dim3A_3 {strides = array<i32>} : memref<32x2048xf32, #tpu.memory_space<vmem>>, vector<16xf32>,
      %parallel_loop3A_592 = arith.constant 16 : i32
      %parallel_loop3A_593 = arith.muli %parallel_loop3A_405, %parallel_loop3A_592 : i32
      %parallel_loop3A_594 = arith.constant 31 : i32
      %parallel_loop3A_595 = arith.index_cast %parallel_loop3A_594 : i32 to index
      %parallel_loop3A_596 = arith.index_cast %parallel_loop3A_593 : i32 to index
      %parallel_loop3A_597 = tpu.vector_load %arg5[%parallel_loop3A_595, %parallel_loop3A_596] {strides = array<i32>} : memref<32x2048xf32, #tpu.memory_space<vmem>>, vector<16xf32>,
      tpu.vector_store %arg5[%parallel_loop3A_595, %parallel_loop3A_596], %broadcast_in_dim3A_3 {strides = array<i32>} : memref<32x2048xf32, #tpu.memory_space<vmem>>, vector<16xf32>,
    } {sc.loop_unroll_factor = 2 : i64, sc.parallel_access}
    %dma_wait3A_217 = arith.constant 0 : i32
    %dma_wait3A_218 = tpu.memref_slice %arg2[%dma_wait3A_217] : memref<65536xi32, #tpu.memory_space<hbm>> -> memref<8192xi32, #tpu.memory_space<hbm>>
    %dma_wait3A_219 = arith.constant 0 : i32
    %dma_wait3A_220 = tpu.memref_slice %arg2[%dma_wait3A_219] : memref<65536xi32, #tpu.memory_space<hbm>> -> memref<8192xi32, #tpu.memory_space<hbm>>
    tpu.wait_dma2 semaphore(%arg10 : memref<!tpu.dma_semaphore, #tpu.memory_space<semaphore_mem>>) src(%dma_wait3A_220 : memref<8192xi32, #tpu.memory_space<hbm>>) dst(%arg6 : memref<8192xi32, #tpu.memory_space<vmem>>)
    %dma_wait3A_221 = arith.constant 0 : i32
    %dma_wait3A_222 = tpu.memref_slice %arg3[%dma_wait3A_221] : memref<65536xi32, #tpu.memory_space<hbm>> -> memref<8192xi32, #tpu.memory_space<hbm>>
    %dma_wait3A_223 = arith.constant 0 : i32
    %dma_wait3A_224 = tpu.memref_slice %arg3[%dma_wait3A_223] : memref<65536xi32, #tpu.memory_space<hbm>> -> memref<8192xi32, #tpu.memory_space<hbm>>
    tpu.wait_dma2 semaphore(%arg10 : memref<!tpu.dma_semaphore, #tpu.memory_space<semaphore_mem>>) src(%dma_wait3A_224 : memref<8192xi32, #tpu.memory_space<hbm>>) dst(%arg7 : memref<8192xi32, #tpu.memory_space<vmem>>)
    %dma_start3A_225 = arith.constant 8192 : i32
    %dma_start3A_226 = tpu.memref_slice %arg2[%dma_start3A_225] : memref<65536xi32, #tpu.memory_space<hbm>> -> memref<8192xi32, #tpu.memory_space<hbm>>
    %dma_start3A_227 = arith.constant 8192 : i32
    %dma_start3A_228 = tpu.memref_slice %arg2[%dma_start3A_227] : memref<65536xi32, #tpu.memory_space<hbm>> -> memref<8192xi32, #tpu.memory_space<hbm>>
    tpu.enqueue_dma source(%dma_start3A_228 : memref<8192xi32, #tpu.memory_space<hbm>>) target(%arg8 : memref<8192xi32, #tpu.memory_space<vmem>>) target_semaphore(%arg11 : memref<!tpu.dma_semaphore, #tpu.memory_space<semaphore_mem>>)
    %dma_start3A_229 = arith.constant 8192 : i32
    %dma_start3A_230 = tpu.memref_slice %arg3[%dma_start3A_229] : memref<65536xi32, #tpu.memory_space<hbm>> -> memref<8192xi32, #tpu.memory_space<hbm>>
    %dma_start3A_231 = arith.constant 8192 : i32
    %dma_start3A_232 = tpu.memref_slice %arg3[%dma_start3A_231] : memref<65536xi32, #tpu.memory_space<hbm>> -> memref<8192xi32, #tpu.memory_space<hbm>>
    tpu.enqueue_dma source(%dma_start3A_232 : memref<8192xi32, #tpu.memory_space<hbm>>) target(%arg9 : memref<8192xi32, #tpu.memory_space<vmem>>) target_semaphore(%arg11 : memref<!tpu.dma_semaphore, #tpu.memory_space<semaphore_mem>>)
    %scan3A_233 = arith.constant 0 : i32
    %scan3A_234 = arith.constant 0 : i32
    %scan3A_235 = arith.constant 512 : i32
    %scan3A_236 = arith.addi %scan3A_234, %scan3A_235 : i32
    %scan3A_237 = arith.constant 8 : i32
    %scan3A_238 = scf.for %scan3A_405 = %scan3A_234 to %scan3A_236 step %scan3A_237 iter_args(%scan3A_406 = %scan3A_233) -> (i32)  : i32 {
      %mul3A_407 = arith.constant 16 : i32
      %mul3A_408 = arith.muli %scan3A_405, %mul3A_407 : i32
      %get3A = arith.index_cast %mul3A_408 : i32 to index
      %get3A_409 = tpu.vector_load %arg6[%get3A] {strides = array<i32>} : memref<8192xi32, #tpu.memory_space<vmem>>, vector<16xi32>,
      %mul3A_410 = arith.constant 16 : i32
      %mul3A_411 = arith.muli %scan3A_405, %mul3A_410 : i32
      %get3A_412 = arith.index_cast %mul3A_411 : i32 to index
      %get3A_413 = tpu.vector_load %arg7[%get3A_412] {strides = array<i32>} : memref<8192xi32, #tpu.memory_space<vmem>>, vector<16xi32>,
      %sub3A = vector.broadcast %mul3A_213 : i32 to vector<16xi32>
      %sub3A_414 = arith.subi %get3A_409, %sub3A : vector<16xi32>
      %ge3A = arith.constant 0 : i32
      %ge3A_415 = vector.broadcast %ge3A : i32 to vector<16xi32>
      %ge3A_416 = arith.cmpi sge, %sub3A_414, %ge3A_415 : vector<16xi32>
      %lt3A = arith.constant 32 : i32
      %lt3A_417 = vector.broadcast %lt3A : i32 to vector<16xi32>
      %lt3A_418 = arith.cmpi slt, %sub3A_414, %lt3A_417 : vector<16xi32>
      %and3A = arith.andi %ge3A_416, %lt3A_418 : vector<16xi1>
      %and3A_419 = arith.constant 31 : i32
      %and3A_420 = vector.broadcast %and3A_419 : i32 to vector<16xi32>
      %and3A_421 = arith.andi %sub3A_414, %and3A_420 : vector<16xi32>
      tpu.vector_store_idx %arg5[%and3A_421, %get3A_413], %broadcast_in_dim3A_1 masked %and3A {add = true} : memref<32x2048xf32, #tpu.memory_space<vmem>>[vector<16xi32>, vector<16xi32>], vector<16xf32>, vector<16xi1>
      %scan3A_422 = arith.constant 0 : i32
      %scan3A_423 = arith.constant 1 : i32
      %scan3A_424 = arith.addi %scan3A_405, %scan3A_423 : i32
      %mul3A_425 = arith.constant 16 : i32
      %mul3A_426 = arith.muli %scan3A_424, %mul3A_425 : i32
      %get3A_427 = arith.index_cast %mul3A_426 : i32 to index
      %get3A_428 = tpu.vector_load %arg6[%get3A_427] {strides = array<i32>} : memref<8192xi32, #tpu.memory_space<vmem>>, vector<16xi32>,
      %mul3A_429 = arith.constant 16 : i32
      %mul3A_430 = arith.muli %scan3A_424, %mul3A_429 : i32
      %get3A_431 = arith.index_cast %mul3A_430 : i32 to index
      %get3A_432 = tpu.vector_load %arg7[%get3A_431] {strides = array<i32>} : memref<8192xi32, #tpu.memory_space<vmem>>, vector<16xi32>,
      %sub3A_433 = vector.broadcast %mul3A_213 : i32 to vector<16xi32>
      %sub3A_434 = arith.subi %get3A_428, %sub3A_433 : vector<16xi32>
      %ge3A_435 = arith.constant 0 : i32
      %ge3A_436 = vector.broadcast %ge3A_435 : i32 to vector<16xi32>
      %ge3A_437 = arith.cmpi sge, %sub3A_434, %ge3A_436 : vector<16xi32>
      %lt3A_438 = arith.constant 32 : i32
      %lt3A_439 = vector.broadcast %lt3A_438 : i32 to vector<16xi32>
      %lt3A_440 = arith.cmpi slt, %sub3A_434, %lt3A_439 : vector<16xi32>
      %and3A_441 = arith.andi %ge3A_437, %lt3A_440 : vector<16xi1>
      %and3A_442 = arith.constant 31 : i32
      %and3A_443 = vector.broadcast %and3A_442 : i32 to vector<16xi32>
      %and3A_444 = arith.andi %sub3A_434, %and3A_443 : vector<16xi32>
      tpu.vector_store_idx %arg5[%and3A_444, %get3A_432], %broadcast_in_dim3A_1 masked %and3A_441 {add = true} : memref<32x2048xf32, #tpu.memory_space<vmem>>[vector<16xi32>, vector<16xi32>], vector<16xf32>, vector<16xi1>
      %scan3A_445 = arith.constant 0 : i32
      %scan3A_446 = arith.constant 2 : i32
      %scan3A_447 = arith.addi %scan3A_405, %scan3A_446 : i32
      %mul3A_448 = arith.constant 16 : i32
      %mul3A_449 = arith.muli %scan3A_447, %mul3A_448 : i32
      %get3A_450 = arith.index_cast %mul3A_449 : i32 to index
      %get3A_451 = tpu.vector_load %arg6[%get3A_450] {strides = array<i32>} : memref<8192xi32, #tpu.memory_space<vmem>>, vector<16xi32>,
      %mul3A_452 = arith.constant 16 : i32
      %mul3A_453 = arith.muli %scan3A_447, %mul3A_452 : i32
      %get3A_454 = arith.index_cast %mul3A_453 : i32 to index
      %get3A_455 = tpu.vector_load %arg7[%get3A_454] {strides = array<i32>} : memref<8192xi32, #tpu.memory_space<vmem>>, vector<16xi32>,
      %sub3A_456 = vector.broadcast %mul3A_213 : i32 to vector<16xi32>
      %sub3A_457 = arith.subi %get3A_451, %sub3A_456 : vector<16xi32>
      %ge3A_458 = arith.constant 0 : i32
      %ge3A_459 = vector.broadcast %ge3A_458 : i32 to vector<16xi32>
      %ge3A_460 = arith.cmpi sge, %sub3A_457, %ge3A_459 : vector<16xi32>
      %lt3A_461 = arith.constant 32 : i32
      %lt3A_462 = vector.broadcast %lt3A_461 : i32 to vector<16xi32>
      %lt3A_463 = arith.cmpi slt, %sub3A_457, %lt3A_462 : vector<16xi32>
      %and3A_464 = arith.andi %ge3A_460, %lt3A_463 : vector<16xi1>
      %and3A_465 = arith.constant 31 : i32
      %and3A_466 = vector.broadcast %and3A_465 : i32 to vector<16xi32>
      %and3A_467 = arith.andi %sub3A_457, %and3A_466 : vector<16xi32>
      tpu.vector_store_idx %arg5[%and3A_467, %get3A_455], %broadcast_in_dim3A_1 masked %and3A_464 {add = true} : memref<32x2048xf32, #tpu.memory_space<vmem>>[vector<16xi32>, vector<16xi32>], vector<16xf32>, vector<16xi1>
      %scan3A_468 = arith.constant 0 : i32
      %scan3A_469 = arith.constant 3 : i32
      %scan3A_470 = arith.addi %scan3A_405, %scan3A_469 : i32
      %mul3A_471 = arith.constant 16 : i32
      %mul3A_472 = arith.muli %scan3A_470, %mul3A_471 : i32
      %get3A_473 = arith.index_cast %mul3A_472 : i32 to index
      %get3A_474 = tpu.vector_load %arg6[%get3A_473] {strides = array<i32>} : memref<8192xi32, #tpu.memory_space<vmem>>, vector<16xi32>,
      %mul3A_475 = arith.constant 16 : i32
      %mul3A_476 = arith.muli %scan3A_470, %mul3A_475 : i32
      %get3A_477 = arith.index_cast %mul3A_476 : i32 to index
      %get3A_478 = tpu.vector_load %arg7[%get3A_477] {strides = array<i32>} : memref<8192xi32, #tpu.memory_space<vmem>>, vector<16xi32>,
      %sub3A_479 = vector.broadcast %mul3A_213 : i32 to vector<16xi32>
      %sub3A_480 = arith.subi %get3A_474, %sub3A_479 : vector<16xi32>
      %ge3A_481 = arith.constant 0 : i32
      %ge3A_482 = vector.broadcast %ge3A_481 : i32 to vector<16xi32>
      %ge3A_483 = arith.cmpi sge, %sub3A_480, %ge3A_482 : vector<16xi32>
      %lt3A_484 = arith.constant 32 : i32
      %lt3A_485 = vector.broadcast %lt3A_484 : i32 to vector<16xi32>
      %lt3A_486 = arith.cmpi slt, %sub3A_480, %lt3A_485 : vector<16xi32>
      %and3A_487 = arith.andi %ge3A_483, %lt3A_486 : vector<16xi1>
      %and3A_488 = arith.constant 31 : i32
      %and3A_489 = vector.broadcast %and3A_488 : i32 to vector<16xi32>
      %and3A_490 = arith.andi %sub3A_480, %and3A_489 : vector<16xi32>
      tpu.vector_store_idx %arg5[%and3A_490, %get3A_478], %broadcast_in_dim3A_1 masked %and3A_487 {add = true} : memref<32x2048xf32, #tpu.memory_space<vmem>>[vector<16xi32>, vector<16xi32>], vector<16xf32>, vector<16xi1>
      %scan3A_491 = arith.constant 0 : i32
      %scan3A_492 = arith.constant 4 : i32
      %scan3A_493 = arith.addi %scan3A_405, %scan3A_492 : i32
      %mul3A_494 = arith.constant 16 : i32
      %mul3A_495 = arith.muli %scan3A_493, %mul3A_494 : i32
      %get3A_496 = arith.index_cast %mul3A_495 : i32 to index
      %get3A_497 = tpu.vector_load %arg6[%get3A_496] {strides = array<i32>} : memref<8192xi32, #tpu.memory_space<vmem>>, vector<16xi32>,
      %mul3A_498 = arith.constant 16 : i32
      %mul3A_499 = arith.muli %scan3A_493, %mul3A_498 : i32
      %get3A_500 = arith.index_cast %mul3A_499 : i32 to index
      %get3A_501 = tpu.vector_load %arg7[%get3A_500] {strides = array<i32>} : memref<8192xi32, #tpu.memory_space<vmem>>, vector<16xi32>,
      %sub3A_502 = vector.broadcast %mul3A_213 : i32 to vector<16xi32>
      %sub3A_503 = arith.subi %get3A_497, %sub3A_502 : vector<16xi32>
      %ge3A_504 = arith.constant 0 : i32
      %ge3A_505 = vector.broadcast %ge3A_504 : i32 to vector<16xi32>
      %ge3A_506 = arith.cmpi sge, %sub3A_503, %ge3A_505 : vector<16xi32>
      %lt3A_507 = arith.constant 32 : i32
      %lt3A_508 = vector.broadcast %lt3A_507 : i32 to vector<16xi32>
      %lt3A_509 = arith.cmpi slt, %sub3A_503, %lt3A_508 : vector<16xi32>
      %and3A_510 = arith.andi %ge3A_506, %lt3A_509 : vector<16xi1>
      %and3A_511 = arith.constant 31 : i32
      %and3A_512 = vector.broadcast %and3A_511 : i32 to vector<16xi32>
      %and3A_513 = arith.andi %sub3A_503, %and3A_512 : vector<16xi32>
      tpu.vector_store_idx %arg5[%and3A_513, %get3A_501], %broadcast_in_dim3A_1 masked %and3A_510 {add = true} : memref<32x2048xf32, #tpu.memory_space<vmem>>[vector<16xi32>, vector<16xi32>], vector<16xf32>, vector<16xi1>
      %scan3A_514 = arith.constant 0 : i32
      %scan3A_515 = arith.constant 5 : i32
      %scan3A_516 = arith.addi %scan3A_405, %scan3A_515 : i32
      %mul3A_517 = arith.constant 16 : i32
      %mul3A_518 = arith.muli %scan3A_516, %mul3A_517 : i32
      %get3A_519 = arith.index_cast %mul3A_518 : i32 to index
      %get3A_520 = tpu.vector_load %arg6[%get3A_519] {strides = array<i32>} : memref<8192xi32, #tpu.memory_space<vmem>>, vector<16xi32>,
      %mul3A_521 = arith.constant 16 : i32
      %mul3A_522 = arith.muli %scan3A_516, %mul3A_521 : i32
      %get3A_523 = arith.index_cast %mul3A_522 : i32 to index
      %get3A_524 = tpu.vector_load %arg7[%get3A_523] {strides = array<i32>} : memref<8192xi32, #tpu.memory_space<vmem>>, vector<16xi32>,
      %sub3A_525 = vector.broadcast %mul3A_213 : i32 to vector<16xi32>
      %sub3A_526 = arith.subi %get3A_520, %sub3A_525 : vector<16xi32>
      %ge3A_527 = arith.constant 0 : i32
      %ge3A_528 = vector.broadcast %ge3A_527 : i32 to vector<16xi32>
      %ge3A_529 = arith.cmpi sge, %sub3A_526, %ge3A_528 : vector<16xi32>
      %lt3A_530 = arith.constant 32 : i32
      %lt3A_531 = vector.broadcast %lt3A_530 : i32 to vector<16xi32>
      %lt3A_532 = arith.cmpi slt, %sub3A_526, %lt3A_531 : vector<16xi32>
      %and3A_533 = arith.andi %ge3A_529, %lt3A_532 : vector<16xi1>
      %and3A_534 = arith.constant 31 : i32
      %and3A_535 = vector.broadcast %and3A_534 : i32 to vector<16xi32>
      %and3A_536 = arith.andi %sub3A_526, %and3A_535 : vector<16xi32>
      tpu.vector_store_idx %arg5[%and3A_536, %get3A_524], %broadcast_in_dim3A_1 masked %and3A_533 {add = true} : memref<32x2048xf32, #tpu.memory_space<vmem>>[vector<16xi32>, vector<16xi32>], vector<16xf32>, vector<16xi1>
      %scan3A_537 = arith.constant 0 : i32
      %scan3A_538 = arith.constant 6 : i32
      %scan3A_539 = arith.addi %scan3A_405, %scan3A_538 : i32
      %mul3A_540 = arith.constant 16 : i32
      %mul3A_541 = arith.muli %scan3A_539, %mul3A_540 : i32
      %get3A_542 = arith.index_cast %mul3A_541 : i32 to index
      %get3A_543 = tpu.vector_load %arg6[%get3A_542] {strides = array<i32>} : memref<8192xi32, #tpu.memory_space<vmem>>, vector<16xi32>,
      %mul3A_544 = arith.constant 16 : i32
      %mul3A_545 = arith.muli %scan3A_539, %mul3A_544 : i32
      %get3A_546 = arith.index_cast %mul3A_545 : i32 to index
      %get3A_547 = tpu.vector_load %arg7[%get3A_546] {strides = array<i32>} : memref<8192xi32, #tpu.memory_space<vmem>>, vector<16xi32>,
      %sub3A_548 = vector.broadcast %mul3A_213 : i32 to vector<16xi32>
      %sub3A_549 = arith.subi %get3A_543, %sub3A_548 : vector<16xi32>
      %ge3A_550 = arith.constant 0 : i32
      %ge3A_551 = vector.broadcast %ge3A_550 : i32 to vector<16xi32>
      %ge3A_552 = arith.cmpi sge, %sub3A_549, %ge3A_551 : vector<16xi32>
      %lt3A_553 = arith.constant 32 : i32
      %lt3A_554 = vector.broadcast %lt3A_553 : i32 to vector<16xi32>
      %lt3A_555 = arith.cmpi slt, %sub3A_549, %lt3A_554 : vector<16xi32>
      %and3A_556 = arith.andi %ge3A_552, %lt3A_555 : vector<16xi1>
      %and3A_557 = arith.constant 31 : i32
      %and3A_558 = vector.broadcast %and3A_557 : i32 to vector<16xi32>
      %and3A_559 = arith.andi %sub3A_549, %and3A_558 : vector<16xi32>
      tpu.vector_store_idx %arg5[%and3A_559, %get3A_547], %broadcast_in_dim3A_1 masked %and3A_556 {add = true} : memref<32x2048xf32, #tpu.memory_space<vmem>>[vector<16xi32>, vector<16xi32>], vector<16xf32>, vector<16xi1>
      %scan3A_560 = arith.constant 0 : i32
      %scan3A_561 = arith.constant 7 : i32
      %scan3A_562 = arith.addi %scan3A_405, %scan3A_561 : i32
      %mul3A_563 = arith.constant 16 : i32
      %mul3A_564 = arith.muli %scan3A_562, %mul3A_563 : i32
      %get3A_565 = arith.index_cast %mul3A_564 : i32 to index
      %get3A_566 = tpu.vector_load %arg6[%get3A_565] {strides = array<i32>} : memref<8192xi32, #tpu.memory_space<vmem>>, vector<16xi32>,
      %mul3A_567 = arith.constant 16 : i32
      %mul3A_568 = arith.muli %scan3A_562, %mul3A_567 : i32
      %get3A_569 = arith.index_cast %mul3A_568 : i32 to index
      %get3A_570 = tpu.vector_load %arg7[%get3A_569] {strides = array<i32>} : memref<8192xi32, #tpu.memory_space<vmem>>, vector<16xi32>,
      %sub3A_571 = vector.broadcast %mul3A_213 : i32 to vector<16xi32>
      %sub3A_572 = arith.subi %get3A_566, %sub3A_571 : vector<16xi32>
      %ge3A_573 = arith.constant 0 : i32
      %ge3A_574 = vector.broadcast %ge3A_573 : i32 to vector<16xi32>
      %ge3A_575 = arith.cmpi sge, %sub3A_572, %ge3A_574 : vector<16xi32>
      %lt3A_576 = arith.constant 32 : i32
      %lt3A_577 = vector.broadcast %lt3A_576 : i32 to vector<16xi32>
      %lt3A_578 = arith.cmpi slt, %sub3A_572, %lt3A_577 : vector<16xi32>
      %and3A_579 = arith.andi %ge3A_575, %lt3A_578 : vector<16xi1>
      %and3A_580 = arith.constant 31 : i32
      %and3A_581 = vector.broadcast %and3A_580 : i32 to vector<16xi32>
      %and3A_582 = arith.andi %sub3A_572, %and3A_581 : vector<16xi32>
      tpu.vector_store_idx %arg5[%and3A_582, %get3A_570], %broadcast_in_dim3A_1 masked %and3A_579 {add = true} : memref<32x2048xf32, #tpu.memory_space<vmem>>[vector<16xi32>, vector<16xi32>], vector<16xf32>, vector<16xi1>
      %scan3A_583 = arith.constant 0 : i32
      scf.yield %scan3A_583 : i32
    }
    %scan3A_239 = arith.constant 512 : i32
    %dma_wait3A_240 = arith.constant 8192 : i32
    %dma_wait3A_241 = tpu.memref_slice %arg2[%dma_wait3A_240] : memref<65536xi32, #tpu.memory_space<hbm>> -> memref<8192xi32, #tpu.memory_space<hbm>>
    %dma_wait3A_242 = arith.constant 8192 : i32
    %dma_wait3A_243 = tpu.memref_slice %arg2[%dma_wait3A_242] : memref<65536xi32, #tpu.memory_space<hbm>> -> memref<8192xi32, #tpu.memory_space<hbm>>
    tpu.wait_dma2 semaphore(%arg11 : memref<!tpu.dma_semaphore, #tpu.memory_space<semaphore_mem>>) src(%dma_wait3A_243 : memref<8192xi32, #tpu.memory_space<hbm>>) dst(%arg8 : memref<8192xi32, #tpu.memory_space<vmem>>)
    %dma_wait3A_244 = arith.constant 8192 : i32
    %dma_wait3A_245 = tpu.memref_slice %arg3[%dma_wait3A_244] : memref<65536xi32, #tpu.memory_space<hbm>> -> memref<8192xi32, #tpu.memory_space<hbm>>
    %dma_wait3A_246 = arith.constant 8192 : i32
    %dma_wait3A_247 = tpu.memref_slice %arg3[%dma_wait3A_246] : memref<65536xi32, #tpu.memory_space<hbm>> -> memref<8192xi32, #tpu.memory_space<hbm>>
    tpu.wait_dma2 semaphore(%arg11 : memref<!tpu.dma_semaphore, #tpu.memory_space<semaphore_mem>>) src(%dma_wait3A_247 : memref<8192xi32, #tpu.memory_space<hbm>>) dst(%arg9 : memref<8192xi32, #tpu.memory_space<vmem>>)
    %dma_start3A_248 = arith.constant 16384 : i32
    %dma_start3A_249 = tpu.memref_slice %arg2[%dma_start3A_248] : memref<65536xi32, #tpu.memory_space<hbm>> -> memref<8192xi32, #tpu.memory_space<hbm>>
    %dma_start3A_250 = arith.constant 16384 : i32
    %dma_start3A_251 = tpu.memref_slice %arg2[%dma_start3A_250] : memref<65536xi32, #tpu.memory_space<hbm>> -> memref<8192xi32, #tpu.memory_space<hbm>>
    tpu.enqueue_dma source(%dma_start3A_251 : memref<8192xi32, #tpu.memory_space<hbm>>) target(%arg6 : memref<8192xi32, #tpu.memory_space<vmem>>) target_semaphore(%arg10 : memref<!tpu.dma_semaphore, #tpu.memory_space<semaphore_mem>>)
    %dma_start3A_252 = arith.constant 16384 : i32
    %dma_start3A_253 = tpu.memref_slice %arg3[%dma_start3A_252] : memref<65536xi32, #tpu.memory_space<hbm>> -> memref<8192xi32, #tpu.memory_space<hbm>>
    %dma_start3A_254 = arith.constant 16384 : i32
    %dma_start3A_255 = tpu.memref_slice %arg3[%dma_start3A_254] : memref<65536xi32, #tpu.memory_space<hbm>> -> memref<8192xi32, #tpu.memory_space<hbm>>
    tpu.enqueue_dma source(%dma_start3A_255 : memref<8192xi32, #tpu.memory_space<hbm>>) target(%arg7 : memref<8192xi32, #tpu.memory_space<vmem>>) target_semaphore(%arg10 : memref<!tpu.dma_semaphore, #tpu.memory_space<semaphore_mem>>)
    %scan3A_256 = arith.constant 0 : i32
    %scan3A_257 = arith.constant 0 : i32
    %scan3A_258 = arith.constant 512 : i32
    %scan3A_259 = arith.addi %scan3A_257, %scan3A_258 : i32
    %scan3A_260 = arith.constant 8 : i32
    %scan3A_261 = scf.for %scan3A_405 = %scan3A_257 to %scan3A_259 step %scan3A_260 iter_args(%scan3A_406 = %scan3A_256) -> (i32)  : i32 {
      %mul3A_407 = arith.constant 16 : i32
      %mul3A_408 = arith.muli %scan3A_405, %mul3A_407 : i32
      %get3A = arith.index_cast %mul3A_408 : i32 to index
      %get3A_409 = tpu.vector_load %arg8[%get3A] {strides = array<i32>} : memref<8192xi32, #tpu.memory_space<vmem>>, vector<16xi32>,
      %mul3A_410 = arith.constant 16 : i32
      %mul3A_411 = arith.muli %scan3A_405, %mul3A_410 : i32
      %get3A_412 = arith.index_cast %mul3A_411 : i32 to index
      %get3A_413 = tpu.vector_load %arg9[%get3A_412] {strides = array<i32>} : memref<8192xi32, #tpu.memory_space<vmem>>, vector<16xi32>,
      %sub3A = vector.broadcast %mul3A_213 : i32 to vector<16xi32>
      %sub3A_414 = arith.subi %get3A_409, %sub3A : vector<16xi32>
      %ge3A = arith.constant 0 : i32
      %ge3A_415 = vector.broadcast %ge3A : i32 to vector<16xi32>
      %ge3A_416 = arith.cmpi sge, %sub3A_414, %ge3A_415 : vector<16xi32>
      %lt3A = arith.constant 32 : i32
      %lt3A_417 = vector.broadcast %lt3A : i32 to vector<16xi32>
      %lt3A_418 = arith.cmpi slt, %sub3A_414, %lt3A_417 : vector<16xi32>
      %and3A = arith.andi %ge3A_416, %lt3A_418 : vector<16xi1>
      %and3A_419 = arith.constant 31 : i32
      %and3A_420 = vector.broadcast %and3A_419 : i32 to vector<16xi32>
      %and3A_421 = arith.andi %sub3A_414, %and3A_420 : vector<16xi32>
      tpu.vector_store_idx %arg5[%and3A_421, %get3A_413], %broadcast_in_dim3A_1 masked %and3A {add = true} : memref<32x2048xf32, #tpu.memory_space<vmem>>[vector<16xi32>, vector<16xi32>], vector<16xf32>, vector<16xi1>
      %scan3A_422 = arith.constant 0 : i32
      %scan3A_423 = arith.constant 1 : i32
      %scan3A_424 = arith.addi %scan3A_405, %scan3A_423 : i32
      %mul3A_425 = arith.constant 16 : i32
      %mul3A_426 = arith.muli %scan3A_424, %mul3A_425 : i32
      %get3A_427 = arith.index_cast %mul3A_426 : i32 to index
      %get3A_428 = tpu.vector_load %arg8[%get3A_427] {strides = array<i32>} : memref<8192xi32, #tpu.memory_space<vmem>>, vector<16xi32>,
      %mul3A_429 = arith.constant 16 : i32
      %mul3A_430 = arith.muli %scan3A_424, %mul3A_429 : i32
      %get3A_431 = arith.index_cast %mul3A_430 : i32 to index
      %get3A_432 = tpu.vector_load %arg9[%get3A_431] {strides = array<i32>} : memref<8192xi32, #tpu.memory_space<vmem>>, vector<16xi32>,
      %sub3A_433 = vector.broadcast %mul3A_213 : i32 to vector<16xi32>
      %sub3A_434 = arith.subi %get3A_428, %sub3A_433 : vector<16xi32>
      %ge3A_435 = arith.constant 0 : i32
      %ge3A_436 = vector.broadcast %ge3A_435 : i32 to vector<16xi32>
      %ge3A_437 = arith.cmpi sge, %sub3A_434, %ge3A_436 : vector<16xi32>
      %lt3A_438 = arith.constant 32 : i32
      %lt3A_439 = vector.broadcast %lt3A_438 : i32 to vector<16xi32>
      %lt3A_440 = arith.cmpi slt, %sub3A_434, %lt3A_439 : vector<16xi32>
      %and3A_441 = arith.andi %ge3A_437, %lt3A_440 : vector<16xi1>
      %and3A_442 = arith.constant 31 : i32
      %and3A_443 = vector.broadcast %and3A_442 : i32 to vector<16xi32>
      %and3A_444 = arith.andi %sub3A_434, %and3A_443 : vector<16xi32>
      tpu.vector_store_idx %arg5[%and3A_444, %get3A_432], %broadcast_in_dim3A_1 masked %and3A_441 {add = true} : memref<32x2048xf32, #tpu.memory_space<vmem>>[vector<16xi32>, vector<16xi32>], vector<16xf32>, vector<16xi1>
      %scan3A_445 = arith.constant 0 : i32
      %scan3A_446 = arith.constant 2 : i32
      %scan3A_447 = arith.addi %scan3A_405, %scan3A_446 : i32
      %mul3A_448 = arith.constant 16 : i32
      %mul3A_449 = arith.muli %scan3A_447, %mul3A_448 : i32
      %get3A_450 = arith.index_cast %mul3A_449 : i32 to index
      %get3A_451 = tpu.vector_load %arg8[%get3A_450] {strides = array<i32>} : memref<8192xi32, #tpu.memory_space<vmem>>, vector<16xi32>,
      %mul3A_452 = arith.constant 16 : i32
      %mul3A_453 = arith.muli %scan3A_447, %mul3A_452 : i32
      %get3A_454 = arith.index_cast %mul3A_453 : i32 to index
      %get3A_455 = tpu.vector_load %arg9[%get3A_454] {strides = array<i32>} : memref<8192xi32, #tpu.memory_space<vmem>>, vector<16xi32>,
      %sub3A_456 = vector.broadcast %mul3A_213 : i32 to vector<16xi32>
      %sub3A_457 = arith.subi %get3A_451, %sub3A_456 : vector<16xi32>
      %ge3A_458 = arith.constant 0 : i32
      %ge3A_459 = vector.broadcast %ge3A_458 : i32 to vector<16xi32>
      %ge3A_460 = arith.cmpi sge, %sub3A_457, %ge3A_459 : vector<16xi32>
      %lt3A_461 = arith.constant 32 : i32
      %lt3A_462 = vector.broadcast %lt3A_461 : i32 to vector<16xi32>
      %lt3A_463 = arith.cmpi slt, %sub3A_457, %lt3A_462 : vector<16xi32>
      %and3A_464 = arith.andi %ge3A_460, %lt3A_463 : vector<16xi1>
      %and3A_465 = arith.constant 31 : i32
      %and3A_466 = vector.broadcast %and3A_465 : i32 to vector<16xi32>
      %and3A_467 = arith.andi %sub3A_457, %and3A_466 : vector<16xi32>
      tpu.vector_store_idx %arg5[%and3A_467, %get3A_455], %broadcast_in_dim3A_1 masked %and3A_464 {add = true} : memref<32x2048xf32, #tpu.memory_space<vmem>>[vector<16xi32>, vector<16xi32>], vector<16xf32>, vector<16xi1>
      %scan3A_468 = arith.constant 0 : i32
      %scan3A_469 = arith.constant 3 : i32
      %scan3A_470 = arith.addi %scan3A_405, %scan3A_469 : i32
      %mul3A_471 = arith.constant 16 : i32
      %mul3A_472 = arith.muli %scan3A_470, %mul3A_471 : i32
      %get3A_473 = arith.index_cast %mul3A_472 : i32 to index
      %get3A_474 = tpu.vector_load %arg8[%get3A_473] {strides = array<i32>} : memref<8192xi32, #tpu.memory_space<vmem>>, vector<16xi32>,
      %mul3A_475 = arith.constant 16 : i32
      %mul3A_476 = arith.muli %scan3A_470, %mul3A_475 : i32
      %get3A_477 = arith.index_cast %mul3A_476 : i32 to index
      %get3A_478 = tpu.vector_load %arg9[%get3A_477] {strides = array<i32>} : memref<8192xi32, #tpu.memory_space<vmem>>, vector<16xi32>,
      %sub3A_479 = vector.broadcast %mul3A_213 : i32 to vector<16xi32>
      %sub3A_480 = arith.subi %get3A_474, %sub3A_479 : vector<16xi32>
      %ge3A_481 = arith.constant 0 : i32
      %ge3A_482 = vector.broadcast %ge3A_481 : i32 to vector<16xi32>
      %ge3A_483 = arith.cmpi sge, %sub3A_480, %ge3A_482 : vector<16xi32>
      %lt3A_484 = arith.constant 32 : i32
      %lt3A_485 = vector.broadcast %lt3A_484 : i32 to vector<16xi32>
      %lt3A_486 = arith.cmpi slt, %sub3A_480, %lt3A_485 : vector<16xi32>
      %and3A_487 = arith.andi %ge3A_483, %lt3A_486 : vector<16xi1>
      %and3A_488 = arith.constant 31 : i32
      %and3A_489 = vector.broadcast %and3A_488 : i32 to vector<16xi32>
      %and3A_490 = arith.andi %sub3A_480, %and3A_489 : vector<16xi32>
      tpu.vector_store_idx %arg5[%and3A_490, %get3A_478], %broadcast_in_dim3A_1 masked %and3A_487 {add = true} : memref<32x2048xf32, #tpu.memory_space<vmem>>[vector<16xi32>, vector<16xi32>], vector<16xf32>, vector<16xi1>
      %scan3A_491 = arith.constant 0 : i32
      %scan3A_492 = arith.constant 4 : i32
      %scan3A_493 = arith.addi %scan3A_405, %scan3A_492 : i32
      %mul3A_494 = arith.constant 16 : i32
      %mul3A_495 = arith.muli %scan3A_493, %mul3A_494 : i32
      %get3A_496 = arith.index_cast %mul3A_495 : i32 to index
      %get3A_497 = tpu.vector_load %arg8[%get3A_496] {strides = array<i32>} : memref<8192xi32, #tpu.memory_space<vmem>>, vector<16xi32>,
      %mul3A_498 = arith.constant 16 : i32
      %mul3A_499 = arith.muli %scan3A_493, %mul3A_498 : i32
      %get3A_500 = arith.index_cast %mul3A_499 : i32 to index
      %get3A_501 = tpu.vector_load %arg9[%get3A_500] {strides = array<i32>} : memref<8192xi32, #tpu.memory_space<vmem>>, vector<16xi32>,
      %sub3A_502 = vector.broadcast %mul3A_213 : i32 to vector<16xi32>
      %sub3A_503 = arith.subi %get3A_497, %sub3A_502 : vector<16xi32>
      %ge3A_504 = arith.constant 0 : i32
      %ge3A_505 = vector.broadcast %ge3A_504 : i32 to vector<16xi32>
      %ge3A_506 = arith.cmpi sge, %sub3A_503, %ge3A_505 : vector<16xi32>
      %lt3A_507 = arith.constant 32 : i32
      %lt3A_508 = vector.broadcast %lt3A_507 : i32 to vector<16xi32>
      %lt3A_509 = arith.cmpi slt, %sub3A_503, %lt3A_508 : vector<16xi32>
      %and3A_510 = arith.andi %ge3A_506, %lt3A_509 : vector<16xi1>
      %and3A_511 = arith.constant 31 : i32
      %and3A_512 = vector.broadcast %and3A_511 : i32 to vector<16xi32>
      %and3A_513 = arith.andi %sub3A_503, %and3A_512 : vector<16xi32>
      tpu.vector_store_idx %arg5[%and3A_513, %get3A_501], %broadcast_in_dim3A_1 masked %and3A_510 {add = true} : memref<32x2048xf32, #tpu.memory_space<vmem>>[vector<16xi32>, vector<16xi32>], vector<16xf32>, vector<16xi1>
      %scan3A_514 = arith.constant 0 : i32
      %scan3A_515 = arith.constant 5 : i32
      %scan3A_516 = arith.addi %scan3A_405, %scan3A_515 : i32
      %mul3A_517 = arith.constant 16 : i32
      %mul3A_518 = arith.muli %scan3A_516, %mul3A_517 : i32
      %get3A_519 = arith.index_cast %mul3A_518 : i32 to index
      %get3A_520 = tpu.vector_load %arg8[%get3A_519] {strides = array<i32>} : memref<8192xi32, #tpu.memory_space<vmem>>, vector<16xi32>,
      %mul3A_521 = arith.constant 16 : i32
      %mul3A_522 = arith.muli %scan3A_516, %mul3A_521 : i32
      %get3A_523 = arith.index_cast %mul3A_522 : i32 to index
      %get3A_524 = tpu.vector_load %arg9[%get3A_523] {strides = array<i32>} : memref<8192xi32, #tpu.memory_space<vmem>>, vector<16xi32>,
      %sub3A_525 = vector.broadcast %mul3A_213 : i32 to vector<16xi32>
      %sub3A_526 = arith.subi %get3A_520, %sub3A_525 : vector<16xi32>
      %ge3A_527 = arith.constant 0 : i32
      %ge3A_528 = vector.broadcast %ge3A_527 : i32 to vector<16xi32>
      %ge3A_529 = arith.cmpi sge, %sub3A_526, %ge3A_528 : vector<16xi32>
      %lt3A_530 = arith.constant 32 : i32
      %lt3A_531 = vector.broadcast %lt3A_530 : i32 to vector<16xi32>
      %lt3A_532 = arith.cmpi slt, %sub3A_526, %lt3A_531 : vector<16xi32>
      %and3A_533 = arith.andi %ge3A_529, %lt3A_532 : vector<16xi1>
      %and3A_534 = arith.constant 31 : i32
      %and3A_535 = vector.broadcast %and3A_534 : i32 to vector<16xi32>
      %and3A_536 = arith.andi %sub3A_526, %and3A_535 : vector<16xi32>
      tpu.vector_store_idx %arg5[%and3A_536, %get3A_524], %broadcast_in_dim3A_1 masked %and3A_533 {add = true} : memref<32x2048xf32, #tpu.memory_space<vmem>>[vector<16xi32>, vector<16xi32>], vector<16xf32>, vector<16xi1>
      %scan3A_537 = arith.constant 0 : i32
      %scan3A_538 = arith.constant 6 : i32
      %scan3A_539 = arith.addi %scan3A_405, %scan3A_538 : i32
      %mul3A_540 = arith.constant 16 : i32
      %mul3A_541 = arith.muli %scan3A_539, %mul3A_540 : i32
      %get3A_542 = arith.index_cast %mul3A_541 : i32 to index
      %get3A_543 = tpu.vector_load %arg8[%get3A_542] {strides = array<i32>} : memref<8192xi32, #tpu.memory_space<vmem>>, vector<16xi32>,
      %mul3A_544 = arith.constant 16 : i32
      %mul3A_545 = arith.muli %scan3A_539, %mul3A_544 : i32
      %get3A_546 = arith.index_cast %mul3A_545 : i32 to index
      %get3A_547 = tpu.vector_load %arg9[%get3A_546] {strides = array<i32>} : memref<8192xi32, #tpu.memory_space<vmem>>, vector<16xi32>,
      %sub3A_548 = vector.broadcast %mul3A_213 : i32 to vector<16xi32>
      %sub3A_549 = arith.subi %get3A_543, %sub3A_548 : vector<16xi32>
      %ge3A_550 = arith.constant 0 : i32
      %ge3A_551 = vector.broadcast %ge3A_550 : i32 to vector<16xi32>
      %ge3A_552 = arith.cmpi sge, %sub3A_549, %ge3A_551 : vector<16xi32>
      %lt3A_553 = arith.constant 32 : i32
      %lt3A_554 = vector.broadcast %lt3A_553 : i32 to vector<16xi32>
      %lt3A_555 = arith.cmpi slt, %sub3A_549, %lt3A_554 : vector<16xi32>
      %and3A_556 = arith.andi %ge3A_552, %lt3A_555 : vector<16xi1>
      %and3A_557 = arith.constant 31 : i32
      %and3A_558 = vector.broadcast %and3A_557 : i32 to vector<16xi32>
      %and3A_559 = arith.andi %sub3A_549, %and3A_558 : vector<16xi32>
      tpu.vector_store_idx %arg5[%and3A_559, %get3A_547], %broadcast_in_dim3A_1 masked %and3A_556 {add = true} : memref<32x2048xf32, #tpu.memory_space<vmem>>[vector<16xi32>, vector<16xi32>], vector<16xf32>, vector<16xi1>
      %scan3A_560 = arith.constant 0 : i32
      %scan3A_561 = arith.constant 7 : i32
      %scan3A_562 = arith.addi %scan3A_405, %scan3A_561 : i32
      %mul3A_563 = arith.constant 16 : i32
      %mul3A_564 = arith.muli %scan3A_562, %mul3A_563 : i32
      %get3A_565 = arith.index_cast %mul3A_564 : i32 to index
      %get3A_566 = tpu.vector_load %arg8[%get3A_565] {strides = array<i32>} : memref<8192xi32, #tpu.memory_space<vmem>>, vector<16xi32>,
      %mul3A_567 = arith.constant 16 : i32
      %mul3A_568 = arith.muli %scan3A_562, %mul3A_567 : i32
      %get3A_569 = arith.index_cast %mul3A_568 : i32 to index
      %get3A_570 = tpu.vector_load %arg9[%get3A_569] {strides = array<i32>} : memref<8192xi32, #tpu.memory_space<vmem>>, vector<16xi32>,
      %sub3A_571 = vector.broadcast %mul3A_213 : i32 to vector<16xi32>
      %sub3A_572 = arith.subi %get3A_566, %sub3A_571 : vector<16xi32>
      %ge3A_573 = arith.constant 0 : i32
      %ge3A_574 = vector.broadcast %ge3A_573 : i32 to vector<16xi32>
      %ge3A_575 = arith.cmpi sge, %sub3A_572, %ge3A_574 : vector<16xi32>
      %lt3A_576 = arith.constant 32 : i32
      %lt3A_577 = vector.broadcast %lt3A_576 : i32 to vector<16xi32>
      %lt3A_578 = arith.cmpi slt, %sub3A_572, %lt3A_577 : vector<16xi32>
      %and3A_579 = arith.andi %ge3A_575, %lt3A_578 : vector<16xi1>
      %and3A_580 = arith.constant 31 : i32
      %and3A_581 = vector.broadcast %and3A_580 : i32 to vector<16xi32>
      %and3A_582 = arith.andi %sub3A_572, %and3A_581 : vector<16xi32>
      tpu.vector_store_idx %arg5[%and3A_582, %get3A_570], %broadcast_in_dim3A_1 masked %and3A_579 {add = true} : memref<32x2048xf32, #tpu.memory_space<vmem>>[vector<16xi32>, vector<16xi32>], vector<16xf32>, vector<16xi1>
      %scan3A_583 = arith.constant 0 : i32
      scf.yield %scan3A_583 : i32
    }
    %scan3A_262 = arith.constant 512 : i32
    %dma_wait3A_263 = arith.constant 16384 : i32
    %dma_wait3A_264 = tpu.memref_slice %arg2[%dma_wait3A_263] : memref<65536xi32, #tpu.memory_space<hbm>> -> memref<8192xi32, #tpu.memory_space<hbm>>
    %dma_wait3A_265 = arith.constant 16384 : i32
    %dma_wait3A_266 = tpu.memref_slice %arg2[%dma_wait3A_265] : memref<65536xi32, #tpu.memory_space<hbm>> -> memref<8192xi32, #tpu.memory_space<hbm>>
    tpu.wait_dma2 semaphore(%arg10 : memref<!tpu.dma_semaphore, #tpu.memory_space<semaphore_mem>>) src(%dma_wait3A_266 : memref<8192xi32, #tpu.memory_space<hbm>>) dst(%arg6 : memref<8192xi32, #tpu.memory_space<vmem>>)
    %dma_wait3A_267 = arith.constant 16384 : i32
    %dma_wait3A_268 = tpu.memref_slice %arg3[%dma_wait3A_267] : memref<65536xi32, #tpu.memory_space<hbm>> -> memref<8192xi32, #tpu.memory_space<hbm>>
    %dma_wait3A_269 = arith.constant 16384 : i32
    %dma_wait3A_270 = tpu.memref_slice %arg3[%dma_wait3A_269] : memref<65536xi32, #tpu.memory_space<hbm>> -> memref<8192xi32, #tpu.memory_space<hbm>>
    tpu.wait_dma2 semaphore(%arg10 : memref<!tpu.dma_semaphore, #tpu.memory_space<semaphore_mem>>) src(%dma_wait3A_270 : memref<8192xi32, #tpu.memory_space<hbm>>) dst(%arg7 : memref<8192xi32, #tpu.memory_space<vmem>>)
    %dma_start3A_271 = arith.constant 24576 : i32
    %dma_start3A_272 = tpu.memref_slice %arg2[%dma_start3A_271] : memref<65536xi32, #tpu.memory_space<hbm>> -> memref<8192xi32, #tpu.memory_space<hbm>>
    %dma_start3A_273 = arith.constant 24576 : i32
    %dma_start3A_274 = tpu.memref_slice %arg2[%dma_start3A_273] : memref<65536xi32, #tpu.memory_space<hbm>> -> memref<8192xi32, #tpu.memory_space<hbm>>
    tpu.enqueue_dma source(%dma_start3A_274 : memref<8192xi32, #tpu.memory_space<hbm>>) target(%arg8 : memref<8192xi32, #tpu.memory_space<vmem>>) target_semaphore(%arg11 : memref<!tpu.dma_semaphore, #tpu.memory_space<semaphore_mem>>)
    %dma_start3A_275 = arith.constant 24576 : i32
    %dma_start3A_276 = tpu.memref_slice %arg3[%dma_start3A_275] : memref<65536xi32, #tpu.memory_space<hbm>> -> memref<8192xi32, #tpu.memory_space<hbm>>
    %dma_start3A_277 = arith.constant 24576 : i32
    %dma_start3A_278 = tpu.memref_slice %arg3[%dma_start3A_277] : memref<65536xi32, #tpu.memory_space<hbm>> -> memref<8192xi32, #tpu.memory_space<hbm>>
    tpu.enqueue_dma source(%dma_start3A_278 : memref<8192xi32, #tpu.memory_space<hbm>>) target(%arg9 : memref<8192xi32, #tpu.memory_space<vmem>>) target_semaphore(%arg11 : memref<!tpu.dma_semaphore, #tpu.memory_space<semaphore_mem>>)
    %scan3A_279 = arith.constant 0 : i32
    %scan3A_280 = arith.constant 0 : i32
    %scan3A_281 = arith.constant 512 : i32
    %scan3A_282 = arith.addi %scan3A_280, %scan3A_281 : i32
    %scan3A_283 = arith.constant 8 : i32
    %scan3A_284 = scf.for %scan3A_405 = %scan3A_280 to %scan3A_282 step %scan3A_283 iter_args(%scan3A_406 = %scan3A_279) -> (i32)  : i32 {
      %mul3A_407 = arith.constant 16 : i32
      %mul3A_408 = arith.muli %scan3A_405, %mul3A_407 : i32
      %get3A = arith.index_cast %mul3A_408 : i32 to index
      %get3A_409 = tpu.vector_load %arg6[%get3A] {strides = array<i32>} : memref<8192xi32, #tpu.memory_space<vmem>>, vector<16xi32>,
      %mul3A_410 = arith.constant 16 : i32
      %mul3A_411 = arith.muli %scan3A_405, %mul3A_410 : i32
      %get3A_412 = arith.index_cast %mul3A_411 : i32 to index
      %get3A_413 = tpu.vector_load %arg7[%get3A_412] {strides = array<i32>} : memref<8192xi32, #tpu.memory_space<vmem>>, vector<16xi32>,
      %sub3A = vector.broadcast %mul3A_213 : i32 to vector<16xi32>
      %sub3A_414 = arith.subi %get3A_409, %sub3A : vector<16xi32>
      %ge3A = arith.constant 0 : i32
      %ge3A_415 = vector.broadcast %ge3A : i32 to vector<16xi32>
      %ge3A_416 = arith.cmpi sge, %sub3A_414, %ge3A_415 : vector<16xi32>
      %lt3A = arith.constant 32 : i32
      %lt3A_417 = vector.broadcast %lt3A : i32 to vector<16xi32>
      %lt3A_418 = arith.cmpi slt, %sub3A_414, %lt3A_417 : vector<16xi32>
      %and3A = arith.andi %ge3A_416, %lt3A_418 : vector<16xi1>
      %and3A_419 = arith.constant 31 : i32
      %and3A_420 = vector.broadcast %and3A_419 : i32 to vector<16xi32>
      %and3A_421 = arith.andi %sub3A_414, %and3A_420 : vector<16xi32>
      tpu.vector_store_idx %arg5[%and3A_421, %get3A_413], %broadcast_in_dim3A_1 masked %and3A {add = true} : memref<32x2048xf32, #tpu.memory_space<vmem>>[vector<16xi32>, vector<16xi32>], vector<16xf32>, vector<16xi1>
      %scan3A_422 = arith.constant 0 : i32
      %scan3A_423 = arith.constant 1 : i32
      %scan3A_424 = arith.addi %scan3A_405, %scan3A_423 : i32
      %mul3A_425 = arith.constant 16 : i32
      %mul3A_426 = arith.muli %scan3A_424, %mul3A_425 : i32
      %get3A_427 = arith.index_cast %mul3A_426 : i32 to index
      %get3A_428 = tpu.vector_load %arg6[%get3A_427] {strides = array<i32>} : memref<8192xi32, #tpu.memory_space<vmem>>, vector<16xi32>,
      %mul3A_429 = arith.constant 16 : i32
      %mul3A_430 = arith.muli %scan3A_424, %mul3A_429 : i32
      %get3A_431 = arith.index_cast %mul3A_430 : i32 to index
      %get3A_432 = tpu.vector_load %arg7[%get3A_431] {strides = array<i32>} : memref<8192xi32, #tpu.memory_space<vmem>>, vector<16xi32>,
      %sub3A_433 = vector.broadcast %mul3A_213 : i32 to vector<16xi32>
      %sub3A_434 = arith.subi %get3A_428, %sub3A_433 : vector<16xi32>
      %ge3A_435 = arith.constant 0 : i32
      %ge3A_436 = vector.broadcast %ge3A_435 : i32 to vector<16xi32>
      %ge3A_437 = arith.cmpi sge, %sub3A_434, %ge3A_436 : vector<16xi32>
      %lt3A_438 = arith.constant 32 : i32
      %lt3A_439 = vector.broadcast %lt3A_438 : i32 to vector<16xi32>
      %lt3A_440 = arith.cmpi slt, %sub3A_434, %lt3A_439 : vector<16xi32>
      %and3A_441 = arith.andi %ge3A_437, %lt3A_440 : vector<16xi1>
      %and3A_442 = arith.constant 31 : i32
      %and3A_443 = vector.broadcast %and3A_442 : i32 to vector<16xi32>
      %and3A_444 = arith.andi %sub3A_434, %and3A_443 : vector<16xi32>
      tpu.vector_store_idx %arg5[%and3A_444, %get3A_432], %broadcast_in_dim3A_1 masked %and3A_441 {add = true} : memref<32x2048xf32, #tpu.memory_space<vmem>>[vector<16xi32>, vector<16xi32>], vector<16xf32>, vector<16xi1>
      %scan3A_445 = arith.constant 0 : i32
      %scan3A_446 = arith.constant 2 : i32
      %scan3A_447 = arith.addi %scan3A_405, %scan3A_446 : i32
      %mul3A_448 = arith.constant 16 : i32
      %mul3A_449 = arith.muli %scan3A_447, %mul3A_448 : i32
      %get3A_450 = arith.index_cast %mul3A_449 : i32 to index
      %get3A_451 = tpu.vector_load %arg6[%get3A_450] {strides = array<i32>} : memref<8192xi32, #tpu.memory_space<vmem>>, vector<16xi32>,
      %mul3A_452 = arith.constant 16 : i32
      %mul3A_453 = arith.muli %scan3A_447, %mul3A_452 : i32
      %get3A_454 = arith.index_cast %mul3A_453 : i32 to index
      %get3A_455 = tpu.vector_load %arg7[%get3A_454] {strides = array<i32>} : memref<8192xi32, #tpu.memory_space<vmem>>, vector<16xi32>,
      %sub3A_456 = vector.broadcast %mul3A_213 : i32 to vector<16xi32>
      %sub3A_457 = arith.subi %get3A_451, %sub3A_456 : vector<16xi32>
      %ge3A_458 = arith.constant 0 : i32
      %ge3A_459 = vector.broadcast %ge3A_458 : i32 to vector<16xi32>
      %ge3A_460 = arith.cmpi sge, %sub3A_457, %ge3A_459 : vector<16xi32>
      %lt3A_461 = arith.constant 32 : i32
      %lt3A_462 = vector.broadcast %lt3A_461 : i32 to vector<16xi32>
      %lt3A_463 = arith.cmpi slt, %sub3A_457, %lt3A_462 : vector<16xi32>
      %and3A_464 = arith.andi %ge3A_460, %lt3A_463 : vector<16xi1>
      %and3A_465 = arith.constant 31 : i32
      %and3A_466 = vector.broadcast %and3A_465 : i32 to vector<16xi32>
      %and3A_467 = arith.andi %sub3A_457, %and3A_466 : vector<16xi32>
      tpu.vector_store_idx %arg5[%and3A_467, %get3A_455], %broadcast_in_dim3A_1 masked %and3A_464 {add = true} : memref<32x2048xf32, #tpu.memory_space<vmem>>[vector<16xi32>, vector<16xi32>], vector<16xf32>, vector<16xi1>
      %scan3A_468 = arith.constant 0 : i32
      %scan3A_469 = arith.constant 3 : i32
      %scan3A_470 = arith.addi %scan3A_405, %scan3A_469 : i32
      %mul3A_471 = arith.constant 16 : i32
      %mul3A_472 = arith.muli %scan3A_470, %mul3A_471 : i32
      %get3A_473 = arith.index_cast %mul3A_472 : i32 to index
      %get3A_474 = tpu.vector_load %arg6[%get3A_473] {strides = array<i32>} : memref<8192xi32, #tpu.memory_space<vmem>>, vector<16xi32>,
      %mul3A_475 = arith.constant 16 : i32
      %mul3A_476 = arith.muli %scan3A_470, %mul3A_475 : i32
      %get3A_477 = arith.index_cast %mul3A_476 : i32 to index
      %get3A_478 = tpu.vector_load %arg7[%get3A_477] {strides = array<i32>} : memref<8192xi32, #tpu.memory_space<vmem>>, vector<16xi32>,
      %sub3A_479 = vector.broadcast %mul3A_213 : i32 to vector<16xi32>
      %sub3A_480 = arith.subi %get3A_474, %sub3A_479 : vector<16xi32>
      %ge3A_481 = arith.constant 0 : i32
      %ge3A_482 = vector.broadcast %ge3A_481 : i32 to vector<16xi32>
      %ge3A_483 = arith.cmpi sge, %sub3A_480, %ge3A_482 : vector<16xi32>
      %lt3A_484 = arith.constant 32 : i32
      %lt3A_485 = vector.broadcast %lt3A_484 : i32 to vector<16xi32>
      %lt3A_486 = arith.cmpi slt, %sub3A_480, %lt3A_485 : vector<16xi32>
      %and3A_487 = arith.andi %ge3A_483, %lt3A_486 : vector<16xi1>
      %and3A_488 = arith.constant 31 : i32
      %and3A_489 = vector.broadcast %and3A_488 : i32 to vector<16xi32>
      %and3A_490 = arith.andi %sub3A_480, %and3A_489 : vector<16xi32>
      tpu.vector_store_idx %arg5[%and3A_490, %get3A_478], %broadcast_in_dim3A_1 masked %and3A_487 {add = true} : memref<32x2048xf32, #tpu.memory_space<vmem>>[vector<16xi32>, vector<16xi32>], vector<16xf32>, vector<16xi1>
      %scan3A_491 = arith.constant 0 : i32
      %scan3A_492 = arith.constant 4 : i32
      %scan3A_493 = arith.addi %scan3A_405, %scan3A_492 : i32
      %mul3A_494 = arith.constant 16 : i32
      %mul3A_495 = arith.muli %scan3A_493, %mul3A_494 : i32
      %get3A_496 = arith.index_cast %mul3A_495 : i32 to index
      %get3A_497 = tpu.vector_load %arg6[%get3A_496] {strides = array<i32>} : memref<8192xi32, #tpu.memory_space<vmem>>, vector<16xi32>,
      %mul3A_498 = arith.constant 16 : i32
      %mul3A_499 = arith.muli %scan3A_493, %mul3A_498 : i32
      %get3A_500 = arith.index_cast %mul3A_499 : i32 to index
      %get3A_501 = tpu.vector_load %arg7[%get3A_500] {strides = array<i32>} : memref<8192xi32, #tpu.memory_space<vmem>>, vector<16xi32>,
      %sub3A_502 = vector.broadcast %mul3A_213 : i32 to vector<16xi32>
      %sub3A_503 = arith.subi %get3A_497, %sub3A_502 : vector<16xi32>
      %ge3A_504 = arith.constant 0 : i32
      %ge3A_505 = vector.broadcast %ge3A_504 : i32 to vector<16xi32>
      %ge3A_506 = arith.cmpi sge, %sub3A_503, %ge3A_505 : vector<16xi32>
      %lt3A_507 = arith.constant 32 : i32
      %lt3A_508 = vector.broadcast %lt3A_507 : i32 to vector<16xi32>
      %lt3A_509 = arith.cmpi slt, %sub3A_503, %lt3A_508 : vector<16xi32>
      %and3A_510 = arith.andi %ge3A_506, %lt3A_509 : vector<16xi1>
      %and3A_511 = arith.constant 31 : i32
      %and3A_512 = vector.broadcast %and3A_511 : i32 to vector<16xi32>
      %and3A_513 = arith.andi %sub3A_503, %and3A_512 : vector<16xi32>
      tpu.vector_store_idx %arg5[%and3A_513, %get3A_501], %broadcast_in_dim3A_1 masked %and3A_510 {add = true} : memref<32x2048xf32, #tpu.memory_space<vmem>>[vector<16xi32>, vector<16xi32>], vector<16xf32>, vector<16xi1>
      %scan3A_514 = arith.constant 0 : i32
      %scan3A_515 = arith.constant 5 : i32
      %scan3A_516 = arith.addi %scan3A_405, %scan3A_515 : i32
      %mul3A_517 = arith.constant 16 : i32
      %mul3A_518 = arith.muli %scan3A_516, %mul3A_517 : i32
      %get3A_519 = arith.index_cast %mul3A_518 : i32 to index
      %get3A_520 = tpu.vector_load %arg6[%get3A_519] {strides = array<i32>} : memref<8192xi32, #tpu.memory_space<vmem>>, vector<16xi32>,
      %mul3A_521 = arith.constant 16 : i32
      %mul3A_522 = arith.muli %scan3A_516, %mul3A_521 : i32
      %get3A_523 = arith.index_cast %mul3A_522 : i32 to index
      %get3A_524 = tpu.vector_load %arg7[%get3A_523] {strides = array<i32>} : memref<8192xi32, #tpu.memory_space<vmem>>, vector<16xi32>,
      %sub3A_525 = vector.broadcast %mul3A_213 : i32 to vector<16xi32>
      %sub3A_526 = arith.subi %get3A_520, %sub3A_525 : vector<16xi32>
      %ge3A_527 = arith.constant 0 : i32
      %ge3A_528 = vector.broadcast %ge3A_527 : i32 to vector<16xi32>
      %ge3A_529 = arith.cmpi sge, %sub3A_526, %ge3A_528 : vector<16xi32>
      %lt3A_530 = arith.constant 32 : i32
      %lt3A_531 = vector.broadcast %lt3A_530 : i32 to vector<16xi32>
      %lt3A_532 = arith.cmpi slt, %sub3A_526, %lt3A_531 : vector<16xi32>
      %and3A_533 = arith.andi %ge3A_529, %lt3A_532 : vector<16xi1>
      %and3A_534 = arith.constant 31 : i32
      %and3A_535 = vector.broadcast %and3A_534 : i32 to vector<16xi32>
      %and3A_536 = arith.andi %sub3A_526, %and3A_535 : vector<16xi32>
      tpu.vector_store_idx %arg5[%and3A_536, %get3A_524], %broadcast_in_dim3A_1 masked %and3A_533 {add = true} : memref<32x2048xf32, #tpu.memory_space<vmem>>[vector<16xi32>, vector<16xi32>], vector<16xf32>, vector<16xi1>
      %scan3A_537 = arith.constant 0 : i32
      %scan3A_538 = arith.constant 6 : i32
      %scan3A_539 = arith.addi %scan3A_405, %scan3A_538 : i32
      %mul3A_540 = arith.constant 16 : i32
      %mul3A_541 = arith.muli %scan3A_539, %mul3A_540 : i32
      %get3A_542 = arith.index_cast %mul3A_541 : i32 to index
      %get3A_543 = tpu.vector_load %arg6[%get3A_542] {strides = array<i32>} : memref<8192xi32, #tpu.memory_space<vmem>>, vector<16xi32>,
      %mul3A_544 = arith.constant 16 : i32
      %mul3A_545 = arith.muli %scan3A_539, %mul3A_544 : i32
      %get3A_546 = arith.index_cast %mul3A_545 : i32 to index
      %get3A_547 = tpu.vector_load %arg7[%get3A_546] {strides = array<i32>} : memref<8192xi32, #tpu.memory_space<vmem>>, vector<16xi32>,
      %sub3A_548 = vector.broadcast %mul3A_213 : i32 to vector<16xi32>
      %sub3A_549 = arith.subi %get3A_543, %sub3A_548 : vector<16xi32>
      %ge3A_550 = arith.constant 0 : i32
      %ge3A_551 = vector.broadcast %ge3A_550 : i32 to vector<16xi32>
      %ge3A_552 = arith.cmpi sge, %sub3A_549, %ge3A_551 : vector<16xi32>
      %lt3A_553 = arith.constant 32 : i32
      %lt3A_554 = vector.broadcast %lt3A_553 : i32 to vector<16xi32>
      %lt3A_555 = arith.cmpi slt, %sub3A_549, %lt3A_554 : vector<16xi32>
      %and3A_556 = arith.andi %ge3A_552, %lt3A_555 : vector<16xi1>
      %and3A_557 = arith.constant 31 : i32
      %and3A_558 = vector.broadcast %and3A_557 : i32 to vector<16xi32>
      %and3A_559 = arith.andi %sub3A_549, %and3A_558 : vector<16xi32>
      tpu.vector_store_idx %arg5[%and3A_559, %get3A_547], %broadcast_in_dim3A_1 masked %and3A_556 {add = true} : memref<32x2048xf32, #tpu.memory_space<vmem>>[vector<16xi32>, vector<16xi32>], vector<16xf32>, vector<16xi1>
      %scan3A_560 = arith.constant 0 : i32
      %scan3A_561 = arith.constant 7 : i32
      %scan3A_562 = arith.addi %scan3A_405, %scan3A_561 : i32
      %mul3A_563 = arith.constant 16 : i32
      %mul3A_564 = arith.muli %scan3A_562, %mul3A_563 : i32
      %get3A_565 = arith.index_cast %mul3A_564 : i32 to index
      %get3A_566 = tpu.vector_load %arg6[%get3A_565] {strides = array<i32>} : memref<8192xi32, #tpu.memory_space<vmem>>, vector<16xi32>,
      %mul3A_567 = arith.constant 16 : i32
      %mul3A_568 = arith.muli %scan3A_562, %mul3A_567 : i32
      %get3A_569 = arith.index_cast %mul3A_568 : i32 to index
      %get3A_570 = tpu.vector_load %arg7[%get3A_569] {strides = array<i32>} : memref<8192xi32, #tpu.memory_space<vmem>>, vector<16xi32>,
      %sub3A_571 = vector.broadcast %mul3A_213 : i32 to vector<16xi32>
      %sub3A_572 = arith.subi %get3A_566, %sub3A_571 : vector<16xi32>
      %ge3A_573 = arith.constant 0 : i32
      %ge3A_574 = vector.broadcast %ge3A_573 : i32 to vector<16xi32>
      %ge3A_575 = arith.cmpi sge, %sub3A_572, %ge3A_574 : vector<16xi32>
      %lt3A_576 = arith.constant 32 : i32
      %lt3A_577 = vector.broadcast %lt3A_576 : i32 to vector<16xi32>
      %lt3A_578 = arith.cmpi slt, %sub3A_572, %lt3A_577 : vector<16xi32>
      %and3A_579 = arith.andi %ge3A_575, %lt3A_578 : vector<16xi1>
      %and3A_580 = arith.constant 31 : i32
      %and3A_581 = vector.broadcast %and3A_580 : i32 to vector<16xi32>
      %and3A_582 = arith.andi %sub3A_572, %and3A_581 : vector<16xi32>
      tpu.vector_store_idx %arg5[%and3A_582, %get3A_570], %broadcast_in_dim3A_1 masked %and3A_579 {add = true} : memref<32x2048xf32, #tpu.memory_space<vmem>>[vector<16xi32>, vector<16xi32>], vector<16xf32>, vector<16xi1>
      %scan3A_583 = arith.constant 0 : i32
      scf.yield %scan3A_583 : i32
    }
    %scan3A_285 = arith.constant 512 : i32
    %dma_wait3A_286 = arith.constant 24576 : i32
    %dma_wait3A_287 = tpu.memref_slice %arg2[%dma_wait3A_286] : memref<65536xi32, #tpu.memory_space<hbm>> -> memref<8192xi32, #tpu.memory_space<hbm>>
    %dma_wait3A_288 = arith.constant 24576 : i32
    %dma_wait3A_289 = tpu.memref_slice %arg2[%dma_wait3A_288] : memref<65536xi32, #tpu.memory_space<hbm>> -> memref<8192xi32, #tpu.memory_space<hbm>>
    tpu.wait_dma2 semaphore(%arg11 : memref<!tpu.dma_semaphore, #tpu.memory_space<semaphore_mem>>) src(%dma_wait3A_289 : memref<8192xi32, #tpu.memory_space<hbm>>) dst(%arg8 : memref<8192xi32, #tpu.memory_space<vmem>>)
    %dma_wait3A_290 = arith.constant 24576 : i32
    %dma_wait3A_291 = tpu.memref_slice %arg3[%dma_wait3A_290] : memref<65536xi32, #tpu.memory_space<hbm>> -> memref<8192xi32, #tpu.memory_space<hbm>>
    %dma_wait3A_292 = arith.constant 24576 : i32
    %dma_wait3A_293 = tpu.memref_slice %arg3[%dma_wait3A_292] : memref<65536xi32, #tpu.memory_space<hbm>> -> memref<8192xi32, #tpu.memory_space<hbm>>
    tpu.wait_dma2 semaphore(%arg11 : memref<!tpu.dma_semaphore, #tpu.memory_space<semaphore_mem>>) src(%dma_wait3A_293 : memref<8192xi32, #tpu.memory_space<hbm>>) dst(%arg9 : memref<8192xi32, #tpu.memory_space<vmem>>)
    %dma_start3A_294 = arith.constant 32768 : i32
    %dma_start3A_295 = tpu.memref_slice %arg2[%dma_start3A_294] : memref<65536xi32, #tpu.memory_space<hbm>> -> memref<8192xi32, #tpu.memory_space<hbm>>
    %dma_start3A_296 = arith.constant 32768 : i32
    %dma_start3A_297 = tpu.memref_slice %arg2[%dma_start3A_296] : memref<65536xi32, #tpu.memory_space<hbm>> -> memref<8192xi32, #tpu.memory_space<hbm>>
    tpu.enqueue_dma source(%dma_start3A_297 : memref<8192xi32, #tpu.memory_space<hbm>>) target(%arg6 : memref<8192xi32, #tpu.memory_space<vmem>>) target_semaphore(%arg10 : memref<!tpu.dma_semaphore, #tpu.memory_space<semaphore_mem>>)
    %dma_start3A_298 = arith.constant 32768 : i32
    %dma_start3A_299 = tpu.memref_slice %arg3[%dma_start3A_298] : memref<65536xi32, #tpu.memory_space<hbm>> -> memref<8192xi32, #tpu.memory_space<hbm>>
    %dma_start3A_300 = arith.constant 32768 : i32
    %dma_start3A_301 = tpu.memref_slice %arg3[%dma_start3A_300] : memref<65536xi32, #tpu.memory_space<hbm>> -> memref<8192xi32, #tpu.memory_space<hbm>>
    tpu.enqueue_dma source(%dma_start3A_301 : memref<8192xi32, #tpu.memory_space<hbm>>) target(%arg7 : memref<8192xi32, #tpu.memory_space<vmem>>) target_semaphore(%arg10 : memref<!tpu.dma_semaphore, #tpu.memory_space<semaphore_mem>>)
    %scan3A_302 = arith.constant 0 : i32
    %scan3A_303 = arith.constant 0 : i32
    %scan3A_304 = arith.constant 512 : i32
    %scan3A_305 = arith.addi %scan3A_303, %scan3A_304 : i32
    %scan3A_306 = arith.constant 8 : i32
    %scan3A_307 = scf.for %scan3A_405 = %scan3A_303 to %scan3A_305 step %scan3A_306 iter_args(%scan3A_406 = %scan3A_302) -> (i32)  : i32 {
      %mul3A_407 = arith.constant 16 : i32
      %mul3A_408 = arith.muli %scan3A_405, %mul3A_407 : i32
      %get3A = arith.index_cast %mul3A_408 : i32 to index
      %get3A_409 = tpu.vector_load %arg8[%get3A] {strides = array<i32>} : memref<8192xi32, #tpu.memory_space<vmem>>, vector<16xi32>,
      %mul3A_410 = arith.constant 16 : i32
      %mul3A_411 = arith.muli %scan3A_405, %mul3A_410 : i32
      %get3A_412 = arith.index_cast %mul3A_411 : i32 to index
      %get3A_413 = tpu.vector_load %arg9[%get3A_412] {strides = array<i32>} : memref<8192xi32, #tpu.memory_space<vmem>>, vector<16xi32>,
      %sub3A = vector.broadcast %mul3A_213 : i32 to vector<16xi32>
      %sub3A_414 = arith.subi %get3A_409, %sub3A : vector<16xi32>
      %ge3A = arith.constant 0 : i32
      %ge3A_415 = vector.broadcast %ge3A : i32 to vector<16xi32>
      %ge3A_416 = arith.cmpi sge, %sub3A_414, %ge3A_415 : vector<16xi32>
      %lt3A = arith.constant 32 : i32
      %lt3A_417 = vector.broadcast %lt3A : i32 to vector<16xi32>
      %lt3A_418 = arith.cmpi slt, %sub3A_414, %lt3A_417 : vector<16xi32>
      %and3A = arith.andi %ge3A_416, %lt3A_418 : vector<16xi1>
      %and3A_419 = arith.constant 31 : i32
      %and3A_420 = vector.broadcast %and3A_419 : i32 to vector<16xi32>
      %and3A_421 = arith.andi %sub3A_414, %and3A_420 : vector<16xi32>
      tpu.vector_store_idx %arg5[%and3A_421, %get3A_413], %broadcast_in_dim3A_1 masked %and3A {add = true} : memref<32x2048xf32, #tpu.memory_space<vmem>>[vector<16xi32>, vector<16xi32>], vector<16xf32>, vector<16xi1>
      %scan3A_422 = arith.constant 0 : i32
      %scan3A_423 = arith.constant 1 : i32
      %scan3A_424 = arith.addi %scan3A_405, %scan3A_423 : i32
      %mul3A_425 = arith.constant 16 : i32
      %mul3A_426 = arith.muli %scan3A_424, %mul3A_425 : i32
      %get3A_427 = arith.index_cast %mul3A_426 : i32 to index
      %get3A_428 = tpu.vector_load %arg8[%get3A_427] {strides = array<i32>} : memref<8192xi32, #tpu.memory_space<vmem>>, vector<16xi32>,
      %mul3A_429 = arith.constant 16 : i32
      %mul3A_430 = arith.muli %scan3A_424, %mul3A_429 : i32
      %get3A_431 = arith.index_cast %mul3A_430 : i32 to index
      %get3A_432 = tpu.vector_load %arg9[%get3A_431] {strides = array<i32>} : memref<8192xi32, #tpu.memory_space<vmem>>, vector<16xi32>,
      %sub3A_433 = vector.broadcast %mul3A_213 : i32 to vector<16xi32>
      %sub3A_434 = arith.subi %get3A_428, %sub3A_433 : vector<16xi32>
      %ge3A_435 = arith.constant 0 : i32
      %ge3A_436 = vector.broadcast %ge3A_435 : i32 to vector<16xi32>
      %ge3A_437 = arith.cmpi sge, %sub3A_434, %ge3A_436 : vector<16xi32>
      %lt3A_438 = arith.constant 32 : i32
      %lt3A_439 = vector.broadcast %lt3A_438 : i32 to vector<16xi32>
      %lt3A_440 = arith.cmpi slt, %sub3A_434, %lt3A_439 : vector<16xi32>
      %and3A_441 = arith.andi %ge3A_437, %lt3A_440 : vector<16xi1>
      %and3A_442 = arith.constant 31 : i32
      %and3A_443 = vector.broadcast %and3A_442 : i32 to vector<16xi32>
      %and3A_444 = arith.andi %sub3A_434, %and3A_443 : vector<16xi32>
      tpu.vector_store_idx %arg5[%and3A_444, %get3A_432], %broadcast_in_dim3A_1 masked %and3A_441 {add = true} : memref<32x2048xf32, #tpu.memory_space<vmem>>[vector<16xi32>, vector<16xi32>], vector<16xf32>, vector<16xi1>
      %scan3A_445 = arith.constant 0 : i32
      %scan3A_446 = arith.constant 2 : i32
      %scan3A_447 = arith.addi %scan3A_405, %scan3A_446 : i32
      %mul3A_448 = arith.constant 16 : i32
      %mul3A_449 = arith.muli %scan3A_447, %mul3A_448 : i32
      %get3A_450 = arith.index_cast %mul3A_449 : i32 to index
      %get3A_451 = tpu.vector_load %arg8[%get3A_450] {strides = array<i32>} : memref<8192xi32, #tpu.memory_space<vmem>>, vector<16xi32>,
      %mul3A_452 = arith.constant 16 : i32
      %mul3A_453 = arith.muli %scan3A_447, %mul3A_452 : i32
      %get3A_454 = arith.index_cast %mul3A_453 : i32 to index
      %get3A_455 = tpu.vector_load %arg9[%get3A_454] {strides = array<i32>} : memref<8192xi32, #tpu.memory_space<vmem>>, vector<16xi32>,
      %sub3A_456 = vector.broadcast %mul3A_213 : i32 to vector<16xi32>
      %sub3A_457 = arith.subi %get3A_451, %sub3A_456 : vector<16xi32>
      %ge3A_458 = arith.constant 0 : i32
      %ge3A_459 = vector.broadcast %ge3A_458 : i32 to vector<16xi32>
      %ge3A_460 = arith.cmpi sge, %sub3A_457, %ge3A_459 : vector<16xi32>
      %lt3A_461 = arith.constant 32 : i32
      %lt3A_462 = vector.broadcast %lt3A_461 : i32 to vector<16xi32>
      %lt3A_463 = arith.cmpi slt, %sub3A_457, %lt3A_462 : vector<16xi32>
      %and3A_464 = arith.andi %ge3A_460, %lt3A_463 : vector<16xi1>
      %and3A_465 = arith.constant 31 : i32
      %and3A_466 = vector.broadcast %and3A_465 : i32 to vector<16xi32>
      %and3A_467 = arith.andi %sub3A_457, %and3A_466 : vector<16xi32>
      tpu.vector_store_idx %arg5[%and3A_467, %get3A_455], %broadcast_in_dim3A_1 masked %and3A_464 {add = true} : memref<32x2048xf32, #tpu.memory_space<vmem>>[vector<16xi32>, vector<16xi32>], vector<16xf32>, vector<16xi1>
      %scan3A_468 = arith.constant 0 : i32
      %scan3A_469 = arith.constant 3 : i32
      %scan3A_470 = arith.addi %scan3A_405, %scan3A_469 : i32
      %mul3A_471 = arith.constant 16 : i32
      %mul3A_472 = arith.muli %scan3A_470, %mul3A_471 : i32
      %get3A_473 = arith.index_cast %mul3A_472 : i32 to index
      %get3A_474 = tpu.vector_load %arg8[%get3A_473] {strides = array<i32>} : memref<8192xi32, #tpu.memory_space<vmem>>, vector<16xi32>,
      %mul3A_475 = arith.constant 16 : i32
      %mul3A_476 = arith.muli %scan3A_470, %mul3A_475 : i32
      %get3A_477 = arith.index_cast %mul3A_476 : i32 to index
      %get3A_478 = tpu.vector_load %arg9[%get3A_477] {strides = array<i32>} : memref<8192xi32, #tpu.memory_space<vmem>>, vector<16xi32>,
      %sub3A_479 = vector.broadcast %mul3A_213 : i32 to vector<16xi32>
      %sub3A_480 = arith.subi %get3A_474, %sub3A_479 : vector<16xi32>
      %ge3A_481 = arith.constant 0 : i32
      %ge3A_482 = vector.broadcast %ge3A_481 : i32 to vector<16xi32>
      %ge3A_483 = arith.cmpi sge, %sub3A_480, %ge3A_482 : vector<16xi32>
      %lt3A_484 = arith.constant 32 : i32
      %lt3A_485 = vector.broadcast %lt3A_484 : i32 to vector<16xi32>
      %lt3A_486 = arith.cmpi slt, %sub3A_480, %lt3A_485 : vector<16xi32>
      %and3A_487 = arith.andi %ge3A_483, %lt3A_486 : vector<16xi1>
      %and3A_488 = arith.constant 31 : i32
      %and3A_489 = vector.broadcast %and3A_488 : i32 to vector<16xi32>
      %and3A_490 = arith.andi %sub3A_480, %and3A_489 : vector<16xi32>
      tpu.vector_store_idx %arg5[%and3A_490, %get3A_478], %broadcast_in_dim3A_1 masked %and3A_487 {add = true} : memref<32x2048xf32, #tpu.memory_space<vmem>>[vector<16xi32>, vector<16xi32>], vector<16xf32>, vector<16xi1>
      %scan3A_491 = arith.constant 0 : i32
      %scan3A_492 = arith.constant 4 : i32
      %scan3A_493 = arith.addi %scan3A_405, %scan3A_492 : i32
      %mul3A_494 = arith.constant 16 : i32
      %mul3A_495 = arith.muli %scan3A_493, %mul3A_494 : i32
      %get3A_496 = arith.index_cast %mul3A_495 : i32 to index
      %get3A_497 = tpu.vector_load %arg8[%get3A_496] {strides = array<i32>} : memref<8192xi32, #tpu.memory_space<vmem>>, vector<16xi32>,
      %mul3A_498 = arith.constant 16 : i32
      %mul3A_499 = arith.muli %scan3A_493, %mul3A_498 : i32
      %get3A_500 = arith.index_cast %mul3A_499 : i32 to index
      %get3A_501 = tpu.vector_load %arg9[%get3A_500] {strides = array<i32>} : memref<8192xi32, #tpu.memory_space<vmem>>, vector<16xi32>,
      %sub3A_502 = vector.broadcast %mul3A_213 : i32 to vector<16xi32>
      %sub3A_503 = arith.subi %get3A_497, %sub3A_502 : vector<16xi32>
      %ge3A_504 = arith.constant 0 : i32
      %ge3A_505 = vector.broadcast %ge3A_504 : i32 to vector<16xi32>
      %ge3A_506 = arith.cmpi sge, %sub3A_503, %ge3A_505 : vector<16xi32>
      %lt3A_507 = arith.constant 32 : i32
      %lt3A_508 = vector.broadcast %lt3A_507 : i32 to vector<16xi32>
      %lt3A_509 = arith.cmpi slt, %sub3A_503, %lt3A_508 : vector<16xi32>
      %and3A_510 = arith.andi %ge3A_506, %lt3A_509 : vector<16xi1>
      %and3A_511 = arith.constant 31 : i32
      %and3A_512 = vector.broadcast %and3A_511 : i32 to vector<16xi32>
      %and3A_513 = arith.andi %sub3A_503, %and3A_512 : vector<16xi32>
      tpu.vector_store_idx %arg5[%and3A_513, %get3A_501], %broadcast_in_dim3A_1 masked %and3A_510 {add = true} : memref<32x2048xf32, #tpu.memory_space<vmem>>[vector<16xi32>, vector<16xi32>], vector<16xf32>, vector<16xi1>
      %scan3A_514 = arith.constant 0 : i32
      %scan3A_515 = arith.constant 5 : i32
      %scan3A_516 = arith.addi %scan3A_405, %scan3A_515 : i32
      %mul3A_517 = arith.constant 16 : i32
      %mul3A_518 = arith.muli %scan3A_516, %mul3A_517 : i32
      %get3A_519 = arith.index_cast %mul3A_518 : i32 to index
      %get3A_520 = tpu.vector_load %arg8[%get3A_519] {strides = array<i32>} : memref<8192xi32, #tpu.memory_space<vmem>>, vector<16xi32>,
      %mul3A_521 = arith.constant 16 : i32
      %mul3A_522 = arith.muli %scan3A_516, %mul3A_521 : i32
      %get3A_523 = arith.index_cast %mul3A_522 : i32 to index
      %get3A_524 = tpu.vector_load %arg9[%get3A_523] {strides = array<i32>} : memref<8192xi32, #tpu.memory_space<vmem>>, vector<16xi32>,
      %sub3A_525 = vector.broadcast %mul3A_213 : i32 to vector<16xi32>
      %sub3A_526 = arith.subi %get3A_520, %sub3A_525 : vector<16xi32>
      %ge3A_527 = arith.constant 0 : i32
      %ge3A_528 = vector.broadcast %ge3A_527 : i32 to vector<16xi32>
      %ge3A_529 = arith.cmpi sge, %sub3A_526, %ge3A_528 : vector<16xi32>
      %lt3A_530 = arith.constant 32 : i32
      %lt3A_531 = vector.broadcast %lt3A_530 : i32 to vector<16xi32>
      %lt3A_532 = arith.cmpi slt, %sub3A_526, %lt3A_531 : vector<16xi32>
      %and3A_533 = arith.andi %ge3A_529, %lt3A_532 : vector<16xi1>
      %and3A_534 = arith.constant 31 : i32
      %and3A_535 = vector.broadcast %and3A_534 : i32 to vector<16xi32>
      %and3A_536 = arith.andi %sub3A_526, %and3A_535 : vector<16xi32>
      tpu.vector_store_idx %arg5[%and3A_536, %get3A_524], %broadcast_in_dim3A_1 masked %and3A_533 {add = true} : memref<32x2048xf32, #tpu.memory_space<vmem>>[vector<16xi32>, vector<16xi32>], vector<16xf32>, vector<16xi1>
      %scan3A_537 = arith.constant 0 : i32
      %scan3A_538 = arith.constant 6 : i32
      %scan3A_539 = arith.addi %scan3A_405, %scan3A_538 : i32
      %mul3A_540 = arith.constant 16 : i32
      %mul3A_541 = arith.muli %scan3A_539, %mul3A_540 : i32
      %get3A_542 = arith.index_cast %mul3A_541 : i32 to index
      %get3A_543 = tpu.vector_load %arg8[%get3A_542] {strides = array<i32>} : memref<8192xi32, #tpu.memory_space<vmem>>, vector<16xi32>,
      %mul3A_544 = arith.constant 16 : i32
      %mul3A_545 = arith.muli %scan3A_539, %mul3A_544 : i32
      %get3A_546 = arith.index_cast %mul3A_545 : i32 to index
      %get3A_547 = tpu.vector_load %arg9[%get3A_546] {strides = array<i32>} : memref<8192xi32, #tpu.memory_space<vmem>>, vector<16xi32>,
      %sub3A_548 = vector.broadcast %mul3A_213 : i32 to vector<16xi32>
      %sub3A_549 = arith.subi %get3A_543, %sub3A_548 : vector<16xi32>
      %ge3A_550 = arith.constant 0 : i32
      %ge3A_551 = vector.broadcast %ge3A_550 : i32 to vector<16xi32>
      %ge3A_552 = arith.cmpi sge, %sub3A_549, %ge3A_551 : vector<16xi32>
      %lt3A_553 = arith.constant 32 : i32
      %lt3A_554 = vector.broadcast %lt3A_553 : i32 to vector<16xi32>
      %lt3A_555 = arith.cmpi slt, %sub3A_549, %lt3A_554 : vector<16xi32>
      %and3A_556 = arith.andi %ge3A_552, %lt3A_555 : vector<16xi1>
      %and3A_557 = arith.constant 31 : i32
      %and3A_558 = vector.broadcast %and3A_557 : i32 to vector<16xi32>
      %and3A_559 = arith.andi %sub3A_549, %and3A_558 : vector<16xi32>
      tpu.vector_store_idx %arg5[%and3A_559, %get3A_547], %broadcast_in_dim3A_1 masked %and3A_556 {add = true} : memref<32x2048xf32, #tpu.memory_space<vmem>>[vector<16xi32>, vector<16xi32>], vector<16xf32>, vector<16xi1>
      %scan3A_560 = arith.constant 0 : i32
      %scan3A_561 = arith.constant 7 : i32
      %scan3A_562 = arith.addi %scan3A_405, %scan3A_561 : i32
      %mul3A_563 = arith.constant 16 : i32
      %mul3A_564 = arith.muli %scan3A_562, %mul3A_563 : i32
      %get3A_565 = arith.index_cast %mul3A_564 : i32 to index
      %get3A_566 = tpu.vector_load %arg8[%get3A_565] {strides = array<i32>} : memref<8192xi32, #tpu.memory_space<vmem>>, vector<16xi32>,
      %mul3A_567 = arith.constant 16 : i32
      %mul3A_568 = arith.muli %scan3A_562, %mul3A_567 : i32
      %get3A_569 = arith.index_cast %mul3A_568 : i32 to index
      %get3A_570 = tpu.vector_load %arg9[%get3A_569] {strides = array<i32>} : memref<8192xi32, #tpu.memory_space<vmem>>, vector<16xi32>,
      %sub3A_571 = vector.broadcast %mul3A_213 : i32 to vector<16xi32>
      %sub3A_572 = arith.subi %get3A_566, %sub3A_571 : vector<16xi32>
      %ge3A_573 = arith.constant 0 : i32
      %ge3A_574 = vector.broadcast %ge3A_573 : i32 to vector<16xi32>
      %ge3A_575 = arith.cmpi sge, %sub3A_572, %ge3A_574 : vector<16xi32>
      %lt3A_576 = arith.constant 32 : i32
      %lt3A_577 = vector.broadcast %lt3A_576 : i32 to vector<16xi32>
      %lt3A_578 = arith.cmpi slt, %sub3A_572, %lt3A_577 : vector<16xi32>
      %and3A_579 = arith.andi %ge3A_575, %lt3A_578 : vector<16xi1>
      %and3A_580 = arith.constant 31 : i32
      %and3A_581 = vector.broadcast %and3A_580 : i32 to vector<16xi32>
      %and3A_582 = arith.andi %sub3A_572, %and3A_581 : vector<16xi32>
      tpu.vector_store_idx %arg5[%and3A_582, %get3A_570], %broadcast_in_dim3A_1 masked %and3A_579 {add = true} : memref<32x2048xf32, #tpu.memory_space<vmem>>[vector<16xi32>, vector<16xi32>], vector<16xf32>, vector<16xi1>
      %scan3A_583 = arith.constant 0 : i32
      scf.yield %scan3A_583 : i32
    }
    %scan3A_308 = arith.constant 512 : i32
    %dma_wait3A_309 = arith.constant 32768 : i32
    %dma_wait3A_310 = tpu.memref_slice %arg2[%dma_wait3A_309] : memref<65536xi32, #tpu.memory_space<hbm>> -> memref<8192xi32, #tpu.memory_space<hbm>>
    %dma_wait3A_311 = arith.constant 32768 : i32
    %dma_wait3A_312 = tpu.memref_slice %arg2[%dma_wait3A_311] : memref<65536xi32, #tpu.memory_space<hbm>> -> memref<8192xi32, #tpu.memory_space<hbm>>
    tpu.wait_dma2 semaphore(%arg10 : memref<!tpu.dma_semaphore, #tpu.memory_space<semaphore_mem>>) src(%dma_wait3A_312 : memref<8192xi32, #tpu.memory_space<hbm>>) dst(%arg6 : memref<8192xi32, #tpu.memory_space<vmem>>)
    %dma_wait3A_313 = arith.constant 32768 : i32
    %dma_wait3A_314 = tpu.memref_slice %arg3[%dma_wait3A_313] : memref<65536xi32, #tpu.memory_space<hbm>> -> memref<8192xi32, #tpu.memory_space<hbm>>
    %dma_wait3A_315 = arith.constant 32768 : i32
    %dma_wait3A_316 = tpu.memref_slice %arg3[%dma_wait3A_315] : memref<65536xi32, #tpu.memory_space<hbm>> -> memref<8192xi32, #tpu.memory_space<hbm>>
    tpu.wait_dma2 semaphore(%arg10 : memref<!tpu.dma_semaphore, #tpu.memory_space<semaphore_mem>>) src(%dma_wait3A_316 : memref<8192xi32, #tpu.memory_space<hbm>>) dst(%arg7 : memref<8192xi32, #tpu.memory_space<vmem>>)
    %dma_start3A_317 = arith.constant 40960 : i32
    %dma_start3A_318 = tpu.memref_slice %arg2[%dma_start3A_317] : memref<65536xi32, #tpu.memory_space<hbm>> -> memref<8192xi32, #tpu.memory_space<hbm>>
    %dma_start3A_319 = arith.constant 40960 : i32
    %dma_start3A_320 = tpu.memref_slice %arg2[%dma_start3A_319] : memref<65536xi32, #tpu.memory_space<hbm>> -> memref<8192xi32, #tpu.memory_space<hbm>>
    tpu.enqueue_dma source(%dma_start3A_320 : memref<8192xi32, #tpu.memory_space<hbm>>) target(%arg8 : memref<8192xi32, #tpu.memory_space<vmem>>) target_semaphore(%arg11 : memref<!tpu.dma_semaphore, #tpu.memory_space<semaphore_mem>>)
    %dma_start3A_321 = arith.constant 40960 : i32
    %dma_start3A_322 = tpu.memref_slice %arg3[%dma_start3A_321] : memref<65536xi32, #tpu.memory_space<hbm>> -> memref<8192xi32, #tpu.memory_space<hbm>>
    %dma_start3A_323 = arith.constant 40960 : i32
    %dma_start3A_324 = tpu.memref_slice %arg3[%dma_start3A_323] : memref<65536xi32, #tpu.memory_space<hbm>> -> memref<8192xi32, #tpu.memory_space<hbm>>
    tpu.enqueue_dma source(%dma_start3A_324 : memref<8192xi32, #tpu.memory_space<hbm>>) target(%arg9 : memref<8192xi32, #tpu.memory_space<vmem>>) target_semaphore(%arg11 : memref<!tpu.dma_semaphore, #tpu.memory_space<semaphore_mem>>)
    %scan3A_325 = arith.constant 0 : i32
    %scan3A_326 = arith.constant 0 : i32
    %scan3A_327 = arith.constant 512 : i32
    %scan3A_328 = arith.addi %scan3A_326, %scan3A_327 : i32
    %scan3A_329 = arith.constant 8 : i32
    %scan3A_330 = scf.for %scan3A_405 = %scan3A_326 to %scan3A_328 step %scan3A_329 iter_args(%scan3A_406 = %scan3A_325) -> (i32)  : i32 {
      %mul3A_407 = arith.constant 16 : i32
      %mul3A_408 = arith.muli %scan3A_405, %mul3A_407 : i32
      %get3A = arith.index_cast %mul3A_408 : i32 to index
      %get3A_409 = tpu.vector_load %arg6[%get3A] {strides = array<i32>} : memref<8192xi32, #tpu.memory_space<vmem>>, vector<16xi32>,
      %mul3A_410 = arith.constant 16 : i32
      %mul3A_411 = arith.muli %scan3A_405, %mul3A_410 : i32
      %get3A_412 = arith.index_cast %mul3A_411 : i32 to index
      %get3A_413 = tpu.vector_load %arg7[%get3A_412] {strides = array<i32>} : memref<8192xi32, #tpu.memory_space<vmem>>, vector<16xi32>,
      %sub3A = vector.broadcast %mul3A_213 : i32 to vector<16xi32>
      %sub3A_414 = arith.subi %get3A_409, %sub3A : vector<16xi32>
      %ge3A = arith.constant 0 : i32
      %ge3A_415 = vector.broadcast %ge3A : i32 to vector<16xi32>
      %ge3A_416 = arith.cmpi sge, %sub3A_414, %ge3A_415 : vector<16xi32>
      %lt3A = arith.constant 32 : i32
      %lt3A_417 = vector.broadcast %lt3A : i32 to vector<16xi32>
      %lt3A_418 = arith.cmpi slt, %sub3A_414, %lt3A_417 : vector<16xi32>
      %and3A = arith.andi %ge3A_416, %lt3A_418 : vector<16xi1>
      %and3A_419 = arith.constant 31 : i32
      %and3A_420 = vector.broadcast %and3A_419 : i32 to vector<16xi32>
      %and3A_421 = arith.andi %sub3A_414, %and3A_420 : vector<16xi32>
      tpu.vector_store_idx %arg5[%and3A_421, %get3A_413], %broadcast_in_dim3A_1 masked %and3A {add = true} : memref<32x2048xf32, #tpu.memory_space<vmem>>[vector<16xi32>, vector<16xi32>], vector<16xf32>, vector<16xi1>
      %scan3A_422 = arith.constant 0 : i32
      %scan3A_423 = arith.constant 1 : i32
      %scan3A_424 = arith.addi %scan3A_405, %scan3A_423 : i32
      %mul3A_425 = arith.constant 16 : i32
      %mul3A_426 = arith.muli %scan3A_424, %mul3A_425 : i32
      %get3A_427 = arith.index_cast %mul3A_426 : i32 to index
      %get3A_428 = tpu.vector_load %arg6[%get3A_427] {strides = array<i32>} : memref<8192xi32, #tpu.memory_space<vmem>>, vector<16xi32>,
      %mul3A_429 = arith.constant 16 : i32
      %mul3A_430 = arith.muli %scan3A_424, %mul3A_429 : i32
      %get3A_431 = arith.index_cast %mul3A_430 : i32 to index
      %get3A_432 = tpu.vector_load %arg7[%get3A_431] {strides = array<i32>} : memref<8192xi32, #tpu.memory_space<vmem>>, vector<16xi32>,
      %sub3A_433 = vector.broadcast %mul3A_213 : i32 to vector<16xi32>
      %sub3A_434 = arith.subi %get3A_428, %sub3A_433 : vector<16xi32>
      %ge3A_435 = arith.constant 0 : i32
      %ge3A_436 = vector.broadcast %ge3A_435 : i32 to vector<16xi32>
      %ge3A_437 = arith.cmpi sge, %sub3A_434, %ge3A_436 : vector<16xi32>
      %lt3A_438 = arith.constant 32 : i32
      %lt3A_439 = vector.broadcast %lt3A_438 : i32 to vector<16xi32>
      %lt3A_440 = arith.cmpi slt, %sub3A_434, %lt3A_439 : vector<16xi32>
      %and3A_441 = arith.andi %ge3A_437, %lt3A_440 : vector<16xi1>
      %and3A_442 = arith.constant 31 : i32
      %and3A_443 = vector.broadcast %and3A_442 : i32 to vector<16xi32>
      %and3A_444 = arith.andi %sub3A_434, %and3A_443 : vector<16xi32>
      tpu.vector_store_idx %arg5[%and3A_444, %get3A_432], %broadcast_in_dim3A_1 masked %and3A_441 {add = true} : memref<32x2048xf32, #tpu.memory_space<vmem>>[vector<16xi32>, vector<16xi32>], vector<16xf32>, vector<16xi1>
      %scan3A_445 = arith.constant 0 : i32
      %scan3A_446 = arith.constant 2 : i32
      %scan3A_447 = arith.addi %scan3A_405, %scan3A_446 : i32
      %mul3A_448 = arith.constant 16 : i32
      %mul3A_449 = arith.muli %scan3A_447, %mul3A_448 : i32
      %get3A_450 = arith.index_cast %mul3A_449 : i32 to index
      %get3A_451 = tpu.vector_load %arg6[%get3A_450] {strides = array<i32>} : memref<8192xi32, #tpu.memory_space<vmem>>, vector<16xi32>,
      %mul3A_452 = arith.constant 16 : i32
      %mul3A_453 = arith.muli %scan3A_447, %mul3A_452 : i32
      %get3A_454 = arith.index_cast %mul3A_453 : i32 to index
      %get3A_455 = tpu.vector_load %arg7[%get3A_454] {strides = array<i32>} : memref<8192xi32, #tpu.memory_space<vmem>>, vector<16xi32>,
      %sub3A_456 = vector.broadcast %mul3A_213 : i32 to vector<16xi32>
      %sub3A_457 = arith.subi %get3A_451, %sub3A_456 : vector<16xi32>
      %ge3A_458 = arith.constant 0 : i32
      %ge3A_459 = vector.broadcast %ge3A_458 : i32 to vector<16xi32>
      %ge3A_460 = arith.cmpi sge, %sub3A_457, %ge3A_459 : vector<16xi32>
      %lt3A_461 = arith.constant 32 : i32
      %lt3A_462 = vector.broadcast %lt3A_461 : i32 to vector<16xi32>
      %lt3A_463 = arith.cmpi slt, %sub3A_457, %lt3A_462 : vector<16xi32>
      %and3A_464 = arith.andi %ge3A_460, %lt3A_463 : vector<16xi1>
      %and3A_465 = arith.constant 31 : i32
      %and3A_466 = vector.broadcast %and3A_465 : i32 to vector<16xi32>
      %and3A_467 = arith.andi %sub3A_457, %and3A_466 : vector<16xi32>
      tpu.vector_store_idx %arg5[%and3A_467, %get3A_455], %broadcast_in_dim3A_1 masked %and3A_464 {add = true} : memref<32x2048xf32, #tpu.memory_space<vmem>>[vector<16xi32>, vector<16xi32>], vector<16xf32>, vector<16xi1>
      %scan3A_468 = arith.constant 0 : i32
      %scan3A_469 = arith.constant 3 : i32
      %scan3A_470 = arith.addi %scan3A_405, %scan3A_469 : i32
      %mul3A_471 = arith.constant 16 : i32
      %mul3A_472 = arith.muli %scan3A_470, %mul3A_471 : i32
      %get3A_473 = arith.index_cast %mul3A_472 : i32 to index
      %get3A_474 = tpu.vector_load %arg6[%get3A_473] {strides = array<i32>} : memref<8192xi32, #tpu.memory_space<vmem>>, vector<16xi32>,
      %mul3A_475 = arith.constant 16 : i32
      %mul3A_476 = arith.muli %scan3A_470, %mul3A_475 : i32
      %get3A_477 = arith.index_cast %mul3A_476 : i32 to index
      %get3A_478 = tpu.vector_load %arg7[%get3A_477] {strides = array<i32>} : memref<8192xi32, #tpu.memory_space<vmem>>, vector<16xi32>,
      %sub3A_479 = vector.broadcast %mul3A_213 : i32 to vector<16xi32>
      %sub3A_480 = arith.subi %get3A_474, %sub3A_479 : vector<16xi32>
      %ge3A_481 = arith.constant 0 : i32
      %ge3A_482 = vector.broadcast %ge3A_481 : i32 to vector<16xi32>
      %ge3A_483 = arith.cmpi sge, %sub3A_480, %ge3A_482 : vector<16xi32>
      %lt3A_484 = arith.constant 32 : i32
      %lt3A_485 = vector.broadcast %lt3A_484 : i32 to vector<16xi32>
      %lt3A_486 = arith.cmpi slt, %sub3A_480, %lt3A_485 : vector<16xi32>
      %and3A_487 = arith.andi %ge3A_483, %lt3A_486 : vector<16xi1>
      %and3A_488 = arith.constant 31 : i32
      %and3A_489 = vector.broadcast %and3A_488 : i32 to vector<16xi32>
      %and3A_490 = arith.andi %sub3A_480, %and3A_489 : vector<16xi32>
      tpu.vector_store_idx %arg5[%and3A_490, %get3A_478], %broadcast_in_dim3A_1 masked %and3A_487 {add = true} : memref<32x2048xf32, #tpu.memory_space<vmem>>[vector<16xi32>, vector<16xi32>], vector<16xf32>, vector<16xi1>
      %scan3A_491 = arith.constant 0 : i32
      %scan3A_492 = arith.constant 4 : i32
      %scan3A_493 = arith.addi %scan3A_405, %scan3A_492 : i32
      %mul3A_494 = arith.constant 16 : i32
      %mul3A_495 = arith.muli %scan3A_493, %mul3A_494 : i32
      %get3A_496 = arith.index_cast %mul3A_495 : i32 to index
      %get3A_497 = tpu.vector_load %arg6[%get3A_496] {strides = array<i32>} : memref<8192xi32, #tpu.memory_space<vmem>>, vector<16xi32>,
      %mul3A_498 = arith.constant 16 : i32
      %mul3A_499 = arith.muli %scan3A_493, %mul3A_498 : i32
      %get3A_500 = arith.index_cast %mul3A_499 : i32 to index
      %get3A_501 = tpu.vector_load %arg7[%get3A_500] {strides = array<i32>} : memref<8192xi32, #tpu.memory_space<vmem>>, vector<16xi32>,
      %sub3A_502 = vector.broadcast %mul3A_213 : i32 to vector<16xi32>
      %sub3A_503 = arith.subi %get3A_497, %sub3A_502 : vector<16xi32>
      %ge3A_504 = arith.constant 0 : i32
      %ge3A_505 = vector.broadcast %ge3A_504 : i32 to vector<16xi32>
      %ge3A_506 = arith.cmpi sge, %sub3A_503, %ge3A_505 : vector<16xi32>
      %lt3A_507 = arith.constant 32 : i32
      %lt3A_508 = vector.broadcast %lt3A_507 : i32 to vector<16xi32>
      %lt3A_509 = arith.cmpi slt, %sub3A_503, %lt3A_508 : vector<16xi32>
      %and3A_510 = arith.andi %ge3A_506, %lt3A_509 : vector<16xi1>
      %and3A_511 = arith.constant 31 : i32
      %and3A_512 = vector.broadcast %and3A_511 : i32 to vector<16xi32>
      %and3A_513 = arith.andi %sub3A_503, %and3A_512 : vector<16xi32>
      tpu.vector_store_idx %arg5[%and3A_513, %get3A_501], %broadcast_in_dim3A_1 masked %and3A_510 {add = true} : memref<32x2048xf32, #tpu.memory_space<vmem>>[vector<16xi32>, vector<16xi32>], vector<16xf32>, vector<16xi1>
      %scan3A_514 = arith.constant 0 : i32
      %scan3A_515 = arith.constant 5 : i32
      %scan3A_516 = arith.addi %scan3A_405, %scan3A_515 : i32
      %mul3A_517 = arith.constant 16 : i32
      %mul3A_518 = arith.muli %scan3A_516, %mul3A_517 : i32
      %get3A_519 = arith.index_cast %mul3A_518 : i32 to index
      %get3A_520 = tpu.vector_load %arg6[%get3A_519] {strides = array<i32>} : memref<8192xi32, #tpu.memory_space<vmem>>, vector<16xi32>,
      %mul3A_521 = arith.constant 16 : i32
      %mul3A_522 = arith.muli %scan3A_516, %mul3A_521 : i32
      %get3A_523 = arith.index_cast %mul3A_522 : i32 to index
      %get3A_524 = tpu.vector_load %arg7[%get3A_523] {strides = array<i32>} : memref<8192xi32, #tpu.memory_space<vmem>>, vector<16xi32>,
      %sub3A_525 = vector.broadcast %mul3A_213 : i32 to vector<16xi32>
      %sub3A_526 = arith.subi %get3A_520, %sub3A_525 : vector<16xi32>
      %ge3A_527 = arith.constant 0 : i32
      %ge3A_528 = vector.broadcast %ge3A_527 : i32 to vector<16xi32>
      %ge3A_529 = arith.cmpi sge, %sub3A_526, %ge3A_528 : vector<16xi32>
      %lt3A_530 = arith.constant 32 : i32
      %lt3A_531 = vector.broadcast %lt3A_530 : i32 to vector<16xi32>
      %lt3A_532 = arith.cmpi slt, %sub3A_526, %lt3A_531 : vector<16xi32>
      %and3A_533 = arith.andi %ge3A_529, %lt3A_532 : vector<16xi1>
      %and3A_534 = arith.constant 31 : i32
      %and3A_535 = vector.broadcast %and3A_534 : i32 to vector<16xi32>
      %and3A_536 = arith.andi %sub3A_526, %and3A_535 : vector<16xi32>
      tpu.vector_store_idx %arg5[%and3A_536, %get3A_524], %broadcast_in_dim3A_1 masked %and3A_533 {add = true} : memref<32x2048xf32, #tpu.memory_space<vmem>>[vector<16xi32>, vector<16xi32>], vector<16xf32>, vector<16xi1>
      %scan3A_537 = arith.constant 0 : i32
      %scan3A_538 = arith.constant 6 : i32
      %scan3A_539 = arith.addi %scan3A_405, %scan3A_538 : i32
      %mul3A_540 = arith.constant 16 : i32
      %mul3A_541 = arith.muli %scan3A_539, %mul3A_540 : i32
      %get3A_542 = arith.index_cast %mul3A_541 : i32 to index
      %get3A_543 = tpu.vector_load %arg6[%get3A_542] {strides = array<i32>} : memref<8192xi32, #tpu.memory_space<vmem>>, vector<16xi32>,
      %mul3A_544 = arith.constant 16 : i32
      %mul3A_545 = arith.muli %scan3A_539, %mul3A_544 : i32
      %get3A_546 = arith.index_cast %mul3A_545 : i32 to index
      %get3A_547 = tpu.vector_load %arg7[%get3A_546] {strides = array<i32>} : memref<8192xi32, #tpu.memory_space<vmem>>, vector<16xi32>,
      %sub3A_548 = vector.broadcast %mul3A_213 : i32 to vector<16xi32>
      %sub3A_549 = arith.subi %get3A_543, %sub3A_548 : vector<16xi32>
      %ge3A_550 = arith.constant 0 : i32
      %ge3A_551 = vector.broadcast %ge3A_550 : i32 to vector<16xi32>
      %ge3A_552 = arith.cmpi sge, %sub3A_549, %ge3A_551 : vector<16xi32>
      %lt3A_553 = arith.constant 32 : i32
      %lt3A_554 = vector.broadcast %lt3A_553 : i32 to vector<16xi32>
      %lt3A_555 = arith.cmpi slt, %sub3A_549, %lt3A_554 : vector<16xi32>
      %and3A_556 = arith.andi %ge3A_552, %lt3A_555 : vector<16xi1>
      %and3A_557 = arith.constant 31 : i32
      %and3A_558 = vector.broadcast %and3A_557 : i32 to vector<16xi32>
      %and3A_559 = arith.andi %sub3A_549, %and3A_558 : vector<16xi32>
      tpu.vector_store_idx %arg5[%and3A_559, %get3A_547], %broadcast_in_dim3A_1 masked %and3A_556 {add = true} : memref<32x2048xf32, #tpu.memory_space<vmem>>[vector<16xi32>, vector<16xi32>], vector<16xf32>, vector<16xi1>
      %scan3A_560 = arith.constant 0 : i32
      %scan3A_561 = arith.constant 7 : i32
      %scan3A_562 = arith.addi %scan3A_405, %scan3A_561 : i32
      %mul3A_563 = arith.constant 16 : i32
      %mul3A_564 = arith.muli %scan3A_562, %mul3A_563 : i32
      %get3A_565 = arith.index_cast %mul3A_564 : i32 to index
      %get3A_566 = tpu.vector_load %arg6[%get3A_565] {strides = array<i32>} : memref<8192xi32, #tpu.memory_space<vmem>>, vector<16xi32>,
      %mul3A_567 = arith.constant 16 : i32
      %mul3A_568 = arith.muli %scan3A_562, %mul3A_567 : i32
      %get3A_569 = arith.index_cast %mul3A_568 : i32 to index
      %get3A_570 = tpu.vector_load %arg7[%get3A_569] {strides = array<i32>} : memref<8192xi32, #tpu.memory_space<vmem>>, vector<16xi32>,
      %sub3A_571 = vector.broadcast %mul3A_213 : i32 to vector<16xi32>
      %sub3A_572 = arith.subi %get3A_566, %sub3A_571 : vector<16xi32>
      %ge3A_573 = arith.constant 0 : i32
      %ge3A_574 = vector.broadcast %ge3A_573 : i32 to vector<16xi32>
      %ge3A_575 = arith.cmpi sge, %sub3A_572, %ge3A_574 : vector<16xi32>
      %lt3A_576 = arith.constant 32 : i32
      %lt3A_577 = vector.broadcast %lt3A_576 : i32 to vector<16xi32>
      %lt3A_578 = arith.cmpi slt, %sub3A_572, %lt3A_577 : vector<16xi32>
      %and3A_579 = arith.andi %ge3A_575, %lt3A_578 : vector<16xi1>
      %and3A_580 = arith.constant 31 : i32
      %and3A_581 = vector.broadcast %and3A_580 : i32 to vector<16xi32>
      %and3A_582 = arith.andi %sub3A_572, %and3A_581 : vector<16xi32>
      tpu.vector_store_idx %arg5[%and3A_582, %get3A_570], %broadcast_in_dim3A_1 masked %and3A_579 {add = true} : memref<32x2048xf32, #tpu.memory_space<vmem>>[vector<16xi32>, vector<16xi32>], vector<16xf32>, vector<16xi1>
      %scan3A_583 = arith.constant 0 : i32
      scf.yield %scan3A_583 : i32
    }
    %scan3A_331 = arith.constant 512 : i32
    %dma_wait3A_332 = arith.constant 40960 : i32
    %dma_wait3A_333 = tpu.memref_slice %arg2[%dma_wait3A_332] : memref<65536xi32, #tpu.memory_space<hbm>> -> memref<8192xi32, #tpu.memory_space<hbm>>
    %dma_wait3A_334 = arith.constant 40960 : i32
    %dma_wait3A_335 = tpu.memref_slice %arg2[%dma_wait3A_334] : memref<65536xi32, #tpu.memory_space<hbm>> -> memref<8192xi32, #tpu.memory_space<hbm>>
    tpu.wait_dma2 semaphore(%arg11 : memref<!tpu.dma_semaphore, #tpu.memory_space<semaphore_mem>>) src(%dma_wait3A_335 : memref<8192xi32, #tpu.memory_space<hbm>>) dst(%arg8 : memref<8192xi32, #tpu.memory_space<vmem>>)
    %dma_wait3A_336 = arith.constant 40960 : i32
    %dma_wait3A_337 = tpu.memref_slice %arg3[%dma_wait3A_336] : memref<65536xi32, #tpu.memory_space<hbm>> -> memref<8192xi32, #tpu.memory_space<hbm>>
    %dma_wait3A_338 = arith.constant 40960 : i32
    %dma_wait3A_339 = tpu.memref_slice %arg3[%dma_wait3A_338] : memref<65536xi32, #tpu.memory_space<hbm>> -> memref<8192xi32, #tpu.memory_space<hbm>>
    tpu.wait_dma2 semaphore(%arg11 : memref<!tpu.dma_semaphore, #tpu.memory_space<semaphore_mem>>) src(%dma_wait3A_339 : memref<8192xi32, #tpu.memory_space<hbm>>) dst(%arg9 : memref<8192xi32, #tpu.memory_space<vmem>>)
    %dma_start3A_340 = arith.constant 49152 : i32
    %dma_start3A_341 = tpu.memref_slice %arg2[%dma_start3A_340] : memref<65536xi32, #tpu.memory_space<hbm>> -> memref<8192xi32, #tpu.memory_space<hbm>>
    %dma_start3A_342 = arith.constant 49152 : i32
    %dma_start3A_343 = tpu.memref_slice %arg2[%dma_start3A_342] : memref<65536xi32, #tpu.memory_space<hbm>> -> memref<8192xi32, #tpu.memory_space<hbm>>
    tpu.enqueue_dma source(%dma_start3A_343 : memref<8192xi32, #tpu.memory_space<hbm>>) target(%arg6 : memref<8192xi32, #tpu.memory_space<vmem>>) target_semaphore(%arg10 : memref<!tpu.dma_semaphore, #tpu.memory_space<semaphore_mem>>)
    %dma_start3A_344 = arith.constant 49152 : i32
    %dma_start3A_345 = tpu.memref_slice %arg3[%dma_start3A_344] : memref<65536xi32, #tpu.memory_space<hbm>> -> memref<8192xi32, #tpu.memory_space<hbm>>
    %dma_start3A_346 = arith.constant 49152 : i32
    %dma_start3A_347 = tpu.memref_slice %arg3[%dma_start3A_346] : memref<65536xi32, #tpu.memory_space<hbm>> -> memref<8192xi32, #tpu.memory_space<hbm>>
    tpu.enqueue_dma source(%dma_start3A_347 : memref<8192xi32, #tpu.memory_space<hbm>>) target(%arg7 : memref<8192xi32, #tpu.memory_space<vmem>>) target_semaphore(%arg10 : memref<!tpu.dma_semaphore, #tpu.memory_space<semaphore_mem>>)
    %scan3A_348 = arith.constant 0 : i32
    %scan3A_349 = arith.constant 0 : i32
    %scan3A_350 = arith.constant 512 : i32
    %scan3A_351 = arith.addi %scan3A_349, %scan3A_350 : i32
    %scan3A_352 = arith.constant 8 : i32
    %scan3A_353 = scf.for %scan3A_405 = %scan3A_349 to %scan3A_351 step %scan3A_352 iter_args(%scan3A_406 = %scan3A_348) -> (i32)  : i32 {
      %mul3A_407 = arith.constant 16 : i32
      %mul3A_408 = arith.muli %scan3A_405, %mul3A_407 : i32
      %get3A = arith.index_cast %mul3A_408 : i32 to index
      %get3A_409 = tpu.vector_load %arg8[%get3A] {strides = array<i32>} : memref<8192xi32, #tpu.memory_space<vmem>>, vector<16xi32>,
      %mul3A_410 = arith.constant 16 : i32
      %mul3A_411 = arith.muli %scan3A_405, %mul3A_410 : i32
      %get3A_412 = arith.index_cast %mul3A_411 : i32 to index
      %get3A_413 = tpu.vector_load %arg9[%get3A_412] {strides = array<i32>} : memref<8192xi32, #tpu.memory_space<vmem>>, vector<16xi32>,
      %sub3A = vector.broadcast %mul3A_213 : i32 to vector<16xi32>
      %sub3A_414 = arith.subi %get3A_409, %sub3A : vector<16xi32>
      %ge3A = arith.constant 0 : i32
      %ge3A_415 = vector.broadcast %ge3A : i32 to vector<16xi32>
      %ge3A_416 = arith.cmpi sge, %sub3A_414, %ge3A_415 : vector<16xi32>
      %lt3A = arith.constant 32 : i32
      %lt3A_417 = vector.broadcast %lt3A : i32 to vector<16xi32>
      %lt3A_418 = arith.cmpi slt, %sub3A_414, %lt3A_417 : vector<16xi32>
      %and3A = arith.andi %ge3A_416, %lt3A_418 : vector<16xi1>
      %and3A_419 = arith.constant 31 : i32
      %and3A_420 = vector.broadcast %and3A_419 : i32 to vector<16xi32>
      %and3A_421 = arith.andi %sub3A_414, %and3A_420 : vector<16xi32>
      tpu.vector_store_idx %arg5[%and3A_421, %get3A_413], %broadcast_in_dim3A_1 masked %and3A {add = true} : memref<32x2048xf32, #tpu.memory_space<vmem>>[vector<16xi32>, vector<16xi32>], vector<16xf32>, vector<16xi1>
      %scan3A_422 = arith.constant 0 : i32
      %scan3A_423 = arith.constant 1 : i32
      %scan3A_424 = arith.addi %scan3A_405, %scan3A_423 : i32
      %mul3A_425 = arith.constant 16 : i32
      %mul3A_426 = arith.muli %scan3A_424, %mul3A_425 : i32
      %get3A_427 = arith.index_cast %mul3A_426 : i32 to index
      %get3A_428 = tpu.vector_load %arg8[%get3A_427] {strides = array<i32>} : memref<8192xi32, #tpu.memory_space<vmem>>, vector<16xi32>,
      %mul3A_429 = arith.constant 16 : i32
      %mul3A_430 = arith.muli %scan3A_424, %mul3A_429 : i32
      %get3A_431 = arith.index_cast %mul3A_430 : i32 to index
      %get3A_432 = tpu.vector_load %arg9[%get3A_431] {strides = array<i32>} : memref<8192xi32, #tpu.memory_space<vmem>>, vector<16xi32>,
      %sub3A_433 = vector.broadcast %mul3A_213 : i32 to vector<16xi32>
      %sub3A_434 = arith.subi %get3A_428, %sub3A_433 : vector<16xi32>
      %ge3A_435 = arith.constant 0 : i32
      %ge3A_436 = vector.broadcast %ge3A_435 : i32 to vector<16xi32>
      %ge3A_437 = arith.cmpi sge, %sub3A_434, %ge3A_436 : vector<16xi32>
      %lt3A_438 = arith.constant 32 : i32
      %lt3A_439 = vector.broadcast %lt3A_438 : i32 to vector<16xi32>
      %lt3A_440 = arith.cmpi slt, %sub3A_434, %lt3A_439 : vector<16xi32>
      %and3A_441 = arith.andi %ge3A_437, %lt3A_440 : vector<16xi1>
      %and3A_442 = arith.constant 31 : i32
      %and3A_443 = vector.broadcast %and3A_442 : i32 to vector<16xi32>
      %and3A_444 = arith.andi %sub3A_434, %and3A_443 : vector<16xi32>
      tpu.vector_store_idx %arg5[%and3A_444, %get3A_432], %broadcast_in_dim3A_1 masked %and3A_441 {add = true} : memref<32x2048xf32, #tpu.memory_space<vmem>>[vector<16xi32>, vector<16xi32>], vector<16xf32>, vector<16xi1>
      %scan3A_445 = arith.constant 0 : i32
      %scan3A_446 = arith.constant 2 : i32
      %scan3A_447 = arith.addi %scan3A_405, %scan3A_446 : i32
      %mul3A_448 = arith.constant 16 : i32
      %mul3A_449 = arith.muli %scan3A_447, %mul3A_448 : i32
      %get3A_450 = arith.index_cast %mul3A_449 : i32 to index
      %get3A_451 = tpu.vector_load %arg8[%get3A_450] {strides = array<i32>} : memref<8192xi32, #tpu.memory_space<vmem>>, vector<16xi32>,
      %mul3A_452 = arith.constant 16 : i32
      %mul3A_453 = arith.muli %scan3A_447, %mul3A_452 : i32
      %get3A_454 = arith.index_cast %mul3A_453 : i32 to index
      %get3A_455 = tpu.vector_load %arg9[%get3A_454] {strides = array<i32>} : memref<8192xi32, #tpu.memory_space<vmem>>, vector<16xi32>,
      %sub3A_456 = vector.broadcast %mul3A_213 : i32 to vector<16xi32>
      %sub3A_457 = arith.subi %get3A_451, %sub3A_456 : vector<16xi32>
      %ge3A_458 = arith.constant 0 : i32
      %ge3A_459 = vector.broadcast %ge3A_458 : i32 to vector<16xi32>
      %ge3A_460 = arith.cmpi sge, %sub3A_457, %ge3A_459 : vector<16xi32>
      %lt3A_461 = arith.constant 32 : i32
      %lt3A_462 = vector.broadcast %lt3A_461 : i32 to vector<16xi32>
      %lt3A_463 = arith.cmpi slt, %sub3A_457, %lt3A_462 : vector<16xi32>
      %and3A_464 = arith.andi %ge3A_460, %lt3A_463 : vector<16xi1>
      %and3A_465 = arith.constant 31 : i32
      %and3A_466 = vector.broadcast %and3A_465 : i32 to vector<16xi32>
      %and3A_467 = arith.andi %sub3A_457, %and3A_466 : vector<16xi32>
      tpu.vector_store_idx %arg5[%and3A_467, %get3A_455], %broadcast_in_dim3A_1 masked %and3A_464 {add = true} : memref<32x2048xf32, #tpu.memory_space<vmem>>[vector<16xi32>, vector<16xi32>], vector<16xf32>, vector<16xi1>
      %scan3A_468 = arith.constant 0 : i32
      %scan3A_469 = arith.constant 3 : i32
      %scan3A_470 = arith.addi %scan3A_405, %scan3A_469 : i32
      %mul3A_471 = arith.constant 16 : i32
      %mul3A_472 = arith.muli %scan3A_470, %mul3A_471 : i32
      %get3A_473 = arith.index_cast %mul3A_472 : i32 to index
      %get3A_474 = tpu.vector_load %arg8[%get3A_473] {strides = array<i32>} : memref<8192xi32, #tpu.memory_space<vmem>>, vector<16xi32>,
      %mul3A_475 = arith.constant 16 : i32
      %mul3A_476 = arith.muli %scan3A_470, %mul3A_475 : i32
      %get3A_477 = arith.index_cast %mul3A_476 : i32 to index
      %get3A_478 = tpu.vector_load %arg9[%get3A_477] {strides = array<i32>} : memref<8192xi32, #tpu.memory_space<vmem>>, vector<16xi32>,
      %sub3A_479 = vector.broadcast %mul3A_213 : i32 to vector<16xi32>
      %sub3A_480 = arith.subi %get3A_474, %sub3A_479 : vector<16xi32>
      %ge3A_481 = arith.constant 0 : i32
      %ge3A_482 = vector.broadcast %ge3A_481 : i32 to vector<16xi32>
      %ge3A_483 = arith.cmpi sge, %sub3A_480, %ge3A_482 : vector<16xi32>
      %lt3A_484 = arith.constant 32 : i32
      %lt3A_485 = vector.broadcast %lt3A_484 : i32 to vector<16xi32>
      %lt3A_486 = arith.cmpi slt, %sub3A_480, %lt3A_485 : vector<16xi32>
      %and3A_487 = arith.andi %ge3A_483, %lt3A_486 : vector<16xi1>
      %and3A_488 = arith.constant 31 : i32
      %and3A_489 = vector.broadcast %and3A_488 : i32 to vector<16xi32>
      %and3A_490 = arith.andi %sub3A_480, %and3A_489 : vector<16xi32>
      tpu.vector_store_idx %arg5[%and3A_490, %get3A_478], %broadcast_in_dim3A_1 masked %and3A_487 {add = true} : memref<32x2048xf32, #tpu.memory_space<vmem>>[vector<16xi32>, vector<16xi32>], vector<16xf32>, vector<16xi1>
      %scan3A_491 = arith.constant 0 : i32
      %scan3A_492 = arith.constant 4 : i32
      %scan3A_493 = arith.addi %scan3A_405, %scan3A_492 : i32
      %mul3A_494 = arith.constant 16 : i32
      %mul3A_495 = arith.muli %scan3A_493, %mul3A_494 : i32
      %get3A_496 = arith.index_cast %mul3A_495 : i32 to index
      %get3A_497 = tpu.vector_load %arg8[%get3A_496] {strides = array<i32>} : memref<8192xi32, #tpu.memory_space<vmem>>, vector<16xi32>,
      %mul3A_498 = arith.constant 16 : i32
      %mul3A_499 = arith.muli %scan3A_493, %mul3A_498 : i32
      %get3A_500 = arith.index_cast %mul3A_499 : i32 to index
      %get3A_501 = tpu.vector_load %arg9[%get3A_500] {strides = array<i32>} : memref<8192xi32, #tpu.memory_space<vmem>>, vector<16xi32>,
      %sub3A_502 = vector.broadcast %mul3A_213 : i32 to vector<16xi32>
      %sub3A_503 = arith.subi %get3A_497, %sub3A_502 : vector<16xi32>
      %ge3A_504 = arith.constant 0 : i32
      %ge3A_505 = vector.broadcast %ge3A_504 : i32 to vector<16xi32>
      %ge3A_506 = arith.cmpi sge, %sub3A_503, %ge3A_505 : vector<16xi32>
      %lt3A_507 = arith.constant 32 : i32
      %lt3A_508 = vector.broadcast %lt3A_507 : i32 to vector<16xi32>
      %lt3A_509 = arith.cmpi slt, %sub3A_503, %lt3A_508 : vector<16xi32>
      %and3A_510 = arith.andi %ge3A_506, %lt3A_509 : vector<16xi1>
      %and3A_511 = arith.constant 31 : i32
      %and3A_512 = vector.broadcast %and3A_511 : i32 to vector<16xi32>
      %and3A_513 = arith.andi %sub3A_503, %and3A_512 : vector<16xi32>
      tpu.vector_store_idx %arg5[%and3A_513, %get3A_501], %broadcast_in_dim3A_1 masked %and3A_510 {add = true} : memref<32x2048xf32, #tpu.memory_space<vmem>>[vector<16xi32>, vector<16xi32>], vector<16xf32>, vector<16xi1>
      %scan3A_514 = arith.constant 0 : i32
      %scan3A_515 = arith.constant 5 : i32
      %scan3A_516 = arith.addi %scan3A_405, %scan3A_515 : i32
      %mul3A_517 = arith.constant 16 : i32
      %mul3A_518 = arith.muli %scan3A_516, %mul3A_517 : i32
      %get3A_519 = arith.index_cast %mul3A_518 : i32 to index
      %get3A_520 = tpu.vector_load %arg8[%get3A_519] {strides = array<i32>} : memref<8192xi32, #tpu.memory_space<vmem>>, vector<16xi32>,
      %mul3A_521 = arith.constant 16 : i32
      %mul3A_522 = arith.muli %scan3A_516, %mul3A_521 : i32
      %get3A_523 = arith.index_cast %mul3A_522 : i32 to index
      %get3A_524 = tpu.vector_load %arg9[%get3A_523] {strides = array<i32>} : memref<8192xi32, #tpu.memory_space<vmem>>, vector<16xi32>,
      %sub3A_525 = vector.broadcast %mul3A_213 : i32 to vector<16xi32>
      %sub3A_526 = arith.subi %get3A_520, %sub3A_525 : vector<16xi32>
      %ge3A_527 = arith.constant 0 : i32
      %ge3A_528 = vector.broadcast %ge3A_527 : i32 to vector<16xi32>
      %ge3A_529 = arith.cmpi sge, %sub3A_526, %ge3A_528 : vector<16xi32>
      %lt3A_530 = arith.constant 32 : i32
      %lt3A_531 = vector.broadcast %lt3A_530 : i32 to vector<16xi32>
      %lt3A_532 = arith.cmpi slt, %sub3A_526, %lt3A_531 : vector<16xi32>
      %and3A_533 = arith.andi %ge3A_529, %lt3A_532 : vector<16xi1>
      %and3A_534 = arith.constant 31 : i32
      %and3A_535 = vector.broadcast %and3A_534 : i32 to vector<16xi32>
      %and3A_536 = arith.andi %sub3A_526, %and3A_535 : vector<16xi32>
      tpu.vector_store_idx %arg5[%and3A_536, %get3A_524], %broadcast_in_dim3A_1 masked %and3A_533 {add = true} : memref<32x2048xf32, #tpu.memory_space<vmem>>[vector<16xi32>, vector<16xi32>], vector<16xf32>, vector<16xi1>
      %scan3A_537 = arith.constant 0 : i32
      %scan3A_538 = arith.constant 6 : i32
      %scan3A_539 = arith.addi %scan3A_405, %scan3A_538 : i32
      %mul3A_540 = arith.constant 16 : i32
      %mul3A_541 = arith.muli %scan3A_539, %mul3A_540 : i32
      %get3A_542 = arith.index_cast %mul3A_541 : i32 to index
      %get3A_543 = tpu.vector_load %arg8[%get3A_542] {strides = array<i32>} : memref<8192xi32, #tpu.memory_space<vmem>>, vector<16xi32>,
      %mul3A_544 = arith.constant 16 : i32
      %mul3A_545 = arith.muli %scan3A_539, %mul3A_544 : i32
      %get3A_546 = arith.index_cast %mul3A_545 : i32 to index
      %get3A_547 = tpu.vector_load %arg9[%get3A_546] {strides = array<i32>} : memref<8192xi32, #tpu.memory_space<vmem>>, vector<16xi32>,
      %sub3A_548 = vector.broadcast %mul3A_213 : i32 to vector<16xi32>
      %sub3A_549 = arith.subi %get3A_543, %sub3A_548 : vector<16xi32>
      %ge3A_550 = arith.constant 0 : i32
      %ge3A_551 = vector.broadcast %ge3A_550 : i32 to vector<16xi32>
      %ge3A_552 = arith.cmpi sge, %sub3A_549, %ge3A_551 : vector<16xi32>
      %lt3A_553 = arith.constant 32 : i32
      %lt3A_554 = vector.broadcast %lt3A_553 : i32 to vector<16xi32>
      %lt3A_555 = arith.cmpi slt, %sub3A_549, %lt3A_554 : vector<16xi32>
      %and3A_556 = arith.andi %ge3A_552, %lt3A_555 : vector<16xi1>
      %and3A_557 = arith.constant 31 : i32
      %and3A_558 = vector.broadcast %and3A_557 : i32 to vector<16xi32>
      %and3A_559 = arith.andi %sub3A_549, %and3A_558 : vector<16xi32>
      tpu.vector_store_idx %arg5[%and3A_559, %get3A_547], %broadcast_in_dim3A_1 masked %and3A_556 {add = true} : memref<32x2048xf32, #tpu.memory_space<vmem>>[vector<16xi32>, vector<16xi32>], vector<16xf32>, vector<16xi1>
      %scan3A_560 = arith.constant 0 : i32
      %scan3A_561 = arith.constant 7 : i32
      %scan3A_562 = arith.addi %scan3A_405, %scan3A_561 : i32
      %mul3A_563 = arith.constant 16 : i32
      %mul3A_564 = arith.muli %scan3A_562, %mul3A_563 : i32
      %get3A_565 = arith.index_cast %mul3A_564 : i32 to index
      %get3A_566 = tpu.vector_load %arg8[%get3A_565] {strides = array<i32>} : memref<8192xi32, #tpu.memory_space<vmem>>, vector<16xi32>,
      %mul3A_567 = arith.constant 16 : i32
      %mul3A_568 = arith.muli %scan3A_562, %mul3A_567 : i32
      %get3A_569 = arith.index_cast %mul3A_568 : i32 to index
      %get3A_570 = tpu.vector_load %arg9[%get3A_569] {strides = array<i32>} : memref<8192xi32, #tpu.memory_space<vmem>>, vector<16xi32>,
      %sub3A_571 = vector.broadcast %mul3A_213 : i32 to vector<16xi32>
      %sub3A_572 = arith.subi %get3A_566, %sub3A_571 : vector<16xi32>
      %ge3A_573 = arith.constant 0 : i32
      %ge3A_574 = vector.broadcast %ge3A_573 : i32 to vector<16xi32>
      %ge3A_575 = arith.cmpi sge, %sub3A_572, %ge3A_574 : vector<16xi32>
      %lt3A_576 = arith.constant 32 : i32
      %lt3A_577 = vector.broadcast %lt3A_576 : i32 to vector<16xi32>
      %lt3A_578 = arith.cmpi slt, %sub3A_572, %lt3A_577 : vector<16xi32>
      %and3A_579 = arith.andi %ge3A_575, %lt3A_578 : vector<16xi1>
      %and3A_580 = arith.constant 31 : i32
      %and3A_581 = vector.broadcast %and3A_580 : i32 to vector<16xi32>
      %and3A_582 = arith.andi %sub3A_572, %and3A_581 : vector<16xi32>
      tpu.vector_store_idx %arg5[%and3A_582, %get3A_570], %broadcast_in_dim3A_1 masked %and3A_579 {add = true} : memref<32x2048xf32, #tpu.memory_space<vmem>>[vector<16xi32>, vector<16xi32>], vector<16xf32>, vector<16xi1>
      %scan3A_583 = arith.constant 0 : i32
      scf.yield %scan3A_583 : i32
    }
    %scan3A_354 = arith.constant 512 : i32
    %dma_wait3A_355 = arith.constant 49152 : i32
    %dma_wait3A_356 = tpu.memref_slice %arg2[%dma_wait3A_355] : memref<65536xi32, #tpu.memory_space<hbm>> -> memref<8192xi32, #tpu.memory_space<hbm>>
    %dma_wait3A_357 = arith.constant 49152 : i32
    %dma_wait3A_358 = tpu.memref_slice %arg2[%dma_wait3A_357] : memref<65536xi32, #tpu.memory_space<hbm>> -> memref<8192xi32, #tpu.memory_space<hbm>>
    tpu.wait_dma2 semaphore(%arg10 : memref<!tpu.dma_semaphore, #tpu.memory_space<semaphore_mem>>) src(%dma_wait3A_358 : memref<8192xi32, #tpu.memory_space<hbm>>) dst(%arg6 : memref<8192xi32, #tpu.memory_space<vmem>>)
    %dma_wait3A_359 = arith.constant 49152 : i32
    %dma_wait3A_360 = tpu.memref_slice %arg3[%dma_wait3A_359] : memref<65536xi32, #tpu.memory_space<hbm>> -> memref<8192xi32, #tpu.memory_space<hbm>>
    %dma_wait3A_361 = arith.constant 49152 : i32
    %dma_wait3A_362 = tpu.memref_slice %arg3[%dma_wait3A_361] : memref<65536xi32, #tpu.memory_space<hbm>> -> memref<8192xi32, #tpu.memory_space<hbm>>
    tpu.wait_dma2 semaphore(%arg10 : memref<!tpu.dma_semaphore, #tpu.memory_space<semaphore_mem>>) src(%dma_wait3A_362 : memref<8192xi32, #tpu.memory_space<hbm>>) dst(%arg7 : memref<8192xi32, #tpu.memory_space<vmem>>)
    %dma_start3A_363 = arith.constant 57344 : i32
    %dma_start3A_364 = tpu.memref_slice %arg2[%dma_start3A_363] : memref<65536xi32, #tpu.memory_space<hbm>> -> memref<8192xi32, #tpu.memory_space<hbm>>
    %dma_start3A_365 = arith.constant 57344 : i32
    %dma_start3A_366 = tpu.memref_slice %arg2[%dma_start3A_365] : memref<65536xi32, #tpu.memory_space<hbm>> -> memref<8192xi32, #tpu.memory_space<hbm>>
    tpu.enqueue_dma source(%dma_start3A_366 : memref<8192xi32, #tpu.memory_space<hbm>>) target(%arg8 : memref<8192xi32, #tpu.memory_space<vmem>>) target_semaphore(%arg11 : memref<!tpu.dma_semaphore, #tpu.memory_space<semaphore_mem>>)
    %dma_start3A_367 = arith.constant 57344 : i32
    %dma_start3A_368 = tpu.memref_slice %arg3[%dma_start3A_367] : memref<65536xi32, #tpu.memory_space<hbm>> -> memref<8192xi32, #tpu.memory_space<hbm>>
    %dma_start3A_369 = arith.constant 57344 : i32
    %dma_start3A_370 = tpu.memref_slice %arg3[%dma_start3A_369] : memref<65536xi32, #tpu.memory_space<hbm>> -> memref<8192xi32, #tpu.memory_space<hbm>>
    tpu.enqueue_dma source(%dma_start3A_370 : memref<8192xi32, #tpu.memory_space<hbm>>) target(%arg9 : memref<8192xi32, #tpu.memory_space<vmem>>) target_semaphore(%arg11 : memref<!tpu.dma_semaphore, #tpu.memory_space<semaphore_mem>>)
    %scan3A_371 = arith.constant 0 : i32
    %scan3A_372 = arith.constant 0 : i32
    %scan3A_373 = arith.constant 512 : i32
    %scan3A_374 = arith.addi %scan3A_372, %scan3A_373 : i32
    %scan3A_375 = arith.constant 8 : i32
    %scan3A_376 = scf.for %scan3A_405 = %scan3A_372 to %scan3A_374 step %scan3A_375 iter_args(%scan3A_406 = %scan3A_371) -> (i32)  : i32 {
      %mul3A_407 = arith.constant 16 : i32
      %mul3A_408 = arith.muli %scan3A_405, %mul3A_407 : i32
      %get3A = arith.index_cast %mul3A_408 : i32 to index
      %get3A_409 = tpu.vector_load %arg6[%get3A] {strides = array<i32>} : memref<8192xi32, #tpu.memory_space<vmem>>, vector<16xi32>,
      %mul3A_410 = arith.constant 16 : i32
      %mul3A_411 = arith.muli %scan3A_405, %mul3A_410 : i32
      %get3A_412 = arith.index_cast %mul3A_411 : i32 to index
      %get3A_413 = tpu.vector_load %arg7[%get3A_412] {strides = array<i32>} : memref<8192xi32, #tpu.memory_space<vmem>>, vector<16xi32>,
      %sub3A = vector.broadcast %mul3A_213 : i32 to vector<16xi32>
      %sub3A_414 = arith.subi %get3A_409, %sub3A : vector<16xi32>
      %ge3A = arith.constant 0 : i32
      %ge3A_415 = vector.broadcast %ge3A : i32 to vector<16xi32>
      %ge3A_416 = arith.cmpi sge, %sub3A_414, %ge3A_415 : vector<16xi32>
      %lt3A = arith.constant 32 : i32
      %lt3A_417 = vector.broadcast %lt3A : i32 to vector<16xi32>
      %lt3A_418 = arith.cmpi slt, %sub3A_414, %lt3A_417 : vector<16xi32>
      %and3A = arith.andi %ge3A_416, %lt3A_418 : vector<16xi1>
      %and3A_419 = arith.constant 31 : i32
      %and3A_420 = vector.broadcast %and3A_419 : i32 to vector<16xi32>
      %and3A_421 = arith.andi %sub3A_414, %and3A_420 : vector<16xi32>
      tpu.vector_store_idx %arg5[%and3A_421, %get3A_413], %broadcast_in_dim3A_1 masked %and3A {add = true} : memref<32x2048xf32, #tpu.memory_space<vmem>>[vector<16xi32>, vector<16xi32>], vector<16xf32>, vector<16xi1>
      %scan3A_422 = arith.constant 0 : i32
      %scan3A_423 = arith.constant 1 : i32
      %scan3A_424 = arith.addi %scan3A_405, %scan3A_423 : i32
      %mul3A_425 = arith.constant 16 : i32
      %mul3A_426 = arith.muli %scan3A_424, %mul3A_425 : i32
      %get3A_427 = arith.index_cast %mul3A_426 : i32 to index
      %get3A_428 = tpu.vector_load %arg6[%get3A_427] {strides = array<i32>} : memref<8192xi32, #tpu.memory_space<vmem>>, vector<16xi32>,
      %mul3A_429 = arith.constant 16 : i32
      %mul3A_430 = arith.muli %scan3A_424, %mul3A_429 : i32
      %get3A_431 = arith.index_cast %mul3A_430 : i32 to index
      %get3A_432 = tpu.vector_load %arg7[%get3A_431] {strides = array<i32>} : memref<8192xi32, #tpu.memory_space<vmem>>, vector<16xi32>,
      %sub3A_433 = vector.broadcast %mul3A_213 : i32 to vector<16xi32>
      %sub3A_434 = arith.subi %get3A_428, %sub3A_433 : vector<16xi32>
      %ge3A_435 = arith.constant 0 : i32
      %ge3A_436 = vector.broadcast %ge3A_435 : i32 to vector<16xi32>
      %ge3A_437 = arith.cmpi sge, %sub3A_434, %ge3A_436 : vector<16xi32>
      %lt3A_438 = arith.constant 32 : i32
      %lt3A_439 = vector.broadcast %lt3A_438 : i32 to vector<16xi32>
      %lt3A_440 = arith.cmpi slt, %sub3A_434, %lt3A_439 : vector<16xi32>
      %and3A_441 = arith.andi %ge3A_437, %lt3A_440 : vector<16xi1>
      %and3A_442 = arith.constant 31 : i32
      %and3A_443 = vector.broadcast %and3A_442 : i32 to vector<16xi32>
      %and3A_444 = arith.andi %sub3A_434, %and3A_443 : vector<16xi32>
      tpu.vector_store_idx %arg5[%and3A_444, %get3A_432], %broadcast_in_dim3A_1 masked %and3A_441 {add = true} : memref<32x2048xf32, #tpu.memory_space<vmem>>[vector<16xi32>, vector<16xi32>], vector<16xf32>, vector<16xi1>
      %scan3A_445 = arith.constant 0 : i32
      %scan3A_446 = arith.constant 2 : i32
      %scan3A_447 = arith.addi %scan3A_405, %scan3A_446 : i32
      %mul3A_448 = arith.constant 16 : i32
      %mul3A_449 = arith.muli %scan3A_447, %mul3A_448 : i32
      %get3A_450 = arith.index_cast %mul3A_449 : i32 to index
      %get3A_451 = tpu.vector_load %arg6[%get3A_450] {strides = array<i32>} : memref<8192xi32, #tpu.memory_space<vmem>>, vector<16xi32>,
      %mul3A_452 = arith.constant 16 : i32
      %mul3A_453 = arith.muli %scan3A_447, %mul3A_452 : i32
      %get3A_454 = arith.index_cast %mul3A_453 : i32 to index
      %get3A_455 = tpu.vector_load %arg7[%get3A_454] {strides = array<i32>} : memref<8192xi32, #tpu.memory_space<vmem>>, vector<16xi32>,
      %sub3A_456 = vector.broadcast %mul3A_213 : i32 to vector<16xi32>
      %sub3A_457 = arith.subi %get3A_451, %sub3A_456 : vector<16xi32>
      %ge3A_458 = arith.constant 0 : i32
      %ge3A_459 = vector.broadcast %ge3A_458 : i32 to vector<16xi32>
      %ge3A_460 = arith.cmpi sge, %sub3A_457, %ge3A_459 : vector<16xi32>
      %lt3A_461 = arith.constant 32 : i32
      %lt3A_462 = vector.broadcast %lt3A_461 : i32 to vector<16xi32>
      %lt3A_463 = arith.cmpi slt, %sub3A_457, %lt3A_462 : vector<16xi32>
      %and3A_464 = arith.andi %ge3A_460, %lt3A_463 : vector<16xi1>
      %and3A_465 = arith.constant 31 : i32
      %and3A_466 = vector.broadcast %and3A_465 : i32 to vector<16xi32>
      %and3A_467 = arith.andi %sub3A_457, %and3A_466 : vector<16xi32>
      tpu.vector_store_idx %arg5[%and3A_467, %get3A_455], %broadcast_in_dim3A_1 masked %and3A_464 {add = true} : memref<32x2048xf32, #tpu.memory_space<vmem>>[vector<16xi32>, vector<16xi32>], vector<16xf32>, vector<16xi1>
      %scan3A_468 = arith.constant 0 : i32
      %scan3A_469 = arith.constant 3 : i32
      %scan3A_470 = arith.addi %scan3A_405, %scan3A_469 : i32
      %mul3A_471 = arith.constant 16 : i32
      %mul3A_472 = arith.muli %scan3A_470, %mul3A_471 : i32
      %get3A_473 = arith.index_cast %mul3A_472 : i32 to index
      %get3A_474 = tpu.vector_load %arg6[%get3A_473] {strides = array<i32>} : memref<8192xi32, #tpu.memory_space<vmem>>, vector<16xi32>,
      %mul3A_475 = arith.constant 16 : i32
      %mul3A_476 = arith.muli %scan3A_470, %mul3A_475 : i32
      %get3A_477 = arith.index_cast %mul3A_476 : i32 to index
      %get3A_478 = tpu.vector_load %arg7[%get3A_477] {strides = array<i32>} : memref<8192xi32, #tpu.memory_space<vmem>>, vector<16xi32>,
      %sub3A_479 = vector.broadcast %mul3A_213 : i32 to vector<16xi32>
      %sub3A_480 = arith.subi %get3A_474, %sub3A_479 : vector<16xi32>
      %ge3A_481 = arith.constant 0 : i32
      %ge3A_482 = vector.broadcast %ge3A_481 : i32 to vector<16xi32>
      %ge3A_483 = arith.cmpi sge, %sub3A_480, %ge3A_482 : vector<16xi32>
      %lt3A_484 = arith.constant 32 : i32
      %lt3A_485 = vector.broadcast %lt3A_484 : i32 to vector<16xi32>
      %lt3A_486 = arith.cmpi slt, %sub3A_480, %lt3A_485 : vector<16xi32>
      %and3A_487 = arith.andi %ge3A_483, %lt3A_486 : vector<16xi1>
      %and3A_488 = arith.constant 31 : i32
      %and3A_489 = vector.broadcast %and3A_488 : i32 to vector<16xi32>
      %and3A_490 = arith.andi %sub3A_480, %and3A_489 : vector<16xi32>
      tpu.vector_store_idx %arg5[%and3A_490, %get3A_478], %broadcast_in_dim3A_1 masked %and3A_487 {add = true} : memref<32x2048xf32, #tpu.memory_space<vmem>>[vector<16xi32>, vector<16xi32>], vector<16xf32>, vector<16xi1>
      %scan3A_491 = arith.constant 0 : i32
      %scan3A_492 = arith.constant 4 : i32
      %scan3A_493 = arith.addi %scan3A_405, %scan3A_492 : i32
      %mul3A_494 = arith.constant 16 : i32
      %mul3A_495 = arith.muli %scan3A_493, %mul3A_494 : i32
      %get3A_496 = arith.index_cast %mul3A_495 : i32 to index
      %get3A_497 = tpu.vector_load %arg6[%get3A_496] {strides = array<i32>} : memref<8192xi32, #tpu.memory_space<vmem>>, vector<16xi32>,
      %mul3A_498 = arith.constant 16 : i32
      %mul3A_499 = arith.muli %scan3A_493, %mul3A_498 : i32
      %get3A_500 = arith.index_cast %mul3A_499 : i32 to index
      %get3A_501 = tpu.vector_load %arg7[%get3A_500] {strides = array<i32>} : memref<8192xi32, #tpu.memory_space<vmem>>, vector<16xi32>,
      %sub3A_502 = vector.broadcast %mul3A_213 : i32 to vector<16xi32>
      %sub3A_503 = arith.subi %get3A_497, %sub3A_502 : vector<16xi32>
      %ge3A_504 = arith.constant 0 : i32
      %ge3A_505 = vector.broadcast %ge3A_504 : i32 to vector<16xi32>
      %ge3A_506 = arith.cmpi sge, %sub3A_503, %ge3A_505 : vector<16xi32>
      %lt3A_507 = arith.constant 32 : i32
      %lt3A_508 = vector.broadcast %lt3A_507 : i32 to vector<16xi32>
      %lt3A_509 = arith.cmpi slt, %sub3A_503, %lt3A_508 : vector<16xi32>
      %and3A_510 = arith.andi %ge3A_506, %lt3A_509 : vector<16xi1>
      %and3A_511 = arith.constant 31 : i32
      %and3A_512 = vector.broadcast %and3A_511 : i32 to vector<16xi32>
      %and3A_513 = arith.andi %sub3A_503, %and3A_512 : vector<16xi32>
      tpu.vector_store_idx %arg5[%and3A_513, %get3A_501], %broadcast_in_dim3A_1 masked %and3A_510 {add = true} : memref<32x2048xf32, #tpu.memory_space<vmem>>[vector<16xi32>, vector<16xi32>], vector<16xf32>, vector<16xi1>
      %scan3A_514 = arith.constant 0 : i32
      %scan3A_515 = arith.constant 5 : i32
      %scan3A_516 = arith.addi %scan3A_405, %scan3A_515 : i32
      %mul3A_517 = arith.constant 16 : i32
      %mul3A_518 = arith.muli %scan3A_516, %mul3A_517 : i32
      %get3A_519 = arith.index_cast %mul3A_518 : i32 to index
      %get3A_520 = tpu.vector_load %arg6[%get3A_519] {strides = array<i32>} : memref<8192xi32, #tpu.memory_space<vmem>>, vector<16xi32>,
      %mul3A_521 = arith.constant 16 : i32
      %mul3A_522 = arith.muli %scan3A_516, %mul3A_521 : i32
      %get3A_523 = arith.index_cast %mul3A_522 : i32 to index
      %get3A_524 = tpu.vector_load %arg7[%get3A_523] {strides = array<i32>} : memref<8192xi32, #tpu.memory_space<vmem>>, vector<16xi32>,
      %sub3A_525 = vector.broadcast %mul3A_213 : i32 to vector<16xi32>
      %sub3A_526 = arith.subi %get3A_520, %sub3A_525 : vector<16xi32>
      %ge3A_527 = arith.constant 0 : i32
      %ge3A_528 = vector.broadcast %ge3A_527 : i32 to vector<16xi32>
      %ge3A_529 = arith.cmpi sge, %sub3A_526, %ge3A_528 : vector<16xi32>
      %lt3A_530 = arith.constant 32 : i32
      %lt3A_531 = vector.broadcast %lt3A_530 : i32 to vector<16xi32>
      %lt3A_532 = arith.cmpi slt, %sub3A_526, %lt3A_531 : vector<16xi32>
      %and3A_533 = arith.andi %ge3A_529, %lt3A_532 : vector<16xi1>
      %and3A_534 = arith.constant 31 : i32
      %and3A_535 = vector.broadcast %and3A_534 : i32 to vector<16xi32>
      %and3A_536 = arith.andi %sub3A_526, %and3A_535 : vector<16xi32>
      tpu.vector_store_idx %arg5[%and3A_536, %get3A_524], %broadcast_in_dim3A_1 masked %and3A_533 {add = true} : memref<32x2048xf32, #tpu.memory_space<vmem>>[vector<16xi32>, vector<16xi32>], vector<16xf32>, vector<16xi1>
      %scan3A_537 = arith.constant 0 : i32
      %scan3A_538 = arith.constant 6 : i32
      %scan3A_539 = arith.addi %scan3A_405, %scan3A_538 : i32
      %mul3A_540 = arith.constant 16 : i32
      %mul3A_541 = arith.muli %scan3A_539, %mul3A_540 : i32
      %get3A_542 = arith.index_cast %mul3A_541 : i32 to index
      %get3A_543 = tpu.vector_load %arg6[%get3A_542] {strides = array<i32>} : memref<8192xi32, #tpu.memory_space<vmem>>, vector<16xi32>,
      %mul3A_544 = arith.constant 16 : i32
      %mul3A_545 = arith.muli %scan3A_539, %mul3A_544 : i32
      %get3A_546 = arith.index_cast %mul3A_545 : i32 to index
      %get3A_547 = tpu.vector_load %arg7[%get3A_546] {strides = array<i32>} : memref<8192xi32, #tpu.memory_space<vmem>>, vector<16xi32>,
      %sub3A_548 = vector.broadcast %mul3A_213 : i32 to vector<16xi32>
      %sub3A_549 = arith.subi %get3A_543, %sub3A_548 : vector<16xi32>
      %ge3A_550 = arith.constant 0 : i32
      %ge3A_551 = vector.broadcast %ge3A_550 : i32 to vector<16xi32>
      %ge3A_552 = arith.cmpi sge, %sub3A_549, %ge3A_551 : vector<16xi32>
      %lt3A_553 = arith.constant 32 : i32
      %lt3A_554 = vector.broadcast %lt3A_553 : i32 to vector<16xi32>
      %lt3A_555 = arith.cmpi slt, %sub3A_549, %lt3A_554 : vector<16xi32>
      %and3A_556 = arith.andi %ge3A_552, %lt3A_555 : vector<16xi1>
      %and3A_557 = arith.constant 31 : i32
      %and3A_558 = vector.broadcast %and3A_557 : i32 to vector<16xi32>
      %and3A_559 = arith.andi %sub3A_549, %and3A_558 : vector<16xi32>
      tpu.vector_store_idx %arg5[%and3A_559, %get3A_547], %broadcast_in_dim3A_1 masked %and3A_556 {add = true} : memref<32x2048xf32, #tpu.memory_space<vmem>>[vector<16xi32>, vector<16xi32>], vector<16xf32>, vector<16xi1>
      %scan3A_560 = arith.constant 0 : i32
      %scan3A_561 = arith.constant 7 : i32
      %scan3A_562 = arith.addi %scan3A_405, %scan3A_561 : i32
      %mul3A_563 = arith.constant 16 : i32
      %mul3A_564 = arith.muli %scan3A_562, %mul3A_563 : i32
      %get3A_565 = arith.index_cast %mul3A_564 : i32 to index
      %get3A_566 = tpu.vector_load %arg6[%get3A_565] {strides = array<i32>} : memref<8192xi32, #tpu.memory_space<vmem>>, vector<16xi32>,
      %mul3A_567 = arith.constant 16 : i32
      %mul3A_568 = arith.muli %scan3A_562, %mul3A_567 : i32
      %get3A_569 = arith.index_cast %mul3A_568 : i32 to index
      %get3A_570 = tpu.vector_load %arg7[%get3A_569] {strides = array<i32>} : memref<8192xi32, #tpu.memory_space<vmem>>, vector<16xi32>,
      %sub3A_571 = vector.broadcast %mul3A_213 : i32 to vector<16xi32>
      %sub3A_572 = arith.subi %get3A_566, %sub3A_571 : vector<16xi32>
      %ge3A_573 = arith.constant 0 : i32
      %ge3A_574 = vector.broadcast %ge3A_573 : i32 to vector<16xi32>
      %ge3A_575 = arith.cmpi sge, %sub3A_572, %ge3A_574 : vector<16xi32>
      %lt3A_576 = arith.constant 32 : i32
      %lt3A_577 = vector.broadcast %lt3A_576 : i32 to vector<16xi32>
      %lt3A_578 = arith.cmpi slt, %sub3A_572, %lt3A_577 : vector<16xi32>
      %and3A_579 = arith.andi %ge3A_575, %lt3A_578 : vector<16xi1>
      %and3A_580 = arith.constant 31 : i32
      %and3A_581 = vector.broadcast %and3A_580 : i32 to vector<16xi32>
      %and3A_582 = arith.andi %sub3A_572, %and3A_581 : vector<16xi32>
      tpu.vector_store_idx %arg5[%and3A_582, %get3A_570], %broadcast_in_dim3A_1 masked %and3A_579 {add = true} : memref<32x2048xf32, #tpu.memory_space<vmem>>[vector<16xi32>, vector<16xi32>], vector<16xf32>, vector<16xi1>
      %scan3A_583 = arith.constant 0 : i32
      scf.yield %scan3A_583 : i32
    }
    %scan3A_377 = arith.constant 512 : i32
    %dma_wait3A_378 = arith.constant 57344 : i32
    %dma_wait3A_379 = tpu.memref_slice %arg2[%dma_wait3A_378] : memref<65536xi32, #tpu.memory_space<hbm>> -> memref<8192xi32, #tpu.memory_space<hbm>>
    %dma_wait3A_380 = arith.constant 57344 : i32
    %dma_wait3A_381 = tpu.memref_slice %arg2[%dma_wait3A_380] : memref<65536xi32, #tpu.memory_space<hbm>> -> memref<8192xi32, #tpu.memory_space<hbm>>
    tpu.wait_dma2 semaphore(%arg11 : memref<!tpu.dma_semaphore, #tpu.memory_space<semaphore_mem>>) src(%dma_wait3A_381 : memref<8192xi32, #tpu.memory_space<hbm>>) dst(%arg8 : memref<8192xi32, #tpu.memory_space<vmem>>)
    %dma_wait3A_382 = arith.constant 57344 : i32
    %dma_wait3A_383 = tpu.memref_slice %arg3[%dma_wait3A_382] : memref<65536xi32, #tpu.memory_space<hbm>> -> memref<8192xi32, #tpu.memory_space<hbm>>
    %dma_wait3A_384 = arith.constant 57344 : i32
    %dma_wait3A_385 = tpu.memref_slice %arg3[%dma_wait3A_384] : memref<65536xi32, #tpu.memory_space<hbm>> -> memref<8192xi32, #tpu.memory_space<hbm>>
    tpu.wait_dma2 semaphore(%arg11 : memref<!tpu.dma_semaphore, #tpu.memory_space<semaphore_mem>>) src(%dma_wait3A_385 : memref<8192xi32, #tpu.memory_space<hbm>>) dst(%arg9 : memref<8192xi32, #tpu.memory_space<vmem>>)
    %scan3A_386 = arith.constant 0 : i32
    %scan3A_387 = arith.constant 0 : i32
    %scan3A_388 = arith.constant 512 : i32
    %scan3A_389 = arith.addi %scan3A_387, %scan3A_388 : i32
    %scan3A_390 = arith.constant 8 : i32
    %scan3A_391 = scf.for %scan3A_405 = %scan3A_387 to %scan3A_389 step %scan3A_390 iter_args(%scan3A_406 = %scan3A_386) -> (i32)  : i32 {
      %mul3A_407 = arith.constant 16 : i32
      %mul3A_408 = arith.muli %scan3A_405, %mul3A_407 : i32
      %get3A = arith.index_cast %mul3A_408 : i32 to index
      %get3A_409 = tpu.vector_load %arg8[%get3A] {strides = array<i32>} : memref<8192xi32, #tpu.memory_space<vmem>>, vector<16xi32>,
      %mul3A_410 = arith.constant 16 : i32
      %mul3A_411 = arith.muli %scan3A_405, %mul3A_410 : i32
      %get3A_412 = arith.index_cast %mul3A_411 : i32 to index
      %get3A_413 = tpu.vector_load %arg9[%get3A_412] {strides = array<i32>} : memref<8192xi32, #tpu.memory_space<vmem>>, vector<16xi32>,
      %sub3A = vector.broadcast %mul3A_213 : i32 to vector<16xi32>
      %sub3A_414 = arith.subi %get3A_409, %sub3A : vector<16xi32>
      %ge3A = arith.constant 0 : i32
      %ge3A_415 = vector.broadcast %ge3A : i32 to vector<16xi32>
      %ge3A_416 = arith.cmpi sge, %sub3A_414, %ge3A_415 : vector<16xi32>
      %lt3A = arith.constant 32 : i32
      %lt3A_417 = vector.broadcast %lt3A : i32 to vector<16xi32>
      %lt3A_418 = arith.cmpi slt, %sub3A_414, %lt3A_417 : vector<16xi32>
      %and3A = arith.andi %ge3A_416, %lt3A_418 : vector<16xi1>
      %and3A_419 = arith.constant 31 : i32
      %and3A_420 = vector.broadcast %and3A_419 : i32 to vector<16xi32>
      %and3A_421 = arith.andi %sub3A_414, %and3A_420 : vector<16xi32>
      tpu.vector_store_idx %arg5[%and3A_421, %get3A_413], %broadcast_in_dim3A_1 masked %and3A {add = true} : memref<32x2048xf32, #tpu.memory_space<vmem>>[vector<16xi32>, vector<16xi32>], vector<16xf32>, vector<16xi1>
      %scan3A_422 = arith.constant 0 : i32
      %scan3A_423 = arith.constant 1 : i32
      %scan3A_424 = arith.addi %scan3A_405, %scan3A_423 : i32
      %mul3A_425 = arith.constant 16 : i32
      %mul3A_426 = arith.muli %scan3A_424, %mul3A_425 : i32
      %get3A_427 = arith.index_cast %mul3A_426 : i32 to index
      %get3A_428 = tpu.vector_load %arg8[%get3A_427] {strides = array<i32>} : memref<8192xi32, #tpu.memory_space<vmem>>, vector<16xi32>,
      %mul3A_429 = arith.constant 16 : i32
      %mul3A_430 = arith.muli %scan3A_424, %mul3A_429 : i32
      %get3A_431 = arith.index_cast %mul3A_430 : i32 to index
      %get3A_432 = tpu.vector_load %arg9[%get3A_431] {strides = array<i32>} : memref<8192xi32, #tpu.memory_space<vmem>>, vector<16xi32>,
      %sub3A_433 = vector.broadcast %mul3A_213 : i32 to vector<16xi32>
      %sub3A_434 = arith.subi %get3A_428, %sub3A_433 : vector<16xi32>
      %ge3A_435 = arith.constant 0 : i32
      %ge3A_436 = vector.broadcast %ge3A_435 : i32 to vector<16xi32>
      %ge3A_437 = arith.cmpi sge, %sub3A_434, %ge3A_436 : vector<16xi32>
      %lt3A_438 = arith.constant 32 : i32
      %lt3A_439 = vector.broadcast %lt3A_438 : i32 to vector<16xi32>
      %lt3A_440 = arith.cmpi slt, %sub3A_434, %lt3A_439 : vector<16xi32>
      %and3A_441 = arith.andi %ge3A_437, %lt3A_440 : vector<16xi1>
      %and3A_442 = arith.constant 31 : i32
      %and3A_443 = vector.broadcast %and3A_442 : i32 to vector<16xi32>
      %and3A_444 = arith.andi %sub3A_434, %and3A_443 : vector<16xi32>
      tpu.vector_store_idx %arg5[%and3A_444, %get3A_432], %broadcast_in_dim3A_1 masked %and3A_441 {add = true} : memref<32x2048xf32, #tpu.memory_space<vmem>>[vector<16xi32>, vector<16xi32>], vector<16xf32>, vector<16xi1>
      %scan3A_445 = arith.constant 0 : i32
      %scan3A_446 = arith.constant 2 : i32
      %scan3A_447 = arith.addi %scan3A_405, %scan3A_446 : i32
      %mul3A_448 = arith.constant 16 : i32
      %mul3A_449 = arith.muli %scan3A_447, %mul3A_448 : i32
      %get3A_450 = arith.index_cast %mul3A_449 : i32 to index
      %get3A_451 = tpu.vector_load %arg8[%get3A_450] {strides = array<i32>} : memref<8192xi32, #tpu.memory_space<vmem>>, vector<16xi32>,
      %mul3A_452 = arith.constant 16 : i32
      %mul3A_453 = arith.muli %scan3A_447, %mul3A_452 : i32
      %get3A_454 = arith.index_cast %mul3A_453 : i32 to index
      %get3A_455 = tpu.vector_load %arg9[%get3A_454] {strides = array<i32>} : memref<8192xi32, #tpu.memory_space<vmem>>, vector<16xi32>,
      %sub3A_456 = vector.broadcast %mul3A_213 : i32 to vector<16xi32>
      %sub3A_457 = arith.subi %get3A_451, %sub3A_456 : vector<16xi32>
      %ge3A_458 = arith.constant 0 : i32
      %ge3A_459 = vector.broadcast %ge3A_458 : i32 to vector<16xi32>
      %ge3A_460 = arith.cmpi sge, %sub3A_457, %ge3A_459 : vector<16xi32>
      %lt3A_461 = arith.constant 32 : i32
      %lt3A_462 = vector.broadcast %lt3A_461 : i32 to vector<16xi32>
      %lt3A_463 = arith.cmpi slt, %sub3A_457, %lt3A_462 : vector<16xi32>
      %and3A_464 = arith.andi %ge3A_460, %lt3A_463 : vector<16xi1>
      %and3A_465 = arith.constant 31 : i32
      %and3A_466 = vector.broadcast %and3A_465 : i32 to vector<16xi32>
      %and3A_467 = arith.andi %sub3A_457, %and3A_466 : vector<16xi32>
      tpu.vector_store_idx %arg5[%and3A_467, %get3A_455], %broadcast_in_dim3A_1 masked %and3A_464 {add = true} : memref<32x2048xf32, #tpu.memory_space<vmem>>[vector<16xi32>, vector<16xi32>], vector<16xf32>, vector<16xi1>
      %scan3A_468 = arith.constant 0 : i32
      %scan3A_469 = arith.constant 3 : i32
      %scan3A_470 = arith.addi %scan3A_405, %scan3A_469 : i32
      %mul3A_471 = arith.constant 16 : i32
      %mul3A_472 = arith.muli %scan3A_470, %mul3A_471 : i32
      %get3A_473 = arith.index_cast %mul3A_472 : i32 to index
      %get3A_474 = tpu.vector_load %arg8[%get3A_473] {strides = array<i32>} : memref<8192xi32, #tpu.memory_space<vmem>>, vector<16xi32>,
      %mul3A_475 = arith.constant 16 : i32
      %mul3A_476 = arith.muli %scan3A_470, %mul3A_475 : i32
      %get3A_477 = arith.index_cast %mul3A_476 : i32 to index
      %get3A_478 = tpu.vector_load %arg9[%get3A_477] {strides = array<i32>} : memref<8192xi32, #tpu.memory_space<vmem>>, vector<16xi32>,
      %sub3A_479 = vector.broadcast %mul3A_213 : i32 to vector<16xi32>
      %sub3A_480 = arith.subi %get3A_474, %sub3A_479 : vector<16xi32>
      %ge3A_481 = arith.constant 0 : i32
      %ge3A_482 = vector.broadcast %ge3A_481 : i32 to vector<16xi32>
      %ge3A_483 = arith.cmpi sge, %sub3A_480, %ge3A_482 : vector<16xi32>
      %lt3A_484 = arith.constant 32 : i32
      %lt3A_485 = vector.broadcast %lt3A_484 : i32 to vector<16xi32>
      %lt3A_486 = arith.cmpi slt, %sub3A_480, %lt3A_485 : vector<16xi32>
      %and3A_487 = arith.andi %ge3A_483, %lt3A_486 : vector<16xi1>
      %and3A_488 = arith.constant 31 : i32
      %and3A_489 = vector.broadcast %and3A_488 : i32 to vector<16xi32>
      %and3A_490 = arith.andi %sub3A_480, %and3A_489 : vector<16xi32>
      tpu.vector_store_idx %arg5[%and3A_490, %get3A_478], %broadcast_in_dim3A_1 masked %and3A_487 {add = true} : memref<32x2048xf32, #tpu.memory_space<vmem>>[vector<16xi32>, vector<16xi32>], vector<16xf32>, vector<16xi1>
      %scan3A_491 = arith.constant 0 : i32
      %scan3A_492 = arith.constant 4 : i32
      %scan3A_493 = arith.addi %scan3A_405, %scan3A_492 : i32
      %mul3A_494 = arith.constant 16 : i32
      %mul3A_495 = arith.muli %scan3A_493, %mul3A_494 : i32
      %get3A_496 = arith.index_cast %mul3A_495 : i32 to index
      %get3A_497 = tpu.vector_load %arg8[%get3A_496] {strides = array<i32>} : memref<8192xi32, #tpu.memory_space<vmem>>, vector<16xi32>,
      %mul3A_498 = arith.constant 16 : i32
      %mul3A_499 = arith.muli %scan3A_493, %mul3A_498 : i32
      %get3A_500 = arith.index_cast %mul3A_499 : i32 to index
      %get3A_501 = tpu.vector_load %arg9[%get3A_500] {strides = array<i32>} : memref<8192xi32, #tpu.memory_space<vmem>>, vector<16xi32>,
      %sub3A_502 = vector.broadcast %mul3A_213 : i32 to vector<16xi32>
      %sub3A_503 = arith.subi %get3A_497, %sub3A_502 : vector<16xi32>
      %ge3A_504 = arith.constant 0 : i32
      %ge3A_505 = vector.broadcast %ge3A_504 : i32 to vector<16xi32>
      %ge3A_506 = arith.cmpi sge, %sub3A_503, %ge3A_505 : vector<16xi32>
      %lt3A_507 = arith.constant 32 : i32
      %lt3A_508 = vector.broadcast %lt3A_507 : i32 to vector<16xi32>
      %lt3A_509 = arith.cmpi slt, %sub3A_503, %lt3A_508 : vector<16xi32>
      %and3A_510 = arith.andi %ge3A_506, %lt3A_509 : vector<16xi1>
      %and3A_511 = arith.constant 31 : i32
      %and3A_512 = vector.broadcast %and3A_511 : i32 to vector<16xi32>
      %and3A_513 = arith.andi %sub3A_503, %and3A_512 : vector<16xi32>
      tpu.vector_store_idx %arg5[%and3A_513, %get3A_501], %broadcast_in_dim3A_1 masked %and3A_510 {add = true} : memref<32x2048xf32, #tpu.memory_space<vmem>>[vector<16xi32>, vector<16xi32>], vector<16xf32>, vector<16xi1>
      %scan3A_514 = arith.constant 0 : i32
      %scan3A_515 = arith.constant 5 : i32
      %scan3A_516 = arith.addi %scan3A_405, %scan3A_515 : i32
      %mul3A_517 = arith.constant 16 : i32
      %mul3A_518 = arith.muli %scan3A_516, %mul3A_517 : i32
      %get3A_519 = arith.index_cast %mul3A_518 : i32 to index
      %get3A_520 = tpu.vector_load %arg8[%get3A_519] {strides = array<i32>} : memref<8192xi32, #tpu.memory_space<vmem>>, vector<16xi32>,
      %mul3A_521 = arith.constant 16 : i32
      %mul3A_522 = arith.muli %scan3A_516, %mul3A_521 : i32
      %get3A_523 = arith.index_cast %mul3A_522 : i32 to index
      %get3A_524 = tpu.vector_load %arg9[%get3A_523] {strides = array<i32>} : memref<8192xi32, #tpu.memory_space<vmem>>, vector<16xi32>,
      %sub3A_525 = vector.broadcast %mul3A_213 : i32 to vector<16xi32>
      %sub3A_526 = arith.subi %get3A_520, %sub3A_525 : vector<16xi32>
      %ge3A_527 = arith.constant 0 : i32
      %ge3A_528 = vector.broadcast %ge3A_527 : i32 to vector<16xi32>
      %ge3A_529 = arith.cmpi sge, %sub3A_526, %ge3A_528 : vector<16xi32>
      %lt3A_530 = arith.constant 32 : i32
      %lt3A_531 = vector.broadcast %lt3A_530 : i32 to vector<16xi32>
      %lt3A_532 = arith.cmpi slt, %sub3A_526, %lt3A_531 : vector<16xi32>
      %and3A_533 = arith.andi %ge3A_529, %lt3A_532 : vector<16xi1>
      %and3A_534 = arith.constant 31 : i32
      %and3A_535 = vector.broadcast %and3A_534 : i32 to vector<16xi32>
      %and3A_536 = arith.andi %sub3A_526, %and3A_535 : vector<16xi32>
      tpu.vector_store_idx %arg5[%and3A_536, %get3A_524], %broadcast_in_dim3A_1 masked %and3A_533 {add = true} : memref<32x2048xf32, #tpu.memory_space<vmem>>[vector<16xi32>, vector<16xi32>], vector<16xf32>, vector<16xi1>
      %scan3A_537 = arith.constant 0 : i32
      %scan3A_538 = arith.constant 6 : i32
      %scan3A_539 = arith.addi %scan3A_405, %scan3A_538 : i32
      %mul3A_540 = arith.constant 16 : i32
      %mul3A_541 = arith.muli %scan3A_539, %mul3A_540 : i32
      %get3A_542 = arith.index_cast %mul3A_541 : i32 to index
      %get3A_543 = tpu.vector_load %arg8[%get3A_542] {strides = array<i32>} : memref<8192xi32, #tpu.memory_space<vmem>>, vector<16xi32>,
      %mul3A_544 = arith.constant 16 : i32
      %mul3A_545 = arith.muli %scan3A_539, %mul3A_544 : i32
      %get3A_546 = arith.index_cast %mul3A_545 : i32 to index
      %get3A_547 = tpu.vector_load %arg9[%get3A_546] {strides = array<i32>} : memref<8192xi32, #tpu.memory_space<vmem>>, vector<16xi32>,
      %sub3A_548 = vector.broadcast %mul3A_213 : i32 to vector<16xi32>
      %sub3A_549 = arith.subi %get3A_543, %sub3A_548 : vector<16xi32>
      %ge3A_550 = arith.constant 0 : i32
      %ge3A_551 = vector.broadcast %ge3A_550 : i32 to vector<16xi32>
      %ge3A_552 = arith.cmpi sge, %sub3A_549, %ge3A_551 : vector<16xi32>
      %lt3A_553 = arith.constant 32 : i32
      %lt3A_554 = vector.broadcast %lt3A_553 : i32 to vector<16xi32>
      %lt3A_555 = arith.cmpi slt, %sub3A_549, %lt3A_554 : vector<16xi32>
      %and3A_556 = arith.andi %ge3A_552, %lt3A_555 : vector<16xi1>
      %and3A_557 = arith.constant 31 : i32
      %and3A_558 = vector.broadcast %and3A_557 : i32 to vector<16xi32>
      %and3A_559 = arith.andi %sub3A_549, %and3A_558 : vector<16xi32>
      tpu.vector_store_idx %arg5[%and3A_559, %get3A_547], %broadcast_in_dim3A_1 masked %and3A_556 {add = true} : memref<32x2048xf32, #tpu.memory_space<vmem>>[vector<16xi32>, vector<16xi32>], vector<16xf32>, vector<16xi1>
      %scan3A_560 = arith.constant 0 : i32
      %scan3A_561 = arith.constant 7 : i32
      %scan3A_562 = arith.addi %scan3A_405, %scan3A_561 : i32
      %mul3A_563 = arith.constant 16 : i32
      %mul3A_564 = arith.muli %scan3A_562, %mul3A_563 : i32
      %get3A_565 = arith.index_cast %mul3A_564 : i32 to index
      %get3A_566 = tpu.vector_load %arg8[%get3A_565] {strides = array<i32>} : memref<8192xi32, #tpu.memory_space<vmem>>, vector<16xi32>,
      %mul3A_567 = arith.constant 16 : i32
      %mul3A_568 = arith.muli %scan3A_562, %mul3A_567 : i32
      %get3A_569 = arith.index_cast %mul3A_568 : i32 to index
      %get3A_570 = tpu.vector_load %arg9[%get3A_569] {strides = array<i32>} : memref<8192xi32, #tpu.memory_space<vmem>>, vector<16xi32>,
      %sub3A_571 = vector.broadcast %mul3A_213 : i32 to vector<16xi32>
      %sub3A_572 = arith.subi %get3A_566, %sub3A_571 : vector<16xi32>
      %ge3A_573 = arith.constant 0 : i32
      %ge3A_574 = vector.broadcast %ge3A_573 : i32 to vector<16xi32>
      %ge3A_575 = arith.cmpi sge, %sub3A_572, %ge3A_574 : vector<16xi32>
      %lt3A_576 = arith.constant 32 : i32
      %lt3A_577 = vector.broadcast %lt3A_576 : i32 to vector<16xi32>
      %lt3A_578 = arith.cmpi slt, %sub3A_572, %lt3A_577 : vector<16xi32>
      %and3A_579 = arith.andi %ge3A_575, %lt3A_578 : vector<16xi1>
      %and3A_580 = arith.constant 31 : i32
      %and3A_581 = vector.broadcast %and3A_580 : i32 to vector<16xi32>
      %and3A_582 = arith.andi %sub3A_572, %and3A_581 : vector<16xi32>
      tpu.vector_store_idx %arg5[%and3A_582, %get3A_570], %broadcast_in_dim3A_1 masked %and3A_579 {add = true} : memref<32x2048xf32, #tpu.memory_space<vmem>>[vector<16xi32>, vector<16xi32>], vector<16xf32>, vector<16xi1>
      %scan3A_583 = arith.constant 0 : i32
      scf.yield %scan3A_583 : i32
    }
    %scan3A_392 = arith.constant 512 : i32
    %iota3A_393 = tpu.iota {dimensions = array<i32: 0>} : vector<16xi32>
    %add3A_394 = arith.constant 0 : i32
    %add3A_395 = vector.broadcast %add3A_394 : i32 to vector<16xi32>
    %add3A_396 = arith.addi %iota3A_393, %add3A_395 : vector<16xi32>
    %add3A_397 = vector.broadcast %mul3A_213 : i32 to vector<16xi32>
    %add3A_398 = arith.addi %add3A_397, %add3A_396 : vector<16xi32>
    tpu.vector_store_idx %arg5[%add3A_396, %add3A_398], %broadcast_in_dim3A_1 {add = true} : memref<32x2048xf32, #tpu.memory_space<vmem>>[vector<16xi32>, vector<16xi32>], vector<16xf32>,
    %iota3A_399 = tpu.iota {dimensions = array<i32: 0>} : vector<16xi32>
    %add3A_400 = arith.constant 16 : i32
    %add3A_401 = vector.broadcast %add3A_400 : i32 to vector<16xi32>
    %add3A_402 = arith.addi %iota3A_399, %add3A_401 : vector<16xi32>
    %add3A_403 = vector.broadcast %mul3A_213 : i32 to vector<16xi32>
    %add3A_404 = arith.addi %add3A_403, %add3A_402 : vector<16xi32>
    tpu.vector_store_idx %arg5[%add3A_402, %add3A_404], %broadcast_in_dim3A_1 {add = true} : memref<32x2048xf32, #tpu.memory_space<vmem>>[vector<16xi32>, vector<16xi32>], vector<16xf32>,
    "tpu.region"() ({
      %run_scoped3A = tpu.sem_alloc : memref<!tpu.dma_semaphore, #tpu.memory_space<semaphore_mem>>
      %dma_start3A_405 = arith.constant 0 : i32
      %dma_start3A_406 = tpu.memref_slice %arg4[%mul3A_213, %dma_start3A_405] : memref<2048x2048xf32, #tpu.memory_space<hbm>> -> memref<32x2048xf32, #tpu.memory_space<hbm>>
      %dma_start3A_407 = arith.constant 0 : i32
      %dma_start3A_408 = tpu.memref_slice %arg4[%mul3A_213, %dma_start3A_407] : memref<2048x2048xf32, #tpu.memory_space<hbm>> -> memref<32x2048xf32, #tpu.memory_space<hbm>>
      tpu.enqueue_dma source(%arg5 : memref<32x2048xf32, #tpu.memory_space<vmem>>) target(%dma_start3A_408 : memref<32x2048xf32, #tpu.memory_space<hbm>>) target_semaphore(%run_scoped3A : memref<!tpu.dma_semaphore, #tpu.memory_space<semaphore_mem>>)
      %dma_wait3A_409 = arith.constant 0 : i32
      %dma_wait3A_410 = tpu.memref_slice %arg4[%mul3A_213, %dma_wait3A_409] : memref<2048x2048xf32, #tpu.memory_space<hbm>> -> memref<32x2048xf32, #tpu.memory_space<hbm>>
      %dma_wait3A_411 = arith.constant 0 : i32
      %dma_wait3A_412 = tpu.memref_slice %arg4[%mul3A_213, %dma_wait3A_411] : memref<2048x2048xf32, #tpu.memory_space<hbm>> -> memref<32x2048xf32, #tpu.memory_space<hbm>>
      tpu.wait_dma2 semaphore(%run_scoped3A : memref<!tpu.dma_semaphore, #tpu.memory_space<semaphore_mem>>) src(%arg5 : memref<32x2048xf32, #tpu.memory_space<vmem>>) dst(%dma_wait3A_412 : memref<32x2048xf32, #tpu.memory_space<hbm>>)
      tpu.yield
    }) : () -> ()
    return
  }
}

module attributes {stable_mosaic.version = 14 : i64} {
  func.func @_tc_body(%arg0: memref<2048x128xf32, #tpu.memory_space<vmem>>, %arg1: memref<128x128xf32, #tpu.memory_space<vmem>>, %arg2: memref<2048x2048xf32, #tpu.memory_space<vmem>>, %arg3: memref<128x128xf32, #tpu.memory_space<vmem>>, %arg4: memref<1x128xf32, #tpu.memory_space<vmem>>, %arg5: memref<1x128xf32, #tpu.memory_space<vmem>>, %arg6: memref<2048x128xf32, #tpu.memory_space<vmem>>) attributes {dimension_semantics = [], scalar_prefetch = 0 : i64, scratch_operands = 0 : i64, tpu.core_type = #tpu.core_type<tc>} {
    %get3A = arith.constant 0 : index
    %get3A_0 = arith.constant 0 : index
    %get3A_1 = vector.load %arg2[%get3A, %get3A_0] : memref<2048x2048xf32, #tpu.memory_space<vmem>>, vector<2048x2048xf32>
    %reduce_sum3A = arith.constant dense<0.000000e+00> : vector<2048xf32>
    %reduce_sum3A_2 = vector.multi_reduction <add>, %get3A_1, %reduce_sum3A [1] : vector<2048x2048xf32> to vector<2048xf32>
    %broadcast_in_dim3A = vector.shape_cast %reduce_sum3A_2 : vector<2048xf32> to vector<2048x1xf32>
    %rsqrt3A = math.rsqrt %broadcast_in_dim3A : vector<2048x1xf32>
    %get3A_3 = arith.constant 0 : index
    %get3A_4 = arith.constant 0 : index
    %get3A_5 = vector.load %arg0[%get3A_3, %get3A_4] : memref<2048x128xf32, #tpu.memory_space<vmem>>, vector<2048x128xf32>
    %get3A_6 = arith.constant 0 : index
    %get3A_7 = arith.constant 0 : index
    %get3A_8 = vector.load %arg1[%get3A_6, %get3A_7] : memref<128x128xf32, #tpu.memory_space<vmem>>, vector<128x128xf32>
    %dot_general3A = arith.constant dense<0.000000e+00> : vector<2048x128xf32>
    %dot_general3A_9 = tpu.matmul %get3A_5, %get3A_8, %dot_general3A {dimension_numbers = #tpu.dot_dimension_numbers<[1], [0], [0], [1], [0, 0, 1, 1], [], []>, precision = #tpu.contract_precision<fp32>, transpose_lhs_hint = false} : vector<2048x128xf32>, vector<128x128xf32>, vector<2048x128xf32> -> vector<2048x128xf32>
    %mul3A = vector.broadcast %rsqrt3A : vector<2048x1xf32> to vector<2048x128xf32>
    %mul3A_10 = arith.mulf %mul3A, %dot_general3A_9 : vector<2048x128xf32>
    %get3A_11 = arith.constant 0 : index
    %get3A_12 = arith.constant 0 : index
    %get3A_13 = vector.load %arg2[%get3A_11, %get3A_12] : memref<2048x2048xf32, #tpu.memory_space<vmem>>, vector<2048x2048xf32>
    %dot_general3A_14 = arith.constant dense<0.000000e+00> : vector<2048x128xf32>
    %dot_general3A_15 = tpu.matmul %get3A_13, %mul3A_10, %dot_general3A_14 {dimension_numbers = #tpu.dot_dimension_numbers<[1], [0], [0], [1], [0, 0, 1, 1], [], []>, transpose_lhs_hint = false} : vector<2048x2048xf32>, vector<2048x128xf32>, vector<2048x128xf32> -> vector<2048x128xf32>
    %mul3A_16 = vector.broadcast %rsqrt3A : vector<2048x1xf32> to vector<2048x128xf32>
    %mul3A_17 = arith.mulf %mul3A_16, %dot_general3A_15 : vector<2048x128xf32>
    %get3A_18 = arith.constant 0 : index
    %get3A_19 = arith.constant 0 : index
    %get3A_20 = vector.load %arg4[%get3A_18, %get3A_19] : memref<1x128xf32, #tpu.memory_space<vmem>>, vector<1x128xf32>
    %add3A = vector.broadcast %get3A_20 : vector<1x128xf32> to vector<2048x128xf32>
    %add3A_21 = arith.addf %mul3A_17, %add3A : vector<2048x128xf32>
    %max3A = arith.constant 0.000000e+00 : f32
    %max3A_22 = vector.broadcast %max3A : f32 to vector<2048x128xf32>
    %max3A_23 = arith.maximumf %add3A_21, %max3A_22 : vector<2048x128xf32>
    %get3A_24 = arith.constant 0 : index
    %get3A_25 = arith.constant 0 : index
    %get3A_26 = vector.load %arg3[%get3A_24, %get3A_25] : memref<128x128xf32, #tpu.memory_space<vmem>>, vector<128x128xf32>
    %dot_general3A_27 = arith.constant dense<0.000000e+00> : vector<2048x128xf32>
    %dot_general3A_28 = tpu.matmul %max3A_23, %get3A_26, %dot_general3A_27 {dimension_numbers = #tpu.dot_dimension_numbers<[1], [0], [0], [1], [0, 0, 1, 1], [], []>, precision = #tpu.contract_precision<fp32>, transpose_lhs_hint = false} : vector<2048x128xf32>, vector<128x128xf32>, vector<2048x128xf32> -> vector<2048x128xf32>
    %mul3A_29 = vector.broadcast %rsqrt3A : vector<2048x1xf32> to vector<2048x128xf32>
    %mul3A_30 = arith.mulf %dot_general3A_28, %mul3A_29 : vector<2048x128xf32>
    %get3A_31 = arith.constant 0 : index
    %get3A_32 = arith.constant 0 : index
    %get3A_33 = vector.load %arg2[%get3A_31, %get3A_32] : memref<2048x2048xf32, #tpu.memory_space<vmem>>, vector<2048x2048xf32>
    %dot_general3A_34 = arith.constant dense<0.000000e+00> : vector<2048x128xf32>
    %dot_general3A_35 = tpu.matmul %get3A_33, %mul3A_30, %dot_general3A_34 {dimension_numbers = #tpu.dot_dimension_numbers<[1], [0], [0], [1], [0, 0, 1, 1], [], []>, transpose_lhs_hint = false} : vector<2048x2048xf32>, vector<2048x128xf32>, vector<2048x128xf32> -> vector<2048x128xf32>
    %mul3A_36 = vector.broadcast %rsqrt3A : vector<2048x1xf32> to vector<2048x128xf32>
    %mul3A_37 = arith.mulf %mul3A_36, %dot_general3A_35 : vector<2048x128xf32>
    %get3A_38 = arith.constant 0 : index
    %get3A_39 = arith.constant 0 : index
    %get3A_40 = vector.load %arg5[%get3A_38, %get3A_39] : memref<1x128xf32, #tpu.memory_space<vmem>>, vector<1x128xf32>
    %add3A_41 = vector.broadcast %get3A_40 : vector<1x128xf32> to vector<2048x128xf32>
    %add3A_42 = arith.addf %mul3A_37, %add3A_41 : vector<2048x128xf32>
    %swap3A = arith.constant 0 : index
    %swap3A_43 = arith.constant 0 : index
    %swap3A_44 = vector.load %arg6[%swap3A, %swap3A_43] : memref<2048x128xf32, #tpu.memory_space<vmem>>, vector<2048x128xf32>
    tpu.vector_store %arg6[%swap3A, %swap3A_43], %add3A_42 {strides = array<i32>} : memref<2048x128xf32, #tpu.memory_space<vmem>>, vector<2048x128xf32>,
    return
  }
}

</mosaic_0001>

<sc_bundles>
// kernel: kernel.4.cloned.1.call-start
scs
__scs_entry_jumppad:
0x0: {  	(pc) =	sbr.rel $0x88, $3  }
0x1: {  	(tag) =	ssettag $0x0;
	lr =	simm.s32 $0x1  }
0x2: {  	[smem:$0x3F9B] =	sst lr;
	_ =	strace $0xD0000000  }
0x3: {  	_ = 	snop  }
0x4: {  	_ = 	snop  }
0x5: {  	_ = 	snop  }
0x6: {  	_ = 	snop  }
0x7: {  	_ = 	snop  }
__scs_overlays_trampoline_lowered:
0x8: {  	[smem:$0x3FAA] =	sst s0  }
0x9: {  	[smem:$0x3FAB] =	sst s1  }
0xa: {  	[smem:$0x3FAC] =	sst s2  }
0xb: {  	[smem:$0x3FAD] =	sst s3  }
0xc: {  	[smem:$0x3FAE] =	sst s4  }
0xd: {  	[smem:$0x3FAF] =	sst s5  }
0xe: {  	[smem:$0x3FB0] =	sst s6  }
0xf: {  	[smem:$0x3FB1] =	sst s7  }
0x10: {  	[smem:$0x3FB2] =	sst s8  }
0x11: {  	[smem:$0x3FB3] =	sst s9;
	s0 =	simm.s32 @!p0 $0x0  }
0x12: {  	s1 =	sld [smem:$0x3F99];
	s0 =	simm.s32 @p0 $0x1  }
0x13: {  	[smem:$0x3FB4] =	sst s0;
	s0 =	simm.s32 @!p1 $0x0  }
0x14: {  	s2 =	sld [smem:$0x3F98];
	s0 =	simm.s32 @p1 $0x1  }
0x15: {  	[smem:$0x3FB5] =	sst s0;
	s0 =	simm.s32 @!p2 $0x0  }
0x16: {  	s3 =	sld [smem:$0x3FDB];
	s0 =	simm.s32 @p2 $0x1  }
0x17: {  	s4 =	simm.s32 $0x1BF5;
	[smem:$0x3FB7] =	sst s0  }
0x18: {  	s0 =	sld [smem:$0x3F9A];
	_ =	swait.ge [sflag:s4], $0x0  }
0x19: {  	s7 =	sld [smem:$0x3F9B]  }
0x1a: {  	s8 =	sadd.s32 $0xFFFFE003, lr  }
0x1b: {  	s9 =	sadd.s32 $0xFFFFFEF7, lr;
	s5 =	simm.s32 $0xFFFFFFFF;
	p2 =	slt.u32 s8, $0xFFFFF086  }
0x1c: {  	p1 =	slt.u32 s9, $0xF7A;
	s5 =	simm.s32 @!p2 $0x0  }
0x1d: {  	s5 =	simm.s32 @p1 $0x1;
	p0 =	seq.s32 s7, s2  }
0x1e: {  	s7 =	smul.u32 @!p0 $0xF7A, s2;
	p2 =	seq.s32 @!p0 s5, $0x0  }
0x1f: {  	s9 =	smul.u32 $0xF7A, s1;
	s8 =	simm.s32 @!p0 $0x1BF5;
	p2 =	por !p2, p0  }
0x20: {  	[sflag:s8] =	ssyncset.s32 @!p0 $0xFFFFF086;
	s6 =	sadd.s32 @!p0 s3, s7;
	s7 =	simm.s32 @!p0 $0x108  }
0x21: {  	s3 =	sadd.s32 s3, s9;
	s6 =	sadd.s32 @!p0 $0x88, s6;
	s7 =	simm.s32 @p2 $0x1082  }
0x22: {  	[simem:s7], [sflag:s8] =	dma.local @!p0 [hbm:s6], $0xF7A  }
0x23: {  	s9 =	sor.u32 $0xD0000000, s2;
	s6 =	simm.s32 $0x108;
	_ =	swait.ge @!p0 [sflag:s8], $0x0  }
0x24: {  	s3 =	sadd.s32 $0x88, s3;
	s6 =	simm.s32 @!p1 $0x1082;
	[sflag:s4] =	ssyncset.s32 $0xFFFFF086  }
0x25: {  	[simem:s6], [sflag:s4] =	dma.local [hbm:s3], $0xF7A  }
0x26: {  	[smem:$0x3F9B] =	sst s1;
	(tag) =	ssettag s2;
	_ =	strace s9  }
0x27: {  	s1 =	sld [smem:$0x3FAB]  }
0x28: {  	s2 =	sld [smem:$0x3FAC]  }
0x29: {  	s4 =	sld [smem:$0x3FAE]  }
0x2a: {  	p0 =	seq.s32 s5, $0x0;
	s5 =	sld [smem:$0x3FAF]  }
0x2b: {  	s6 =	sld [smem:$0x3FB0]  }
0x2c: {  	s7 =	sld [smem:$0x3FB1]  }
0x2d: {  	s3 =	simm.s32 $0x108;
	s8 =	sld [smem:$0x3FB2]  }
0x2e: {  	s3 =	simm.s32 @!p0 $0x1082;
	s9 =	sld [smem:$0x3FB3]  }
0x2f: {  	lr =	sadd.s32 s0, s3;
	s0 =	sld [smem:$0x3FAA]  }
0x30: {  	s3 =	sld [smem:$0x3FAD]  }
0x31: {  	[smem:$0x3FB6] =	sst s10  }
0x32: {  	s10 =	sld [smem:$0x3FB4];
	_ =	sdelay $0x3  }
0x33: {  	p0 =	seq.s32 s10, $0x1;
	s10 =	sld [smem:$0x3FB6];
	_ =	sdelay $0x3  }
0x34: {  	[smem:$0x3FB6] =	sst s10  }
0x35: {  	s10 =	sld [smem:$0x3FB5];
	_ =	sdelay $0x3  }
0x36: {  	p1 =	seq.s32 s10, $0x1;
	s10 =	sld [smem:$0x3FB6];
	_ =	sdelay $0x3  }
0x37: {  	[smem:$0x3FB6] =	sst s10  }
0x38: {  	s10 =	sld [smem:$0x3FB7]  }
0x39: {  	_ = 	snop;
	(pc) =	sbr.ind lr, $3  }
0x3a: {  	_ = 	snop  }
0x3b: {  	_ = 	snop  }
0x3c: {  	p2 =	seq.s32 s10, $0x1;
	s10 =	sld [smem:$0x3FB6]  }
0x3d: {  	_ =	shalt  }
0x3e: {  	_ =	shalt  }
0x3f: {  	_ =	shalt  }
0x40: {  	_ =	shalt  }
0x41: {  	_ =	shalt  }
0x42: {  	_ =	shalt  }
0x43: {  	_ =	shalt  }
0x44: {  	_ =	shalt  }
0x45: {  	_ =	shalt  }
0x46: {  	_ =	shalt  }
0x47: {  	_ =	shalt  }
0x48: {  	_ =	shalt  }
0x49: {  	_ =	shalt  }
0x4a: {  	_ =	shalt  }
0x4b: {  	_ =	shalt  }
0x4c: {  	_ =	shalt  }
0x4d: {  	_ =	shalt  }
0x4e: {  	_ =	shalt  }
0x4f: {  	_ =	shalt  }
0x50: {  	_ =	shalt  }
0x51: {  	_ =	shalt  }
0x52: {  	_ =	shalt  }
0x53: {  	_ =	shalt  }
0x54: {  	_ =	shalt  }
0x55: {  	_ =	shalt  }
0x56: {  	_ =	shalt  }
0x57: {  	_ =	shalt  }
0x58: {  	_ =	shalt  }
0x59: {  	_ =	shalt  }
0x5a: {  	_ =	shalt  }
0x5b: {  	_ =	shalt  }
0x5c: {  	_ =	shalt  }
0x5d: {  	_ =	shalt  }
0x5e: {  	_ =	shalt  }
0x5f: {  	_ =	shalt  }
0x60: {  	_ =	shalt  }
0x61: {  	_ =	shalt  }
0x62: {  	_ =	shalt  }
0x63: {  	_ =	shalt  }
0x64: {  	_ =	shalt  }
0x65: {  	_ =	shalt  }
0x66: {  	_ =	shalt  }
0x67: {  	_ =	shalt  }
0x68: {  	_ =	shalt  }
0x69: {  	_ =	shalt  }
0x6a: {  	_ =	shalt  }
0x6b: {  	_ =	shalt  }
0x6c: {  	_ =	shalt  }
0x6d: {  	_ =	shalt  }
0x6e: {  	_ =	shalt  }
0x6f: {  	_ =	shalt  }
0x70: {  	_ =	shalt  }
0x71: {  	_ =	shalt  }
0x72: {  	_ =	shalt  }
0x73: {  	_ =	shalt  }
0x74: {  	_ =	shalt  }
0x75: {  	_ =	shalt  }
0x76: {  	_ =	shalt  }
0x77: {  	_ =	shalt  }
0x78: {  	_ =	shalt  }
0x79: {  	_ =	shalt  }
0x7a: {  	_ =	shalt  }
0x7b: {  	_ =	shalt  }
0x7c: {  	_ =	shalt  }
0x7d: {  	_ =	shalt  }
0x7e: {  	_ =	shalt  }
0x7f: {  	_ =	shalt  }
0x80: {  	_ =	shalt  }
0x81: {  	_ =	shalt  }
0x82: {  	_ =	shalt  }
0x83: {  	_ =	shalt  }
0x84: {  	_ =	shalt  }
0x85: {  	_ =	shalt  }
0x86: {  	_ =	shalt  }
0x87: {  	_ =	shalt  }
.Lfunc_end0:
.L_simem_size_0:
called_computation_lowered:
.L_overlay_start_0:
0x88: {  	s2 =	sld [smem:$0x3FD9]  }
0x89: {  	s3 =	sld [smem:$0x3FFE];
	_ =	sdelay $0x1  }
0x8a: {  	s1 =	srdreg.scid  }
0x8b: {  	s0 =	sand.u32 $0x1, s1  }
0x8c: {  	s14 =	sshll.u32 s0, $0xA;
	s2 =	sadd.s32 s3, s2  }
0x8d: {  	s2 =	sadd.s32 s2, s14  }
0x8e: {  	[smem:$0x3FC2] =	sst s2  }
0x8f: {  	_ = 	snop  }
0x90: {  	s2 =	sld [smem:$0x3FD0];
	_ =	sdelay $0x2  }
0x91: {  	s15 =	simm.s32 $0xA;
	s4 =	simm.s32 $0x10  }
0x92: {  	[smem:s4], [sflag:s15] =	dma.local [hbm:s2], $0x1  }
0x93: {  	_ =	swait.eq [sflag:s15], $0x1  }
0x94: {  	[sflag:s15] =	ssyncset.done $0x0  }
0x95: {  	[sflag:s15] =	ssyncadd.s32 $0xFFFFFFFF  }
0x96: {  	s16 =	sld [smem:$0x10];
	(tm) =	ssettm $0x1  }
0x97: {  	s17 =	sld [smem:$0x3FFB];
	_ =	sdelay $0x3  }
0x98: {  	_ =	strace s17  }
0x99: {  	s3 =	sld [smem:$0x3FFC];
	_ =	sdelay $0x3  }
0x9a: {  	_ =	strace s3  }
0x9b: {  	s3 =	sld [smem:$0x3FFD];
	_ =	sdelay $0x3  }
0x9c: {  	_ =	strace s3  }
0x9d: {  	_ =	strace $0x8FFFFFFF  }
0x9e: {  	s18 =	sld [smem:$0x3FDB];
	_ =	sdelay $0x1  }
0x9f: {  	s19 =	simm.s32 $_scs_section_size  }
0xa0: {  	s5 =	simm.s32 $_size__tile_overlayer_lowered;
	s6 =	simm.s32 $_tile_overlayer_lowered  }
0xa1: {  	s22 =	simm.s32 $0x1BFF;
	s21 =	sshll.u32 s6, $0x1;
	s3 =	sadd.s32 s19, s18  }
0xa2: {  	s7 =	simm.s32 $0x0;
	s20 =	sshll.u32 s5, $0x1;
	s5 =	sadd.s32 s21, s3  }
0xa3: {  	[timem:s7], [sflag:s22] =	dma.local [hbm:s5], s20  }
0xa4: {  	_ =	swait.ge [sflag:s22], s20  }
0xa5: {  	s4 =	ssub.s32 $0x0, s20;
	[sflag:s22] =	ssyncset.done $0x0  }
0xa6: {  	[sflag:s22] =	ssyncadd.s32 s4;
	_ =	sdelay $0x1  }
0xa7: {  	s23 =	simm.s32 $0x1B8B  }
0xa8: {  	_ =	swait.ge [sflag:s23], $0x1  }
0xa9: {  	[sflag:s23] =	ssyncset.done $0x0  }
0xaa: {  	s25 =	simm.s32 $0x1B8E;
	s24 =	sld [smem:$0x3FFE];
	[sflag:s23] =	ssyncadd.s32 $0xFFFFFFFF  }
0xab: {  	s26 =	simm.s32 $execute0_lowered;
	[smem:$0x3FD2] =	sst s25  }
0xac: {  	s5 =	sshll.u32 s26, $0x1;
	_ =	strace $0x80000046;
	[dreg:$0x1] =	wrdreg $0xFFFFFFFF  }
0xad: {  	s28 =	simm.s32 $_size_execute0_lowered;
	s3 =	sadd.s32 s3, s5;
	[dreg:$0x0] =	wrdreg $0x0  }
0xae: {  	s5 =	sshll.u32 s28, $0x1;
	[dreg:$0x2] =	wrdreg s3  }
0xaf: {  	[dreg:$0x3] =	wrdreg s5  }
0xb0: {  	[dreg:$0x4] =	wrdreg $0xC0  }
0xb1: {  	_ =	task [dreg:s7], $0x5FFFF  }
0xb2: {  	[dreg:$0x1] =	wrdreg $0xFFFFFFFF  }
0xb3: {  	[dreg:$0x0] =	wrdreg $0x60  }
0xb4: {  	[dreg:$0x2] =	wrdreg s24  }
0xb5: {  	[dreg:$0x3] =	wrdreg s16  }
0xb6: {  	[dreg:$0x4] =	wrdreg $0x9  }
0xb7: {  	_ =	task.clear_ibuf [dreg:s7], $0x5FFFF;
	_ =	strace $0x90000046  }
0xb8: {  	s29 =	simm.s32 $0x9;
	_ =	strace $0x80000048  }
0xb9: {  	_ =	swait.ge [sflag:s29], $0x1  }
0xba: {  	[sflag:s29] =	ssyncadd.s32 $0xFFFFFFFF  }
0xbb: {  	_ =	strace $0x90000048  }
0xbc: {  	_ =	sfence  }
0xbd: {  	s30 =	sld [smem:$0x0];
	_ =	sdelay $0x2  }
0xbe: {  	s31 =	sshll.u32 s1, $0xD;
	s1 =	sshrl.u32 s1, $0x2  }
0xbf: {  	s3 =	sand.u32 $0x4000, s31;
	s1 =	sadd.s32 s1, s30  }
0xc0: {  	s0 =	sor.u32 s3, s0;
	s1 =	sshll.u32 s1, $0x11  }
0xc1: {  	s0 =	sor.u32 s1, s0  }
0xc2: {  	s0 =	sadd.s32 $0x8F2B, s0  }
0xc3: {  	[sflag:s0] =	ssyncadd.remote.s32 $0x1  }
0xc4: {  	_ =	sfence.sel $0xFFFF  }
0xc5: {  	[dreg:$0x0] =	wrdreg $0xFFFFFFFF;
	(pc) =	sbr.abs _section_cstart, $3  }
0xc6: {  	[dreg:$0x1] =	wrdreg $0xFFFFFFFF  }
0xc7: {  	_ =	task.clear_ibuf [dreg:s7], $0x2FFFF;
	_ =	strace $0x9FFFFFFF  }
0xc8: {  	(tm) =	ssettm $0x7FFFFFFF  }
0xc9: {  	_ =	shalt  }
tec
execute0_lowered:
.L_overlay_start_1:
0x0: {  	(tag) =	ssettag $0x1  }
0x1: {  	v3 =	vlaneseq.u32  }
0x2: {  	v1 =	vimm.s32 $0x4380;
	vm0 =	vcmask $0x300;
	vm1 =	vcmask $0x704  }
0x3: {  	vm2 =	vcmask $0xB08;
	vm4 =	vcmask $0xF0C;
	vm5 =	vcmask $0x1310  }
0x4: {  	s0 =	srdreg.scid;
	vm6 =	vcmask $0x1714;
	v5 =	vimm.s32 $0xC380;
	v1 =	vsel vm0, $0x0, v1  }
0x5: {  	s1 =	stileid.u32;
	vm7 =	vcmask $0x1B18;
	vm8 =	vcmask $0x1F1C;
	s3 =	rddreg [dreg:$0x0];
	v1 =	vsel vm1, $0x80, v1  }
0x6: {  	vm9 =	vcmask $0x2320;
	vm3 =	vcmask $0x2724;
	s6 =	rddreg [dreg:$0x1];
	s7 =	simm.s32 $0x0;
	s2 =	sand.u32 $0x1, s0;
	v1 =	vsel vm2, $0x100, v1  }
0x7: {  	vm11 =	vcmask $0x2B28;
	vm12 =	vcmask $0x2F2C;
	s12 =	sshll.u32 s1, $0x1;
	[smem:$0x7FF] =	sst s7;
	s4 =	sadd.s32 $0xC00, s3;
	v1 =	vsel vm4, $0x180, v1  }
0x8: {  	vm13 =	vcmask $0x3330;
	vm14 =	vcmask $0x3734;
	s15 =	sadd.s32 $0x1000, s3;
	_ =	strace $0x80000047;
	[dreg:$0xd] =	wrdreg s4;
	v1 =	vsel vm5, $0x200, v1  }
0x9: {  	vm15 =	vcmask $0x3B38;
	v5 =	vsel vm0, $0x8000, v5;
	s16 =	sadd.s32 $0x400, s6;
	s0 =	sor.u32 s2, s12;
	[dreg:$0xe] =	wrdreg s15;
	v1 =	vsel vm6, $0x280, v1  }
0xa: {  	s17 =	sadd.s32 $0x1400, s3;
	v6 =	vor.u32 $0x10, v3;
	v5 =	vsel vm1, $0x8080, v5;
	[dreg:$0xf] =	wrdreg s16;
	s13 =	sshll.u32 s0, $0x5;
	v1 =	vsel vm7, $0x300, v1  }
0xb: {  	s18 =	sadd.s32 $0x800, s6;
	[dreg:$0x10] =	wrdreg s17;
	v5 =	vsel vm2, $0x8100, v5;
	v0 =	vmov s13;
	v1 =	vsel vm8, $0x380, v1  }
0xc: {  	s19 =	sadd.s32 $0x1800, s3;
	[dreg:$0x11] =	wrdreg s18;
	v2 =	vor.u32 s13, v3;
	v5 =	vsel vm4, $0x8180, v5;
	v1 =	vsel vm9, $0x4000, v1  }
0xd: {  	s20 =	sadd.s32 $0xC00, s6;
	[dreg:$0x12] =	wrdreg s19;
	v8 =	vor.u32 s13, v6;
	v5 =	vsel vm5, $0x8200, v5;
	v1 =	vsel vm3, $0x4080, v1  }
0xe: {  	s21 =	sadd.s32 $0x1C00, s3;
	[dreg:$0x13] =	wrdreg s20;
	v2 =	vand.u32 $0x6F, v2;
	v5 =	vsel vm6, $0x8280, v5;
	v1 =	vsel vm11, $0x4100, v1  }
0xf: {  	s22 =	sadd.s32 $0x1000, s6;
	[dreg:$0x14] =	wrdreg s21;
	s1 =	sor.u32 $0x400, s13;
	v4 =	vshll.u32 v0, $0x3;
	v5 =	vsel vm7, $0x8300, v5;
	v1 =	vsel vm12, $0x4180, v1  }
0x10: {  	s23 =	sadd.s32 $0x2000, s3;
	[dreg:$0x15] =	wrdreg s22;
	v3 =	vor.u32 s1, v3;
	v5 =	vsel vm8, $0x8380, v5;
	v1 =	vsel vm13, $0x4200, v1  }
0x11: {  	s24 =	sadd.s32 $0x1400, s6;
	[dreg:$0x16] =	wrdreg s23;
	v4 =	vand.u32 $0x7FFFFC00, v4;
	v5 =	vsel vm9, $0xC000, v5;
	v1 =	vsel vm14, $0x4280, v1  }
0x12: {  	s5 =	sadd.s32 $0x2C00, s3;
	s25 =	sadd.s32 $0x2400, s3;
	[dreg:$0x17] =	wrdreg s24;
	v2 =	vor.u32 v2, v4;
	v5 =	vsel vm3, $0xC080, v5;
	v7 =	vsel vm15, $0x4300, v1  }
0x13: {  	s26 =	sadd.s32 $0x1800, s6;
	s3 =	sadd.s32 $0x2800, s3;
	[dreg:$0x18] =	wrdreg s25;
	v5 =	vsel vm11, $0xC100, v5;
	v1 =	vadd.s32 v7, v2;
	v2 =	vand.u32 $0x7F, v8  }
0x14: {  	s29 =	sadd.s32 $0x1C00, s6;
	s2 =	ssub.s32 $0x2, s2;
	[dreg:$0x19] =	wrdreg s26;
	v5 =	vsel vm12, $0xC180, v5;
	v4 =	vor.u32 v2, v4;
	v2 =	vmov s1  }
0x15: {  	[dreg:$0x1a] =	wrdreg s3;
	s14 =	sshrl.u32 s2, $0x1;
	s0 =	sshll.u32 s0, $0xD;
	v6 =	vor.u32 s1, v6;
	v5 =	vsel vm13, $0xC200, v5;
	v8 =	vshll.u32 v2, $0x3  }
0x16: {  	[dreg:$0x1b] =	wrdreg s29;
	s2 =	ssub.s32 s2, s14;
	s0 =	sadd.s32 s5, s0;
	v3 =	vand.u32 $0x6F, v3;
	v5 =	vsel vm14, $0xC280, v5;
	v8 =	vand.u32 $0x7FFFFC00, v8  }
0x17: {  	s28 =	sshll.u32 s1, $0x8;
	[dreg:$0x1c] =	wrdreg s0;
	s31 =	smax.u32 s2, $0x1;
	v6 =	vand.u32 $0x7F, v6;
	v5 =	vsel vm15, $0xC300, v5;
	v9 =	vor.u32 v3, v8  }
0x18: {  	s3 =	simm.s32 $0x10000;
	s30 =	sadd.s32 s5, s28;
	[dreg:$0x1e] =	wrdreg s31;
	v3 =	vadd.s32 v5, v4;
	v6 =	vor.u32 v6, v8;
	v4 =	vadd.s32 v7, v9  }
0x19: {  	s4 =	simm.s32 $0x12000;
	s2 =	simm.s32 $0x0;
	[dreg:$0x1d] =	wrdreg s30;
	v5 =	vadd.s32 v5, v6;
	v6 =	vimm.f32 $0.0e+00;
	v7 =	vimm.f32 $1.000000000e+00  }
.LBB2_1:
0x1a: {  	s0 =	rddreg [dreg:$0xd]  }
0x1b: {  	[tilespmem:s3], [sflag:$0x1] =	stream.linear.gather [hbm4b:s0+s7], $0x2000, $0x38;
	[tilespmem:$0x18000] =	vst v63  }
0x1c: {  	[dreg:$0x1f] =	wrdreg s2;
	s0 =	sand.u32 $0x60, s7  }
0x1d: {  	s30 =	rddreg [dreg:$0x1];
	s2 =	sand.u32 $0x3C00, s7;
	s31 =	sor.u32 $0x10, s0  }
0x1e: {  	[tilespmem:s4], [sflag:$0x1] =	stream.linear.gather [hbm4b:s30+s7], $0x2000, $0x38;
	[tilespmem:$0x18000] =	vst v63  }
0x1f: {  	s24 =	sor.u32 s31, s2  }
0x20: {  	[tilespmem:s24+$0x0] =	vst v6  }
0x21: {  	s1 =	sand.u32 $0x3, s7;
	[tilespmem:s24+$0x80] =	vst v6  }
0x22: {  	s1 =	sshll.u32 s1, $0x5;
	[tilespmem:s24+$0x100] =	vst v6  }
0x23: {  	s1 =	sadd.s32 $0x0, s1;
	[tilespmem:s24+$0x180] =	vst v6  }
0x24: {  	s6 =	sadd.s32 $0x10, s1;
	[tilespmem:s24+$0x200] =	vst v6  }
0x25: {  	[tilespmem:s24+$0x280] =	vst v6;
	s25 =	sor.u32 $0x300, s6  }
0x26: {  	s5 =	sor.u32 $0x4000, s2;
	s26 =	sor.u32 $0x380, s6;
	[tilespmem:s25+$0x0] =	vst v6  }
0x27: {  	s29 =	sor.u32 s31, s5;
	s6 =	sor.u32 $0x4080, s2;
	[tilespmem:s26+$0x0] =	vst v6  }
0x28: {  	s7 =	sor.u32 $0x4100, s2;
	s8 =	sor.u32 s31, s6;
	[tilespmem:s29+$0x0] =	vst v6  }
0x29: {  	s3 =	sor.u32 $0x4180, s2;
	s9 =	sor.u32 s31, s7;
	[tilespmem:s8+$0x0] =	vst v6  }
0x2a: {  	s10 =	sor.u32 s31, s3;
	s8 =	sor.u32 $0x4200, s2;
	[tilespmem:s9+$0x0] =	vst v6  }
0x2b: {  	s9 =	sor.u32 $0x4280, s2;
	s11 =	sor.u32 s31, s8;
	[tilespmem:s10+$0x0] =	vst v6  }
0x2c: {  	s10 =	sor.u32 $0x4300, s2;
	s12 =	sor.u32 s31, s9;
	[tilespmem:s11+$0x0] =	vst v6  }
0x2d: {  	s11 =	sor.u32 $0x4380, s2;
	s13 =	sor.u32 s31, s10;
	[tilespmem:s12+$0x0] =	vst v6  }
0x2e: {  	s12 =	sor.u32 $0x8000, s2;
	s14 =	sor.u32 s31, s11;
	[tilespmem:s13+$0x0] =	vst v6  }
0x2f: {  	s13 =	sor.u32 $0x8080, s2;
	s15 =	sor.u32 s31, s12;
	[tilespmem:s14+$0x0] =	vst v6  }
0x30: {  	s14 =	sor.u32 $0x8100, s2;
	s16 =	sor.u32 s31, s13;
	[tilespmem:s15+$0x0] =	vst v6  }
0x31: {  	s15 =	sor.u32 $0x8180, s2;
	s17 =	sor.u32 s31, s14;
	[tilespmem:s16+$0x0] =	vst v6  }
0x32: {  	s16 =	sor.u32 $0x8200, s2;
	s18 =	sor.u32 s31, s15;
	[tilespmem:s17+$0x0] =	vst v6  }
0x33: {  	s17 =	sor.u32 $0x8280, s2;
	s19 =	sor.u32 s31, s16;
	[tilespmem:s18+$0x0] =	vst v6  }
0x34: {  	s18 =	sor.u32 $0x8300, s2;
	s20 =	sor.u32 s31, s17;
	[tilespmem:s19+$0x0] =	vst v6  }
0x35: {  	s19 =	sor.u32 $0x8380, s2;
	s21 =	sor.u32 s31, s18;
	[tilespmem:s20+$0x0] =	vst v6  }
0x36: {  	s20 =	sor.u32 $0xC000, s2;
	s22 =	sor.u32 s31, s19;
	[tilespmem:s21+$0x0] =	vst v6  }
0x37: {  	s21 =	sor.u32 $0xC080, s2;
	s23 =	sor.u32 s31, s20;
	[tilespmem:s22+$0x0] =	vst v6  }
0x38: {  	s22 =	sor.u32 $0xC100, s2;
	s24 =	sor.u32 s31, s21;
	[tilespmem:s23+$0x0] =	vst v6  }
0x39: {  	s23 =	sor.u32 $0xC180, s2;
	s25 =	sor.u32 s31, s22;
	[tilespmem:s24+$0x0] =	vst v6  }
0x3a: {  	s24 =	sor.u32 $0xC200, s2;
	s30 =	sor.u32 s31, s23;
	[tilespmem:s25+$0x0] =	vst v6  }
0x3b: {  	s25 =	sor.u32 $0xC280, s2;
	s26 =	sor.u32 s31, s24;
	[tilespmem:s30+$0x0] =	vst v6  }
0x3c: {  	s28 =	sor.u32 s31, s25;
	[tilespmem:s26+$0x0] =	vst v6  }
0x3d: {  	s29 =	sor.u32 $0xC380, s2;
	s26 =	sor.u32 $0xC300, s2;
	s2 =	sor.u32 s0, s2;
	[tilespmem:s28+$0x0] =	vst v6  }
0x3e: {  	[tilespmem:s2+$0x0] =	vst v6  }
0x3f: {  	[tilespmem:s2+$0x80] =	vst v6  }
0x40: {  	[tilespmem:s2+$0x100] =	vst v6  }
0x41: {  	[tilespmem:s2+$0x180] =	vst v6  }
0x42: {  	[tilespmem:s2+$0x200] =	vst v6  }
0x43: {  	s28 =	sor.u32 s31, s26;
	[tilespmem:s2+$0x280] =	vst v6  }
0x44: {  	s4 =	sor.u32 s31, s29;
	s31 =	sor.u32 $0x300, s1;
	[tilespmem:s28+$0x0] =	vst v6  }
0x45: {  	[tilespmem:s31+$0x0] =	vst v6  }
0x46: {  	s1 =	sor.u32 $0x380, s1;
	[tilespmem:s4+$0x0] =	vst v6  }
0x47: {  	[tilespmem:s1+$0x0] =	vst v6;
	s4 =	sor.u32 s0, s5  }
0x48: {  	s5 =	sor.u32 s0, s6;
	[tilespmem:s4+$0x0] =	vst v6  }
0x49: {  	s6 =	sor.u32 s0, s7;
	[tilespmem:s5+$0x0] =	vst v6  }
0x4a: {  	s7 =	sor.u32 s0, s3;
	[tilespmem:s6+$0x0] =	vst v6  }
0x4b: {  	s8 =	sor.u32 s0, s8;
	[tilespmem:s7+$0x0] =	vst v6  }
0x4c: {  	s9 =	sor.u32 s0, s9;
	[tilespmem:s8+$0x0] =	vst v6  }
0x4d: {  	s10 =	sor.u32 s0, s10;
	[tilespmem:s9+$0x0] =	vst v6  }
0x4e: {  	s11 =	sor.u32 s0, s11;
	[tilespmem:s10+$0x0] =	vst v6  }
0x4f: {  	s12 =	sor.u32 s0, s12;
	[tilespmem:s11+$0x0] =	vst v6  }
0x50: {  	s13 =	sor.u32 s0, s13;
	[tilespmem:s12+$0x0] =	vst v6  }
0x51: {  	s14 =	sor.u32 s0, s14;
	[tilespmem:s13+$0x0] =	vst v6  }
0x52: {  	s15 =	sor.u32 s0, s15;
	[tilespmem:s14+$0x0] =	vst v6  }
0x53: {  	s16 =	sor.u32 s0, s16;
	[tilespmem:s15+$0x0] =	vst v6  }
0x54: {  	s17 =	sor.u32 s0, s17;
	[tilespmem:s16+$0x0] =	vst v6  }
0x55: {  	s18 =	sor.u32 s0, s18;
	[tilespmem:s17+$0x0] =	vst v6  }
0x56: {  	s19 =	sor.u32 s0, s19;
	[tilespmem:s18+$0x0] =	vst v6  }
0x57: {  	s20 =	sor.u32 s0, s20;
	[tilespmem:s19+$0x0] =	vst v6  }
0x58: {  	s21 =	sor.u32 s0, s21;
	[tilespmem:s20+$0x0] =	vst v6  }
0x59: {  	s22 =	sor.u32 s0, s22;
	[tilespmem:s21+$0x0] =	vst v6  }
0x5a: {  	s30 =	sor.u32 s0, s23;
	s31 =	sor.u32 s0, s24;
	s28 =	sor.u32 s0, s26;
	[tilespmem:s22+$0x0] =	vst v6  }
0x5b: {  	s3 =	sor.u32 s0, s29;
	s1 =	simm.s32 $0x20;
	s6 =	sor.u32 s0, s25;
	[tilespmem:s30+$0x0] =	vst v6  }
0x5c: {  	s0 =	simm.s32 $0x0;
	s9 =	simm.s32 $0x0;
	s19 =	simm.s32 $0x0;
	[tilespmem:s31+$0x0] =	vst v6  }
.LBB2_2:
0x5d: {  	s21 =	sand.u32 $0x60, s1;
	[tilespmem:s6+$0x0] =	vst v6;
	s0 =	sadd.s32 $0x100, s0  }
0x5e: {  	s6 =	sand.u32 $0x3C00, s0;
	s2 =	sor.u32 $0x10, s21;
	[tilespmem:s28+$0x0] =	vst v6  }
0x5f: {  	s4 =	sor.u32 s2, s6;
	[tilespmem:s3+$0x0] =	vst v6  }
0x60: {  	[tilespmem:s4+$0x0] =	vst v6  }
0x61: {  	[tilespmem:s4+$0x80] =	vst v6  }
0x62: {  	[tilespmem:s4+$0x100] =	vst v6  }
0x63: {  	[tilespmem:s4+$0x180] =	vst v6  }
0x64: {  	[tilespmem:s4+$0x200] =	vst v6  }
0x65: {  	s20 =	sor.u32 s21, s6;
	[tilespmem:s4+$0x280] =	vst v6  }
0x66: {  	s19 =	sadd.s32 $0x1, s19;
	[tilespmem:s20+$0x0] =	vst v6  }
0x67: {  	s25 =	sand.u32 $0x3, s19;
	[tilespmem:s20+$0x80] =	vst v6  }
0x68: {  	s3 =	sshll.u32 s25, $0x5;
	[tilespmem:s20+$0x100] =	vst v6  }
0x69: {  	s3 =	sadd.s32 s3, s0;
	[tilespmem:s20+$0x180] =	vst v6  }
0x6a: {  	[tilespmem:s20+$0x200] =	vst v6;
	s5 =	sor.u32 $0x300, s3;
	s26 =	sor.u32 $0x380, s3;
	s3 =	sadd.s32 $0x10, s3  }
0x6b: {  	s30 =	sor.u32 $0x4000, s6;
	s7 =	sor.u32 $0x4080, s6;
	[tilespmem:s20+$0x280] =	vst v6;
	s29 =	sor.u32 $0x300, s3  }
0x6c: {  	s11 =	sor.u32 $0x4100, s6;
	s14 =	sor.u32 $0x4180, s6;
	s3 =	sor.u32 $0x380, s3;
	[tilespmem:s29+$0x0] =	vst v6  }
0x6d: {  	s16 =	sor.u32 $0x4200, s6;
	s18 =	sor.u32 $0x4280, s6;
	s8 =	sor.u32 s2, s30;
	[tilespmem:s3+$0x0] =	vst v6  }
0x6e: {  	s23 =	sor.u32 $0x4300, s6;
	s25 =	sor.u32 $0x4380, s6;
	s12 =	sor.u32 s2, s7;
	[tilespmem:s8+$0x0] =	vst v6  }
0x6f: {  	s28 =	sor.u32 $0xC200, s6;
	s31 =	sor.u32 s21, s30;
	s15 =	sor.u32 s2, s11;
	[tilespmem:s12+$0x0] =	vst v6  }
0x70: {  	s10 =	sor.u32 s21, s7;
	s17 =	sor.u32 s2, s14;
	[dreg:$0x7] =	wrdreg s31;
	[tilespmem:s15+$0x0] =	vst v6  }
0x71: {  	s13 =	sor.u32 s21, s11;
	s22 =	sor.u32 s2, s16;
	[dreg:$0x9] =	wrdreg s10;
	[tilespmem:s17+$0x0] =	vst v6  }
0x72: {  	s11 =	sor.u32 s21, s16;
	s24 =	sor.u32 s2, s18;
	[dreg:$0xb] =	wrdreg s13;
	[tilespmem:s22+$0x0] =	vst v6  }
0x73: {  	s30 =	sor.u32 s2, s25;
	[dreg:$0x3] =	wrdreg s26;
	s26 =	sor.u32 s2, s23;
	[tilespmem:s24+$0x0] =	vst v6  }
0x74: {  	s10 =	sor.u32 s21, s14;
	s13 =	sor.u32 s21, s23;
	s29 =	sor.u32 $0x8000, s6;
	[tilespmem:s26+$0x0] =	vst v6  }
0x75: {  	s14 =	sor.u32 s21, s25;
	s31 =	sor.u32 $0x8080, s6;
	s7 =	sor.u32 s2, s29;
	[tilespmem:s30+$0x0] =	vst v6  }
0x76: {  	s8 =	sor.u32 $0x8100, s6;
	s12 =	sor.u32 s21, s18;
	s18 =	sor.u32 s2, s31;
	[tilespmem:s7+$0x0] =	vst v6  }
0x77: {  	[dreg:$0x5] =	wrdreg s5;
	s23 =	sor.u32 s2, s8;
	s22 =	sor.u32 $0x8180, s6;
	[tilespmem:s18+$0x0] =	vst v6  }
0x78: {  	s16 =	sor.u32 s21, s31;
	s24 =	sor.u32 $0x8200, s6;
	s25 =	sor.u32 s2, s22;
	[tilespmem:s23+$0x0] =	vst v6  }
0x79: {  	s31 =	sor.u32 $0x8300, s6;
	s26 =	sor.u32 $0x8280, s6;
	s30 =	sor.u32 s2, s24;
	[tilespmem:s25+$0x0] =	vst v6  }
0x7a: {  	s15 =	sor.u32 s21, s29;
	s17 =	sor.u32 s21, s8;
	s4 =	sor.u32 s2, s26;
	[tilespmem:s30+$0x0] =	vst v6  }
0x7b: {  	s8 =	sor.u32 s2, s31;
	s29 =	sor.u32 s21, s24;
	s7 =	sor.u32 $0x8380, s6;
	[tilespmem:s4+$0x0] =	vst v6  }
0x7c: {  	s24 =	sor.u32 $0xC000, s6;
	s23 =	sor.u32 s21, s31;
	s30 =	sor.u32 s2, s7;
	[tilespmem:s8+$0x0] =	vst v6  }
0x7d: {  	s31 =	sor.u32 $0xC080, s6;
	s25 =	sor.u32 s21, s7;
	s7 =	sor.u32 s2, s24;
	[tilespmem:s30+$0x0] =	vst v6  }
0x7e: {  	s8 =	sor.u32 $0xC100, s6;
	s30 =	sor.u32 s21, s31;
	s31 =	sor.u32 s2, s31;
	[tilespmem:s7+$0x0] =	vst v6  }
0x7f: {  	s18 =	sor.u32 s21, s22;
	s4 =	sor.u32 $0xC180, s6;
	s5 =	sor.u32 s2, s8;
	[tilespmem:s31+$0x0] =	vst v6  }
0x80: {  	s22 =	sor.u32 s21, s26;
	s26 =	sor.u32 s21, s24;
	s7 =	sor.u32 s2, s4;
	[tilespmem:s5+$0x0] =	vst v6  }
0x81: {  	s24 =	sor.u32 s21, s8;
	s8 =	sor.u32 s2, s28;
	s31 =	sor.u32 $0xC280, s6;
	[tilespmem:s7+$0x0] =	vst v6  }
0x82: {  	s3 =	sor.u32 s2, s31;
	s7 =	sor.u32 $0xC300, s6;
	[tilespmem:s8+$0x0] =	vst v6  }
0x83: {  	s5 =	sor.u32 s21, s4;
	s4 =	sor.u32 s21, s28;
	[tilespmem:s3+$0x0] =	vst v6;
	s3 =	sor.u32 s2, s7  }
0x84: {  	s8 =	sor.u32 $0xC380, s6;
	s28 =	sor.u32 s21, s7;
	s7 =	rddreg [dreg:$0x5];
	[tilespmem:s3+$0x0] =	vst v6  }
0x85: {  	s2 =	sor.u32 s2, s8;
	[tilespmem:s7+$0x0] =	vst v6  }
0x86: {  	s3 =	sor.u32 s21, s8;
	s8 =	rddreg [dreg:$0x3];
	[tilespmem:s2+$0x0] =	vst v6  }
0x87: {  	s20 =	rddreg [dreg:$0x7];
	[tilespmem:s8+$0x0] =	vst v6  }
0x88: {  	s6 =	sor.u32 s21, s31;
	s21 =	rddreg [dreg:$0x9];
	[tilespmem:s20+$0x0] =	vst v6  }
0x89: {  	s31 =	rddreg [dreg:$0xb];
	[tilespmem:s21+$0x0] =	vst v6  }
0x8a: {  	[tilespmem:s31+$0x0] =	vst v6  }
0x8b: {  	[tilespmem:s10+$0x0] =	vst v6  }
0x8c: {  	[tilespmem:s11+$0x0] =	vst v6  }
0x8d: {  	[tilespmem:s12+$0x0] =	vst v6  }
0x8e: {  	[tilespmem:s13+$0x0] =	vst v6  }
0x8f: {  	[tilespmem:s14+$0x0] =	vst v6  }
0x90: {  	[tilespmem:s15+$0x0] =	vst v6  }
0x91: {  	[tilespmem:s16+$0x0] =	vst v6  }
0x92: {  	[tilespmem:s17+$0x0] =	vst v6  }
0x93: {  	[tilespmem:s18+$0x0] =	vst v6  }
0x94: {  	[tilespmem:s29+$0x0] =	vst v6  }
0x95: {  	[tilespmem:s22+$0x0] =	vst v6  }
0x96: {  	s9 =	sadd.s32 $0x2, s9;
	[tilespmem:s23+$0x0] =	vst v6  }
0x97: {  	p0 =	slt.u32 s9, $0x7E;
	[tilespmem:s25+$0x0] =	vst v6  }
.Ltmp0:
0x98: {  	[tilespmem:s26+$0x0] =	vst v6;
	(pc) =	sbr.rel @p0 .LBB2_2-.Ltmp0, $4  }
0x99: {  	[tilespmem:s30+$0x0] =	vst v6  }
0x9a: {  	[tilespmem:s24+$0x0] =	vst v6  }
0x9b: {  	[tilespmem:s5+$0x0] =	vst v6  }
0x9c: {  	s1 =	sadd.s32 $0x20, s1;
	[tilespmem:s4+$0x0] =	vst v6  }
0x9d: {  	[tilespmem:s6+$0x0] =	vst v6  }
0x9e: {  	[tilespmem:s28+$0x0] =	vst v6  }
0x9f: {  	s6 =	simm.s32 $0x1;
	[tilespmem:s3+$0x0] =	vst v6  }
0xa0: {  	_ =	swait.ge [sflag:s6], $0x2000  }
0xa1: {  	[sflag:s6] =	ssyncset.done $0x0  }
0xa2: {  	[sflag:s6] =	ssyncadd.s32 $0xFFFFE000  }
0xa3: {  	s7 =	simm.s32 $0x14000;
	_ =	swait.ge [sflag:s6], $0x2000  }
0xa4: {  	s8 =	simm.s32 $0x16000;
	s1 =	simm.s32 $0x10040;
	[sflag:s6] =	ssyncset.done $0x0  }
0xa5: {  	s3 =	simm.s32 $0x0;
	s0 =	rddreg [dreg:$0xe];
	[sflag:s6] =	ssyncadd.s32 $0xFFFFE000  }
0xa6: {  	[tilespmem:s7], [sflag:$0x2] =	stream.linear.gather [hbm4b:s0+s3], $0x2000, $0x38;
	[tilespmem:$0x18000] =	vst v63  }
0xa7: {  	s2 =	simm.s32 $0x12040;
	s31 =	rddreg [dreg:$0xf];
	s0 =	simm.s32 $0xFFFFFFF8  }
0xa8: {  	[tilespmem:s8], [sflag:$0x2] =	stream.linear.gather [hbm4b:s31+s3], $0x2000, $0x38;
	[tilespmem:$0x18000] =	vst v63  }
.LBB2_4:
0xa9: {  	v8 =	vld [tilespmem:s1+$0xFFFFFFC0]  }
0xaa: {  	v9 =	vld [tilespmem:s2+$0xFFFFFFC0];
	_ =	sdelay $0x4  }
0xab: {  	v10 =	vshll.u32 v8, $0xB;
	v11 =	vshll.u32 v9, $0x3  }
0xac: {  	v12 =	vshll.u32 v8, $0x7;
	v10 =	vand.u32 $0xC000, v10;
	v11 =	vand.u32 $0xFFFFFC00, v11  }
0xad: {  	v8 =	vsub.s32 v8, v0;
	v20 =	vand.u32 $0x380, v12;
	v10 =	vadd.s32 v10, v11  }
0xae: {  	vm0 =	vlt.u32 v8, $0x20;
	v8 =	vand.u32 $0x7F, v9;
	v21 =	vor.u32 v20, v10  }
0xaf: {  	v8 =	vor.u32 v8, v21;
	_ =	sdelay $0x4  }
0xb0: {  	[tilespmem:v8+s3+$0x0] =	vst.idx.add.f32.msk vm0, v7  }
0xb1: {  	v8 =	vld [tilespmem:s1+$0xFFFFFFD0]  }
0xb2: {  	v22 =	vld [tilespmem:s2+$0xFFFFFFD0];
	_ =	sdelay $0x4  }
0xb3: {  	v23 =	vshll.u32 v8, $0xB;
	v24 =	vshll.u32 v22, $0x3  }
0xb4: {  	v25 =	vshll.u32 v8, $0x7;
	v10 =	vand.u32 $0xC000, v23;
	v11 =	vand.u32 $0xFFFFFC00, v24  }
0xb5: {  	v8 =	vsub.s32 v8, v0;
	v26 =	vand.u32 $0x380, v25;
	v10 =	vadd.s32 v10, v11  }
0xb6: {  	vm9 =	vlt.u32 v8, $0x20;
	v8 =	vand.u32 $0x7F, v22;
	v27 =	vor.u32 v26, v10  }
0xb7: {  	v8 =	vor.u32 v8, v27;
	_ =	sdelay $0x4  }
0xb8: {  	[tilespmem:v8+s3+$0x0] =	vst.idx.add.f32.msk vm9, v7  }
0xb9: {  	v8 =	vld [tilespmem:s1+$0xFFFFFFE0]  }
0xba: {  	v28 =	vld [tilespmem:s2+$0xFFFFFFE0];
	_ =	sdelay $0x4  }
0xbb: {  	v29 =	vshll.u32 v8, $0xB;
	v30 =	vshll.u32 v28, $0x3  }
0xbc: {  	v31 =	vshll.u32 v8, $0x7;
	v10 =	vand.u32 $0xC000, v29;
	v11 =	vand.u32 $0xFFFFFC00, v30  }
0xbd: {  	v8 =	vsub.s32 v8, v0;
	v32 =	vand.u32 $0x380, v31;
	v10 =	vadd.s32 v10, v11  }
0xbe: {  	vm10 =	vlt.u32 v8, $0x20;
	v8 =	vand.u32 $0x7F, v28;
	v33 =	vor.u32 v32, v10  }
0xbf: {  	v8 =	vor.u32 v8, v33;
	_ =	sdelay $0x4  }
0xc0: {  	[tilespmem:v8+s3+$0x0] =	vst.idx.add.f32.msk vm10, v7  }
0xc1: {  	v8 =	vld [tilespmem:s1+$0xFFFFFFF0]  }
0xc2: {  	v34 =	vld [tilespmem:s2+$0xFFFFFFF0];
	_ =	sdelay $0x4  }
0xc3: {  	v35 =	vshll.u32 v8, $0xB;
	v36 =	vshll.u32 v34, $0x3  }
0xc4: {  	v37 =	vshll.u32 v8, $0x7;
	v10 =	vand.u32 $0xC000, v35;
	v11 =	vand.u32 $0xFFFFFC00, v36  }
0xc5: {  	v8 =	vsub.s32 v8, v0;
	v38 =	vand.u32 $0x380, v37;
	v10 =	vadd.s32 v10, v11  }
0xc6: {  	vm11 =	vlt.u32 v8, $0x20;
	v8 =	vand.u32 $0x7F, v34;
	v39 =	vor.u32 v38, v10  }
0xc7: {  	v8 =	vor.u32 v8, v39;
	_ =	sdelay $0x4  }
0xc8: {  	[tilespmem:v8+s3+$0x0] =	vst.idx.add.f32.msk vm11, v7  }
0xc9: {  	v8 =	vld [tilespmem:s1+$0x0]  }
0xca: {  	v40 =	vld [tilespmem:s2+$0x0];
	_ =	sdelay $0x4  }
0xcb: {  	v41 =	vshll.u32 v8, $0xB;
	v42 =	vshll.u32 v40, $0x3  }
0xcc: {  	v43 =	vshll.u32 v8, $0x7;
	v10 =	vand.u32 $0xC000, v41;
	v11 =	vand.u32 $0xFFFFFC00, v42  }
0xcd: {  	v8 =	vsub.s32 v8, v0;
	v44 =	vand.u32 $0x380, v43;
	v10 =	vadd.s32 v10, v11  }
0xce: {  	vm12 =	vlt.u32 v8, $0x20;
	v8 =	vand.u32 $0x7F, v40;
	v45 =	vor.u32 v44, v10  }
0xcf: {  	v8 =	vor.u32 v8, v45;
	_ =	sdelay $0x4  }
0xd0: {  	[tilespmem:v8+s3+$0x0] =	vst.idx.add.f32.msk vm12, v7  }
0xd1: {  	v8 =	vld [tilespmem:s1+$0x10]  }
0xd2: {  	v46 =	vld [tilespmem:s2+$0x10];
	_ =	sdelay $0x4  }
0xd3: {  	v47 =	vshll.u32 v8, $0xB;
	v48 =	vshll.u32 v46, $0x3  }
0xd4: {  	v49 =	vshll.u32 v8, $0x7;
	v10 =	vand.u32 $0xC000, v47;
	v11 =	vand.u32 $0xFFFFFC00, v48  }
0xd5: {  	v8 =	vsub.s32 v8, v0;
	v50 =	vand.u32 $0x380, v49;
	v10 =	vadd.s32 v10, v11  }
0xd6: {  	vm13 =	vlt.u32 v8, $0x20;
	v8 =	vand.u32 $0x7F, v46;
	v51 =	vor.u32 v50, v10  }
0xd7: {  	v8 =	vor.u32 v8, v51;
	_ =	sdelay $0x4  }
0xd8: {  	[tilespmem:v8+s3+$0x0] =	vst.idx.add.f32.msk vm13, v7  }
0xd9: {  	v8 =	vld [tilespmem:s1+$0x20]  }
0xda: {  	v52 =	vld [tilespmem:s2+$0x20];
	_ =	sdelay $0x4  }
0xdb: {  	v53 =	vshll.u32 v8, $0xB;
	v54 =	vshll.u32 v52, $0x3  }
0xdc: {  	v55 =	vshll.u32 v8, $0x7;
	v10 =	vand.u32 $0xC000, v53;
	v11 =	vand.u32 $0xFFFFFC00, v54  }
0xdd: {  	v8 =	vsub.s32 v8, v0;
	v56 =	vand.u32 $0x380, v55;
	v10 =	vadd.s32 v10, v11  }
0xde: {  	vm14 =	vlt.u32 v8, $0x20;
	v8 =	vand.u32 $0x7F, v52;
	v57 =	vor.u32 v56, v10  }
0xdf: {  	v8 =	vor.u32 v8, v57;
	_ =	sdelay $0x4  }
0xe0: {  	[tilespmem:v8+s3+$0x0] =	vst.idx.add.f32.msk vm14, v7  }
0xe1: {  	v8 =	vld [tilespmem:s1+$0x30]  }
0xe2: {  	v58 =	vld [tilespmem:s2+$0x30];
	_ =	sdelay $0x4  }
0xe3: {  	v59 =	vshll.u32 v8, $0xB;
	v60 =	vshll.u32 v58, $0x3  }
0xe4: {  	v61 =	vshll.u32 v8, $0x7;
	v10 =	vand.u32 $0xC000, v59;
	v11 =	vand.u32 $0xFFFFFC00, v60  }
0xe5: {  	v8 =	vsub.s32 v8, v0;
	v62 =	vand.u32 $0x380, v61;
	v10 =	vadd.s32 v10, v11  }
0xe6: {  	s0 =	sadd.s32 $0x8, s0;
	vm15 =	vlt.u32 v8, $0x20;
	v8 =	vand.u32 $0x7F, v58;
	v63 =	vor.u32 v62, v10  }
0xe7: {  	p0 =	slt.u32 s0, $0x1F8;
	v8 =	vor.u32 v8, v63  }
.Ltmp1:
0xe8: {  	_ = 	snop;
	(pc) =	sbr.rel @p0 .LBB2_4-.Ltmp1, $2  }
0xe9: {  	_ =	sdelay $0x2  }
0xea: {  	s1 =	sadd.s32 $0x80, s1;
	s2 =	sadd.s32 $0x80, s2;
	[tilespmem:v8+s3+$0x0] =	vst.idx.add.f32.msk vm15, v7  }
0xeb: {  	s9 =	simm.s32 $0x2  }
0xec: {  	_ =	swait.ge [sflag:s9], $0x2000  }
0xed: {  	[sflag:s9] =	ssyncset.done $0x0  }
0xee: {  	[sflag:s9] =	ssyncadd.s32 $0xFFFFE000  }
0xef: {  	_ =	swait.ge [sflag:s9], $0x2000  }
0xf0: {  	s4 =	simm.s32 $0x10000;
	s5 =	simm.s32 $0x12000;
	[sflag:s9] =	ssyncset.done $0x0  }
0xf1: {  	s1 =	simm.s32 $0x14040;
	s0 =	rddreg [dreg:$0x10];
	[sflag:s9] =	ssyncadd.s32 $0xFFFFE000  }
0xf2: {  	[tilespmem:s4], [sflag:$0x1] =	stream.linear.gather [hbm4b:s0+s3], $0x2000, $0x38;
	[tilespmem:$0x18000] =	vst v63  }
0xf3: {  	s2 =	simm.s32 $0x16040;
	s31 =	rddreg [dreg:$0x11];
	s0 =	simm.s32 $0xFFFFFFF8  }
0xf4: {  	[tilespmem:s5], [sflag:$0x1] =	stream.linear.gather [hbm4b:s31+s3], $0x2000, $0x38;
	[tilespmem:$0x18000] =	vst v63  }
.LBB2_6:
0xf5: {  	v8 =	vld [tilespmem:s1+$0xFFFFFFC0]  }
0xf6: {  	v9 =	vld [tilespmem:s2+$0xFFFFFFC0];
	_ =	sdelay $0x4  }
0xf7: {  	v10 =	vshll.u32 v8, $0xB;
	v11 =	vshll.u32 v9, $0x3  }
0xf8: {  	v12 =	vshll.u32 v8, $0x7;
	v10 =	vand.u32 $0xC000, v10;
	v11 =	vand.u32 $0xFFFFFC00, v11  }
0xf9: {  	v8 =	vsub.s32 v8, v0;
	v20 =	vand.u32 $0x380, v12;
	v10 =	vadd.s32 v10, v11  }
0xfa: {  	vm0 =	vlt.u32 v8, $0x20;
	v8 =	vand.u32 $0x7F, v9;
	v21 =	vor.u32 v20, v10  }
0xfb: {  	v8 =	vor.u32 v8, v21;
	_ =	sdelay $0x4  }
0xfc: {  	[tilespmem:v8+s3+$0x0] =	vst.idx.add.f32.msk vm0, v7  }
0xfd: {  	v8 =	vld [tilespmem:s1+$0xFFFFFFD0]  }
0xfe: {  	v22 =	vld [tilespmem:s2+$0xFFFFFFD0];
	_ =	sdelay $0x4  }
0xff: {  	v23 =	vshll.u32 v8, $0xB;
	v24 =	vshll.u32 v22, $0x3  }
0x100: {  	v25 =	vshll.u32 v8, $0x7;
	v10 =	vand.u32 $0xC000, v23;
	v11 =	vand.u32 $0xFFFFFC00, v24  }
0x101: {  	v8 =	vsub.s32 v8, v0;
	v26 =	vand.u32 $0x380, v25;
	v10 =	vadd.s32 v10, v11  }
0x102: {  	vm9 =	vlt.u32 v8, $0x20;
	v8 =	vand.u32 $0x7F, v22;
	v27 =	vor.u32 v26, v10  }
0x103: {  	v8 =	vor.u32 v8, v27;
	_ =	sdelay $0x4  }
0x104: {  	[tilespmem:v8+s3+$0x0] =	vst.idx.add.f32.msk vm9, v7  }
0x105: {  	v8 =	vld [tilespmem:s1+$0xFFFFFFE0]  }
0x106: {  	v28 =	vld [tilespmem:s2+$0xFFFFFFE0];
	_ =	sdelay $0x4  }
0x107: {  	v29 =	vshll.u32 v8, $0xB;
	v30 =	vshll.u32 v28, $0x3  }
0x108: {  	v31 =	vshll.u32 v8, $0x7;
	v10 =	vand.u32 $0xC000, v29;
	v11 =	vand.u32 $0xFFFFFC00, v30  }
0x109: {  	v8 =	vsub.s32 v8, v0;
	v32 =	vand.u32 $0x380, v31;
	v10 =	vadd.s32 v10, v11  }
0x10a: {  	vm10 =	vlt.u32 v8, $0x20;
	v8 =	vand.u32 $0x7F, v28;
	v33 =	vor.u32 v32, v10  }
0x10b: {  	v8 =	vor.u32 v8, v33;
	_ =	sdelay $0x4  }
0x10c: {  	[tilespmem:v8+s3+$0x0] =	vst.idx.add.f32.msk vm10, v7  }
0x10d: {  	v8 =	vld [tilespmem:s1+$0xFFFFFFF0]  }
0x10e: {  	v34 =	vld [tilespmem:s2+$0xFFFFFFF0];
	_ =	sdelay $0x4  }
0x10f: {  	v35 =	vshll.u32 v8, $0xB;
	v36 =	vshll.u32 v34, $0x3  }
0x110: {  	v37 =	vshll.u32 v8, $0x7;
	v10 =	vand.u32 $0xC000, v35;
	v11 =	vand.u32 $0xFFFFFC00, v36  }
0x111: {  	v8 =	vsub.s32 v8, v0;
	v38 =	vand.u32 $0x380, v37;
	v10 =	vadd.s32 v10, v11  }
0x112: {  	vm11 =	vlt.u32 v8, $0x20;
	v8 =	vand.u32 $0x7F, v34;
	v39 =	vor.u32 v38, v10  }
0x113: {  	v8 =	vor.u32 v8, v39;
	_ =	sdelay $0x4  }
0x114: {  	[tilespmem:v8+s3+$0x0] =	vst.idx.add.f32.msk vm11, v7  }
0x115: {  	v8 =	vld [tilespmem:s1+$0x0]  }
0x116: {  	v40 =	vld [tilespmem:s2+$0x0];
	_ =	sdelay $0x4  }
0x117: {  	v41 =	vshll.u32 v8, $0xB;
	v42 =	vshll.u32 v40, $0x3  }
0x118: {  	v43 =	vshll.u32 v8, $0x7;
	v10 =	vand.u32 $0xC000, v41;
	v11 =	vand.u32 $0xFFFFFC00, v42  }
0x119: {  	v8 =	vsub.s32 v8, v0;
	v44 =	vand.u32 $0x380, v43;
	v10 =	vadd.s32 v10, v11  }
0x11a: {  	vm12 =	vlt.u32 v8, $0x20;
	v8 =	vand.u32 $0x7F, v40;
	v45 =	vor.u32 v44, v10  }
0x11b: {  	v8 =	vor.u32 v8, v45;
	_ =	sdelay $0x4  }
0x11c: {  	[tilespmem:v8+s3+$0x0] =	vst.idx.add.f32.msk vm12, v7  }
0x11d: {  	v8 =	vld [tilespmem:s1+$0x10]  }
0x11e: {  	v46 =	vld [tilespmem:s2+$0x10];
	_ =	sdelay $0x4  }
0x11f: {  	v47 =	vshll.u32 v8, $0xB;
	v48 =	vshll.u32 v46, $0x3  }
0x120: {  	v49 =	vshll.u32 v8, $0x7;
	v10 =	vand.u32 $0xC000, v47;
	v11 =	vand.u32 $0xFFFFFC00, v48  }
0x121: {  	v8 =	vsub.s32 v8, v0;
	v50 =	vand.u32 $0x380, v49;
	v10 =	vadd.s32 v10, v11  }
0x122: {  	vm13 =	vlt.u32 v8, $0x20;
	v8 =	vand.u32 $0x7F, v46;
	v51 =	vor.u32 v50, v10  }
0x123: {  	v8 =	vor.u32 v8, v51;
	_ =	sdelay $0x4  }
0x124: {  	[tilespmem:v8+s3+$0x0] =	vst.idx.add.f32.msk vm13, v7  }
0x125: {  	v8 =	vld [tilespmem:s1+$0x20]  }
0x126: {  	v52 =	vld [tilespmem:s2+$0x20];
	_ =	sdelay $0x4  }
0x127: {  	v53 =	vshll.u32 v8, $0xB;
	v54 =	vshll.u32 v52, $0x3  }
0x128: {  	v55 =	vshll.u32 v8, $0x7;
	v10 =	vand.u32 $0xC000, v53;
	v11 =	vand.u32 $0xFFFFFC00, v54  }
0x129: {  	v8 =	vsub.s32 v8, v0;
	v56 =	vand.u32 $0x380, v55;
	v10 =	vadd.s32 v10, v11  }
0x12a: {  	vm14 =	vlt.u32 v8, $0x20;
	v8 =	vand.u32 $0x7F, v52;
	v57 =	vor.u32 v56, v10  }
0x12b: {  	v8 =	vor.u32 v8, v57;
	_ =	sdelay $0x4  }
0x12c: {  	[tilespmem:v8+s3+$0x0] =	vst.idx.add.f32.msk vm14, v7  }
0x12d: {  	v8 =	vld [tilespmem:s1+$0x30]  }
0x12e: {  	v58 =	vld [tilespmem:s2+$0x30];
	_ =	sdelay $0x4  }
0x12f: {  	v59 =	vshll.u32 v8, $0xB;
	v60 =	vshll.u32 v58, $0x3  }
0x130: {  	v61 =	vshll.u32 v8, $0x7;
	v10 =	vand.u32 $0xC000, v59;
	v11 =	vand.u32 $0xFFFFFC00, v60  }
0x131: {  	v8 =	vsub.s32 v8, v0;
	v62 =	vand.u32 $0x380, v61;
	v10 =	vadd.s32 v10, v11  }
0x132: {  	s0 =	sadd.s32 $0x8, s0;
	vm15 =	vlt.u32 v8, $0x20;
	v8 =	vand.u32 $0x7F, v58;
	v63 =	vor.u32 v62, v10  }
0x133: {  	p0 =	slt.u32 s0, $0x1F8;
	v8 =	vor.u32 v8, v63  }
.Ltmp2:
0x134: {  	_ = 	snop;
	(pc) =	sbr.rel @p0 .LBB2_6-.Ltmp2, $2  }
0x135: {  	_ =	sdelay $0x2  }
0x136: {  	s1 =	sadd.s32 $0x80, s1;
	s2 =	sadd.s32 $0x80, s2;
	[tilespmem:v8+s3+$0x0] =	vst.idx.add.f32.msk vm15, v7  }
0x137: {  	_ =	swait.ge [sflag:s6], $0x2000  }
0x138: {  	[sflag:s6] =	ssyncset.done $0x0  }
0x139: {  	[sflag:s6] =	ssyncadd.s32 $0xFFFFE000  }
0x13a: {  	_ =	swait.ge [sflag:s6], $0x2000  }
0x13b: {  	[sflag:s6] =	ssyncset.done $0x0  }
0x13c: {  	s1 =	simm.s32 $0x10040;
	s0 =	rddreg [dreg:$0x12];
	[sflag:s6] =	ssyncadd.s32 $0xFFFFE000  }
0x13d: {  	[tilespmem:s7], [sflag:$0x2] =	stream.linear.gather [hbm4b:s0+s3], $0x2000, $0x38;
	[tilespmem:$0x18000] =	vst v63  }
0x13e: {  	s2 =	simm.s32 $0x12040;
	s31 =	rddreg [dreg:$0x13];
	s0 =	simm.s32 $0xFFFFFFF8  }
0x13f: {  	[tilespmem:s8], [sflag:$0x2] =	stream.linear.gather [hbm4b:s31+s3], $0x2000, $0x38;
	[tilespmem:$0x18000] =	vst v63  }
.LBB2_8:
0x140: {  	v8 =	vld [tilespmem:s1+$0xFFFFFFC0]  }
0x141: {  	v9 =	vld [tilespmem:s2+$0xFFFFFFC0];
	_ =	sdelay $0x4  }
0x142: {  	v10 =	vshll.u32 v8, $0xB;
	v11 =	vshll.u32 v9, $0x3  }
0x143: {  	v12 =	vshll.u32 v8, $0x7;
	v10 =	vand.u32 $0xC000, v10;
	v11 =	vand.u32 $0xFFFFFC00, v11  }
0x144: {  	v8 =	vsub.s32 v8, v0;
	v20 =	vand.u32 $0x380, v12;
	v10 =	vadd.s32 v10, v11  }
0x145: {  	vm0 =	vlt.u32 v8, $0x20;
	v8 =	vand.u32 $0x7F, v9;
	v21 =	vor.u32 v20, v10  }
0x146: {  	v8 =	vor.u32 v8, v21;
	_ =	sdelay $0x4  }
0x147: {  	[tilespmem:v8+s3+$0x0] =	vst.idx.add.f32.msk vm0, v7  }
0x148: {  	v8 =	vld [tilespmem:s1+$0xFFFFFFD0]  }
0x149: {  	v22 =	vld [tilespmem:s2+$0xFFFFFFD0];
	_ =	sdelay $0x4  }
0x14a: {  	v23 =	vshll.u32 v8, $0xB;
	v24 =	vshll.u32 v22, $0x3  }
0x14b: {  	v25 =	vshll.u32 v8, $0x7;
	v10 =	vand.u32 $0xC000, v23;
	v11 =	vand.u32 $0xFFFFFC00, v24  }
0x14c: {  	v8 =	vsub.s32 v8, v0;
	v26 =	vand.u32 $0x380, v25;
	v10 =	vadd.s32 v10, v11  }
0x14d: {  	vm9 =	vlt.u32 v8, $0x20;
	v8 =	vand.u32 $0x7F, v22;
	v27 =	vor.u32 v26, v10  }
0x14e: {  	v8 =	vor.u32 v8, v27;
	_ =	sdelay $0x4  }
0x14f: {  	[tilespmem:v8+s3+$0x0] =	vst.idx.add.f32.msk vm9, v7  }
0x150: {  	v8 =	vld [tilespmem:s1+$0xFFFFFFE0]  }
0x151: {  	v28 =	vld [tilespmem:s2+$0xFFFFFFE0];
	_ =	sdelay $0x4  }
0x152: {  	v29 =	vshll.u32 v8, $0xB;
	v30 =	vshll.u32 v28, $0x3  }
0x153: {  	v31 =	vshll.u32 v8, $0x7;
	v10 =	vand.u32 $0xC000, v29;
	v11 =	vand.u32 $0xFFFFFC00, v30  }
0x154: {  	v8 =	vsub.s32 v8, v0;
	v32 =	vand.u32 $0x380, v31;
	v10 =	vadd.s32 v10, v11  }
0x155: {  	vm10 =	vlt.u32 v8, $0x20;
	v8 =	vand.u32 $0x7F, v28;
	v33 =	vor.u32 v32, v10  }
0x156: {  	v8 =	vor.u32 v8, v33;
	_ =	sdelay $0x4  }
0x157: {  	[tilespmem:v8+s3+$0x0] =	vst.idx.add.f32.msk vm10, v7  }
0x158: {  	v8 =	vld [tilespmem:s1+$0xFFFFFFF0]  }
0x159: {  	v34 =	vld [tilespmem:s2+$0xFFFFFFF0];
	_ =	sdelay $0x4  }
0x15a: {  	v35 =	vshll.u32 v8, $0xB;
	v36 =	vshll.u32 v34, $0x3  }
0x15b: {  	v37 =	vshll.u32 v8, $0x7;
	v10 =	vand.u32 $0xC000, v35;
	v11 =	vand.u32 $0xFFFFFC00, v36  }
0x15c: {  	v8 =	vsub.s32 v8, v0;
	v38 =	vand.u32 $0x380, v37;
	v10 =	vadd.s32 v10, v11  }
0x15d: {  	vm11 =	vlt.u32 v8, $0x20;
	v8 =	vand.u32 $0x7F, v34;
	v39 =	vor.u32 v38, v10  }
0x15e: {  	v8 =	vor.u32 v8, v39;
	_ =	sdelay $0x4  }
0x15f: {  	[tilespmem:v8+s3+$0x0] =	vst.idx.add.f32.msk vm11, v7  }
0x160: {  	v8 =	vld [tilespmem:s1+$0x0]  }
0x161: {  	v40 =	vld [tilespmem:s2+$0x0];
	_ =	sdelay $0x4  }
0x162: {  	v41 =	vshll.u32 v8, $0xB;
	v42 =	vshll.u32 v40, $0x3  }
0x163: {  	v43 =	vshll.u32 v8, $0x7;
	v10 =	vand.u32 $0xC000, v41;
	v11 =	vand.u32 $0xFFFFFC00, v42  }
0x164: {  	v8 =	vsub.s32 v8, v0;
	v44 =	vand.u32 $0x380, v43;
	v10 =	vadd.s32 v10, v11  }
0x165: {  	vm12 =	vlt.u32 v8, $0x20;
	v8 =	vand.u32 $0x7F, v40;
	v45 =	vor.u32 v44, v10  }
0x166: {  	v8 =	vor.u32 v8, v45;
	_ =	sdelay $0x4  }
0x167: {  	[tilespmem:v8+s3+$0x0] =	vst.idx.add.f32.msk vm12, v7  }
0x168: {  	v8 =	vld [tilespmem:s1+$0x10]  }
0x169: {  	v46 =	vld [tilespmem:s2+$0x10];
	_ =	sdelay $0x4  }
0x16a: {  	v47 =	vshll.u32 v8, $0xB;
	v48 =	vshll.u32 v46, $0x3  }
0x16b: {  	v49 =	vshll.u32 v8, $0x7;
	v10 =	vand.u32 $0xC000, v47;
	v11 =	vand.u32 $0xFFFFFC00, v48  }
0x16c: {  	v8 =	vsub.s32 v8, v0;
	v50 =	vand.u32 $0x380, v49;
	v10 =	vadd.s32 v10, v11  }
0x16d: {  	vm13 =	vlt.u32 v8, $0x20;
	v8 =	vand.u32 $0x7F, v46;
	v51 =	vor.u32 v50, v10  }
0x16e: {  	v8 =	vor.u32 v8, v51;
	_ =	sdelay $0x4  }
0x16f: {  	[tilespmem:v8+s3+$0x0] =	vst.idx.add.f32.msk vm13, v7  }
0x170: {  	v8 =	vld [tilespmem:s1+$0x20]  }
0x171: {  	v52 =	vld [tilespmem:s2+$0x20];
	_ =	sdelay $0x4  }
0x172: {  	v53 =	vshll.u32 v8, $0xB;
	v54 =	vshll.u32 v52, $0x3  }
0x173: {  	v55 =	vshll.u32 v8, $0x7;
	v10 =	vand.u32 $0xC000, v53;
	v11 =	vand.u32 $0xFFFFFC00, v54  }
0x174: {  	v8 =	vsub.s32 v8, v0;
	v56 =	vand.u32 $0x380, v55;
	v10 =	vadd.s32 v10, v11  }
0x175: {  	vm14 =	vlt.u32 v8, $0x20;
	v8 =	vand.u32 $0x7F, v52;
	v57 =	vor.u32 v56, v10  }
0x176: {  	v8 =	vor.u32 v8, v57;
	_ =	sdelay $0x4  }
0x177: {  	[tilespmem:v8+s3+$0x0] =	vst.idx.add.f32.msk vm14, v7  }
0x178: {  	v8 =	vld [tilespmem:s1+$0x30]  }
0x179: {  	v58 =	vld [tilespmem:s2+$0x30];
	_ =	sdelay $0x4  }
0x17a: {  	v59 =	vshll.u32 v8, $0xB;
	v60 =	vshll.u32 v58, $0x3  }
0x17b: {  	v61 =	vshll.u32 v8, $0x7;
	v10 =	vand.u32 $0xC000, v59;
	v11 =	vand.u32 $0xFFFFFC00, v60  }
0x17c: {  	v8 =	vsub.s32 v8, v0;
	v62 =	vand.u32 $0x380, v61;
	v10 =	vadd.s32 v10, v11  }
0x17d: {  	s0 =	sadd.s32 $0x8, s0;
	vm15 =	vlt.u32 v8, $0x20;
	v8 =	vand.u32 $0x7F, v58;
	v63 =	vor.u32 v62, v10  }
0x17e: {  	p0 =	slt.u32 s0, $0x1F8;
	v8 =	vor.u32 v8, v63  }
.Ltmp3:
0x17f: {  	_ = 	snop;
	(pc) =	sbr.rel @p0 .LBB2_8-.Ltmp3, $2  }
0x180: {  	_ =	sdelay $0x2  }
0x181: {  	s1 =	sadd.s32 $0x80, s1;
	s2 =	sadd.s32 $0x80, s2;
	[tilespmem:v8+s3+$0x0] =	vst.idx.add.f32.msk vm15, v7  }
0x182: {  	_ =	swait.ge [sflag:s9], $0x2000  }
0x183: {  	[sflag:s9] =	ssyncset.done $0x0  }
0x184: {  	[sflag:s9] =	ssyncadd.s32 $0xFFFFE000  }
0x185: {  	_ =	swait.ge [sflag:s9], $0x2000  }
0x186: {  	[sflag:s9] =	ssyncset.done $0x0  }
0x187: {  	s1 =	simm.s32 $0x14040;
	s0 =	rddreg [dreg:$0x14];
	[sflag:s9] =	ssyncadd.s32 $0xFFFFE000  }
0x188: {  	[tilespmem:s4], [sflag:$0x1] =	stream.linear.gather [hbm4b:s0+s3], $0x2000, $0x38;
	[tilespmem:$0x18000] =	vst v63  }
0x189: {  	s2 =	simm.s32 $0x16040;
	s31 =	rddreg [dreg:$0x15];
	s0 =	simm.s32 $0xFFFFFFF8  }
0x18a: {  	[tilespmem:s5], [sflag:$0x1] =	stream.linear.gather [hbm4b:s31+s3], $0x2000, $0x38;
	[tilespmem:$0x18000] =	vst v63  }
.LBB2_10:
0x18b: {  	v8 =	vld [tilespmem:s1+$0xFFFFFFC0]  }
0x18c: {  	v9 =	vld [tilespmem:s2+$0xFFFFFFC0];
	_ =	sdelay $0x4  }
0x18d: {  	v10 =	vshll.u32 v8, $0xB;
	v11 =	vshll.u32 v9, $0x3  }
0x18e: {  	v12 =	vshll.u32 v8, $0x7;
	v10 =	vand.u32 $0xC000, v10;
	v11 =	vand.u32 $0xFFFFFC00, v11  }
0x18f: {  	v8 =	vsub.s32 v8, v0;
	v20 =	vand.u32 $0x380, v12;
	v10 =	vadd.s32 v10, v11  }
0x190: {  	vm0 =	vlt.u32 v8, $0x20;
	v8 =	vand.u32 $0x7F, v9;
	v21 =	vor.u32 v20, v10  }
0x191: {  	v8 =	vor.u32 v8, v21;
	_ =	sdelay $0x4  }
0x192: {  	[tilespmem:v8+s3+$0x0] =	vst.idx.add.f32.msk vm0, v7  }
0x193: {  	v8 =	vld [tilespmem:s1+$0xFFFFFFD0]  }
0x194: {  	v22 =	vld [tilespmem:s2+$0xFFFFFFD0];
	_ =	sdelay $0x4  }
0x195: {  	v23 =	vshll.u32 v8, $0xB;
	v24 =	vshll.u32 v22, $0x3  }
0x196: {  	v25 =	vshll.u32 v8, $0x7;
	v10 =	vand.u32 $0xC000, v23;
	v11 =	vand.u32 $0xFFFFFC00, v24  }
0x197: {  	v8 =	vsub.s32 v8, v0;
	v26 =	vand.u32 $0x380, v25;
	v10 =	vadd.s32 v10, v11  }
0x198: {  	vm9 =	vlt.u32 v8, $0x20;
	v8 =	vand.u32 $0x7F, v22;
	v27 =	vor.u32 v26, v10  }
0x199: {  	v8 =	vor.u32 v8, v27;
	_ =	sdelay $0x4  }
0x19a: {  	[tilespmem:v8+s3+$0x0] =	vst.idx.add.f32.msk vm9, v7  }
0x19b: {  	v8 =	vld [tilespmem:s1+$0xFFFFFFE0]  }
0x19c: {  	v28 =	vld [tilespmem:s2+$0xFFFFFFE0];
	_ =	sdelay $0x4  }
0x19d: {  	v29 =	vshll.u32 v8, $0xB;
	v30 =	vshll.u32 v28, $0x3  }
0x19e: {  	v31 =	vshll.u32 v8, $0x7;
	v10 =	vand.u32 $0xC000, v29;
	v11 =	vand.u32 $0xFFFFFC00, v30  }
0x19f: {  	v8 =	vsub.s32 v8, v0;
	v32 =	vand.u32 $0x380, v31;
	v10 =	vadd.s32 v10, v11  }
0x1a0: {  	vm10 =	vlt.u32 v8, $0x20;
	v8 =	vand.u32 $0x7F, v28;
	v33 =	vor.u32 v32, v10  }
0x1a1: {  	v8 =	vor.u32 v8, v33;
	_ =	sdelay $0x4  }
0x1a2: {  	[tilespmem:v8+s3+$0x0] =	vst.idx.add.f32.msk vm10, v7  }
0x1a3: {  	v8 =	vld [tilespmem:s1+$0xFFFFFFF0]  }
0x1a4: {  	v34 =	vld [tilespmem:s2+$0xFFFFFFF0];
	_ =	sdelay $0x4  }
0x1a5: {  	v35 =	vshll.u32 v8, $0xB;
	v36 =	vshll.u32 v34, $0x3  }
0x1a6: {  	v37 =	vshll.u32 v8, $0x7;
	v10 =	vand.u32 $0xC000, v35;
	v11 =	vand.u32 $0xFFFFFC00, v36  }
0x1a7: {  	v8 =	vsub.s32 v8, v0;
	v38 =	vand.u32 $0x380, v37;
	v10 =	vadd.s32 v10, v11  }
0x1a8: {  	vm11 =	vlt.u32 v8, $0x20;
	v8 =	vand.u32 $0x7F, v34;
	v39 =	vor.u32 v38, v10  }
0x1a9: {  	v8 =	vor.u32 v8, v39;
	_ =	sdelay $0x4  }
0x1aa: {  	[tilespmem:v8+s3+$0x0] =	vst.idx.add.f32.msk vm11, v7  }
0x1ab: {  	v8 =	vld [tilespmem:s1+$0x0]  }
0x1ac: {  	v40 =	vld [tilespmem:s2+$0x0];
	_ =	sdelay $0x4  }
0x1ad: {  	v41 =	vshll.u32 v8, $0xB;
	v42 =	vshll.u32 v40, $0x3  }
0x1ae: {  	v43 =	vshll.u32 v8, $0x7;
	v10 =	vand.u32 $0xC000, v41;
	v11 =	vand.u32 $0xFFFFFC00, v42  }
0x1af: {  	v8 =	vsub.s32 v8, v0;
	v44 =	vand.u32 $0x380, v43;
	v10 =	vadd.s32 v10, v11  }
0x1b0: {  	vm12 =	vlt.u32 v8, $0x20;
	v8 =	vand.u32 $0x7F, v40;
	v45 =	vor.u32 v44, v10  }
0x1b1: {  	v8 =	vor.u32 v8, v45;
	_ =	sdelay $0x4  }
0x1b2: {  	[tilespmem:v8+s3+$0x0] =	vst.idx.add.f32.msk vm12, v7  }
0x1b3: {  	v8 =	vld [tilespmem:s1+$0x10]  }
0x1b4: {  	v46 =	vld [tilespmem:s2+$0x10];
	_ =	sdelay $0x4  }
0x1b5: {  	v47 =	vshll.u32 v8, $0xB;
	v48 =	vshll.u32 v46, $0x3  }
0x1b6: {  	v49 =	vshll.u32 v8, $0x7;
	v10 =	vand.u32 $0xC000, v47;
	v11 =	vand.u32 $0xFFFFFC00, v48  }
0x1b7: {  	v8 =	vsub.s32 v8, v0;
	v50 =	vand.u32 $0x380, v49;
	v10 =	vadd.s32 v10, v11  }
0x1b8: {  	vm13 =	vlt.u32 v8, $0x20;
	v8 =	vand.u32 $0x7F, v46;
	v51 =	vor.u32 v50, v10  }
0x1b9: {  	v8 =	vor.u32 v8, v51;
	_ =	sdelay $0x4  }
0x1ba: {  	[tilespmem:v8+s3+$0x0] =	vst.idx.add.f32.msk vm13, v7  }
0x1bb: {  	v8 =	vld [tilespmem:s1+$0x20]  }
0x1bc: {  	v52 =	vld [tilespmem:s2+$0x20];
	_ =	sdelay $0x4  }
0x1bd: {  	v53 =	vshll.u32 v8, $0xB;
	v54 =	vshll.u32 v52, $0x3  }
0x1be: {  	v55 =	vshll.u32 v8, $0x7;
	v10 =	vand.u32 $0xC000, v53;
	v11 =	vand.u32 $0xFFFFFC00, v54  }
0x1bf: {  	v8 =	vsub.s32 v8, v0;
	v56 =	vand.u32 $0x380, v55;
	v10 =	vadd.s32 v10, v11  }
0x1c0: {  	vm14 =	vlt.u32 v8, $0x20;
	v8 =	vand.u32 $0x7F, v52;
	v57 =	vor.u32 v56, v10  }
0x1c1: {  	v8 =	vor.u32 v8, v57;
	_ =	sdelay $0x4  }
0x1c2: {  	[tilespmem:v8+s3+$0x0] =	vst.idx.add.f32.msk vm14, v7  }
0x1c3: {  	v8 =	vld [tilespmem:s1+$0x30]  }
0x1c4: {  	v58 =	vld [tilespmem:s2+$0x30];
	_ =	sdelay $0x4  }
0x1c5: {  	v59 =	vshll.u32 v8, $0xB;
	v60 =	vshll.u32 v58, $0x3  }
0x1c6: {  	v61 =	vshll.u32 v8, $0x7;
	v10 =	vand.u32 $0xC000, v59;
	v11 =	vand.u32 $0xFFFFFC00, v60  }
0x1c7: {  	v8 =	vsub.s32 v8, v0;
	v62 =	vand.u32 $0x380, v61;
	v10 =	vadd.s32 v10, v11  }
0x1c8: {  	s0 =	sadd.s32 $0x8, s0;
	vm15 =	vlt.u32 v8, $0x20;
	v8 =	vand.u32 $0x7F, v58;
	v63 =	vor.u32 v62, v10  }
0x1c9: {  	p0 =	slt.u32 s0, $0x1F8;
	v8 =	vor.u32 v8, v63  }
.Ltmp4:
0x1ca: {  	_ = 	snop;
	(pc) =	sbr.rel @p0 .LBB2_10-.Ltmp4, $2  }
0x1cb: {  	_ =	sdelay $0x2  }
0x1cc: {  	s1 =	sadd.s32 $0x80, s1;
	s2 =	sadd.s32 $0x80, s2;
	[tilespmem:v8+s3+$0x0] =	vst.idx.add.f32.msk vm15, v7  }
0x1cd: {  	_ =	swait.ge [sflag:s6], $0x2000  }
0x1ce: {  	[sflag:s6] =	ssyncset.done $0x0  }
0x1cf: {  	[sflag:s6] =	ssyncadd.s32 $0xFFFFE000  }
0x1d0: {  	_ =	swait.ge [sflag:s6], $0x2000  }
0x1d1: {  	[sflag:s6] =	ssyncset.done $0x0  }
0x1d2: {  	s1 =	simm.s32 $0x10040;
	s0 =	rddreg [dreg:$0x16];
	[sflag:s6] =	ssyncadd.s32 $0xFFFFE000  }
0x1d3: {  	[tilespmem:s7], [sflag:$0x2] =	stream.linear.gather [hbm4b:s0+s3], $0x2000, $0x38;
	[tilespmem:$0x18000] =	vst v63  }
0x1d4: {  	s2 =	simm.s32 $0x12040;
	s31 =	rddreg [dreg:$0x17];
	s0 =	simm.s32 $0xFFFFFFF8  }
0x1d5: {  	[tilespmem:s8], [sflag:$0x2] =	stream.linear.gather [hbm4b:s31+s3], $0x2000, $0x38;
	[tilespmem:$0x18000] =	vst v63  }
.LBB2_12:
0x1d6: {  	v8 =	vld [tilespmem:s1+$0xFFFFFFC0]  }
0x1d7: {  	v9 =	vld [tilespmem:s2+$0xFFFFFFC0];
	_ =	sdelay $0x4  }
0x1d8: {  	v10 =	vshll.u32 v8, $0xB;
	v11 =	vshll.u32 v9, $0x3  }
0x1d9: {  	v12 =	vshll.u32 v8, $0x7;
	v10 =	vand.u32 $0xC000, v10;
	v11 =	vand.u32 $0xFFFFFC00, v11  }
0x1da: {  	v8 =	vsub.s32 v8, v0;
	v20 =	vand.u32 $0x380, v12;
	v10 =	vadd.s32 v10, v11  }
0x1db: {  	vm0 =	vlt.u32 v8, $0x20;
	v8 =	vand.u32 $0x7F, v9;
	v21 =	vor.u32 v20, v10  }
0x1dc: {  	v8 =	vor.u32 v8, v21;
	_ =	sdelay $0x4  }
0x1dd: {  	[tilespmem:v8+s3+$0x0] =	vst.idx.add.f32.msk vm0, v7  }
0x1de: {  	v8 =	vld [tilespmem:s1+$0xFFFFFFD0]  }
0x1df: {  	v22 =	vld [tilespmem:s2+$0xFFFFFFD0];
	_ =	sdelay $0x4  }
0x1e0: {  	v23 =	vshll.u32 v8, $0xB;
	v24 =	vshll.u32 v22, $0x3  }
0x1e1: {  	v25 =	vshll.u32 v8, $0x7;
	v10 =	vand.u32 $0xC000, v23;
	v11 =	vand.u32 $0xFFFFFC00, v24  }
0x1e2: {  	v8 =	vsub.s32 v8, v0;
	v26 =	vand.u32 $0x380, v25;
	v10 =	vadd.s32 v10, v11  }
0x1e3: {  	vm9 =	vlt.u32 v8, $0x20;
	v8 =	vand.u32 $0x7F, v22;
	v27 =	vor.u32 v26, v10  }
0x1e4: {  	v8 =	vor.u32 v8, v27;
	_ =	sdelay $0x4  }
0x1e5: {  	[tilespmem:v8+s3+$0x0] =	vst.idx.add.f32.msk vm9, v7  }
0x1e6: {  	v8 =	vld [tilespmem:s1+$0xFFFFFFE0]  }
0x1e7: {  	v28 =	vld [tilespmem:s2+$0xFFFFFFE0];
	_ =	sdelay $0x4  }
0x1e8: {  	v29 =	vshll.u32 v8, $0xB;
	v30 =	vshll.u32 v28, $0x3  }
0x1e9: {  	v31 =	vshll.u32 v8, $0x7;
	v10 =	vand.u32 $0xC000, v29;
	v11 =	vand.u32 $0xFFFFFC00, v30  }
0x1ea: {  	v8 =	vsub.s32 v8, v0;
	v32 =	vand.u32 $0x380, v31;
	v10 =	vadd.s32 v10, v11  }
0x1eb: {  	vm10 =	vlt.u32 v8, $0x20;
	v8 =	vand.u32 $0x7F, v28;
	v33 =	vor.u32 v32, v10  }
0x1ec: {  	v8 =	vor.u32 v8, v33;
	_ =	sdelay $0x4  }
0x1ed: {  	[tilespmem:v8+s3+$0x0] =	vst.idx.add.f32.msk vm10, v7  }
0x1ee: {  	v8 =	vld [tilespmem:s1+$0xFFFFFFF0]  }
0x1ef: {  	v34 =	vld [tilespmem:s2+$0xFFFFFFF0];
	_ =	sdelay $0x4  }
0x1f0: {  	v35 =	vshll.u32 v8, $0xB;
	v36 =	vshll.u32 v34, $0x3  }
0x1f1: {  	v37 =	vshll.u32 v8, $0x7;
	v10 =	vand.u32 $0xC000, v35;
	v11 =	vand.u32 $0xFFFFFC00, v36  }
0x1f2: {  	v8 =	vsub.s32 v8, v0;
	v38 =	vand.u32 $0x380, v37;
	v10 =	vadd.s32 v10, v11  }
0x1f3: {  	vm11 =	vlt.u32 v8, $0x20;
	v8 =	vand.u32 $0x7F, v34;
	v39 =	vor.u32 v38, v10  }
0x1f4: {  	v8 =	vor.u32 v8, v39;
	_ =	sdelay $0x4  }
0x1f5: {  	[tilespmem:v8+s3+$0x0] =	vst.idx.add.f32.msk vm11, v7  }
0x1f6: {  	v8 =	vld [tilespmem:s1+$0x0]  }
0x1f7: {  	v40 =	vld [tilespmem:s2+$0x0];
	_ =	sdelay $0x4  }
0x1f8: {  	v41 =	vshll.u32 v8, $0xB;
	v42 =	vshll.u32 v40, $0x3  }
0x1f9: {  	v43 =	vshll.u32 v8, $0x7;
	v10 =	vand.u32 $0xC000, v41;
	v11 =	vand.u32 $0xFFFFFC00, v42  }
0x1fa: {  	v8 =	vsub.s32 v8, v0;
	v44 =	vand.u32 $0x380, v43;
	v10 =	vadd.s32 v10, v11  }
0x1fb: {  	vm12 =	vlt.u32 v8, $0x20;
	v8 =	vand.u32 $0x7F, v40;
	v45 =	vor.u32 v44, v10  }
0x1fc: {  	v8 =	vor.u32 v8, v45;
	_ =	sdelay $0x4  }
0x1fd: {  	[tilespmem:v8+s3+$0x0] =	vst.idx.add.f32.msk vm12, v7  }
0x1fe: {  	v8 =	vld [tilespmem:s1+$0x10]  }
0x1ff: {  	v46 =	vld [tilespmem:s2+$0x10];
	_ =	sdelay $0x4  }
0x200: {  	v47 =	vshll.u32 v8, $0xB;
	v48 =	vshll.u32 v46, $0x3  }
0x201: {  	v49 =	vshll.u32 v8, $0x7;
	v10 =	vand.u32 $0xC000, v47;
	v11 =	vand.u32 $0xFFFFFC00, v48  }
0x202: {  	v8 =	vsub.s32 v8, v0;
	v50 =	vand.u32 $0x380, v49;
	v10 =	vadd.s32 v10, v11  }
0x203: {  	vm13 =	vlt.u32 v8, $0x20;
	v8 =	vand.u32 $0x7F, v46;
	v51 =	vor.u32 v50, v10  }
0x204: {  	v8 =	vor.u32 v8, v51;
	_ =	sdelay $0x4  }
0x205: {  	[tilespmem:v8+s3+$0x0] =	vst.idx.add.f32.msk vm13, v7  }
0x206: {  	v8 =	vld [tilespmem:s1+$0x20]  }
0x207: {  	v52 =	vld [tilespmem:s2+$0x20];
	_ =	sdelay $0x4  }
0x208: {  	v53 =	vshll.u32 v8, $0xB;
	v54 =	vshll.u32 v52, $0x3  }
0x209: {  	v55 =	vshll.u32 v8, $0x7;
	v10 =	vand.u32 $0xC000, v53;
	v11 =	vand.u32 $0xFFFFFC00, v54  }
0x20a: {  	v8 =	vsub.s32 v8, v0;
	v56 =	vand.u32 $0x380, v55;
	v10 =	vadd.s32 v10, v11  }
0x20b: {  	vm14 =	vlt.u32 v8, $0x20;
	v8 =	vand.u32 $0x7F, v52;
	v57 =	vor.u32 v56, v10  }
0x20c: {  	v8 =	vor.u32 v8, v57;
	_ =	sdelay $0x4  }
0x20d: {  	[tilespmem:v8+s3+$0x0] =	vst.idx.add.f32.msk vm14, v7  }
0x20e: {  	v8 =	vld [tilespmem:s1+$0x30]  }
0x20f: {  	v58 =	vld [tilespmem:s2+$0x30];
	_ =	sdelay $0x4  }
0x210: {  	v59 =	vshll.u32 v8, $0xB;
	v60 =	vshll.u32 v58, $0x3  }
0x211: {  	v61 =	vshll.u32 v8, $0x7;
	v10 =	vand.u32 $0xC000, v59;
	v11 =	vand.u32 $0xFFFFFC00, v60  }
0x212: {  	v8 =	vsub.s32 v8, v0;
	v62 =	vand.u32 $0x380, v61;
	v10 =	vadd.s32 v10, v11  }
0x213: {  	s0 =	sadd.s32 $0x8, s0;
	vm15 =	vlt.u32 v8, $0x20;
	v8 =	vand.u32 $0x7F, v58;
	v63 =	vor.u32 v62, v10  }
0x214: {  	p0 =	slt.u32 s0, $0x1F8;
	v8 =	vor.u32 v8, v63  }
.Ltmp5:
0x215: {  	_ = 	snop;
	(pc) =	sbr.rel @p0 .LBB2_12-.Ltmp5, $2  }
0x216: {  	_ =	sdelay $0x2  }
0x217: {  	s1 =	sadd.s32 $0x80, s1;
	s2 =	sadd.s32 $0x80, s2;
	[tilespmem:v8+s3+$0x0] =	vst.idx.add.f32.msk vm15, v7  }
0x218: {  	_ =	swait.ge [sflag:s9], $0x2000  }
0x219: {  	[sflag:s9] =	ssyncset.done $0x0  }
0x21a: {  	[sflag:s9] =	ssyncadd.s32 $0xFFFFE000  }
0x21b: {  	_ =	swait.ge [sflag:s9], $0x2000  }
0x21c: {  	[sflag:s9] =	ssyncset.done $0x0  }
0x21d: {  	s1 =	simm.s32 $0x14040;
	s0 =	rddreg [dreg:$0x18];
	[sflag:s9] =	ssyncadd.s32 $0xFFFFE000  }
0x21e: {  	[tilespmem:s4], [sflag:$0x1] =	stream.linear.gather [hbm4b:s0+s3], $0x2000, $0x38;
	[tilespmem:$0x18000] =	vst v63  }
0x21f: {  	s2 =	simm.s32 $0x16040;
	s31 =	rddreg [dreg:$0x19];
	s0 =	simm.s32 $0xFFFFFFF8  }
0x220: {  	[tilespmem:s5], [sflag:$0x1] =	stream.linear.gather [hbm4b:s31+s3], $0x2000, $0x38;
	[tilespmem:$0x18000] =	vst v63  }
.LBB2_14:
0x221: {  	v8 =	vld [tilespmem:s1+$0xFFFFFFC0]  }
0x222: {  	v9 =	vld [tilespmem:s2+$0xFFFFFFC0];
	_ =	sdelay $0x4  }
0x223: {  	v10 =	vshll.u32 v8, $0xB;
	v11 =	vshll.u32 v9, $0x3  }
0x224: {  	v12 =	vshll.u32 v8, $0x7;
	v10 =	vand.u32 $0xC000, v10;
	v11 =	vand.u32 $0xFFFFFC00, v11  }
0x225: {  	v8 =	vsub.s32 v8, v0;
	v20 =	vand.u32 $0x380, v12;
	v10 =	vadd.s32 v10, v11  }
0x226: {  	vm0 =	vlt.u32 v8, $0x20;
	v8 =	vand.u32 $0x7F, v9;
	v21 =	vor.u32 v20, v10  }
0x227: {  	v8 =	vor.u32 v8, v21;
	_ =	sdelay $0x4  }
0x228: {  	[tilespmem:v8+s3+$0x0] =	vst.idx.add.f32.msk vm0, v7  }
0x229: {  	v8 =	vld [tilespmem:s1+$0xFFFFFFD0]  }
0x22a: {  	v22 =	vld [tilespmem:s2+$0xFFFFFFD0];
	_ =	sdelay $0x4  }
0x22b: {  	v23 =	vshll.u32 v8, $0xB;
	v24 =	vshll.u32 v22, $0x3  }
0x22c: {  	v25 =	vshll.u32 v8, $0x7;
	v10 =	vand.u32 $0xC000, v23;
	v11 =	vand.u32 $0xFFFFFC00, v24  }
0x22d: {  	v8 =	vsub.s32 v8, v0;
	v26 =	vand.u32 $0x380, v25;
	v10 =	vadd.s32 v10, v11  }
0x22e: {  	vm9 =	vlt.u32 v8, $0x20;
	v8 =	vand.u32 $0x7F, v22;
	v27 =	vor.u32 v26, v10  }
0x22f: {  	v8 =	vor.u32 v8, v27;
	_ =	sdelay $0x4  }
0x230: {  	[tilespmem:v8+s3+$0x0] =	vst.idx.add.f32.msk vm9, v7  }
0x231: {  	v8 =	vld [tilespmem:s1+$0xFFFFFFE0]  }
0x232: {  	v28 =	vld [tilespmem:s2+$0xFFFFFFE0];
	_ =	sdelay $0x4  }
0x233: {  	v29 =	vshll.u32 v8, $0xB;
	v30 =	vshll.u32 v28, $0x3  }
0x234: {  	v31 =	vshll.u32 v8, $0x7;
	v10 =	vand.u32 $0xC000, v29;
	v11 =	vand.u32 $0xFFFFFC00, v30  }
0x235: {  	v8 =	vsub.s32 v8, v0;
	v32 =	vand.u32 $0x380, v31;
	v10 =	vadd.s32 v10, v11  }
0x236: {  	vm10 =	vlt.u32 v8, $0x20;
	v8 =	vand.u32 $0x7F, v28;
	v33 =	vor.u32 v32, v10  }
0x237: {  	v8 =	vor.u32 v8, v33;
	_ =	sdelay $0x4  }
0x238: {  	[tilespmem:v8+s3+$0x0] =	vst.idx.add.f32.msk vm10, v7  }
0x239: {  	v8 =	vld [tilespmem:s1+$0xFFFFFFF0]  }
0x23a: {  	v34 =	vld [tilespmem:s2+$0xFFFFFFF0];
	_ =	sdelay $0x4  }
0x23b: {  	v35 =	vshll.u32 v8, $0xB;
	v36 =	vshll.u32 v34, $0x3  }
0x23c: {  	v37 =	vshll.u32 v8, $0x7;
	v10 =	vand.u32 $0xC000, v35;
	v11 =	vand.u32 $0xFFFFFC00, v36  }
0x23d: {  	v8 =	vsub.s32 v8, v0;
	v38 =	vand.u32 $0x380, v37;
	v10 =	vadd.s32 v10, v11  }
0x23e: {  	vm11 =	vlt.u32 v8, $0x20;
	v8 =	vand.u32 $0x7F, v34;
	v39 =	vor.u32 v38, v10  }
0x23f: {  	v8 =	vor.u32 v8, v39;
	_ =	sdelay $0x4  }
0x240: {  	[tilespmem:v8+s3+$0x0] =	vst.idx.add.f32.msk vm11, v7  }
0x241: {  	v8 =	vld [tilespmem:s1+$0x0]  }
0x242: {  	v40 =	vld [tilespmem:s2+$0x0];
	_ =	sdelay $0x4  }
0x243: {  	v41 =	vshll.u32 v8, $0xB;
	v42 =	vshll.u32 v40, $0x3  }
0x244: {  	v43 =	vshll.u32 v8, $0x7;
	v10 =	vand.u32 $0xC000, v41;
	v11 =	vand.u32 $0xFFFFFC00, v42  }
0x245: {  	v8 =	vsub.s32 v8, v0;
	v44 =	vand.u32 $0x380, v43;
	v10 =	vadd.s32 v10, v11  }
0x246: {  	vm12 =	vlt.u32 v8, $0x20;
	v8 =	vand.u32 $0x7F, v40;
	v45 =	vor.u32 v44, v10  }
0x247: {  	v8 =	vor.u32 v8, v45;
	_ =	sdelay $0x4  }
0x248: {  	[tilespmem:v8+s3+$0x0] =	vst.idx.add.f32.msk vm12, v7  }
0x249: {  	v8 =	vld [tilespmem:s1+$0x10]  }
0x24a: {  	v46 =	vld [tilespmem:s2+$0x10];
	_ =	sdelay $0x4  }
0x24b: {  	v47 =	vshll.u32 v8, $0xB;
	v48 =	vshll.u32 v46, $0x3  }
0x24c: {  	v49 =	vshll.u32 v8, $0x7;
	v10 =	vand.u32 $0xC000, v47;
	v11 =	vand.u32 $0xFFFFFC00, v48  }
0x24d: {  	v8 =	vsub.s32 v8, v0;
	v50 =	vand.u32 $0x380, v49;
	v10 =	vadd.s32 v10, v11  }
0x24e: {  	vm13 =	vlt.u32 v8, $0x20;
	v8 =	vand.u32 $0x7F, v46;
	v51 =	vor.u32 v50, v10  }
0x24f: {  	v8 =	vor.u32 v8, v51;
	_ =	sdelay $0x4  }
0x250: {  	[tilespmem:v8+s3+$0x0] =	vst.idx.add.f32.msk vm13, v7  }
0x251: {  	v8 =	vld [tilespmem:s1+$0x20]  }
0x252: {  	v52 =	vld [tilespmem:s2+$0x20];
	_ =	sdelay $0x4  }
0x253: {  	v53 =	vshll.u32 v8, $0xB;
	v54 =	vshll.u32 v52, $0x3  }
0x254: {  	v55 =	vshll.u32 v8, $0x7;
	v10 =	vand.u32 $0xC000, v53;
	v11 =	vand.u32 $0xFFFFFC00, v54  }
0x255: {  	v8 =	vsub.s32 v8, v0;
	v56 =	vand.u32 $0x380, v55;
	v10 =	vadd.s32 v10, v11  }
0x256: {  	vm14 =	vlt.u32 v8, $0x20;
	v8 =	vand.u32 $0x7F, v52;
	v57 =	vor.u32 v56, v10  }
0x257: {  	v8 =	vor.u32 v8, v57;
	_ =	sdelay $0x4  }
0x258: {  	[tilespmem:v8+s3+$0x0] =	vst.idx.add.f32.msk vm14, v7  }
0x259: {  	v8 =	vld [tilespmem:s1+$0x30]  }
0x25a: {  	v58 =	vld [tilespmem:s2+$0x30];
	_ =	sdelay $0x4  }
0x25b: {  	v59 =	vshll.u32 v8, $0xB;
	v60 =	vshll.u32 v58, $0x3  }
0x25c: {  	v61 =	vshll.u32 v8, $0x7;
	v10 =	vand.u32 $0xC000, v59;
	v11 =	vand.u32 $0xFFFFFC00, v60  }
0x25d: {  	v8 =	vsub.s32 v8, v0;
	v62 =	vand.u32 $0x380, v61;
	v10 =	vadd.s32 v10, v11  }
0x25e: {  	s0 =	sadd.s32 $0x8, s0;
	vm15 =	vlt.u32 v8, $0x20;
	v8 =	vand.u32 $0x7F, v58;
	v63 =	vor.u32 v62, v10  }
0x25f: {  	p0 =	slt.u32 s0, $0x1F8;
	v8 =	vor.u32 v8, v63  }
.Ltmp6:
0x260: {  	_ = 	snop;
	(pc) =	sbr.rel @p0 .LBB2_14-.Ltmp6, $2  }
0x261: {  	_ =	sdelay $0x2  }
0x262: {  	s1 =	sadd.s32 $0x80, s1;
	s2 =	sadd.s32 $0x80, s2;
	[tilespmem:v8+s3+$0x0] =	vst.idx.add.f32.msk vm15, v7  }
0x263: {  	_ =	swait.ge [sflag:s6], $0x2000  }
0x264: {  	[sflag:s6] =	ssyncset.done $0x0  }
0x265: {  	[sflag:s6] =	ssyncadd.s32 $0xFFFFE000  }
0x266: {  	_ =	swait.ge [sflag:s6], $0x2000  }
0x267: {  	[sflag:s6] =	ssyncset.done $0x0  }
0x268: {  	s1 =	simm.s32 $0x10040;
	s0 =	rddreg [dreg:$0x1a];
	[sflag:s6] =	ssyncadd.s32 $0xFFFFE000  }
0x269: {  	[tilespmem:s7], [sflag:$0x2] =	stream.linear.gather [hbm4b:s0+s3], $0x2000, $0x38;
	[tilespmem:$0x18000] =	vst v63  }
0x26a: {  	s2 =	simm.s32 $0x12040;
	s31 =	rddreg [dreg:$0x1b];
	s0 =	simm.s32 $0xFFFFFFF8  }
0x26b: {  	[tilespmem:s8], [sflag:$0x2] =	stream.linear.gather [hbm4b:s31+s3], $0x2000, $0x38;
	[tilespmem:$0x18000] =	vst v63  }
.LBB2_16:
0x26c: {  	v8 =	vld [tilespmem:s1+$0xFFFFFFC0]  }
0x26d: {  	v9 =	vld [tilespmem:s2+$0xFFFFFFC0];
	_ =	sdelay $0x4  }
0x26e: {  	v10 =	vshll.u32 v8, $0xB;
	v11 =	vshll.u32 v9, $0x3  }
0x26f: {  	v12 =	vshll.u32 v8, $0x7;
	v10 =	vand.u32 $0xC000, v10;
	v11 =	vand.u32 $0xFFFFFC00, v11  }
0x270: {  	v8 =	vsub.s32 v8, v0;
	v20 =	vand.u32 $0x380, v12;
	v10 =	vadd.s32 v10, v11  }
0x271: {  	vm0 =	vlt.u32 v8, $0x20;
	v8 =	vand.u32 $0x7F, v9;
	v21 =	vor.u32 v20, v10  }
0x272: {  	v8 =	vor.u32 v8, v21;
	_ =	sdelay $0x4  }
0x273: {  	[tilespmem:v8+s3+$0x0] =	vst.idx.add.f32.msk vm0, v7  }
0x274: {  	v8 =	vld [tilespmem:s1+$0xFFFFFFD0]  }
0x275: {  	v22 =	vld [tilespmem:s2+$0xFFFFFFD0];
	_ =	sdelay $0x4  }
0x276: {  	v23 =	vshll.u32 v8, $0xB;
	v24 =	vshll.u32 v22, $0x3  }
0x277: {  	v25 =	vshll.u32 v8, $0x7;
	v10 =	vand.u32 $0xC000, v23;
	v11 =	vand.u32 $0xFFFFFC00, v24  }
0x278: {  	v8 =	vsub.s32 v8, v0;
	v26 =	vand.u32 $0x380, v25;
	v10 =	vadd.s32 v10, v11  }
0x279: {  	vm9 =	vlt.u32 v8, $0x20;
	v8 =	vand.u32 $0x7F, v22;
	v27 =	vor.u32 v26, v10  }
0x27a: {  	v8 =	vor.u32 v8, v27;
	_ =	sdelay $0x4  }
0x27b: {  	[tilespmem:v8+s3+$0x0] =	vst.idx.add.f32.msk vm9, v7  }
0x27c: {  	v8 =	vld [tilespmem:s1+$0xFFFFFFE0]  }
0x27d: {  	v28 =	vld [tilespmem:s2+$0xFFFFFFE0];
	_ =	sdelay $0x4  }
0x27e: {  	v29 =	vshll.u32 v8, $0xB;
	v30 =	vshll.u32 v28, $0x3  }
0x27f: {  	v31 =	vshll.u32 v8, $0x7;
	v10 =	vand.u32 $0xC000, v29;
	v11 =	vand.u32 $0xFFFFFC00, v30  }
0x280: {  	v8 =	vsub.s32 v8, v0;
	v32 =	vand.u32 $0x380, v31;
	v10 =	vadd.s32 v10, v11  }
0x281: {  	vm10 =	vlt.u32 v8, $0x20;
	v8 =	vand.u32 $0x7F, v28;
	v33 =	vor.u32 v32, v10  }
0x282: {  	v8 =	vor.u32 v8, v33;
	_ =	sdelay $0x4  }
0x283: {  	[tilespmem:v8+s3+$0x0] =	vst.idx.add.f32.msk vm10, v7  }
0x284: {  	v8 =	vld [tilespmem:s1+$0xFFFFFFF0]  }
0x285: {  	v34 =	vld [tilespmem:s2+$0xFFFFFFF0];
	_ =	sdelay $0x4  }
0x286: {  	v35 =	vshll.u32 v8, $0xB;
	v36 =	vshll.u32 v34, $0x3  }
0x287: {  	v37 =	vshll.u32 v8, $0x7;
	v10 =	vand.u32 $0xC000, v35;
	v11 =	vand.u32 $0xFFFFFC00, v36  }
0x288: {  	v8 =	vsub.s32 v8, v0;
	v38 =	vand.u32 $0x380, v37;
	v10 =	vadd.s32 v10, v11  }
0x289: {  	vm11 =	vlt.u32 v8, $0x20;
	v8 =	vand.u32 $0x7F, v34;
	v39 =	vor.u32 v38, v10  }
0x28a: {  	v8 =	vor.u32 v8, v39;
	_ =	sdelay $0x4  }
0x28b: {  	[tilespmem:v8+s3+$0x0] =	vst.idx.add.f32.msk vm11, v7  }
0x28c: {  	v8 =	vld [tilespmem:s1+$0x0]  }
0x28d: {  	v40 =	vld [tilespmem:s2+$0x0];
	_ =	sdelay $0x4  }
0x28e: {  	v41 =	vshll.u32 v8, $0xB;
	v42 =	vshll.u32 v40, $0x3  }
0x28f: {  	v43 =	vshll.u32 v8, $0x7;
	v10 =	vand.u32 $0xC000, v41;
	v11 =	vand.u32 $0xFFFFFC00, v42  }
0x290: {  	v8 =	vsub.s32 v8, v0;
	v44 =	vand.u32 $0x380, v43;
	v10 =	vadd.s32 v10, v11  }
0x291: {  	vm12 =	vlt.u32 v8, $0x20;
	v8 =	vand.u32 $0x7F, v40;
	v45 =	vor.u32 v44, v10  }
0x292: {  	v8 =	vor.u32 v8, v45;
	_ =	sdelay $0x4  }
0x293: {  	[tilespmem:v8+s3+$0x0] =	vst.idx.add.f32.msk vm12, v7  }
0x294: {  	v8 =	vld [tilespmem:s1+$0x10]  }
0x295: {  	v46 =	vld [tilespmem:s2+$0x10];
	_ =	sdelay $0x4  }
0x296: {  	v47 =	vshll.u32 v8, $0xB;
	v48 =	vshll.u32 v46, $0x3  }
0x297: {  	v49 =	vshll.u32 v8, $0x7;
	v10 =	vand.u32 $0xC000, v47;
	v11 =	vand.u32 $0xFFFFFC00, v48  }
0x298: {  	v8 =	vsub.s32 v8, v0;
	v50 =	vand.u32 $0x380, v49;
	v10 =	vadd.s32 v10, v11  }
0x299: {  	vm13 =	vlt.u32 v8, $0x20;
	v8 =	vand.u32 $0x7F, v46;
	v51 =	vor.u32 v50, v10  }
0x29a: {  	v8 =	vor.u32 v8, v51;
	_ =	sdelay $0x4  }
0x29b: {  	[tilespmem:v8+s3+$0x0] =	vst.idx.add.f32.msk vm13, v7  }
0x29c: {  	v8 =	vld [tilespmem:s1+$0x20]  }
0x29d: {  	v52 =	vld [tilespmem:s2+$0x20];
	_ =	sdelay $0x4  }
0x29e: {  	v53 =	vshll.u32 v8, $0xB;
	v54 =	vshll.u32 v52, $0x3  }
0x29f: {  	v55 =	vshll.u32 v8, $0x7;
	v10 =	vand.u32 $0xC000, v53;
	v11 =	vand.u32 $0xFFFFFC00, v54  }
0x2a0: {  	v8 =	vsub.s32 v8, v0;
	v56 =	vand.u32 $0x380, v55;
	v10 =	vadd.s32 v10, v11  }
0x2a1: {  	vm14 =	vlt.u32 v8, $0x20;
	v8 =	vand.u32 $0x7F, v52;
	v57 =	vor.u32 v56, v10  }
0x2a2: {  	v8 =	vor.u32 v8, v57;
	_ =	sdelay $0x4  }
0x2a3: {  	[tilespmem:v8+s3+$0x0] =	vst.idx.add.f32.msk vm14, v7  }
0x2a4: {  	v8 =	vld [tilespmem:s1+$0x30]  }
0x2a5: {  	v58 =	vld [tilespmem:s2+$0x30];
	_ =	sdelay $0x4  }
0x2a6: {  	v59 =	vshll.u32 v8, $0xB;
	v60 =	vshll.u32 v58, $0x3  }
0x2a7: {  	v61 =	vshll.u32 v8, $0x7;
	v10 =	vand.u32 $0xC000, v59;
	v11 =	vand.u32 $0xFFFFFC00, v60  }
0x2a8: {  	v8 =	vsub.s32 v8, v0;
	v62 =	vand.u32 $0x380, v61;
	v10 =	vadd.s32 v10, v11  }
0x2a9: {  	s0 =	sadd.s32 $0x8, s0;
	vm15 =	vlt.u32 v8, $0x20;
	v8 =	vand.u32 $0x7F, v58;
	v63 =	vor.u32 v62, v10  }
0x2aa: {  	p0 =	slt.u32 s0, $0x1F8;
	v8 =	vor.u32 v8, v63  }
.Ltmp7:
0x2ab: {  	_ = 	snop;
	(pc) =	sbr.rel @p0 .LBB2_16-.Ltmp7, $2  }
0x2ac: {  	_ =	sdelay $0x2  }
0x2ad: {  	s1 =	sadd.s32 $0x80, s1;
	s2 =	sadd.s32 $0x80, s2;
	[tilespmem:v8+s3+$0x0] =	vst.idx.add.f32.msk vm15, v7  }
0x2ae: {  	_ =	swait.ge [sflag:s9], $0x2000  }
0x2af: {  	[sflag:s9] =	ssyncset.done $0x0  }
0x2b0: {  	[sflag:s9] =	ssyncadd.s32 $0xFFFFE000  }
0x2b1: {  	_ =	swait.ge [sflag:s9], $0x2000  }
0x2b2: {  	[sflag:s9] =	ssyncset.done $0x0  }
0x2b3: {  	s1 =	simm.s32 $0x14040;
	s0 =	rddreg [dreg:$0xd];
	[sflag:s9] =	ssyncadd.s32 $0xFFFFE000  }
0x2b4: {  	[tilespmem:s4], [sflag:$0x1] =	stream.linear.gather [hbm4b:s0+s3], $0x2000, $0x38;
	[tilespmem:$0x18000] =	vst v63  }
0x2b5: {  	s2 =	simm.s32 $0x16040;
	s31 =	rddreg [dreg:$0x1];
	s0 =	simm.s32 $0xFFFFFFF8  }
0x2b6: {  	[tilespmem:s5], [sflag:$0x1] =	stream.linear.gather [hbm4b:s31+s3], $0x2000, $0x38;
	[tilespmem:$0x18000] =	vst v63  }
.LBB2_18:
0x2b7: {  	v8 =	vld [tilespmem:s1+$0xFFFFFFC0]  }
0x2b8: {  	v9 =	vld [tilespmem:s2+$0xFFFFFFC0];
	_ =	sdelay $0x4  }
0x2b9: {  	v10 =	vshll.u32 v8, $0xB;
	v11 =	vshll.u32 v9, $0x3  }
0x2ba: {  	v12 =	vshll.u32 v8, $0x7;
	v10 =	vand.u32 $0xC000, v10;
	v11 =	vand.u32 $0xFFFFFC00, v11  }
0x2bb: {  	v8 =	vsub.s32 v8, v0;
	v20 =	vand.u32 $0x380, v12;
	v10 =	vadd.s32 v10, v11  }
0x2bc: {  	vm0 =	vlt.u32 v8, $0x20;
	v8 =	vand.u32 $0x7F, v9;
	v21 =	vor.u32 v20, v10  }
0x2bd: {  	v8 =	vor.u32 v8, v21;
	_ =	sdelay $0x4  }
0x2be: {  	[tilespmem:v8+s3+$0x0] =	vst.idx.add.f32.msk vm0, v7  }
0x2bf: {  	v8 =	vld [tilespmem:s1+$0xFFFFFFD0]  }
0x2c0: {  	v22 =	vld [tilespmem:s2+$0xFFFFFFD0];
	_ =	sdelay $0x4  }
0x2c1: {  	v23 =	vshll.u32 v8, $0xB;
	v24 =	vshll.u32 v22, $0x3  }
0x2c2: {  	v25 =	vshll.u32 v8, $0x7;
	v10 =	vand.u32 $0xC000, v23;
	v11 =	vand.u32 $0xFFFFFC00, v24  }
0x2c3: {  	v8 =	vsub.s32 v8, v0;
	v26 =	vand.u32 $0x380, v25;
	v10 =	vadd.s32 v10, v11  }
0x2c4: {  	vm9 =	vlt.u32 v8, $0x20;
	v8 =	vand.u32 $0x7F, v22;
	v27 =	vor.u32 v26, v10  }
0x2c5: {  	v8 =	vor.u32 v8, v27;
	_ =	sdelay $0x4  }
0x2c6: {  	[tilespmem:v8+s3+$0x0] =	vst.idx.add.f32.msk vm9, v7  }
0x2c7: {  	v8 =	vld [tilespmem:s1+$0xFFFFFFE0]  }
0x2c8: {  	v28 =	vld [tilespmem:s2+$0xFFFFFFE0];
	_ =	sdelay $0x4  }
0x2c9: {  	v29 =	vshll.u32 v8, $0xB;
	v30 =	vshll.u32 v28, $0x3  }
0x2ca: {  	v31 =	vshll.u32 v8, $0x7;
	v10 =	vand.u32 $0xC000, v29;
	v11 =	vand.u32 $0xFFFFFC00, v30  }
0x2cb: {  	v8 =	vsub.s32 v8, v0;
	v32 =	vand.u32 $0x380, v31;
	v10 =	vadd.s32 v10, v11  }
0x2cc: {  	vm10 =	vlt.u32 v8, $0x20;
	v8 =	vand.u32 $0x7F, v28;
	v33 =	vor.u32 v32, v10  }
0x2cd: {  	v8 =	vor.u32 v8, v33;
	_ =	sdelay $0x4  }
0x2ce: {  	[tilespmem:v8+s3+$0x0] =	vst.idx.add.f32.msk vm10, v7  }
0x2cf: {  	v8 =	vld [tilespmem:s1+$0xFFFFFFF0]  }
0x2d0: {  	v34 =	vld [tilespmem:s2+$0xFFFFFFF0];
	_ =	sdelay $0x4  }
0x2d1: {  	v35 =	vshll.u32 v8, $0xB;
	v36 =	vshll.u32 v34, $0x3  }
0x2d2: {  	v37 =	vshll.u32 v8, $0x7;
	v10 =	vand.u32 $0xC000, v35;
	v11 =	vand.u32 $0xFFFFFC00, v36  }
0x2d3: {  	v8 =	vsub.s32 v8, v0;
	v38 =	vand.u32 $0x380, v37;
	v10 =	vadd.s32 v10, v11  }
0x2d4: {  	vm11 =	vlt.u32 v8, $0x20;
	v8 =	vand.u32 $0x7F, v34;
	v39 =	vor.u32 v38, v10  }
0x2d5: {  	v8 =	vor.u32 v8, v39;
	_ =	sdelay $0x4  }
0x2d6: {  	[tilespmem:v8+s3+$0x0] =	vst.idx.add.f32.msk vm11, v7  }
0x2d7: {  	v8 =	vld [tilespmem:s1+$0x0]  }
0x2d8: {  	v40 =	vld [tilespmem:s2+$0x0];
	_ =	sdelay $0x4  }
0x2d9: {  	v41 =	vshll.u32 v8, $0xB;
	v42 =	vshll.u32 v40, $0x3  }
0x2da: {  	v43 =	vshll.u32 v8, $0x7;
	v10 =	vand.u32 $0xC000, v41;
	v11 =	vand.u32 $0xFFFFFC00, v42  }
0x2db: {  	v8 =	vsub.s32 v8, v0;
	v44 =	vand.u32 $0x380, v43;
	v10 =	vadd.s32 v10, v11  }
0x2dc: {  	vm12 =	vlt.u32 v8, $0x20;
	v8 =	vand.u32 $0x7F, v40;
	v45 =	vor.u32 v44, v10  }
0x2dd: {  	v8 =	vor.u32 v8, v45;
	_ =	sdelay $0x4  }
0x2de: {  	[tilespmem:v8+s3+$0x0] =	vst.idx.add.f32.msk vm12, v7  }
0x2df: {  	v8 =	vld [tilespmem:s1+$0x10]  }
0x2e0: {  	v46 =	vld [tilespmem:s2+$0x10];
	_ =	sdelay $0x4  }
0x2e1: {  	v47 =	vshll.u32 v8, $0xB;
	v48 =	vshll.u32 v46, $0x3  }
0x2e2: {  	v49 =	vshll.u32 v8, $0x7;
	v10 =	vand.u32 $0xC000, v47;
	v11 =	vand.u32 $0xFFFFFC00, v48  }
0x2e3: {  	v8 =	vsub.s32 v8, v0;
	v50 =	vand.u32 $0x380, v49;
	v10 =	vadd.s32 v10, v11  }
0x2e4: {  	vm13 =	vlt.u32 v8, $0x20;
	v8 =	vand.u32 $0x7F, v46;
	v51 =	vor.u32 v50, v10  }
0x2e5: {  	v8 =	vor.u32 v8, v51;
	_ =	sdelay $0x4  }
0x2e6: {  	[tilespmem:v8+s3+$0x0] =	vst.idx.add.f32.msk vm13, v7  }
0x2e7: {  	v8 =	vld [tilespmem:s1+$0x20]  }
0x2e8: {  	v52 =	vld [tilespmem:s2+$0x20];
	_ =	sdelay $0x4  }
0x2e9: {  	v53 =	vshll.u32 v8, $0xB;
	v54 =	vshll.u32 v52, $0x3  }
0x2ea: {  	v55 =	vshll.u32 v8, $0x7;
	v10 =	vand.u32 $0xC000, v53;
	v11 =	vand.u32 $0xFFFFFC00, v54  }
0x2eb: {  	v8 =	vsub.s32 v8, v0;
	v56 =	vand.u32 $0x380, v55;
	v10 =	vadd.s32 v10, v11  }
0x2ec: {  	vm14 =	vlt.u32 v8, $0x20;
	v8 =	vand.u32 $0x7F, v52;
	v57 =	vor.u32 v56, v10  }
0x2ed: {  	v8 =	vor.u32 v8, v57;
	_ =	sdelay $0x4  }
0x2ee: {  	[tilespmem:v8+s3+$0x0] =	vst.idx.add.f32.msk vm14, v7  }
0x2ef: {  	v8 =	vld [tilespmem:s1+$0x30]  }
0x2f0: {  	v58 =	vld [tilespmem:s2+$0x30];
	_ =	sdelay $0x4  }
0x2f1: {  	v59 =	vshll.u32 v8, $0xB;
	v60 =	vshll.u32 v58, $0x3  }
0x2f2: {  	v61 =	vshll.u32 v8, $0x7;
	v10 =	vand.u32 $0xC000, v59;
	v11 =	vand.u32 $0xFFFFFC00, v60  }
0x2f3: {  	v8 =	vsub.s32 v8, v0;
	v62 =	vand.u32 $0x380, v61;
	v10 =	vadd.s32 v10, v11  }
0x2f4: {  	s0 =	sadd.s32 $0x8, s0;
	vm15 =	vlt.u32 v8, $0x20;
	v8 =	vand.u32 $0x7F, v58;
	v63 =	vor.u32 v62, v10  }
0x2f5: {  	p0 =	slt.u32 s0, $0x1F8;
	v8 =	vor.u32 v8, v63  }
.Ltmp8:
0x2f6: {  	_ = 	snop;
	(pc) =	sbr.rel @p0 .LBB2_18-.Ltmp8, $2  }
0x2f7: {  	_ =	sdelay $0x2  }
0x2f8: {  	s1 =	sadd.s32 $0x80, s1;
	s2 =	sadd.s32 $0x80, s2;
	[tilespmem:v8+s3+$0x0] =	vst.idx.add.f32.msk vm15, v7  }
0x2f9: {  	_ =	sdelay $0x2  }
0x2fa: {  	s11 =	simm.s32 $0x0  }
0x2fb: {  	[tilespmem:v1+s11+$0x0] =	vst.idx.add.f32.msk $0xffff, v7  }
0x2fc: {  	s0 =	rddreg [dreg:$0x1c];
	s2 =	simm.s32 $0x3;
	[tilespmem:v3+s11+$0x0] =	vst.idx.add.f32.msk $0xffff, v7  }
0x2fd: {  	[hbm4b:s0+s11] =	stream.linear.scatter [tilespmem:s11], [sflag:$0x3], $0x10000, $0x38;
	[tilespmem:$0x18000] =	vst v63  }
0x2fe: {  	s0 =	sand.u32 $0x60, s11;
	_ =	swait.ge [sflag:s2], $0x10000  }
0x2ff: {  	s1 =	sand.u32 $0x3C00, s11;
	s4 =	sor.u32 $0x10, s0;
	[sflag:s2] =	ssyncset.done $0x0  }
0x300: {  	s3 =	sor.u32 s4, s1;
	[sflag:s2] =	ssyncadd.s32 $0xFFFF0000  }
0x301: {  	[tilespmem:s3+$0x0] =	vst v6  }
0x302: {  	s25 =	sand.u32 $0x3, s11;
	[tilespmem:s3+$0x80] =	vst v6  }
0x303: {  	s2 =	sshll.u32 s25, $0x5;
	[tilespmem:s3+$0x100] =	vst v6  }
0x304: {  	s2 =	sadd.s32 $0x0, s2;
	[tilespmem:s3+$0x180] =	vst v6  }
0x305: {  	[tilespmem:s3+$0x200] =	vst v6;
	s6 =	sadd.s32 $0x10, s2  }
0x306: {  	[tilespmem:s3+$0x280] =	vst v6;
	s26 =	sor.u32 $0x300, s6  }
0x307: {  	s21 =	sor.u32 $0x4000, s1;
	s29 =	sor.u32 $0x380, s6;
	[tilespmem:s26+$0x0] =	vst v6  }
0x308: {  	s30 =	sor.u32 s4, s21;
	s6 =	sor.u32 $0x4080, s1;
	[tilespmem:s29+$0x0] =	vst v6  }
0x309: {  	s5 =	sor.u32 $0x4100, s1;
	s8 =	sor.u32 s4, s6;
	[tilespmem:s30+$0x0] =	vst v6  }
0x30a: {  	s7 =	sor.u32 s4, s5;
	s3 =	sor.u32 $0x4180, s1;
	[tilespmem:s8+$0x0] =	vst v6  }
0x30b: {  	s10 =	sor.u32 s4, s3;
	s8 =	sor.u32 $0x4200, s1;
	[tilespmem:s7+$0x0] =	vst v6  }
0x30c: {  	s7 =	sor.u32 $0x4280, s1;
	s9 =	sor.u32 s4, s8;
	[tilespmem:s10+$0x0] =	vst v6  }
0x30d: {  	s10 =	sor.u32 $0x4300, s1;
	s12 =	sor.u32 s4, s7;
	[tilespmem:s9+$0x0] =	vst v6  }
0x30e: {  	s9 =	sor.u32 $0x4380, s1;
	s13 =	sor.u32 s4, s10;
	[tilespmem:s12+$0x0] =	vst v6  }
0x30f: {  	s12 =	sor.u32 $0x8000, s1;
	s14 =	sor.u32 s4, s9;
	[tilespmem:s13+$0x0] =	vst v6  }
0x310: {  	s13 =	sor.u32 $0x8080, s1;
	s15 =	sor.u32 s4, s12;
	[tilespmem:s14+$0x0] =	vst v6  }
0x311: {  	s14 =	sor.u32 $0x8100, s1;
	s16 =	sor.u32 s4, s13;
	[tilespmem:s15+$0x0] =	vst v6  }
0x312: {  	s15 =	sor.u32 $0x8180, s1;
	s17 =	sor.u32 s4, s14;
	[tilespmem:s16+$0x0] =	vst v6  }
0x313: {  	s16 =	sor.u32 $0x8200, s1;
	s18 =	sor.u32 s4, s15;
	[tilespmem:s17+$0x0] =	vst v6  }
0x314: {  	s17 =	sor.u32 $0x8280, s1;
	s19 =	sor.u32 s4, s16;
	[tilespmem:s18+$0x0] =	vst v6  }
0x315: {  	s18 =	sor.u32 $0x8300, s1;
	s20 =	sor.u32 s4, s17;
	[tilespmem:s19+$0x0] =	vst v6  }
0x316: {  	s19 =	sor.u32 $0x8380, s1;
	s22 =	sor.u32 s4, s18;
	[tilespmem:s20+$0x0] =	vst v6  }
0x317: {  	s20 =	sor.u32 $0xC000, s1;
	s23 =	sor.u32 s4, s19;
	[tilespmem:s22+$0x0] =	vst v6  }
0x318: {  	s22 =	sor.u32 $0xC080, s1;
	s24 =	sor.u32 s4, s20;
	[tilespmem:s23+$0x0] =	vst v6  }
0x319: {  	s23 =	sor.u32 $0xC100, s1;
	s25 =	sor.u32 s4, s22;
	[tilespmem:s24+$0x0] =	vst v6  }
0x31a: {  	s24 =	sor.u32 $0xC180, s1;
	s31 =	sor.u32 s4, s23;
	[tilespmem:s25+$0x0] =	vst v6  }
0x31b: {  	s25 =	sor.u32 $0xC200, s1;
	s26 =	sor.u32 s4, s24;
	[tilespmem:s31+$0x0] =	vst v6  }
0x31c: {  	s28 =	sor.u32 s4, s25;
	[tilespmem:s26+$0x0] =	vst v6;
	s26 =	sor.u32 $0xC280, s1  }
0x31d: {  	[tilespmem:s28+$0x0] =	vst v6;
	s28 =	sor.u32 $0xC300, s1;
	s29 =	sor.u32 s4, s26  }
0x31e: {  	[tilespmem:s29+$0x0] =	vst v6;
	s30 =	sor.u32 s4, s28  }
0x31f: {  	s29 =	sor.u32 $0xC380, s1;
	s1 =	sor.u32 s0, s1;
	[tilespmem:s30+$0x0] =	vst v6  }
0x320: {  	[tilespmem:s1+$0x0] =	vst v6  }
0x321: {  	[tilespmem:s1+$0x80] =	vst v6  }
0x322: {  	[tilespmem:s1+$0x100] =	vst v6  }
0x323: {  	[tilespmem:s1+$0x180] =	vst v6  }
0x324: {  	[tilespmem:s1+$0x200] =	vst v6  }
0x325: {  	s4 =	sor.u32 s4, s29;
	[tilespmem:s1+$0x280] =	vst v6  }
0x326: {  	[tilespmem:s4+$0x0] =	vst v6;
	s4 =	sor.u32 $0x300, s2  }
0x327: {  	s30 =	sor.u32 $0x380, s2;
	[tilespmem:s4+$0x0] =	vst v6  }
0x328: {  	s31 =	sor.u32 s0, s21;
	[tilespmem:s30+$0x0] =	vst v6  }
0x329: {  	s2 =	sor.u32 s0, s6;
	[tilespmem:s31+$0x0] =	vst v6  }
0x32a: {  	s4 =	sor.u32 s0, s5;
	[tilespmem:s2+$0x0] =	vst v6  }
0x32b: {  	s5 =	sor.u32 s0, s3;
	[tilespmem:s4+$0x0] =	vst v6  }
0x32c: {  	s6 =	sor.u32 s0, s8;
	[tilespmem:s5+$0x0] =	vst v6  }
0x32d: {  	s7 =	sor.u32 s0, s7;
	[tilespmem:s6+$0x0] =	vst v6  }
0x32e: {  	s8 =	sor.u32 s0, s10;
	[tilespmem:s7+$0x0] =	vst v6  }
0x32f: {  	s10 =	sor.u32 s0, s9;
	[tilespmem:s8+$0x0] =	vst v6  }
0x330: {  	s12 =	sor.u32 s0, s12;
	[tilespmem:s10+$0x0] =	vst v6  }
0x331: {  	s13 =	sor.u32 s0, s13;
	[tilespmem:s12+$0x0] =	vst v6  }
0x332: {  	s14 =	sor.u32 s0, s14;
	[tilespmem:s13+$0x0] =	vst v6  }
0x333: {  	s15 =	sor.u32 s0, s15;
	[tilespmem:s14+$0x0] =	vst v6  }
0x334: {  	s16 =	sor.u32 s0, s16;
	[tilespmem:s15+$0x0] =	vst v6  }
0x335: {  	s17 =	sor.u32 s0, s17;
	[tilespmem:s16+$0x0] =	vst v6  }
0x336: {  	s18 =	sor.u32 s0, s18;
	[tilespmem:s17+$0x0] =	vst v6  }
0x337: {  	s19 =	sor.u32 s0, s19;
	[tilespmem:s18+$0x0] =	vst v6  }
0x338: {  	s21 =	sor.u32 s0, s20;
	[tilespmem:s19+$0x0] =	vst v6  }
0x339: {  	s22 =	sor.u32 s0, s22;
	[tilespmem:s21+$0x0] =	vst v6  }
0x33a: {  	s23 =	sor.u32 s0, s23;
	[tilespmem:s22+$0x0] =	vst v6  }
0x33b: {  	s1 =	simm.s32 $0x0;
	s30 =	sor.u32 s0, s24;
	[tilespmem:s23+$0x0] =	vst v6  }
0x33c: {  	s3 =	sor.u32 s0, s28;
	s28 =	sor.u32 s0, s29;
	s31 =	sor.u32 s0, s25;
	[tilespmem:s30+$0x0] =	vst v6  }
0x33d: {  	s6 =	sor.u32 s0, s26;
	s0 =	simm.s32 $0x20;
	s19 =	simm.s32 $0x0;
	[tilespmem:s31+$0x0] =	vst v6  }
.LBB2_20:
0x33e: {  	s21 =	sand.u32 $0x60, s0;
	[tilespmem:s6+$0x0] =	vst v6;
	s11 =	sadd.s32 $0x100, s11  }
0x33f: {  	s6 =	sand.u32 $0x3C00, s11;
	s2 =	sor.u32 $0x10, s21;
	[tilespmem:s3+$0x0] =	vst v6  }
0x340: {  	s29 =	sor.u32 s2, s6;
	[tilespmem:s28+$0x0] =	vst v6  }
0x341: {  	[tilespmem:s29+$0x0] =	vst v6  }
0x342: {  	[tilespmem:s29+$0x80] =	vst v6  }
0x343: {  	[tilespmem:s29+$0x100] =	vst v6  }
0x344: {  	[tilespmem:s29+$0x180] =	vst v6  }
0x345: {  	[tilespmem:s29+$0x200] =	vst v6  }
0x346: {  	s20 =	sor.u32 s21, s6;
	[tilespmem:s29+$0x280] =	vst v6  }
0x347: {  	s19 =	sadd.s32 $0x1, s19;
	[tilespmem:s20+$0x0] =	vst v6  }
0x348: {  	s4 =	sand.u32 $0x3, s19;
	[tilespmem:s20+$0x80] =	vst v6  }
0x349: {  	s4 =	sshll.u32 s4, $0x5;
	[tilespmem:s20+$0x100] =	vst v6  }
0x34a: {  	s8 =	sor.u32 $0x4000, s6;
	s4 =	sadd.s32 s4, s11;
	[tilespmem:s20+$0x180] =	vst v6  }
0x34b: {  	[tilespmem:s20+$0x200] =	vst v6;
	s5 =	sor.u32 $0x300, s4;
	s30 =	sor.u32 $0x380, s4;
	s4 =	sadd.s32 $0x10, s4  }
0x34c: {  	s9 =	sor.u32 $0x4080, s6;
	s10 =	sor.u32 $0x4100, s6;
	[tilespmem:s20+$0x280] =	vst v6;
	s31 =	sor.u32 $0x300, s4  }
0x34d: {  	s16 =	sor.u32 $0x4180, s6;
	[dreg:$0x6] =	wrdreg s5;
	s5 =	sor.u32 $0x380, s4;
	[tilespmem:s31+$0x0] =	vst v6  }
0x34e: {  	s22 =	sor.u32 $0x4280, s6;
	s25 =	sor.u32 $0x4380, s6;
	s12 =	sor.u32 s2, s8;
	[tilespmem:s5+$0x0] =	vst v6  }
0x34f: {  	s28 =	sor.u32 $0xC100, s6;
	s7 =	sor.u32 s21, s8;
	s14 =	sor.u32 s2, s9;
	[tilespmem:s12+$0x0] =	vst v6  }
0x350: {  	s13 =	sor.u32 s21, s9;
	s15 =	sor.u32 s21, s10;
	s17 =	sor.u32 s2, s10;
	[tilespmem:s14+$0x0] =	vst v6  }
0x351: {  	s10 =	sor.u32 s21, s16;
	s18 =	sor.u32 s2, s16;
	s12 =	sor.u32 $0x4200, s6;
	[tilespmem:s17+$0x0] =	vst v6  }
0x352: {  	s24 =	sor.u32 s2, s22;
	[dreg:$0x8] =	wrdreg s7;
	s23 =	sor.u32 s2, s12;
	[tilespmem:s18+$0x0] =	vst v6  }
0x353: {  	s16 =	sor.u32 $0x8000, s6;
	[dreg:$0xa] =	wrdreg s13;
	s14 =	sor.u32 $0x4300, s6;
	[tilespmem:s23+$0x0] =	vst v6  }
0x354: {  	s29 =	sor.u32 s2, s25;
	[dreg:$0xc] =	wrdreg s15;
	s26 =	sor.u32 s2, s14;
	[tilespmem:s24+$0x0] =	vst v6  }
0x355: {  	s15 =	sor.u32 s21, s16;
	[dreg:$0x4] =	wrdreg s30;
	s30 =	sor.u32 $0x8080, s6;
	[tilespmem:s26+$0x0] =	vst v6  }
0x356: {  	s31 =	sor.u32 s2, s16;
	s16 =	sor.u32 s21, s30;
	s4 =	sor.u32 s2, s30;
	[tilespmem:s29+$0x0] =	vst v6  }
0x357: {  	s30 =	sor.u32 $0x8380, s6;
	s5 =	sor.u32 $0x8180, s6;
	s18 =	sor.u32 $0x8100, s6;
	[tilespmem:s31+$0x0] =	vst v6  }
0x358: {  	s9 =	sor.u32 s2, s5;
	s8 =	sor.u32 s21, s12;
	s7 =	sor.u32 s2, s18;
	[tilespmem:s4+$0x0] =	vst v6  }
0x359: {  	s12 =	sor.u32 s21, s22;
	s22 =	sor.u32 $0x8200, s6;
	s13 =	sor.u32 s21, s14;
	[tilespmem:s7+$0x0] =	vst v6  }
0x35a: {  	s14 =	sor.u32 s21, s25;
	s25 =	sor.u32 s2, s22;
	s23 =	sor.u32 $0x8280, s6;
	[tilespmem:s9+$0x0] =	vst v6  }
0x35b: {  	s17 =	sor.u32 s21, s18;
	s24 =	sor.u32 $0x8300, s6;
	s26 =	sor.u32 s2, s23;
	[tilespmem:s25+$0x0] =	vst v6  }
0x35c: {  	s18 =	sor.u32 s21, s5;
	s5 =	sor.u32 $0xC000, s6;
	s31 =	sor.u32 s2, s24;
	[tilespmem:s26+$0x0] =	vst v6  }
0x35d: {  	s29 =	sor.u32 s21, s22;
	s22 =	sor.u32 s21, s23;
	s7 =	sor.u32 s2, s30;
	[tilespmem:s31+$0x0] =	vst v6  }
0x35e: {  	s23 =	sor.u32 s21, s24;
	s9 =	sor.u32 $0xC080, s6;
	s31 =	sor.u32 s2, s5;
	[tilespmem:s7+$0x0] =	vst v6  }
0x35f: {  	s24 =	sor.u32 s21, s28;
	s26 =	sor.u32 s21, s5;
	s5 =	sor.u32 s2, s9;
	[tilespmem:s31+$0x0] =	vst v6  }
0x360: {  	s4 =	sor.u32 $0xC180, s6;
	s25 =	sor.u32 s21, s30;
	s7 =	sor.u32 s2, s28;
	[tilespmem:s5+$0x0] =	vst v6  }
0x361: {  	s30 =	sor.u32 s21, s9;
	s9 =	sor.u32 s2, s4;
	s28 =	sor.u32 $0xC200, s6;
	[tilespmem:s7+$0x0] =	vst v6  }
0x362: {  	s31 =	sor.u32 s2, s28;
	s5 =	sor.u32 $0xC280, s6;
	[tilespmem:s9+$0x0] =	vst v6  }
0x363: {  	s7 =	sor.u32 $0xC300, s6;
	s9 =	sor.u32 s2, s5;
	[tilespmem:s31+$0x0] =	vst v6;
	s31 =	sor.u32 s21, s28  }
0x364: {  	s28 =	sor.u32 $0xC380, s6;
	s6 =	sor.u32 s21, s5;
	s5 =	rddreg [dreg:$0x6];
	[tilespmem:s9+$0x0] =	vst v6  }
0x365: {  	s9 =	sor.u32 s2, s7;
	[tilespmem:s5+$0x0] =	vst v6  }
0x366: {  	s3 =	sor.u32 s21, s7;
	s7 =	rddreg [dreg:$0x4];
	[tilespmem:s9+$0x0] =	vst v6  }
0x367: {  	s2 =	sor.u32 s2, s28;
	[tilespmem:s7+$0x0] =	vst v6  }
0x368: {  	s9 =	rddreg [dreg:$0x8];
	[tilespmem:s2+$0x0] =	vst v6  }
0x369: {  	s20 =	rddreg [dreg:$0xa];
	[tilespmem:s9+$0x0] =	vst v6  }
0x36a: {  	s4 =	sor.u32 s21, s4;
	s28 =	sor.u32 s21, s28;
	s21 =	rddreg [dreg:$0xc];
	[tilespmem:s20+$0x0] =	vst v6  }
0x36b: {  	[tilespmem:s21+$0x0] =	vst v6  }
0x36c: {  	[tilespmem:s10+$0x0] =	vst v6  }
0x36d: {  	[tilespmem:s8+$0x0] =	vst v6  }
0x36e: {  	[tilespmem:s12+$0x0] =	vst v6  }
0x36f: {  	[tilespmem:s13+$0x0] =	vst v6  }
0x370: {  	[tilespmem:s14+$0x0] =	vst v6  }
0x371: {  	[tilespmem:s15+$0x0] =	vst v6  }
0x372: {  	[tilespmem:s16+$0x0] =	vst v6  }
0x373: {  	[tilespmem:s17+$0x0] =	vst v6  }
0x374: {  	[tilespmem:s18+$0x0] =	vst v6  }
0x375: {  	[tilespmem:s29+$0x0] =	vst v6  }
0x376: {  	[tilespmem:s22+$0x0] =	vst v6  }
0x377: {  	s1 =	sadd.s32 $0x2, s1;
	[tilespmem:s23+$0x0] =	vst v6  }
0x378: {  	p0 =	slt.u32 s1, $0x7E;
	[tilespmem:s25+$0x0] =	vst v6  }
.Ltmp9:
0x379: {  	[tilespmem:s26+$0x0] =	vst v6;
	(pc) =	sbr.rel @p0 .LBB2_20-.Ltmp9, $4  }
0x37a: {  	[tilespmem:s30+$0x0] =	vst v6  }
0x37b: {  	[tilespmem:s24+$0x0] =	vst v6  }
0x37c: {  	[tilespmem:s4+$0x0] =	vst v6  }
0x37d: {  	s0 =	sadd.s32 $0x20, s0;
	[tilespmem:s31+$0x0] =	vst v6  }
0x37e: {  	[tilespmem:s6+$0x0] =	vst v6  }
0x37f: {  	[tilespmem:s3+$0x0] =	vst v6  }
0x380: {  	s5 =	simm.s32 $0x1;
	[tilespmem:s28+$0x0] =	vst v6  }
0x381: {  	_ =	swait.ge [sflag:s5], $0x2000  }
0x382: {  	[sflag:s5] =	ssyncset.done $0x0  }
0x383: {  	s7 =	simm.s32 $0x0;
	s6 =	simm.s32 $0x14000;
	[sflag:s5] =	ssyncadd.s32 $0xFFFFE000  }
0x384: {  	s8 =	simm.s32 $0x16000;
	s1 =	simm.s32 $0x10040;
	_ =	swait.ge [sflag:s5], $0x2000  }
0x385: {  	s2 =	simm.s32 $0x12040;
	s4 =	simm.s32 $0x12000;
	[sflag:s5] =	ssyncset.done $0x0  }
0x386: {  	s9 =	simm.s32 $0x2;
	s0 =	rddreg [dreg:$0xe];
	[sflag:s5] =	ssyncadd.s32 $0xFFFFE000  }
0x387: {  	[tilespmem:s6], [sflag:$0x2] =	stream.linear.gather [hbm4b:s0+s7], $0x2000, $0x38;
	[tilespmem:$0x18000] =	vst v63  }
0x388: {  	s3 =	simm.s32 $0x10000;
	s31 =	rddreg [dreg:$0xf];
	s0 =	simm.s32 $0xFFFFFFF8  }
0x389: {  	[tilespmem:s8], [sflag:$0x2] =	stream.linear.gather [hbm4b:s31+s7], $0x2000, $0x38;
	[tilespmem:$0x18000] =	vst v63  }
.LBB2_22:
0x38a: {  	v8 =	vld [tilespmem:s1+$0xFFFFFFC0]  }
0x38b: {  	v9 =	vld [tilespmem:s2+$0xFFFFFFC0];
	_ =	sdelay $0x4  }
0x38c: {  	v10 =	vshll.u32 v8, $0xB;
	v11 =	vshll.u32 v9, $0x3  }
0x38d: {  	v12 =	vshll.u32 v8, $0x7;
	v10 =	vand.u32 $0xC000, v10;
	v11 =	vand.u32 $0xFFFFFC00, v11  }
0x38e: {  	v8 =	vsub.s32 v8, v2;
	v20 =	vand.u32 $0x380, v12;
	v10 =	vadd.s32 v10, v11  }
0x38f: {  	vm0 =	vlt.u32 v8, $0x20;
	v8 =	vand.u32 $0x7F, v9;
	v21 =	vor.u32 v20, v10  }
0x390: {  	v8 =	vor.u32 v8, v21;
	_ =	sdelay $0x4  }
0x391: {  	[tilespmem:v8+s7+$0x0] =	vst.idx.add.f32.msk vm0, v7  }
0x392: {  	v8 =	vld [tilespmem:s1+$0xFFFFFFD0]  }
0x393: {  	v22 =	vld [tilespmem:s2+$0xFFFFFFD0];
	_ =	sdelay $0x4  }
0x394: {  	v23 =	vshll.u32 v8, $0xB;
	v24 =	vshll.u32 v22, $0x3  }
0x395: {  	v25 =	vshll.u32 v8, $0x7;
	v10 =	vand.u32 $0xC000, v23;
	v11 =	vand.u32 $0xFFFFFC00, v24  }
0x396: {  	v8 =	vsub.s32 v8, v2;
	v26 =	vand.u32 $0x380, v25;
	v10 =	vadd.s32 v10, v11  }
0x397: {  	vm9 =	vlt.u32 v8, $0x20;
	v8 =	vand.u32 $0x7F, v22;
	v27 =	vor.u32 v26, v10  }
0x398: {  	v8 =	vor.u32 v8, v27;
	_ =	sdelay $0x4  }
0x399: {  	[tilespmem:v8+s7+$0x0] =	vst.idx.add.f32.msk vm9, v7  }
0x39a: {  	v8 =	vld [tilespmem:s1+$0xFFFFFFE0]  }
0x39b: {  	v28 =	vld [tilespmem:s2+$0xFFFFFFE0];
	_ =	sdelay $0x4  }
0x39c: {  	v29 =	vshll.u32 v8, $0xB;
	v30 =	vshll.u32 v28, $0x3  }
0x39d: {  	v31 =	vshll.u32 v8, $0x7;
	v10 =	vand.u32 $0xC000, v29;
	v11 =	vand.u32 $0xFFFFFC00, v30  }
0x39e: {  	v8 =	vsub.s32 v8, v2;
	v32 =	vand.u32 $0x380, v31;
	v10 =	vadd.s32 v10, v11  }
0x39f: {  	vm10 =	vlt.u32 v8, $0x20;
	v8 =	vand.u32 $0x7F, v28;
	v33 =	vor.u32 v32, v10  }
0x3a0: {  	v8 =	vor.u32 v8, v33;
	_ =	sdelay $0x4  }
0x3a1: {  	[tilespmem:v8+s7+$0x0] =	vst.idx.add.f32.msk vm10, v7  }
0x3a2: {  	v8 =	vld [tilespmem:s1+$0xFFFFFFF0]  }
0x3a3: {  	v34 =	vld [tilespmem:s2+$0xFFFFFFF0];
	_ =	sdelay $0x4  }
0x3a4: {  	v35 =	vshll.u32 v8, $0xB;
	v36 =	vshll.u32 v34, $0x3  }
0x3a5: {  	v37 =	vshll.u32 v8, $0x7;
	v10 =	vand.u32 $0xC000, v35;
	v11 =	vand.u32 $0xFFFFFC00, v36  }
0x3a6: {  	v8 =	vsub.s32 v8, v2;
	v38 =	vand.u32 $0x380, v37;
	v10 =	vadd.s32 v10, v11  }
0x3a7: {  	vm11 =	vlt.u32 v8, $0x20;
	v8 =	vand.u32 $0x7F, v34;
	v39 =	vor.u32 v38, v10  }
0x3a8: {  	v8 =	vor.u32 v8, v39;
	_ =	sdelay $0x4  }
0x3a9: {  	[tilespmem:v8+s7+$0x0] =	vst.idx.add.f32.msk vm11, v7  }
0x3aa: {  	v8 =	vld [tilespmem:s1+$0x0]  }
0x3ab: {  	v40 =	vld [tilespmem:s2+$0x0];
	_ =	sdelay $0x4  }
0x3ac: {  	v41 =	vshll.u32 v8, $0xB;
	v42 =	vshll.u32 v40, $0x3  }
0x3ad: {  	v43 =	vshll.u32 v8, $0x7;
	v10 =	vand.u32 $0xC000, v41;
	v11 =	vand.u32 $0xFFFFFC00, v42  }
0x3ae: {  	v8 =	vsub.s32 v8, v2;
	v44 =	vand.u32 $0x380, v43;
	v10 =	vadd.s32 v10, v11  }
0x3af: {  	vm12 =	vlt.u32 v8, $0x20;
	v8 =	vand.u32 $0x7F, v40;
	v45 =	vor.u32 v44, v10  }
0x3b0: {  	v8 =	vor.u32 v8, v45;
	_ =	sdelay $0x4  }
0x3b1: {  	[tilespmem:v8+s7+$0x0] =	vst.idx.add.f32.msk vm12, v7  }
0x3b2: {  	v8 =	vld [tilespmem:s1+$0x10]  }
0x3b3: {  	v46 =	vld [tilespmem:s2+$0x10];
	_ =	sdelay $0x4  }
0x3b4: {  	v47 =	vshll.u32 v8, $0xB;
	v48 =	vshll.u32 v46, $0x3  }
0x3b5: {  	v49 =	vshll.u32 v8, $0x7;
	v10 =	vand.u32 $0xC000, v47;
	v11 =	vand.u32 $0xFFFFFC00, v48  }
0x3b6: {  	v8 =	vsub.s32 v8, v2;
	v50 =	vand.u32 $0x380, v49;
	v10 =	vadd.s32 v10, v11  }
0x3b7: {  	vm13 =	vlt.u32 v8, $0x20;
	v8 =	vand.u32 $0x7F, v46;
	v51 =	vor.u32 v50, v10  }
0x3b8: {  	v8 =	vor.u32 v8, v51;
	_ =	sdelay $0x4  }
0x3b9: {  	[tilespmem:v8+s7+$0x0] =	vst.idx.add.f32.msk vm13, v7  }
0x3ba: {  	v8 =	vld [tilespmem:s1+$0x20]  }
0x3bb: {  	v52 =	vld [tilespmem:s2+$0x20];
	_ =	sdelay $0x4  }
0x3bc: {  	v53 =	vshll.u32 v8, $0xB;
	v54 =	vshll.u32 v52, $0x3  }
0x3bd: {  	v55 =	vshll.u32 v8, $0x7;
	v10 =	vand.u32 $0xC000, v53;
	v11 =	vand.u32 $0xFFFFFC00, v54  }
0x3be: {  	v8 =	vsub.s32 v8, v2;
	v56 =	vand.u32 $0x380, v55;
	v10 =	vadd.s32 v10, v11  }
0x3bf: {  	vm14 =	vlt.u32 v8, $0x20;
	v8 =	vand.u32 $0x7F, v52;
	v57 =	vor.u32 v56, v10  }
0x3c0: {  	v8 =	vor.u32 v8, v57;
	_ =	sdelay $0x4  }
0x3c1: {  	[tilespmem:v8+s7+$0x0] =	vst.idx.add.f32.msk vm14, v7  }
0x3c2: {  	v8 =	vld [tilespmem:s1+$0x30]  }
0x3c3: {  	v58 =	vld [tilespmem:s2+$0x30];
	_ =	sdelay $0x4  }
0x3c4: {  	v59 =	vshll.u32 v8, $0xB;
	v60 =	vshll.u32 v58, $0x3  }
0x3c5: {  	v61 =	vshll.u32 v8, $0x7;
	v10 =	vand.u32 $0xC000, v59;
	v11 =	vand.u32 $0xFFFFFC00, v60  }
0x3c6: {  	v8 =	vsub.s32 v8, v2;
	v62 =	vand.u32 $0x380, v61;
	v10 =	vadd.s32 v10, v11  }
0x3c7: {  	s0 =	sadd.s32 $0x8, s0;
	vm15 =	vlt.u32 v8, $0x20;
	v8 =	vand.u32 $0x7F, v58;
	v63 =	vor.u32 v62, v10  }
0x3c8: {  	p0 =	slt.u32 s0, $0x1F8;
	v8 =	vor.u32 v8, v63  }
.Ltmp10:
0x3c9: {  	_ = 	snop;
	(pc) =	sbr.rel @p0 .LBB2_22-.Ltmp10, $2  }
0x3ca: {  	_ =	sdelay $0x2  }
0x3cb: {  	s1 =	sadd.s32 $0x80, s1;
	s2 =	sadd.s32 $0x80, s2;
	[tilespmem:v8+s7+$0x0] =	vst.idx.add.f32.msk vm15, v7  }
0x3cc: {  	_ =	swait.ge [sflag:s9], $0x2000  }
0x3cd: {  	[sflag:s9] =	ssyncset.done $0x0  }
0x3ce: {  	[sflag:s9] =	ssyncadd.s32 $0xFFFFE000  }
0x3cf: {  	_ =	swait.ge [sflag:s9], $0x2000  }
0x3d0: {  	[sflag:s9] =	ssyncset.done $0x0  }
0x3d1: {  	s1 =	simm.s32 $0x14040;
	s0 =	rddreg [dreg:$0x10];
	[sflag:s9] =	ssyncadd.s32 $0xFFFFE000  }
0x3d2: {  	[tilespmem:s3], [sflag:$0x1] =	stream.linear.gather [hbm4b:s0+s7], $0x2000, $0x38;
	[tilespmem:$0x18000] =	vst v63  }
0x3d3: {  	s2 =	simm.s32 $0x16040;
	s31 =	rddreg [dreg:$0x11];
	s0 =	simm.s32 $0xFFFFFFF8  }
0x3d4: {  	[tilespmem:s4], [sflag:$0x1] =	stream.linear.gather [hbm4b:s31+s7], $0x2000, $0x38;
	[tilespmem:$0x18000] =	vst v63  }
.LBB2_24:
0x3d5: {  	v8 =	vld [tilespmem:s1+$0xFFFFFFC0]  }
0x3d6: {  	v9 =	vld [tilespmem:s2+$0xFFFFFFC0];
	_ =	sdelay $0x4  }
0x3d7: {  	v10 =	vshll.u32 v8, $0xB;
	v11 =	vshll.u32 v9, $0x3  }
0x3d8: {  	v12 =	vshll.u32 v8, $0x7;
	v10 =	vand.u32 $0xC000, v10;
	v11 =	vand.u32 $0xFFFFFC00, v11  }
0x3d9: {  	v8 =	vsub.s32 v8, v2;
	v20 =	vand.u32 $0x380, v12;
	v10 =	vadd.s32 v10, v11  }
0x3da: {  	vm0 =	vlt.u32 v8, $0x20;
	v8 =	vand.u32 $0x7F, v9;
	v21 =	vor.u32 v20, v10  }
0x3db: {  	v8 =	vor.u32 v8, v21;
	_ =	sdelay $0x4  }
0x3dc: {  	[tilespmem:v8+s7+$0x0] =	vst.idx.add.f32.msk vm0, v7  }
0x3dd: {  	v8 =	vld [tilespmem:s1+$0xFFFFFFD0]  }
0x3de: {  	v22 =	vld [tilespmem:s2+$0xFFFFFFD0];
	_ =	sdelay $0x4  }
0x3df: {  	v23 =	vshll.u32 v8, $0xB;
	v24 =	vshll.u32 v22, $0x3  }
0x3e0: {  	v25 =	vshll.u32 v8, $0x7;
	v10 =	vand.u32 $0xC000, v23;
	v11 =	vand.u32 $0xFFFFFC00, v24  }
0x3e1: {  	v8 =	vsub.s32 v8, v2;
	v26 =	vand.u32 $0x380, v25;
	v10 =	vadd.s32 v10, v11  }
0x3e2: {  	vm9 =	vlt.u32 v8, $0x20;
	v8 =	vand.u32 $0x7F, v22;
	v27 =	vor.u32 v26, v10  }
0x3e3: {  	v8 =	vor.u32 v8, v27;
	_ =	sdelay $0x4  }
0x3e4: {  	[tilespmem:v8+s7+$0x0] =	vst.idx.add.f32.msk vm9, v7  }
0x3e5: {  	v8 =	vld [tilespmem:s1+$0xFFFFFFE0]  }
0x3e6: {  	v28 =	vld [tilespmem:s2+$0xFFFFFFE0];
	_ =	sdelay $0x4  }
0x3e7: {  	v29 =	vshll.u32 v8, $0xB;
	v30 =	vshll.u32 v28, $0x3  }
0x3e8: {  	v31 =	vshll.u32 v8, $0x7;
	v10 =	vand.u32 $0xC000, v29;
	v11 =	vand.u32 $0xFFFFFC00, v30  }
0x3e9: {  	v8 =	vsub.s32 v8, v2;
	v32 =	vand.u32 $0x380, v31;
	v10 =	vadd.s32 v10, v11  }
0x3ea: {  	vm10 =	vlt.u32 v8, $0x20;
	v8 =	vand.u32 $0x7F, v28;
	v33 =	vor.u32 v32, v10  }
0x3eb: {  	v8 =	vor.u32 v8, v33;
	_ =	sdelay $0x4  }
0x3ec: {  	[tilespmem:v8+s7+$0x0] =	vst.idx.add.f32.msk vm10, v7  }
0x3ed: {  	v8 =	vld [tilespmem:s1+$0xFFFFFFF0]  }
0x3ee: {  	v34 =	vld [tilespmem:s2+$0xFFFFFFF0];
	_ =	sdelay $0x4  }
0x3ef: {  	v35 =	vshll.u32 v8, $0xB;
	v36 =	vshll.u32 v34, $0x3  }
0x3f0: {  	v37 =	vshll.u32 v8, $0x7;
	v10 =	vand.u32 $0xC000, v35;
	v11 =	vand.u32 $0xFFFFFC00, v36  }
0x3f1: {  	v8 =	vsub.s32 v8, v2;
	v38 =	vand.u32 $0x380, v37;
	v10 =	vadd.s32 v10, v11  }
0x3f2: {  	vm11 =	vlt.u32 v8, $0x20;
	v8 =	vand.u32 $0x7F, v34;
	v39 =	vor.u32 v38, v10  }
0x3f3: {  	v8 =	vor.u32 v8, v39;
	_ =	sdelay $0x4  }
0x3f4: {  	[tilespmem:v8+s7+$0x0] =	vst.idx.add.f32.msk vm11, v7  }
0x3f5: {  	v8 =	vld [tilespmem:s1+$0x0]  }
0x3f6: {  	v40 =	vld [tilespmem:s2+$0x0];
	_ =	sdelay $0x4  }
0x3f7: {  	v41 =	vshll.u32 v8, $0xB;
	v42 =	vshll.u32 v40, $0x3  }
0x3f8: {  	v43 =	vshll.u32 v8, $0x7;
	v10 =	vand.u32 $0xC000, v41;
	v11 =	vand.u32 $0xFFFFFC00, v42  }
0x3f9: {  	v8 =	vsub.s32 v8, v2;
	v44 =	vand.u32 $0x380, v43;
	v10 =	vadd.s32 v10, v11  }
0x3fa: {  	vm12 =	vlt.u32 v8, $0x20;
	v8 =	vand.u32 $0x7F, v40;
	v45 =	vor.u32 v44, v10  }
0x3fb: {  	v8 =	vor.u32 v8, v45;
	_ =	sdelay $0x4  }
0x3fc: {  	[tilespmem:v8+s7+$0x0] =	vst.idx.add.f32.msk vm12, v7  }
0x3fd: {  	v8 =	vld [tilespmem:s1+$0x10]  }
0x3fe: {  	v46 =	vld [tilespmem:s2+$0x10];
	_ =	sdelay $0x4  }
0x3ff: {  	v47 =	vshll.u32 v8, $0xB;
	v48 =	vshll.u32 v46, $0x3  }
0x400: {  	v49 =	vshll.u32 v8, $0x7;
	v10 =	vand.u32 $0xC000, v47;
	v11 =	vand.u32 $0xFFFFFC00, v48  }
0x401: {  	v8 =	vsub.s32 v8, v2;
	v50 =	vand.u32 $0x380, v49;
	v10 =	vadd.s32 v10, v11  }
0x402: {  	vm13 =	vlt.u32 v8, $0x20;
	v8 =	vand.u32 $0x7F, v46;
	v51 =	vor.u32 v50, v10  }
0x403: {  	v8 =	vor.u32 v8, v51;
	_ =	sdelay $0x4  }
0x404: {  	[tilespmem:v8+s7+$0x0] =	vst.idx.add.f32.msk vm13, v7  }
0x405: {  	v8 =	vld [tilespmem:s1+$0x20]  }
0x406: {  	v52 =	vld [tilespmem:s2+$0x20];
	_ =	sdelay $0x4  }
0x407: {  	v53 =	vshll.u32 v8, $0xB;
	v54 =	vshll.u32 v52, $0x3  }
0x408: {  	v55 =	vshll.u32 v8, $0x7;
	v10 =	vand.u32 $0xC000, v53;
	v11 =	vand.u32 $0xFFFFFC00, v54  }
0x409: {  	v8 =	vsub.s32 v8, v2;
	v56 =	vand.u32 $0x380, v55;
	v10 =	vadd.s32 v10, v11  }
0x40a: {  	vm14 =	vlt.u32 v8, $0x20;
	v8 =	vand.u32 $0x7F, v52;
	v57 =	vor.u32 v56, v10  }
0x40b: {  	v8 =	vor.u32 v8, v57;
	_ =	sdelay $0x4  }
0x40c: {  	[tilespmem:v8+s7+$0x0] =	vst.idx.add.f32.msk vm14, v7  }
0x40d: {  	v8 =	vld [tilespmem:s1+$0x30]  }
0x40e: {  	v58 =	vld [tilespmem:s2+$0x30];
	_ =	sdelay $0x4  }
0x40f: {  	v59 =	vshll.u32 v8, $0xB;
	v60 =	vshll.u32 v58, $0x3  }
0x410: {  	v61 =	vshll.u32 v8, $0x7;
	v10 =	vand.u32 $0xC000, v59;
	v11 =	vand.u32 $0xFFFFFC00, v60  }
0x411: {  	v8 =	vsub.s32 v8, v2;
	v62 =	vand.u32 $0x380, v61;
	v10 =	vadd.s32 v10, v11  }
0x412: {  	s0 =	sadd.s32 $0x8, s0;
	vm15 =	vlt.u32 v8, $0x20;
	v8 =	vand.u32 $0x7F, v58;
	v63 =	vor.u32 v62, v10  }
0x413: {  	p0 =	slt.u32 s0, $0x1F8;
	v8 =	vor.u32 v8, v63  }
.Ltmp11:
0x414: {  	_ = 	snop;
	(pc) =	sbr.rel @p0 .LBB2_24-.Ltmp11, $2  }
0x415: {  	_ =	sdelay $0x2  }
0x416: {  	s1 =	sadd.s32 $0x80, s1;
	s2 =	sadd.s32 $0x80, s2;
	[tilespmem:v8+s7+$0x0] =	vst.idx.add.f32.msk vm15, v7  }
0x417: {  	_ =	swait.ge [sflag:s5], $0x2000  }
0x418: {  	[sflag:s5] =	ssyncset.done $0x0  }
0x419: {  	[sflag:s5] =	ssyncadd.s32 $0xFFFFE000  }
0x41a: {  	_ =	swait.ge [sflag:s5], $0x2000  }
0x41b: {  	[sflag:s5] =	ssyncset.done $0x0  }
0x41c: {  	s1 =	simm.s32 $0x10040;
	s0 =	rddreg [dreg:$0x12];
	[sflag:s5] =	ssyncadd.s32 $0xFFFFE000  }
0x41d: {  	[tilespmem:s6], [sflag:$0x2] =	stream.linear.gather [hbm4b:s0+s7], $0x2000, $0x38;
	[tilespmem:$0x18000] =	vst v63  }
0x41e: {  	s2 =	simm.s32 $0x12040;
	s31 =	rddreg [dreg:$0x13];
	s0 =	simm.s32 $0xFFFFFFF8  }
0x41f: {  	[tilespmem:s8], [sflag:$0x2] =	stream.linear.gather [hbm4b:s31+s7], $0x2000, $0x38;
	[tilespmem:$0x18000] =	vst v63  }
.LBB2_26:
0x420: {  	v8 =	vld [tilespmem:s1+$0xFFFFFFC0]  }
0x421: {  	v9 =	vld [tilespmem:s2+$0xFFFFFFC0];
	_ =	sdelay $0x4  }
0x422: {  	v10 =	vshll.u32 v8, $0xB;
	v11 =	vshll.u32 v9, $0x3  }
0x423: {  	v12 =	vshll.u32 v8, $0x7;
	v10 =	vand.u32 $0xC000, v10;
	v11 =	vand.u32 $0xFFFFFC00, v11  }
0x424: {  	v8 =	vsub.s32 v8, v2;
	v20 =	vand.u32 $0x380, v12;
	v10 =	vadd.s32 v10, v11  }
0x425: {  	vm0 =	vlt.u32 v8, $0x20;
	v8 =	vand.u32 $0x7F, v9;
	v21 =	vor.u32 v20, v10  }
0x426: {  	v8 =	vor.u32 v8, v21;
	_ =	sdelay $0x4  }
0x427: {  	[tilespmem:v8+s7+$0x0] =	vst.idx.add.f32.msk vm0, v7  }
0x428: {  	v8 =	vld [tilespmem:s1+$0xFFFFFFD0]  }
0x429: {  	v22 =	vld [tilespmem:s2+$0xFFFFFFD0];
	_ =	sdelay $0x4  }
0x42a: {  	v23 =	vshll.u32 v8, $0xB;
	v24 =	vshll.u32 v22, $0x3  }
0x42b: {  	v25 =	vshll.u32 v8, $0x7;
	v10 =	vand.u32 $0xC000, v23;
	v11 =	vand.u32 $0xFFFFFC00, v24  }
0x42c: {  	v8 =	vsub.s32 v8, v2;
	v26 =	vand.u32 $0x380, v25;
	v10 =	vadd.s32 v10, v11  }
0x42d: {  	vm9 =	vlt.u32 v8, $0x20;
	v8 =	vand.u32 $0x7F, v22;
	v27 =	vor.u32 v26, v10  }
0x42e: {  	v8 =	vor.u32 v8, v27;
	_ =	sdelay $0x4  }
0x42f: {  	[tilespmem:v8+s7+$0x0] =	vst.idx.add.f32.msk vm9, v7  }
0x430: {  	v8 =	vld [tilespmem:s1+$0xFFFFFFE0]  }
0x431: {  	v28 =	vld [tilespmem:s2+$0xFFFFFFE0];
	_ =	sdelay $0x4  }
0x432: {  	v29 =	vshll.u32 v8, $0xB;
	v30 =	vshll.u32 v28, $0x3  }
0x433: {  	v31 =	vshll.u32 v8, $0x7;
	v10 =	vand.u32 $0xC000, v29;
	v11 =	vand.u32 $0xFFFFFC00, v30  }
0x434: {  	v8 =	vsub.s32 v8, v2;
	v32 =	vand.u32 $0x380, v31;
	v10 =	vadd.s32 v10, v11  }
0x435: {  	vm10 =	vlt.u32 v8, $0x20;
	v8 =	vand.u32 $0x7F, v28;
	v33 =	vor.u32 v32, v10  }
0x436: {  	v8 =	vor.u32 v8, v33;
	_ =	sdelay $0x4  }
0x437: {  	[tilespmem:v8+s7+$0x0] =	vst.idx.add.f32.msk vm10, v7  }
0x438: {  	v8 =	vld [tilespmem:s1+$0xFFFFFFF0]  }
0x439: {  	v34 =	vld [tilespmem:s2+$0xFFFFFFF0];
	_ =	sdelay $0x4  }
0x43a: {  	v35 =	vshll.u32 v8, $0xB;
	v36 =	vshll.u32 v34, $0x3  }
0x43b: {  	v37 =	vshll.u32 v8, $0x7;
	v10 =	vand.u32 $0xC000, v35;
	v11 =	vand.u32 $0xFFFFFC00, v36  }
0x43c: {  	v8 =	vsub.s32 v8, v2;
	v38 =	vand.u32 $0x380, v37;
	v10 =	vadd.s32 v10, v11  }
0x43d: {  	vm11 =	vlt.u32 v8, $0x20;
	v8 =	vand.u32 $0x7F, v34;
	v39 =	vor.u32 v38, v10  }
0x43e: {  	v8 =	vor.u32 v8, v39;
	_ =	sdelay $0x4  }
0x43f: {  	[tilespmem:v8+s7+$0x0] =	vst.idx.add.f32.msk vm11, v7  }
0x440: {  	v8 =	vld [tilespmem:s1+$0x0]  }
0x441: {  	v40 =	vld [tilespmem:s2+$0x0];
	_ =	sdelay $0x4  }
0x442: {  	v41 =	vshll.u32 v8, $0xB;
	v42 =	vshll.u32 v40, $0x3  }
0x443: {  	v43 =	vshll.u32 v8, $0x7;
	v10 =	vand.u32 $0xC000, v41;
	v11 =	vand.u32 $0xFFFFFC00, v42  }
0x444: {  	v8 =	vsub.s32 v8, v2;
	v44 =	vand.u32 $0x380, v43;
	v10 =	vadd.s32 v10, v11  }
0x445: {  	vm12 =	vlt.u32 v8, $0x20;
	v8 =	vand.u32 $0x7F, v40;
	v45 =	vor.u32 v44, v10  }
0x446: {  	v8 =	vor.u32 v8, v45;
	_ =	sdelay $0x4  }
0x447: {  	[tilespmem:v8+s7+$0x0] =	vst.idx.add.f32.msk vm12, v7  }
0x448: {  	v8 =	vld [tilespmem:s1+$0x10]  }
0x449: {  	v46 =	vld [tilespmem:s2+$0x10];
	_ =	sdelay $0x4  }
0x44a: {  	v47 =	vshll.u32 v8, $0xB;
	v48 =	vshll.u32 v46, $0x3  }
0x44b: {  	v49 =	vshll.u32 v8, $0x7;
	v10 =	vand.u32 $0xC000, v47;
	v11 =	vand.u32 $0xFFFFFC00, v48  }
0x44c: {  	v8 =	vsub.s32 v8, v2;
	v50 =	vand.u32 $0x380, v49;
	v10 =	vadd.s32 v10, v11  }
0x44d: {  	vm13 =	vlt.u32 v8, $0x20;
	v8 =	vand.u32 $0x7F, v46;
	v51 =	vor.u32 v50, v10  }
0x44e: {  	v8 =	vor.u32 v8, v51;
	_ =	sdelay $0x4  }
0x44f: {  	[tilespmem:v8+s7+$0x0] =	vst.idx.add.f32.msk vm13, v7  }
0x450: {  	v8 =	vld [tilespmem:s1+$0x20]  }
0x451: {  	v52 =	vld [tilespmem:s2+$0x20];
	_ =	sdelay $0x4  }
0x452: {  	v53 =	vshll.u32 v8, $0xB;
	v54 =	vshll.u32 v52, $0x3  }
0x453: {  	v55 =	vshll.u32 v8, $0x7;
	v10 =	vand.u32 $0xC000, v53;
	v11 =	vand.u32 $0xFFFFFC00, v54  }
0x454: {  	v8 =	vsub.s32 v8, v2;
	v56 =	vand.u32 $0x380, v55;
	v10 =	vadd.s32 v10, v11  }
0x455: {  	vm14 =	vlt.u32 v8, $0x20;
	v8 =	vand.u32 $0x7F, v52;
	v57 =	vor.u32 v56, v10  }
0x456: {  	v8 =	vor.u32 v8, v57;
	_ =	sdelay $0x4  }
0x457: {  	[tilespmem:v8+s7+$0x0] =	vst.idx.add.f32.msk vm14, v7  }
0x458: {  	v8 =	vld [tilespmem:s1+$0x30]  }
0x459: {  	v58 =	vld [tilespmem:s2+$0x30];
	_ =	sdelay $0x4  }
0x45a: {  	v59 =	vshll.u32 v8, $0xB;
	v60 =	vshll.u32 v58, $0x3  }
0x45b: {  	v61 =	vshll.u32 v8, $0x7;
	v10 =	vand.u32 $0xC000, v59;
	v11 =	vand.u32 $0xFFFFFC00, v60  }
0x45c: {  	v8 =	vsub.s32 v8, v2;
	v62 =	vand.u32 $0x380, v61;
	v10 =	vadd.s32 v10, v11  }
0x45d: {  	s0 =	sadd.s32 $0x8, s0;
	vm15 =	vlt.u32 v8, $0x20;
	v8 =	vand.u32 $0x7F, v58;
	v63 =	vor.u32 v62, v10  }
0x45e: {  	p0 =	slt.u32 s0, $0x1F8;
	v8 =	vor.u32 v8, v63  }
.Ltmp12:
0x45f: {  	_ = 	snop;
	(pc) =	sbr.rel @p0 .LBB2_26-.Ltmp12, $2  }
0x460: {  	_ =	sdelay $0x2  }
0x461: {  	s1 =	sadd.s32 $0x80, s1;
	s2 =	sadd.s32 $0x80, s2;
	[tilespmem:v8+s7+$0x0] =	vst.idx.add.f32.msk vm15, v7  }
0x462: {  	_ =	swait.ge [sflag:s9], $0x2000  }
0x463: {  	[sflag:s9] =	ssyncset.done $0x0  }
0x464: {  	[sflag:s9] =	ssyncadd.s32 $0xFFFFE000  }
0x465: {  	_ =	swait.ge [sflag:s9], $0x2000  }
0x466: {  	[sflag:s9] =	ssyncset.done $0x0  }
0x467: {  	s1 =	simm.s32 $0x14040;
	s0 =	rddreg [dreg:$0x14];
	[sflag:s9] =	ssyncadd.s32 $0xFFFFE000  }
0x468: {  	[tilespmem:s3], [sflag:$0x1] =	stream.linear.gather [hbm4b:s0+s7], $0x2000, $0x38;
	[tilespmem:$0x18000] =	vst v63  }
0x469: {  	s2 =	simm.s32 $0x16040;
	s31 =	rddreg [dreg:$0x15];
	s0 =	simm.s32 $0xFFFFFFF8  }
0x46a: {  	[tilespmem:s4], [sflag:$0x1] =	stream.linear.gather [hbm4b:s31+s7], $0x2000, $0x38;
	[tilespmem:$0x18000] =	vst v63  }
.LBB2_28:
0x46b: {  	v8 =	vld [tilespmem:s1+$0xFFFFFFC0]  }
0x46c: {  	v9 =	vld [tilespmem:s2+$0xFFFFFFC0];
	_ =	sdelay $0x4  }
0x46d: {  	v10 =	vshll.u32 v8, $0xB;
	v11 =	vshll.u32 v9, $0x3  }
0x46e: {  	v12 =	vshll.u32 v8, $0x7;
	v10 =	vand.u32 $0xC000, v10;
	v11 =	vand.u32 $0xFFFFFC00, v11  }
0x46f: {  	v8 =	vsub.s32 v8, v2;
	v20 =	vand.u32 $0x380, v12;
	v10 =	vadd.s32 v10, v11  }
0x470: {  	vm0 =	vlt.u32 v8, $0x20;
	v8 =	vand.u32 $0x7F, v9;
	v21 =	vor.u32 v20, v10  }
0x471: {  	v8 =	vor.u32 v8, v21;
	_ =	sdelay $0x4  }
0x472: {  	[tilespmem:v8+s7+$0x0] =	vst.idx.add.f32.msk vm0, v7  }
0x473: {  	v8 =	vld [tilespmem:s1+$0xFFFFFFD0]  }
0x474: {  	v22 =	vld [tilespmem:s2+$0xFFFFFFD0];
	_ =	sdelay $0x4  }
0x475: {  	v23 =	vshll.u32 v8, $0xB;
	v24 =	vshll.u32 v22, $0x3  }
0x476: {  	v25 =	vshll.u32 v8, $0x7;
	v10 =	vand.u32 $0xC000, v23;
	v11 =	vand.u32 $0xFFFFFC00, v24  }
0x477: {  	v8 =	vsub.s32 v8, v2;
	v26 =	vand.u32 $0x380, v25;
	v10 =	vadd.s32 v10, v11  }
0x478: {  	vm9 =	vlt.u32 v8, $0x20;
	v8 =	vand.u32 $0x7F, v22;
	v27 =	vor.u32 v26, v10  }
0x479: {  	v8 =	vor.u32 v8, v27;
	_ =	sdelay $0x4  }
0x47a: {  	[tilespmem:v8+s7+$0x0] =	vst.idx.add.f32.msk vm9, v7  }
0x47b: {  	v8 =	vld [tilespmem:s1+$0xFFFFFFE0]  }
0x47c: {  	v28 =	vld [tilespmem:s2+$0xFFFFFFE0];
	_ =	sdelay $0x4  }
0x47d: {  	v29 =	vshll.u32 v8, $0xB;
	v30 =	vshll.u32 v28, $0x3  }
0x47e: {  	v31 =	vshll.u32 v8, $0x7;
	v10 =	vand.u32 $0xC000, v29;
	v11 =	vand.u32 $0xFFFFFC00, v30  }
0x47f: {  	v8 =	vsub.s32 v8, v2;
	v32 =	vand.u32 $0x380, v31;
	v10 =	vadd.s32 v10, v11  }
0x480: {  	vm10 =	vlt.u32 v8, $0x20;
	v8 =	vand.u32 $0x7F, v28;
	v33 =	vor.u32 v32, v10  }
0x481: {  	v8 =	vor.u32 v8, v33;
	_ =	sdelay $0x4  }
0x482: {  	[tilespmem:v8+s7+$0x0] =	vst.idx.add.f32.msk vm10, v7  }
0x483: {  	v8 =	vld [tilespmem:s1+$0xFFFFFFF0]  }
0x484: {  	v34 =	vld [tilespmem:s2+$0xFFFFFFF0];
	_ =	sdelay $0x4  }
0x485: {  	v35 =	vshll.u32 v8, $0xB;
	v36 =	vshll.u32 v34, $0x3  }
0x486: {  	v37 =	vshll.u32 v8, $0x7;
	v10 =	vand.u32 $0xC000, v35;
	v11 =	vand.u32 $0xFFFFFC00, v36  }
0x487: {  	v8 =	vsub.s32 v8, v2;
	v38 =	vand.u32 $0x380, v37;
	v10 =	vadd.s32 v10, v11  }
0x488: {  	vm11 =	vlt.u32 v8, $0x20;
	v8 =	vand.u32 $0x7F, v34;
	v39 =	vor.u32 v38, v10  }
0x489: {  	v8 =	vor.u32 v8, v39;
	_ =	sdelay $0x4  }
0x48a: {  	[tilespmem:v8+s7+$0x0] =	vst.idx.add.f32.msk vm11, v7  }
0x48b: {  	v8 =	vld [tilespmem:s1+$0x0]  }
0x48c: {  	v40 =	vld [tilespmem:s2+$0x0];
	_ =	sdelay $0x4  }
0x48d: {  	v41 =	vshll.u32 v8, $0xB;
	v42 =	vshll.u32 v40, $0x3  }
0x48e: {  	v43 =	vshll.u32 v8, $0x7;
	v10 =	vand.u32 $0xC000, v41;
	v11 =	vand.u32 $0xFFFFFC00, v42  }
0x48f: {  	v8 =	vsub.s32 v8, v2;
	v44 =	vand.u32 $0x380, v43;
	v10 =	vadd.s32 v10, v11  }
0x490: {  	vm12 =	vlt.u32 v8, $0x20;
	v8 =	vand.u32 $0x7F, v40;
	v45 =	vor.u32 v44, v10  }
0x491: {  	v8 =	vor.u32 v8, v45;
	_ =	sdelay $0x4  }
0x492: {  	[tilespmem:v8+s7+$0x0] =	vst.idx.add.f32.msk vm12, v7  }
0x493: {  	v8 =	vld [tilespmem:s1+$0x10]  }
0x494: {  	v46 =	vld [tilespmem:s2+$0x10];
	_ =	sdelay $0x4  }
0x495: {  	v47 =	vshll.u32 v8, $0xB;
	v48 =	vshll.u32 v46, $0x3  }
0x496: {  	v49 =	vshll.u32 v8, $0x7;
	v10 =	vand.u32 $0xC000, v47;
	v11 =	vand.u32 $0xFFFFFC00, v48  }
0x497: {  	v8 =	vsub.s32 v8, v2;
	v50 =	vand.u32 $0x380, v49;
	v10 =	vadd.s32 v10, v11  }
0x498: {  	vm13 =	vlt.u32 v8, $0x20;
	v8 =	vand.u32 $0x7F, v46;
	v51 =	vor.u32 v50, v10  }
0x499: {  	v8 =	vor.u32 v8, v51;
	_ =	sdelay $0x4  }
0x49a: {  	[tilespmem:v8+s7+$0x0] =	vst.idx.add.f32.msk vm13, v7  }
0x49b: {  	v8 =	vld [tilespmem:s1+$0x20]  }
0x49c: {  	v52 =	vld [tilespmem:s2+$0x20];
	_ =	sdelay $0x4  }
0x49d: {  	v53 =	vshll.u32 v8, $0xB;
	v54 =	vshll.u32 v52, $0x3  }
0x49e: {  	v55 =	vshll.u32 v8, $0x7;
	v10 =	vand.u32 $0xC000, v53;
	v11 =	vand.u32 $0xFFFFFC00, v54  }
0x49f: {  	v8 =	vsub.s32 v8, v2;
	v56 =	vand.u32 $0x380, v55;
	v10 =	vadd.s32 v10, v11  }
0x4a0: {  	vm14 =	vlt.u32 v8, $0x20;
	v8 =	vand.u32 $0x7F, v52;
	v57 =	vor.u32 v56, v10  }
0x4a1: {  	v8 =	vor.u32 v8, v57;
	_ =	sdelay $0x4  }
0x4a2: {  	[tilespmem:v8+s7+$0x0] =	vst.idx.add.f32.msk vm14, v7  }
0x4a3: {  	v8 =	vld [tilespmem:s1+$0x30]  }
0x4a4: {  	v58 =	vld [tilespmem:s2+$0x30];
	_ =	sdelay $0x4  }
0x4a5: {  	v59 =	vshll.u32 v8, $0xB;
	v60 =	vshll.u32 v58, $0x3  }
0x4a6: {  	v61 =	vshll.u32 v8, $0x7;
	v10 =	vand.u32 $0xC000, v59;
	v11 =	vand.u32 $0xFFFFFC00, v60  }
0x4a7: {  	v8 =	vsub.s32 v8, v2;
	v62 =	vand.u32 $0x380, v61;
	v10 =	vadd.s32 v10, v11  }
0x4a8: {  	s0 =	sadd.s32 $0x8, s0;
	vm15 =	vlt.u32 v8, $0x20;
	v8 =	vand.u32 $0x7F, v58;
	v63 =	vor.u32 v62, v10  }
0x4a9: {  	p0 =	slt.u32 s0, $0x1F8;
	v8 =	vor.u32 v8, v63  }
.Ltmp13:
0x4aa: {  	_ = 	snop;
	(pc) =	sbr.rel @p0 .LBB2_28-.Ltmp13, $2  }
0x4ab: {  	_ =	sdelay $0x2  }
0x4ac: {  	s1 =	sadd.s32 $0x80, s1;
	s2 =	sadd.s32 $0x80, s2;
	[tilespmem:v8+s7+$0x0] =	vst.idx.add.f32.msk vm15, v7  }
0x4ad: {  	_ =	swait.ge [sflag:s5], $0x2000  }
0x4ae: {  	[sflag:s5] =	ssyncset.done $0x0  }
0x4af: {  	[sflag:s5] =	ssyncadd.s32 $0xFFFFE000  }
0x4b0: {  	_ =	swait.ge [sflag:s5], $0x2000  }
0x4b1: {  	[sflag:s5] =	ssyncset.done $0x0  }
0x4b2: {  	s1 =	simm.s32 $0x10040;
	s0 =	rddreg [dreg:$0x16];
	[sflag:s5] =	ssyncadd.s32 $0xFFFFE000  }
0x4b3: {  	[tilespmem:s6], [sflag:$0x2] =	stream.linear.gather [hbm4b:s0+s7], $0x2000, $0x38;
	[tilespmem:$0x18000] =	vst v63  }
0x4b4: {  	s2 =	simm.s32 $0x12040;
	s31 =	rddreg [dreg:$0x17];
	s0 =	simm.s32 $0xFFFFFFF8  }
0x4b5: {  	[tilespmem:s8], [sflag:$0x2] =	stream.linear.gather [hbm4b:s31+s7], $0x2000, $0x38;
	[tilespmem:$0x18000] =	vst v63  }
.LBB2_30:
0x4b6: {  	v8 =	vld [tilespmem:s1+$0xFFFFFFC0]  }
0x4b7: {  	v9 =	vld [tilespmem:s2+$0xFFFFFFC0];
	_ =	sdelay $0x4  }
0x4b8: {  	v10 =	vshll.u32 v8, $0xB;
	v11 =	vshll.u32 v9, $0x3  }
0x4b9: {  	v12 =	vshll.u32 v8, $0x7;
	v10 =	vand.u32 $0xC000, v10;
	v11 =	vand.u32 $0xFFFFFC00, v11  }
0x4ba: {  	v8 =	vsub.s32 v8, v2;
	v20 =	vand.u32 $0x380, v12;
	v10 =	vadd.s32 v10, v11  }
0x4bb: {  	vm0 =	vlt.u32 v8, $0x20;
	v8 =	vand.u32 $0x7F, v9;
	v21 =	vor.u32 v20, v10  }
0x4bc: {  	v8 =	vor.u32 v8, v21;
	_ =	sdelay $0x4  }
0x4bd: {  	[tilespmem:v8+s7+$0x0] =	vst.idx.add.f32.msk vm0, v7  }
0x4be: {  	v8 =	vld [tilespmem:s1+$0xFFFFFFD0]  }
0x4bf: {  	v22 =	vld [tilespmem:s2+$0xFFFFFFD0];
	_ =	sdelay $0x4  }
0x4c0: {  	v23 =	vshll.u32 v8, $0xB;
	v24 =	vshll.u32 v22, $0x3  }
0x4c1: {  	v25 =	vshll.u32 v8, $0x7;
	v10 =	vand.u32 $0xC000, v23;
	v11 =	vand.u32 $0xFFFFFC00, v24  }
0x4c2: {  	v8 =	vsub.s32 v8, v2;
	v26 =	vand.u32 $0x380, v25;
	v10 =	vadd.s32 v10, v11  }
0x4c3: {  	vm9 =	vlt.u32 v8, $0x20;
	v8 =	vand.u32 $0x7F, v22;
	v27 =	vor.u32 v26, v10  }
0x4c4: {  	v8 =	vor.u32 v8, v27;
	_ =	sdelay $0x4  }
0x4c5: {  	[tilespmem:v8+s7+$0x0] =	vst.idx.add.f32.msk vm9, v7  }
0x4c6: {  	v8 =	vld [tilespmem:s1+$0xFFFFFFE0]  }
0x4c7: {  	v28 =	vld [tilespmem:s2+$0xFFFFFFE0];
	_ =	sdelay $0x4  }
0x4c8: {  	v29 =	vshll.u32 v8, $0xB;
	v30 =	vshll.u32 v28, $0x3  }
0x4c9: {  	v31 =	vshll.u32 v8, $0x7;
	v10 =	vand.u32 $0xC000, v29;
	v11 =	vand.u32 $0xFFFFFC00, v30  }
0x4ca: {  	v8 =	vsub.s32 v8, v2;
	v32 =	vand.u32 $0x380, v31;
	v10 =	vadd.s32 v10, v11  }
0x4cb: {  	vm10 =	vlt.u32 v8, $0x20;
	v8 =	vand.u32 $0x7F, v28;
	v33 =	vor.u32 v32, v10  }
0x4cc: {  	v8 =	vor.u32 v8, v33;
	_ =	sdelay $0x4  }
0x4cd: {  	[tilespmem:v8+s7+$0x0] =	vst.idx.add.f32.msk vm10, v7  }
0x4ce: {  	v8 =	vld [tilespmem:s1+$0xFFFFFFF0]  }
0x4cf: {  	v34 =	vld [tilespmem:s2+$0xFFFFFFF0];
	_ =	sdelay $0x4  }
0x4d0: {  	v35 =	vshll.u32 v8, $0xB;
	v36 =	vshll.u32 v34, $0x3  }
0x4d1: {  	v37 =	vshll.u32 v8, $0x7;
	v10 =	vand.u32 $0xC000, v35;
	v11 =	vand.u32 $0xFFFFFC00, v36  }
0x4d2: {  	v8 =	vsub.s32 v8, v2;
	v38 =	vand.u32 $0x380, v37;
	v10 =	vadd.s32 v10, v11  }
0x4d3: {  	vm11 =	vlt.u32 v8, $0x20;
	v8 =	vand.u32 $0x7F, v34;
	v39 =	vor.u32 v38, v10  }
0x4d4: {  	v8 =	vor.u32 v8, v39;
	_ =	sdelay $0x4  }
0x4d5: {  	[tilespmem:v8+s7+$0x0] =	vst.idx.add.f32.msk vm11, v7  }
0x4d6: {  	v8 =	vld [tilespmem:s1+$0x0]  }
0x4d7: {  	v40 =	vld [tilespmem:s2+$0x0];
	_ =	sdelay $0x4  }
0x4d8: {  	v41 =	vshll.u32 v8, $0xB;
	v42 =	vshll.u32 v40, $0x3  }
0x4d9: {  	v43 =	vshll.u32 v8, $0x7;
	v10 =	vand.u32 $0xC000, v41;
	v11 =	vand.u32 $0xFFFFFC00, v42  }
0x4da: {  	v8 =	vsub.s32 v8, v2;
	v44 =	vand.u32 $0x380, v43;
	v10 =	vadd.s32 v10, v11  }
0x4db: {  	vm12 =	vlt.u32 v8, $0x20;
	v8 =	vand.u32 $0x7F, v40;
	v45 =	vor.u32 v44, v10  }
0x4dc: {  	v8 =	vor.u32 v8, v45;
	_ =	sdelay $0x4  }
0x4dd: {  	[tilespmem:v8+s7+$0x0] =	vst.idx.add.f32.msk vm12, v7  }
0x4de: {  	v8 =	vld [tilespmem:s1+$0x10]  }
0x4df: {  	v46 =	vld [tilespmem:s2+$0x10];
	_ =	sdelay $0x4  }
0x4e0: {  	v47 =	vshll.u32 v8, $0xB;
	v48 =	vshll.u32 v46, $0x3  }
0x4e1: {  	v49 =	vshll.u32 v8, $0x7;
	v10 =	vand.u32 $0xC000, v47;
	v11 =	vand.u32 $0xFFFFFC00, v48  }
0x4e2: {  	v8 =	vsub.s32 v8, v2;
	v50 =	vand.u32 $0x380, v49;
	v10 =	vadd.s32 v10, v11  }
0x4e3: {  	vm13 =	vlt.u32 v8, $0x20;
	v8 =	vand.u32 $0x7F, v46;
	v51 =	vor.u32 v50, v10  }
0x4e4: {  	v8 =	vor.u32 v8, v51;
	_ =	sdelay $0x4  }
0x4e5: {  	[tilespmem:v8+s7+$0x0] =	vst.idx.add.f32.msk vm13, v7  }
0x4e6: {  	v8 =	vld [tilespmem:s1+$0x20]  }
0x4e7: {  	v52 =	vld [tilespmem:s2+$0x20];
	_ =	sdelay $0x4  }
0x4e8: {  	v53 =	vshll.u32 v8, $0xB;
	v54 =	vshll.u32 v52, $0x3  }
0x4e9: {  	v55 =	vshll.u32 v8, $0x7;
	v10 =	vand.u32 $0xC000, v53;
	v11 =	vand.u32 $0xFFFFFC00, v54  }
0x4ea: {  	v8 =	vsub.s32 v8, v2;
	v56 =	vand.u32 $0x380, v55;
	v10 =	vadd.s32 v10, v11  }
0x4eb: {  	vm14 =	vlt.u32 v8, $0x20;
	v8 =	vand.u32 $0x7F, v52;
	v57 =	vor.u32 v56, v10  }
0x4ec: {  	v8 =	vor.u32 v8, v57;
	_ =	sdelay $0x4  }
0x4ed: {  	[tilespmem:v8+s7+$0x0] =	vst.idx.add.f32.msk vm14, v7  }
0x4ee: {  	v8 =	vld [tilespmem:s1+$0x30]  }
0x4ef: {  	v58 =	vld [tilespmem:s2+$0x30];
	_ =	sdelay $0x4  }
0x4f0: {  	v59 =	vshll.u32 v8, $0xB;
	v60 =	vshll.u32 v58, $0x3  }
0x4f1: {  	v61 =	vshll.u32 v8, $0x7;
	v10 =	vand.u32 $0xC000, v59;
	v11 =	vand.u32 $0xFFFFFC00, v60  }
0x4f2: {  	v8 =	vsub.s32 v8, v2;
	v62 =	vand.u32 $0x380, v61;
	v10 =	vadd.s32 v10, v11  }
0x4f3: {  	s0 =	sadd.s32 $0x8, s0;
	vm15 =	vlt.u32 v8, $0x20;
	v8 =	vand.u32 $0x7F, v58;
	v63 =	vor.u32 v62, v10  }
0x4f4: {  	p0 =	slt.u32 s0, $0x1F8;
	v8 =	vor.u32 v8, v63  }
.Ltmp14:
0x4f5: {  	_ = 	snop;
	(pc) =	sbr.rel @p0 .LBB2_30-.Ltmp14, $2  }
0x4f6: {  	_ =	sdelay $0x2  }
0x4f7: {  	s1 =	sadd.s32 $0x80, s1;
	s2 =	sadd.s32 $0x80, s2;
	[tilespmem:v8+s7+$0x0] =	vst.idx.add.f32.msk vm15, v7  }
0x4f8: {  	_ =	swait.ge [sflag:s9], $0x2000  }
0x4f9: {  	[sflag:s9] =	ssyncset.done $0x0  }
0x4fa: {  	[sflag:s9] =	ssyncadd.s32 $0xFFFFE000  }
0x4fb: {  	_ =	swait.ge [sflag:s9], $0x2000  }
0x4fc: {  	[sflag:s9] =	ssyncset.done $0x0  }
0x4fd: {  	s1 =	simm.s32 $0x14040;
	s0 =	rddreg [dreg:$0x18];
	[sflag:s9] =	ssyncadd.s32 $0xFFFFE000  }
0x4fe: {  	[tilespmem:s3], [sflag:$0x1] =	stream.linear.gather [hbm4b:s0+s7], $0x2000, $0x38;
	[tilespmem:$0x18000] =	vst v63  }
0x4ff: {  	s2 =	simm.s32 $0x16040;
	s31 =	rddreg [dreg:$0x19];
	s0 =	simm.s32 $0xFFFFFFF8  }
0x500: {  	[tilespmem:s4], [sflag:$0x1] =	stream.linear.gather [hbm4b:s31+s7], $0x2000, $0x38;
	[tilespmem:$0x18000] =	vst v63  }
.LBB2_32:
0x501: {  	v8 =	vld [tilespmem:s1+$0xFFFFFFC0]  }
0x502: {  	v9 =	vld [tilespmem:s2+$0xFFFFFFC0];
	_ =	sdelay $0x4  }
0x503: {  	v10 =	vshll.u32 v8, $0xB;
	v11 =	vshll.u32 v9, $0x3  }
0x504: {  	v12 =	vshll.u32 v8, $0x7;
	v10 =	vand.u32 $0xC000, v10;
	v11 =	vand.u32 $0xFFFFFC00, v11  }
0x505: {  	v8 =	vsub.s32 v8, v2;
	v20 =	vand.u32 $0x380, v12;
	v10 =	vadd.s32 v10, v11  }
0x506: {  	vm0 =	vlt.u32 v8, $0x20;
	v8 =	vand.u32 $0x7F, v9;
	v21 =	vor.u32 v20, v10  }
0x507: {  	v8 =	vor.u32 v8, v21;
	_ =	sdelay $0x4  }
0x508: {  	[tilespmem:v8+s7+$0x0] =	vst.idx.add.f32.msk vm0, v7  }
0x509: {  	v8 =	vld [tilespmem:s1+$0xFFFFFFD0]  }
0x50a: {  	v22 =	vld [tilespmem:s2+$0xFFFFFFD0];
	_ =	sdelay $0x4  }
0x50b: {  	v23 =	vshll.u32 v8, $0xB;
	v24 =	vshll.u32 v22, $0x3  }
0x50c: {  	v25 =	vshll.u32 v8, $0x7;
	v10 =	vand.u32 $0xC000, v23;
	v11 =	vand.u32 $0xFFFFFC00, v24  }
0x50d: {  	v8 =	vsub.s32 v8, v2;
	v26 =	vand.u32 $0x380, v25;
	v10 =	vadd.s32 v10, v11  }
0x50e: {  	vm9 =	vlt.u32 v8, $0x20;
	v8 =	vand.u32 $0x7F, v22;
	v27 =	vor.u32 v26, v10  }
0x50f: {  	v8 =	vor.u32 v8, v27;
	_ =	sdelay $0x4  }
0x510: {  	[tilespmem:v8+s7+$0x0] =	vst.idx.add.f32.msk vm9, v7  }
0x511: {  	v8 =	vld [tilespmem:s1+$0xFFFFFFE0]  }
0x512: {  	v28 =	vld [tilespmem:s2+$0xFFFFFFE0];
	_ =	sdelay $0x4  }
0x513: {  	v29 =	vshll.u32 v8, $0xB;
	v30 =	vshll.u32 v28, $0x3  }
0x514: {  	v31 =	vshll.u32 v8, $0x7;
	v10 =	vand.u32 $0xC000, v29;
	v11 =	vand.u32 $0xFFFFFC00, v30  }
0x515: {  	v8 =	vsub.s32 v8, v2;
	v32 =	vand.u32 $0x380, v31;
	v10 =	vadd.s32 v10, v11  }
0x516: {  	vm10 =	vlt.u32 v8, $0x20;
	v8 =	vand.u32 $0x7F, v28;
	v33 =	vor.u32 v32, v10  }
0x517: {  	v8 =	vor.u32 v8, v33;
	_ =	sdelay $0x4  }
0x518: {  	[tilespmem:v8+s7+$0x0] =	vst.idx.add.f32.msk vm10, v7  }
0x519: {  	v8 =	vld [tilespmem:s1+$0xFFFFFFF0]  }
0x51a: {  	v34 =	vld [tilespmem:s2+$0xFFFFFFF0];
	_ =	sdelay $0x4  }
0x51b: {  	v35 =	vshll.u32 v8, $0xB;
	v36 =	vshll.u32 v34, $0x3  }
0x51c: {  	v37 =	vshll.u32 v8, $0x7;
	v10 =	vand.u32 $0xC000, v35;
	v11 =	vand.u32 $0xFFFFFC00, v36  }
0x51d: {  	v8 =	vsub.s32 v8, v2;
	v38 =	vand.u32 $0x380, v37;
	v10 =	vadd.s32 v10, v11  }
0x51e: {  	vm11 =	vlt.u32 v8, $0x20;
	v8 =	vand.u32 $0x7F, v34;
	v39 =	vor.u32 v38, v10  }
0x51f: {  	v8 =	vor.u32 v8, v39;
	_ =	sdelay $0x4  }
0x520: {  	[tilespmem:v8+s7+$0x0] =	vst.idx.add.f32.msk vm11, v7  }
0x521: {  	v8 =	vld [tilespmem:s1+$0x0]  }
0x522: {  	v40 =	vld [tilespmem:s2+$0x0];
	_ =	sdelay $0x4  }
0x523: {  	v41 =	vshll.u32 v8, $0xB;
	v42 =	vshll.u32 v40, $0x3  }
0x524: {  	v43 =	vshll.u32 v8, $0x7;
	v10 =	vand.u32 $0xC000, v41;
	v11 =	vand.u32 $0xFFFFFC00, v42  }
0x525: {  	v8 =	vsub.s32 v8, v2;
	v44 =	vand.u32 $0x380, v43;
	v10 =	vadd.s32 v10, v11  }
0x526: {  	vm12 =	vlt.u32 v8, $0x20;
	v8 =	vand.u32 $0x7F, v40;
	v45 =	vor.u32 v44, v10  }
0x527: {  	v8 =	vor.u32 v8, v45;
	_ =	sdelay $0x4  }
0x528: {  	[tilespmem:v8+s7+$0x0] =	vst.idx.add.f32.msk vm12, v7  }
0x529: {  	v8 =	vld [tilespmem:s1+$0x10]  }
0x52a: {  	v46 =	vld [tilespmem:s2+$0x10];
	_ =	sdelay $0x4  }
0x52b: {  	v47 =	vshll.u32 v8, $0xB;
	v48 =	vshll.u32 v46, $0x3  }
0x52c: {  	v49 =	vshll.u32 v8, $0x7;
	v10 =	vand.u32 $0xC000, v47;
	v11 =	vand.u32 $0xFFFFFC00, v48  }
0x52d: {  	v8 =	vsub.s32 v8, v2;
	v50 =	vand.u32 $0x380, v49;
	v10 =	vadd.s32 v10, v11  }
0x52e: {  	vm13 =	vlt.u32 v8, $0x20;
	v8 =	vand.u32 $0x7F, v46;
	v51 =	vor.u32 v50, v10  }
0x52f: {  	v8 =	vor.u32 v8, v51;
	_ =	sdelay $0x4  }
0x530: {  	[tilespmem:v8+s7+$0x0] =	vst.idx.add.f32.msk vm13, v7  }
0x531: {  	v8 =	vld [tilespmem:s1+$0x20]  }
0x532: {  	v52 =	vld [tilespmem:s2+$0x20];
	_ =	sdelay $0x4  }
0x533: {  	v53 =	vshll.u32 v8, $0xB;
	v54 =	vshll.u32 v52, $0x3  }
0x534: {  	v55 =	vshll.u32 v8, $0x7;
	v10 =	vand.u32 $0xC000, v53;
	v11 =	vand.u32 $0xFFFFFC00, v54  }
0x535: {  	v8 =	vsub.s32 v8, v2;
	v56 =	vand.u32 $0x380, v55;
	v10 =	vadd.s32 v10, v11  }
0x536: {  	vm14 =	vlt.u32 v8, $0x20;
	v8 =	vand.u32 $0x7F, v52;
	v57 =	vor.u32 v56, v10  }
0x537: {  	v8 =	vor.u32 v8, v57;
	_ =	sdelay $0x4  }
0x538: {  	[tilespmem:v8+s7+$0x0] =	vst.idx.add.f32.msk vm14, v7  }
0x539: {  	v8 =	vld [tilespmem:s1+$0x30]  }
0x53a: {  	v58 =	vld [tilespmem:s2+$0x30];
	_ =	sdelay $0x4  }
0x53b: {  	v59 =	vshll.u32 v8, $0xB;
	v60 =	vshll.u32 v58, $0x3  }
0x53c: {  	v61 =	vshll.u32 v8, $0x7;
	v10 =	vand.u32 $0xC000, v59;
	v11 =	vand.u32 $0xFFFFFC00, v60  }
0x53d: {  	v8 =	vsub.s32 v8, v2;
	v62 =	vand.u32 $0x380, v61;
	v10 =	vadd.s32 v10, v11  }
0x53e: {  	s0 =	sadd.s32 $0x8, s0;
	vm15 =	vlt.u32 v8, $0x20;
	v8 =	vand.u32 $0x7F, v58;
	v63 =	vor.u32 v62, v10  }
0x53f: {  	p0 =	slt.u32 s0, $0x1F8;
	v8 =	vor.u32 v8, v63  }
.Ltmp15:
0x540: {  	_ = 	snop;
	(pc) =	sbr.rel @p0 .LBB2_32-.Ltmp15, $2  }
0x541: {  	_ =	sdelay $0x2  }
0x542: {  	s1 =	sadd.s32 $0x80, s1;
	s2 =	sadd.s32 $0x80, s2;
	[tilespmem:v8+s7+$0x0] =	vst.idx.add.f32.msk vm15, v7  }
0x543: {  	_ =	swait.ge [sflag:s5], $0x2000  }
0x544: {  	[sflag:s5] =	ssyncset.done $0x0  }
0x545: {  	[sflag:s5] =	ssyncadd.s32 $0xFFFFE000  }
0x546: {  	_ =	swait.ge [sflag:s5], $0x2000  }
0x547: {  	[sflag:s5] =	ssyncset.done $0x0  }
0x548: {  	s1 =	simm.s32 $0x10040;
	s0 =	rddreg [dreg:$0x1a];
	[sflag:s5] =	ssyncadd.s32 $0xFFFFE000  }
0x549: {  	[tilespmem:s6], [sflag:$0x2] =	stream.linear.gather [hbm4b:s0+s7], $0x2000, $0x38;
	[tilespmem:$0x18000] =	vst v63  }
0x54a: {  	s2 =	simm.s32 $0x12040;
	s31 =	rddreg [dreg:$0x1b];
	s0 =	simm.s32 $0xFFFFFFF8  }
0x54b: {  	[tilespmem:s8], [sflag:$0x2] =	stream.linear.gather [hbm4b:s31+s7], $0x2000, $0x38;
	[tilespmem:$0x18000] =	vst v63  }
.LBB2_34:
0x54c: {  	v8 =	vld [tilespmem:s1+$0xFFFFFFC0]  }
0x54d: {  	v9 =	vld [tilespmem:s2+$0xFFFFFFC0];
	_ =	sdelay $0x4  }
0x54e: {  	v10 =	vshll.u32 v8, $0xB;
	v11 =	vshll.u32 v9, $0x3  }
0x54f: {  	v12 =	vshll.u32 v8, $0x7;
	v10 =	vand.u32 $0xC000, v10;
	v11 =	vand.u32 $0xFFFFFC00, v11  }
0x550: {  	v8 =	vsub.s32 v8, v2;
	v20 =	vand.u32 $0x380, v12;
	v10 =	vadd.s32 v10, v11  }
0x551: {  	vm0 =	vlt.u32 v8, $0x20;
	v8 =	vand.u32 $0x7F, v9;
	v21 =	vor.u32 v20, v10  }
0x552: {  	v8 =	vor.u32 v8, v21;
	_ =	sdelay $0x4  }
0x553: {  	[tilespmem:v8+s7+$0x0] =	vst.idx.add.f32.msk vm0, v7  }
0x554: {  	v8 =	vld [tilespmem:s1+$0xFFFFFFD0]  }
0x555: {  	v22 =	vld [tilespmem:s2+$0xFFFFFFD0];
	_ =	sdelay $0x4  }
0x556: {  	v23 =	vshll.u32 v8, $0xB;
	v24 =	vshll.u32 v22, $0x3  }
0x557: {  	v25 =	vshll.u32 v8, $0x7;
	v10 =	vand.u32 $0xC000, v23;
	v11 =	vand.u32 $0xFFFFFC00, v24  }
0x558: {  	v8 =	vsub.s32 v8, v2;
	v26 =	vand.u32 $0x380, v25;
	v10 =	vadd.s32 v10, v11  }
0x559: {  	vm9 =	vlt.u32 v8, $0x20;
	v8 =	vand.u32 $0x7F, v22;
	v27 =	vor.u32 v26, v10  }
0x55a: {  	v8 =	vor.u32 v8, v27;
	_ =	sdelay $0x4  }
0x55b: {  	[tilespmem:v8+s7+$0x0] =	vst.idx.add.f32.msk vm9, v7  }
0x55c: {  	v8 =	vld [tilespmem:s1+$0xFFFFFFE0]  }
0x55d: {  	v28 =	vld [tilespmem:s2+$0xFFFFFFE0];
	_ =	sdelay $0x4  }
0x55e: {  	v29 =	vshll.u32 v8, $0xB;
	v30 =	vshll.u32 v28, $0x3  }
0x55f: {  	v31 =	vshll.u32 v8, $0x7;
	v10 =	vand.u32 $0xC000, v29;
	v11 =	vand.u32 $0xFFFFFC00, v30  }
0x560: {  	v8 =	vsub.s32 v8, v2;
	v32 =	vand.u32 $0x380, v31;
	v10 =	vadd.s32 v10, v11  }
0x561: {  	vm10 =	vlt.u32 v8, $0x20;
	v8 =	vand.u32 $0x7F, v28;
	v33 =	vor.u32 v32, v10  }
0x562: {  	v8 =	vor.u32 v8, v33;
	_ =	sdelay $0x4  }
0x563: {  	[tilespmem:v8+s7+$0x0] =	vst.idx.add.f32.msk vm10, v7  }
0x564: {  	v8 =	vld [tilespmem:s1+$0xFFFFFFF0]  }
0x565: {  	v34 =	vld [tilespmem:s2+$0xFFFFFFF0];
	_ =	sdelay $0x4  }
0x566: {  	v35 =	vshll.u32 v8, $0xB;
	v36 =	vshll.u32 v34, $0x3  }
0x567: {  	v37 =	vshll.u32 v8, $0x7;
	v10 =	vand.u32 $0xC000, v35;
	v11 =	vand.u32 $0xFFFFFC00, v36  }
0x568: {  	v8 =	vsub.s32 v8, v2;
	v38 =	vand.u32 $0x380, v37;
	v10 =	vadd.s32 v10, v11  }
0x569: {  	vm11 =	vlt.u32 v8, $0x20;
	v8 =	vand.u32 $0x7F, v34;
	v39 =	vor.u32 v38, v10  }
0x56a: {  	v8 =	vor.u32 v8, v39;
	_ =	sdelay $0x4  }
0x56b: {  	[tilespmem:v8+s7+$0x0] =	vst.idx.add.f32.msk vm11, v7  }
0x56c: {  	v8 =	vld [tilespmem:s1+$0x0]  }
0x56d: {  	v40 =	vld [tilespmem:s2+$0x0];
	_ =	sdelay $0x4  }
0x56e: {  	v41 =	vshll.u32 v8, $0xB;
	v42 =	vshll.u32 v40, $0x3  }
0x56f: {  	v43 =	vshll.u32 v8, $0x7;
	v10 =	vand.u32 $0xC000, v41;
	v11 =	vand.u32 $0xFFFFFC00, v42  }
0x570: {  	v8 =	vsub.s32 v8, v2;
	v44 =	vand.u32 $0x380, v43;
	v10 =	vadd.s32 v10, v11  }
0x571: {  	vm12 =	vlt.u32 v8, $0x20;
	v8 =	vand.u32 $0x7F, v40;
	v45 =	vor.u32 v44, v10  }
0x572: {  	v8 =	vor.u32 v8, v45;
	_ =	sdelay $0x4  }
0x573: {  	[tilespmem:v8+s7+$0x0] =	vst.idx.add.f32.msk vm12, v7  }
0x574: {  	v8 =	vld [tilespmem:s1+$0x10]  }
0x575: {  	v46 =	vld [tilespmem:s2+$0x10];
	_ =	sdelay $0x4  }
0x576: {  	v47 =	vshll.u32 v8, $0xB;
	v48 =	vshll.u32 v46, $0x3  }
0x577: {  	v49 =	vshll.u32 v8, $0x7;
	v10 =	vand.u32 $0xC000, v47;
	v11 =	vand.u32 $0xFFFFFC00, v48  }
0x578: {  	v8 =	vsub.s32 v8, v2;
	v50 =	vand.u32 $0x380, v49;
	v10 =	vadd.s32 v10, v11  }
0x579: {  	vm13 =	vlt.u32 v8, $0x20;
	v8 =	vand.u32 $0x7F, v46;
	v51 =	vor.u32 v50, v10  }
0x57a: {  	v8 =	vor.u32 v8, v51;
	_ =	sdelay $0x4  }
0x57b: {  	[tilespmem:v8+s7+$0x0] =	vst.idx.add.f32.msk vm13, v7  }
0x57c: {  	v8 =	vld [tilespmem:s1+$0x20]  }
0x57d: {  	v52 =	vld [tilespmem:s2+$0x20];
	_ =	sdelay $0x4  }
0x57e: {  	v53 =	vshll.u32 v8, $0xB;
	v54 =	vshll.u32 v52, $0x3  }
0x57f: {  	v55 =	vshll.u32 v8, $0x7;
	v10 =	vand.u32 $0xC000, v53;
	v11 =	vand.u32 $0xFFFFFC00, v54  }
0x580: {  	v8 =	vsub.s32 v8, v2;
	v56 =	vand.u32 $0x380, v55;
	v10 =	vadd.s32 v10, v11  }
0x581: {  	vm14 =	vlt.u32 v8, $0x20;
	v8 =	vand.u32 $0x7F, v52;
	v57 =	vor.u32 v56, v10  }
0x582: {  	v8 =	vor.u32 v8, v57;
	_ =	sdelay $0x4  }
0x583: {  	[tilespmem:v8+s7+$0x0] =	vst.idx.add.f32.msk vm14, v7  }
0x584: {  	v8 =	vld [tilespmem:s1+$0x30]  }
0x585: {  	v58 =	vld [tilespmem:s2+$0x30];
	_ =	sdelay $0x4  }
0x586: {  	v59 =	vshll.u32 v8, $0xB;
	v60 =	vshll.u32 v58, $0x3  }
0x587: {  	v61 =	vshll.u32 v8, $0x7;
	v10 =	vand.u32 $0xC000, v59;
	v11 =	vand.u32 $0xFFFFFC00, v60  }
0x588: {  	v8 =	vsub.s32 v8, v2;
	v62 =	vand.u32 $0x380, v61;
	v10 =	vadd.s32 v10, v11  }
0x589: {  	s0 =	sadd.s32 $0x8, s0;
	vm15 =	vlt.u32 v8, $0x20;
	v8 =	vand.u32 $0x7F, v58;
	v63 =	vor.u32 v62, v10  }
0x58a: {  	p0 =	slt.u32 s0, $0x1F8;
	v8 =	vor.u32 v8, v63  }
.Ltmp16:
0x58b: {  	_ = 	snop;
	(pc) =	sbr.rel @p0 .LBB2_34-.Ltmp16, $2  }
0x58c: {  	_ =	sdelay $0x2  }
0x58d: {  	s1 =	sadd.s32 $0x80, s1;
	s2 =	sadd.s32 $0x80, s2;
	[tilespmem:v8+s7+$0x0] =	vst.idx.add.f32.msk vm15, v7  }
0x58e: {  	_ =	swait.ge [sflag:s9], $0x2000  }
0x58f: {  	[sflag:s9] =	ssyncset.done $0x0  }
0x590: {  	[sflag:s9] =	ssyncadd.s32 $0xFFFFE000  }
0x591: {  	_ =	swait.ge [sflag:s9], $0x2000  }
0x592: {  	s0 =	simm.s32 $0xFFFFFFF8;
	[sflag:s9] =	ssyncset.done $0x0  }
0x593: {  	s1 =	simm.s32 $0x14040;
	s2 =	simm.s32 $0x16040;
	[sflag:s9] =	ssyncadd.s32 $0xFFFFE000  }
.LBB2_36:
0x594: {  	v8 =	vld [tilespmem:s1+$0xFFFFFFC0]  }
0x595: {  	v9 =	vld [tilespmem:s2+$0xFFFFFFC0];
	_ =	sdelay $0x4  }
0x596: {  	v10 =	vshll.u32 v8, $0xB;
	v11 =	vshll.u32 v9, $0x3  }
0x597: {  	v12 =	vshll.u32 v8, $0x7;
	v10 =	vand.u32 $0xC000, v10;
	v11 =	vand.u32 $0xFFFFFC00, v11  }
0x598: {  	v8 =	vsub.s32 v8, v2;
	v20 =	vand.u32 $0x380, v12;
	v10 =	vadd.s32 v10, v11  }
0x599: {  	vm0 =	vlt.u32 v8, $0x20;
	v8 =	vand.u32 $0x7F, v9;
	v21 =	vor.u32 v20, v10  }
0x59a: {  	v8 =	vor.u32 v8, v21;
	_ =	sdelay $0x4  }
0x59b: {  	[tilespmem:v8+s7+$0x0] =	vst.idx.add.f32.msk vm0, v7  }
0x59c: {  	v8 =	vld [tilespmem:s1+$0xFFFFFFD0]  }
0x59d: {  	v22 =	vld [tilespmem:s2+$0xFFFFFFD0];
	_ =	sdelay $0x4  }
0x59e: {  	v23 =	vshll.u32 v8, $0xB;
	v24 =	vshll.u32 v22, $0x3  }
0x59f: {  	v25 =	vshll.u32 v8, $0x7;
	v10 =	vand.u32 $0xC000, v23;
	v11 =	vand.u32 $0xFFFFFC00, v24  }
0x5a0: {  	v8 =	vsub.s32 v8, v2;
	v26 =	vand.u32 $0x380, v25;
	v10 =	vadd.s32 v10, v11  }
0x5a1: {  	vm9 =	vlt.u32 v8, $0x20;
	v8 =	vand.u32 $0x7F, v22;
	v27 =	vor.u32 v26, v10  }
0x5a2: {  	v8 =	vor.u32 v8, v27;
	_ =	sdelay $0x4  }
0x5a3: {  	[tilespmem:v8+s7+$0x0] =	vst.idx.add.f32.msk vm9, v7  }
0x5a4: {  	v8 =	vld [tilespmem:s1+$0xFFFFFFE0]  }
0x5a5: {  	v28 =	vld [tilespmem:s2+$0xFFFFFFE0];
	_ =	sdelay $0x4  }
0x5a6: {  	v29 =	vshll.u32 v8, $0xB;
	v30 =	vshll.u32 v28, $0x3  }
0x5a7: {  	v31 =	vshll.u32 v8, $0x7;
	v10 =	vand.u32 $0xC000, v29;
	v11 =	vand.u32 $0xFFFFFC00, v30  }
0x5a8: {  	v8 =	vsub.s32 v8, v2;
	v32 =	vand.u32 $0x380, v31;
	v10 =	vadd.s32 v10, v11  }
0x5a9: {  	vm10 =	vlt.u32 v8, $0x20;
	v8 =	vand.u32 $0x7F, v28;
	v33 =	vor.u32 v32, v10  }
0x5aa: {  	v8 =	vor.u32 v8, v33;
	_ =	sdelay $0x4  }
0x5ab: {  	[tilespmem:v8+s7+$0x0] =	vst.idx.add.f32.msk vm10, v7  }
0x5ac: {  	v8 =	vld [tilespmem:s1+$0xFFFFFFF0]  }
0x5ad: {  	v34 =	vld [tilespmem:s2+$0xFFFFFFF0];
	_ =	sdelay $0x4  }
0x5ae: {  	v35 =	vshll.u32 v8, $0xB;
	v36 =	vshll.u32 v34, $0x3  }
0x5af: {  	v37 =	vshll.u32 v8, $0x7;
	v10 =	vand.u32 $0xC000, v35;
	v11 =	vand.u32 $0xFFFFFC00, v36  }
0x5b0: {  	v8 =	vsub.s32 v8, v2;
	v38 =	vand.u32 $0x380, v37;
	v10 =	vadd.s32 v10, v11  }
0x5b1: {  	vm11 =	vlt.u32 v8, $0x20;
	v8 =	vand.u32 $0x7F, v34;
	v39 =	vor.u32 v38, v10  }
0x5b2: {  	v8 =	vor.u32 v8, v39;
	_ =	sdelay $0x4  }
0x5b3: {  	[tilespmem:v8+s7+$0x0] =	vst.idx.add.f32.msk vm11, v7  }
0x5b4: {  	v8 =	vld [tilespmem:s1+$0x0]  }
0x5b5: {  	v40 =	vld [tilespmem:s2+$0x0];
	_ =	sdelay $0x4  }
0x5b6: {  	v41 =	vshll.u32 v8, $0xB;
	v42 =	vshll.u32 v40, $0x3  }
0x5b7: {  	v43 =	vshll.u32 v8, $0x7;
	v10 =	vand.u32 $0xC000, v41;
	v11 =	vand.u32 $0xFFFFFC00, v42  }
0x5b8: {  	v8 =	vsub.s32 v8, v2;
	v44 =	vand.u32 $0x380, v43;
	v10 =	vadd.s32 v10, v11  }
0x5b9: {  	vm12 =	vlt.u32 v8, $0x20;
	v8 =	vand.u32 $0x7F, v40;
	v45 =	vor.u32 v44, v10  }
0x5ba: {  	v8 =	vor.u32 v8, v45;
	_ =	sdelay $0x4  }
0x5bb: {  	[tilespmem:v8+s7+$0x0] =	vst.idx.add.f32.msk vm12, v7  }
0x5bc: {  	v8 =	vld [tilespmem:s1+$0x10]  }
0x5bd: {  	v46 =	vld [tilespmem:s2+$0x10];
	_ =	sdelay $0x4  }
0x5be: {  	v47 =	vshll.u32 v8, $0xB;
	v48 =	vshll.u32 v46, $0x3  }
0x5bf: {  	v49 =	vshll.u32 v8, $0x7;
	v10 =	vand.u32 $0xC000, v47;
	v11 =	vand.u32 $0xFFFFFC00, v48  }
0x5c0: {  	v8 =	vsub.s32 v8, v2;
	v50 =	vand.u32 $0x380, v49;
	v10 =	vadd.s32 v10, v11  }
0x5c1: {  	vm13 =	vlt.u32 v8, $0x20;
	v8 =	vand.u32 $0x7F, v46;
	v51 =	vor.u32 v50, v10  }
0x5c2: {  	v8 =	vor.u32 v8, v51;
	_ =	sdelay $0x4  }
0x5c3: {  	[tilespmem:v8+s7+$0x0] =	vst.idx.add.f32.msk vm13, v7  }
0x5c4: {  	v8 =	vld [tilespmem:s1+$0x20]  }
0x5c5: {  	v52 =	vld [tilespmem:s2+$0x20];
	_ =	sdelay $0x4  }
0x5c6: {  	v53 =	vshll.u32 v8, $0xB;
	v54 =	vshll.u32 v52, $0x3  }
0x5c7: {  	v55 =	vshll.u32 v8, $0x7;
	v10 =	vand.u32 $0xC000, v53;
	v11 =	vand.u32 $0xFFFFFC00, v54  }
0x5c8: {  	v8 =	vsub.s32 v8, v2;
	v56 =	vand.u32 $0x380, v55;
	v10 =	vadd.s32 v10, v11  }
0x5c9: {  	vm14 =	vlt.u32 v8, $0x20;
	v8 =	vand.u32 $0x7F, v52;
	v57 =	vor.u32 v56, v10  }
0x5ca: {  	v8 =	vor.u32 v8, v57;
	_ =	sdelay $0x4  }
0x5cb: {  	[tilespmem:v8+s7+$0x0] =	vst.idx.add.f32.msk vm14, v7  }
0x5cc: {  	v8 =	vld [tilespmem:s1+$0x30]  }
0x5cd: {  	v58 =	vld [tilespmem:s2+$0x30];
	_ =	sdelay $0x4  }
0x5ce: {  	v59 =	vshll.u32 v8, $0xB;
	v60 =	vshll.u32 v58, $0x3  }
0x5cf: {  	v61 =	vshll.u32 v8, $0x7;
	v10 =	vand.u32 $0xC000, v59;
	v11 =	vand.u32 $0xFFFFFC00, v60  }
0x5d0: {  	v8 =	vsub.s32 v8, v2;
	v62 =	vand.u32 $0x380, v61;
	v10 =	vadd.s32 v10, v11  }
0x5d1: {  	s0 =	sadd.s32 $0x8, s0;
	vm15 =	vlt.u32 v8, $0x20;
	v8 =	vand.u32 $0x7F, v58;
	v63 =	vor.u32 v62, v10  }
0x5d2: {  	p0 =	slt.u32 s0, $0x1F8;
	v8 =	vor.u32 v8, v63  }
.Ltmp17:
0x5d3: {  	_ = 	snop;
	(pc) =	sbr.rel @p0 .LBB2_36-.Ltmp17, $2  }
0x5d4: {  	_ =	sdelay $0x2  }
0x5d5: {  	s1 =	sadd.s32 $0x80, s1;
	s2 =	sadd.s32 $0x80, s2;
	[tilespmem:v8+s7+$0x0] =	vst.idx.add.f32.msk vm15, v7  }
0x5d6: {  	_ =	sdelay $0x3  }
0x5d7: {  	[tilespmem:v4+s7+$0x0] =	vst.idx.add.f32.msk $0xffff, v7  }
0x5d8: {  	s0 =	rddreg [dreg:$0x1d];
	s1 =	simm.s32 $0x3;
	[tilespmem:v5+s7+$0x0] =	vst.idx.add.f32.msk $0xffff, v7  }
0x5d9: {  	[hbm4b:s0+s7] =	stream.linear.scatter [tilespmem:s7], [sflag:$0x3], $0x10000, $0x38;
	[tilespmem:$0x18000] =	vst v63  }
0x5da: {  	_ =	swait.ge [sflag:s1], $0x10000  }
0x5db: {  	s2 =	rddreg [dreg:$0x1f]  }
0x5dc: {  	s31 =	rddreg [dreg:$0x1e];
	s2 =	sadd.s32 $0x1, s2  }
0x5dd: {  	p0 =	sne.s32 s2, s31  }
.Ltmp18:
0x5de: {  	_ = 	snop;
	(pc) =	sbr.rel @p0 .LBB2_1-.Ltmp18, $3  }
0x5df: {  	_ =	sdelay $0x1  }
0x5e0: {  	[sflag:s1] =	ssyncset.done $0x0  }
0x5e1: {  	[sflag:s1] =	ssyncadd.s32 $0xFFFF0000  }
0x5e2: {  	_ =	sfence.sel $0x180000  }
0x5e3: {  	[bflag:$0x0] =	sbarrier.arrive $0xFFFF  }
0x5e4: {  	_ =	strace $0x90000047  }
0x5e5: {  	s0 =	stileid.u32;
	[bflag:$0x2] =	sbarrier.arrive $0xFFFF  }
0x5e6: {  	p0 =	sne.s32 s0, $0x0;
	s0 =	rddreg [dreg:$0x2]  }
0x5e7: {  	s0 =	sadd.s32 @!p0 $0x100000, s0  }
0x5e8: {  	[sflag:s0] =	ssyncadd.tile.s32 @!p0 $0x1;
	_ =	shalt  }
.Lfunc_end2:
_tile_overlayer_lowered:
.L_overlay_start_2:
0x5e9: {  	(tag) =	ssettag $0x2  }
0x5ea: {  	s0 =	rddreg [dreg:$0x0];
	s2 =	stileid.u32  }
0x5eb: {  	s1 =	rddreg [dreg:$0x1];
	p0 =	sne.s32 s2, $0x0  }
0x5ec: {  	s3 =	rddreg [dreg:$0x2];
	[bflag:$0x3] =	sbarrier.arrive $0xFFFF;
	s2 =	simm.s32 @!p0 $0x1C03  }
0x5ed: {  	[timem:s3], [sflag:s2] =	dma.local @!p0 [hbm:s0], s1  }
0x5ee: {  	s0 =	simm.s32 @!p0 $0x3  }
0x5ef: {  	_ =	swait.ge @!p0 [sflag:s0], s1  }
0x5f0: {  	s1 =	ssub.s32 @!p0 $0x0, s1;
	[sflag:s0] =	ssyncset.done @!p0 $0x0  }
0x5f1: {  	[sflag:s0] =	ssyncadd.s32 @!p0 s1  }
0x5f2: {  	[bflag:$0x3] =	sbarrier.arrive $0xFFFF  }
0x5f3: {  	_ =	shalt  }

</sc_bundles>
